<compile_context>
chip_gen: v7x
topology: tpu7x:2x2x1
jax: 0.10.2.dev20260603
libtpu: 0.0.44.dev20260713+nightly
codegen_flags: <defaults>
</compile_context>

<pallas_src>
import jax
import jax.numpy as jnp
from jax import lax
from jax.experimental import pallas as pl
from jax.experimental.pallas import tpu as pltpu
from jax.experimental.pallas import tpu_sc as plsc

N = 100000
H = 128
G = 32
NB = G * G
NB1 = NB + 1
R = 2000
NBLK = N // R

CHUNK = 128
NW = 32

SLABS = 2
M = N // SLABS
MBLK = M // R

_mesh = plsc.VectorSubcoreMesh(core_axis_name="c", subcore_axis_name="s")


def _tsig(x):
    return 0.5 * jnp.tanh(0.5 * x) + 0.5


def _lstm_kernel(hid_ref, cell_ref, feat_ref, whh_ref, wf_ref,
                 cnew_ref, hnew_ref):
    hid16 = hid_ref[...].astype(jnp.bfloat16)
    feat_blk = feat_ref[0]
    gates = (jnp.dot(hid16, whh_ref[...], preferred_element_type=jnp.float32)
             + lax.dot_general(feat_blk, wf_ref[...],
                               (((0,), (0,)), ((), ())),
                               preferred_element_type=jnp.float32))
    ii = _tsig(gates[:, :H])
    ff = _tsig(gates[:, H:2 * H])
    gg = jnp.tanh(gates[:, 2 * H:3 * H])
    oo = _tsig(gates[:, 3 * H:])
    c_new = ff * cell_ref[...] + ii * gg
    cnew_ref[...] = c_new
    hnew_ref[...] = oo * jnp.tanh(c_new)


def _make_stage_ids(gbase, m, cpw, span):
    nwf = m // span
    last = m - nwf * span

    def stage(xs_hbm, ys_hbm, xa_v, ya_v, idx_v, wid):
        base = gbase + wid * span

        @pl.when(wid < nwf)
        def _():
            pltpu.sync_copy(xs_hbm.at[pl.ds(base, span)], xa_v)
            pltpu.sync_copy(ys_hbm.at[pl.ds(base, span)], ya_v)

        if last > 0:
            @pl.when(wid == nwf)
            def _():
                pltpu.sync_copy(xs_hbm.at[pl.ds(base, last)],
                                xa_v.at[pl.ds(0, last)])
                pltpu.sync_copy(ys_hbm.at[pl.ds(base, last)],
                                ya_v.at[pl.ds(0, last)])

        @pl.loop(0, cpw)
        def _(j):
            for k in range(CHUNK // 16):
                xs = xa_v[pl.ds(j * CHUNK + 16 * k, 16)]
                ys = ya_v[pl.ds(j * CHUNK + 16 * k, 16)]
                ix = jnp.clip((jnp.clip(xs, 0.0, 1.0) * G).astype(jnp.int32),
                              0, G - 1)
                iy = jnp.clip((jnp.clip(ys, 0.0, 1.0) * G).astype(jnp.int32),
                              0, G - 1)
                ids = ix * G + iy
                row = base + j * CHUNK + 16 * k + lax.iota(jnp.int32, 16)
                idx_v[j, pl.ds(16 * k, 16)] = jnp.where(row < gbase + m,
                                                        ids, NB)

    return stage


def _make_scatter(gbase, m):
    nf = m // CHUNK
    tl = m - nf * CHUNK
    nc = nf + (1 if tl else 0)
    cpw = (nc + NW - 1) // NW
    span = cpw * CHUNK
    stage = _make_stage_ids(gbase, m, cpw, span)

    def _rows_copy(h_hbm, buf_v, wid, j, sem):
        cid = wid * cpw + j
        full = jnp.logical_and(j < cpw, cid < nf)
        tail = jnp.logical_and(j < cpw, cid == nf) if tl else None
        cp_full = pltpu.make_async_copy(
            h_hbm.at[pl.ds(cid * CHUNK, CHUNK), :], buf_v, sem)
        cp_tail = pltpu.make_async_copy(
            h_hbm.at[pl.ds(nf * CHUNK, tl), :],
            buf_v.at[pl.ds(0, tl), :], sem) if tl else None
        return full, tail, cp_full, cp_tail

    def kern(h_hbm, xs_hbm, ys_hbm, zeros_hbm, pbins_hbm,
             rows0_v, rows1_v, idx_v, xa_v, ya_v, bins_sh, sem0, sem1):
        c = lax.axis_index("c")
        s = lax.axis_index("s")
        wid = c * 16 + s
        pltpu.sync_copy(zeros_hbm, bins_sh.at[pl.ds(s * 64, 64), :])
        stage(xs_hbm, ys_hbm, xa_v, ya_v, idx_v, wid)
        plsc.subcore_barrier()

        def start(j, buf, sem):
            full, tail, cp_full, cp_tail = _rows_copy(h_hbm, buf, wid, j, sem)
            pl.when(full)(cp_full.start)
            if tl:
                pl.when(tail)(cp_tail.start)

        def wait(j, buf, sem):
            full, tail, cp_full, cp_tail = _rows_copy(h_hbm, buf, wid, j, sem)
            pl.when(full)(cp_full.wait)
            if tl:
                pl.when(tail)(cp_tail.wait)

        def scatter(j, buf):
            cid = wid * cpw + j

            @pl.when(jnp.logical_and(j < cpw, cid < nc))
            def _():
                pltpu.sync_copy(buf, bins_sh.at[idx_v.at[j]], add=True)

        start(0, rows0_v, sem0)

        @pl.loop(0, (cpw + 1) // 2)
        def _(k):
            j0 = 2 * k
            j1 = 2 * k + 1
            wait(j0, rows0_v, sem0)
            start(j1, rows1_v, sem1)
            scatter(j0, rows0_v)
            wait(j1, rows1_v, sem1)
            start(j0 + 2, rows0_v, sem0)
            scatter(j1, rows1_v)

        plsc.subcore_barrier()
        pltpu.sync_copy(bins_sh.at[pl.ds(s * 64, 64), :],
                        pbins_hbm.at[c, pl.ds(s * 64, 64), :])

    scratch = [
        pltpu.VMEM((CHUNK, H), jnp.float32),
        pltpu.VMEM((CHUNK, H), jnp.float32),
        pltpu.VMEM((cpw, CHUNK), jnp.int32),
        pltpu.VMEM((span,), jnp.float32),
        pltpu.VMEM((span,), jnp.float32),
        pltpu.VMEM_SHARED((NB1, H), jnp.float32),
        pltpu.SemaphoreType.DMA,
        pltpu.SemaphoreType.DMA,
    ]
    return kern, scratch


GNF = N // CHUNK
GTL = N - GNF * CHUNK
GNC = GNF + 1
GCPW = (GNC + NW - 1) // NW
GSPAN = GCPW * CHUNK
_g_stage = _make_stage_ids(0, N, GCPW, GSPAN)


def _sc_gather_kernel(pba_hbm, pbb_hbm, xs_hbm, ys_hbm, out_hbm,
                      rows0_v, rows1_v, rows2_v, rows3_v,
                      idx_v, xa_v, ya_v, a_v, b_v, bins_sh,
                      semg0, semg1, semg2, semg3, semw0, semw1, semw2, semw3):
    c = lax.axis_index("c")
    s = lax.axis_index("s")
    wid = c * 16 + s
    mb = s * (NB // 16)
    pltpu.sync_copy(pba_hbm.at[0, pl.ds(mb, NB // 16), :], a_v)

    def _accum(src):
        pltpu.sync_copy(src, b_v)

        @pl.loop(0, NB // 16)
        def _(i):
            for j in range(H // 16):
                sl = (i, pl.ds(j * 16, 16))
                a_v[sl] = a_v[sl] + b_v[sl]

    _accum(pba_hbm.at[1, pl.ds(mb, NB // 16), :])
    _accum(pbb_hbm.at[0, pl.ds(mb, NB // 16), :])
    _accum(pbb_hbm.at[1, pl.ds(mb, NB // 16), :])

    pltpu.sync_copy(a_v, bins_sh.at[pl.ds(mb, NB // 16), :])
    _g_stage(xs_hbm, ys_hbm, xa_v, ya_v, idx_v, wid)
    plsc.subcore_barrier()

    def valid(j):
        return jnp.logical_and(j < GCPW, wid * GCPW + j < GNC)

    def start_g(j, buf, sem):
        cp = pltpu.make_async_copy(bins_sh.at[idx_v.at[j]], buf, sem)
        pl.when(valid(j))(cp.start)

    def wait_g(j, buf, sem):
        cp = pltpu.make_async_copy(bins_sh.at[idx_v.at[j]], buf, sem)
        pl.when(valid(j))(cp.wait)

    def _write_copies(j, buf, sem):
        cid = wid * GCPW + j
        full = jnp.logical_and(j < GCPW, cid < GNF)
        tail = jnp.logical_and(j < GCPW, cid == GNF)
        cp_full = pltpu.make_async_copy(
            buf, out_hbm.at[pl.ds(cid * CHUNK, CHUNK), :], sem)
        cp_tail = pltpu.make_async_copy(
            buf.at[pl.ds(0, GTL), :],
            out_hbm.at[pl.ds(GNF * CHUNK, GTL), :], sem)
        return full, tail, cp_full, cp_tail

    def start_w(j, buf, sem):
        full, tail, cp_full, cp_tail = _write_copies(j, buf, sem)
        pl.when(full)(cp_full.start)
        pl.when(tail)(cp_tail.start)

    def wait_w(j, buf, sem):
        full, tail, cp_full, cp_tail = _write_copies(j, buf, sem)
        pl.when(full)(cp_full.wait)
        pl.when(tail)(cp_tail.wait)

    bufs = (rows0_v, rows1_v, rows2_v, rows3_v)
    semsg = (semg0, semg1, semg2, semg3)
    semsw = (semw0, semw1, semw2, semw3)
    for t in range(4):
        start_g(t, bufs[t], semsg[t])

    @pl.loop(0, (GCPW + 3) // 4)
    def _(k):
        for t in range(4):
            j = 4 * k + t
            wait_g(j, bufs[t], semsg[t])
            start_w(j, bufs[t], semsw[t])
        for t in range(4):
            j = 4 * k + t
            wait_w(j, bufs[t], semsw[t])
            start_g(j + 4, bufs[t], semsg[t])


def kernel(coords, hidden_state, cell_state, W_ih, W_hh, b_ih, b_hh):
    xs = coords[:, 0]
    ys = coords[:, 1]
    whh = W_hh.T.astype(jnp.bfloat16)
    wf = jnp.concatenate(
        [W_ih.T, (b_ih + b_hh)[None, :]], axis=0).astype(jnp.bfloat16)
    feat = jnp.concatenate(
        [xs.reshape(NBLK, 1, R), ys.reshape(NBLK, 1, R),
         jnp.ones((NBLK, 1, R), jnp.float32)],
        axis=1).astype(jnp.bfloat16)
    zeros = jnp.zeros((64, H), jnp.float32)

    def lstm_slab(slab, c_prev=None):
        off = slab * MBLK
        in_specs = [
            pl.BlockSpec((R, H), lambda i: (i + off, 0)),
            pl.BlockSpec((R, H), lambda i: (i + off, 0)),
            pl.BlockSpec((1, 3, R), lambda i: (i + off, 0, 0)),
            pl.BlockSpec((H, 4 * H), lambda i: (0, 0)),
            pl.BlockSpec((3, 4 * H), lambda i: (0, 0)),
        ]
        args = [hidden_state, cell_state, feat, whh, wf]
        aliases = {}
        if c_prev is not None:
            in_specs.append(pl.BlockSpec(memory_space=pl.ANY))
            args.append(c_prev)
            aliases = {5: 0}

        def body(*refs):
            if c_prev is None:
                _lstm_kernel(*refs)
            else:
                hid, cell, ft, w1, w2, _, cn, hn = refs
                _lstm_kernel(hid, cell, ft, w1, w2, cn, hn)

        return pl.pallas_call(
            body,
            grid=(MBLK,),
            in_specs=in_specs,
            out_specs=[
                pl.BlockSpec((R, H), lambda i: (i + off, 0)),
                pl.BlockSpec((R, H), lambda i: (i, 0)),
            ],
            out_shape=[
                jax.ShapeDtypeStruct((N, H), jnp.float32),
                jax.ShapeDtypeStruct((M, H), jnp.float32),
            ],
            input_output_aliases=aliases,
        )(*args)

    c0, h0 = lstm_slab(0)
    c_new, h1 = lstm_slab(1, c_prev=c0)

    def scatter_slab(slab, h_half):
        kern, scratch = _make_scatter(slab * M, M)
        call = pl.kernel(
            kern,
            out_type=jax.ShapeDtypeStruct((2, NB, H), jnp.float32),
            mesh=_mesh,
            scratch_types=scratch,
        )
        return call(h_half, xs, ys, zeros)

    pb0 = scatter_slab(0, h0)
    pb1 = scatter_slab(1, h1)

    gather = pl.kernel(
        _sc_gather_kernel,
        out_type=jax.ShapeDtypeStruct((N, H), jnp.float32),
        mesh=_mesh,
        scratch_types=[
            pltpu.VMEM((CHUNK, H), jnp.float32),
            pltpu.VMEM((CHUNK, H), jnp.float32),
            pltpu.VMEM((CHUNK, H), jnp.float32),
            pltpu.VMEM((CHUNK, H), jnp.float32),
            pltpu.VMEM((GCPW, CHUNK), jnp.int32),
            pltpu.VMEM((GSPAN,), jnp.float32),
            pltpu.VMEM((GSPAN,), jnp.float32),
            pltpu.VMEM((NB // 16, H), jnp.float32),
            pltpu.VMEM((NB // 16, H), jnp.float32),
            pltpu.VMEM_SHARED((NB1, H), jnp.float32),
        ] + [pltpu.SemaphoreType.DMA] * 8,
    )
    h_social = gather(pb0, pb1, xs, ys)

    return (h_social, c_new)

# --- scband reference (transcript-rebuilt; emitter-appended) ---
"""Pipeline reference for scband-social-lstm-68058051772553 (READ-ONLY COPY).

The authoritative reference and input builder live on the scoring server;
editing this copy changes nothing except your own understanding.
"""

import jax, jax.numpy as jnp
import numpy as np

N = 100000
HIDDEN_SIZE = 128
NUM_GRIDS = 32
X_MIN, X_MAX = 0.0, 1.0
Y_MIN, Y_MAX = 0.0, 1.0


def setup_inputs(seed: int = 0) -> dict:
    key = jax.random.key(seed)
    k1, k2, k3, k4, k5, k6, k7 = jax.random.split(key, 7)
    coords = jax.random.uniform(k1, (N, 2), dtype=jnp.float32)
    hidden_state = jax.random.normal(k2, (N, HIDDEN_SIZE), dtype=jnp.float32)
    cell_state = jax.random.normal(k3, (N, HIDDEN_SIZE), dtype=jnp.float32)
    s = 1.0 / np.sqrt(HIDDEN_SIZE)
    W_ih = jax.random.uniform(k4, (4 * HIDDEN_SIZE, 2), minval=-s, maxval=s, dtype=jnp.float32)
    W_hh = jax.random.uniform(k5, (4 * HIDDEN_SIZE, HIDDEN_SIZE), minval=-s, maxval=s, dtype=jnp.float32)
    b_ih = jax.random.uniform(k6, (4 * HIDDEN_SIZE,), minval=-s, maxval=s, dtype=jnp.float32)
    b_hh = jax.random.uniform(k7, (4 * HIDDEN_SIZE,), minval=-s, maxval=s, dtype=jnp.float32)
    return {"coords": coords, "hidden_state": hidden_state, "cell_state": cell_state,
            "W_ih": W_ih, "W_hh": W_hh, "b_ih": b_ih, "b_hh": b_hh}


def reference(coords, hidden_state, cell_state, W_ih, W_hh, b_ih, b_hh):
    # LSTMCell(2, hidden_size)
    gates = coords @ W_ih.T + b_ih + hidden_state @ W_hh.T + b_hh
    i, f, g, o = jnp.split(gates, 4, axis=1)
    i = jax.nn.sigmoid(i)
    f = jax.nn.sigmoid(f)
    g = jnp.tanh(g)
    o = jax.nn.sigmoid(o)
    c_new = f * cell_state + i * g
    h_new = o * jnp.tanh(c_new)

    # social layer: bin coords into num_grids x num_grids histogram of hidden-state sums,
    # then each agent's new hidden state is the sum over its bin.
    x = jnp.clip(coords[:, 0], X_MIN, X_MAX)
    y = jnp.clip(coords[:, 1], Y_MIN, Y_MAX)
    tlx = X_MAX - X_MIN
    tly = Y_MAX - Y_MIN
    ix = jnp.clip(jnp.floor((x - X_MIN) / tlx * NUM_GRIDS).astype(jnp.int32), 0, NUM_GRIDS - 1)
    iy = jnp.clip(jnp.floor((y - Y_MIN) / tly * NUM_GRIDS).astype(jnp.int32), 0, NUM_GRIDS - 1)
    gid = ix * NUM_GRIDS + iy
    bin_sums = jax.ops.segment_sum(h_new, gid, num_segments=NUM_GRIDS * NUM_GRIDS)
    h_social = jnp.take(bin_sums, gid, axis=0)
    return (h_social, c_new)

if __name__ == "__main__":
    import jax
    _d = setup_inputs()
    print(jax.jit(kernel)(*tuple(_d.values())))

</pallas_src>

<mosaic_0001>
#map = affine_map<(d0, d1) -> (0, 0)>
#map1 = affine_map<(d0, d1) -> (0)>
#map2 = affine_map<(d0, d1) -> (0, 0, 0)>
module attributes {stable_mosaic.version = 14 : i64} {
  func.func @kern(%arg0: i32, %arg1: i32, %arg2: memref<50000x128xf32, #tpu.memory_space<hbm>>, %arg3: memref<100000xf32, #tpu.memory_space<hbm>>, %arg4: memref<100000xf32, #tpu.memory_space<hbm>>, %arg5: memref<64x128xf32, #tpu.memory_space<hbm>>, %arg6: memref<2x1024x128xf32, #tpu.memory_space<hbm>>, %arg7: memref<128x128xf32, #tpu.memory_space<vmem>>, %arg8: memref<128x128xf32, #tpu.memory_space<vmem>>, %arg9: memref<13x128xi32, #tpu.memory_space<vmem>>, %arg10: memref<1664xf32, #tpu.memory_space<vmem>>, %arg11: memref<1664xf32, #tpu.memory_space<vmem>>, %arg12: memref<1025x128xf32, #tpu.memory_space<vmem_shared>>, %arg13: memref<!tpu.dma_semaphore, #tpu.memory_space<semaphore_mem>>, %arg14: memref<!tpu.dma_semaphore, #tpu.memory_space<semaphore_mem>>) attributes {dimension_semantics = [#tpu.dimension_semantics<core_parallel>, #tpu.dimension_semantics<subcore_parallel>], iteration_bounds = array<i64: 2, 16>, scalar_prefetch = 0 : i64, scratch_operands = 8 : i64, tpu.core_type = #tpu.core_type<sc_vector_subcore>, window_params = [{transform_indices = #map}, {transform_indices = #map1}, {transform_indices = #map1}, {transform_indices = #map}, {transform_indices = #map2}]} {
    %mul3A = arith.constant 16 : i32
    %mul3A_0 = arith.muli %arg0, %mul3A : i32
    %add3A = arith.addi %mul3A_0, %arg1 : i32
    %mul3A_1 = arith.constant 64 : i32
    %mul3A_2 = arith.muli %arg1, %mul3A_1 : i32
    "tpu.region"() ({
      %run_scoped3A = tpu.sem_alloc : memref<!tpu.dma_semaphore, #tpu.memory_space<semaphore_mem>>
      %dma_start3A = arith.constant 0 : i32
      %dma_start3A_46 = tpu.memref_slice %arg12[%mul3A_2, %dma_start3A] : memref<1025x128xf32, #tpu.memory_space<vmem_shared>> -> memref<64x128xf32, #tpu.memory_space<vmem_shared>>
      tpu.enqueue_dma source(%arg5 : memref<64x128xf32, #tpu.memory_space<hbm>>) target(%dma_start3A_46 : memref<64x128xf32, #tpu.memory_space<vmem_shared>>) target_semaphore(%run_scoped3A : memref<!tpu.dma_semaphore, #tpu.memory_space<semaphore_mem>>)
      %dma_wait3A = arith.constant 0 : i32
      %dma_wait3A_47 = tpu.memref_slice %arg12[%mul3A_2, %dma_wait3A] : memref<1025x128xf32, #tpu.memory_space<vmem_shared>> -> memref<64x128xf32, #tpu.memory_space<vmem_shared>>
      tpu.wait_dma2 semaphore(%run_scoped3A : memref<!tpu.dma_semaphore, #tpu.memory_space<semaphore_mem>>) src(%arg5 : memref<64x128xf32, #tpu.memory_space<hbm>>) dst(%dma_wait3A_47 : memref<64x128xf32, #tpu.memory_space<vmem_shared>>)
      tpu.yield
    }) : () -> ()
    %mul3A_3 = arith.constant 1664 : i32
    %mul3A_4 = arith.muli %add3A, %mul3A_3 : i32
    %add3A_5 = arith.constant 0 : i32
    %add3A_6 = arith.addi %add3A_5, %mul3A_4 : i32
    %lt3A = arith.constant 30 : i32
    %lt3A_7 = arith.cmpi slt, %add3A, %lt3A : i32
    %convert_element_type3A = arith.extui %lt3A_7 : i1 to i32
    %cond3A = arith.constant 0 : i32
    %cond3A_8 = arith.cmpi ne, %convert_element_type3A, %cond3A : i32
    scf.if %cond3A_8 {
      "tpu.region"() ({
        %run_scoped3A = tpu.sem_alloc : memref<!tpu.dma_semaphore, #tpu.memory_space<semaphore_mem>>
        %dma_start3A = tpu.memref_slice %arg3[%add3A_6] : memref<100000xf32, #tpu.memory_space<hbm>> -> memref<1664xf32, #tpu.memory_space<hbm>>
        %dma_start3A_46 = tpu.memref_slice %arg3[%add3A_6] : memref<100000xf32, #tpu.memory_space<hbm>> -> memref<1664xf32, #tpu.memory_space<hbm>>
        tpu.enqueue_dma source(%dma_start3A_46 : memref<1664xf32, #tpu.memory_space<hbm>>) target(%arg10 : memref<1664xf32, #tpu.memory_space<vmem>>) target_semaphore(%run_scoped3A : memref<!tpu.dma_semaphore, #tpu.memory_space<semaphore_mem>>)
        %dma_wait3A = tpu.memref_slice %arg3[%add3A_6] : memref<100000xf32, #tpu.memory_space<hbm>> -> memref<1664xf32, #tpu.memory_space<hbm>>
        %dma_wait3A_47 = tpu.memref_slice %arg3[%add3A_6] : memref<100000xf32, #tpu.memory_space<hbm>> -> memref<1664xf32, #tpu.memory_space<hbm>>
        tpu.wait_dma2 semaphore(%run_scoped3A : memref<!tpu.dma_semaphore, #tpu.memory_space<semaphore_mem>>) src(%dma_wait3A_47 : memref<1664xf32, #tpu.memory_space<hbm>>) dst(%arg10 : memref<1664xf32, #tpu.memory_space<vmem>>)
        tpu.yield
      }) : () -> ()
      "tpu.region"() ({
        %run_scoped3A = tpu.sem_alloc : memref<!tpu.dma_semaphore, #tpu.memory_space<semaphore_mem>>
        %dma_start3A = tpu.memref_slice %arg4[%add3A_6] : memref<100000xf32, #tpu.memory_space<hbm>> -> memref<1664xf32, #tpu.memory_space<hbm>>
        %dma_start3A_46 = tpu.memref_slice %arg4[%add3A_6] : memref<100000xf32, #tpu.memory_space<hbm>> -> memref<1664xf32, #tpu.memory_space<hbm>>
        tpu.enqueue_dma source(%dma_start3A_46 : memref<1664xf32, #tpu.memory_space<hbm>>) target(%arg11 : memref<1664xf32, #tpu.memory_space<vmem>>) target_semaphore(%run_scoped3A : memref<!tpu.dma_semaphore, #tpu.memory_space<semaphore_mem>>)
        %dma_wait3A = tpu.memref_slice %arg4[%add3A_6] : memref<100000xf32, #tpu.memory_space<hbm>> -> memref<1664xf32, #tpu.memory_space<hbm>>
        %dma_wait3A_47 = tpu.memref_slice %arg4[%add3A_6] : memref<100000xf32, #tpu.memory_space<hbm>> -> memref<1664xf32, #tpu.memory_space<hbm>>
        tpu.wait_dma2 semaphore(%run_scoped3A : memref<!tpu.dma_semaphore, #tpu.memory_space<semaphore_mem>>) src(%dma_wait3A_47 : memref<1664xf32, #tpu.memory_space<hbm>>) dst(%arg11 : memref<1664xf32, #tpu.memory_space<vmem>>)
        tpu.yield
      }) : () -> ()
    } else {
    }
    %eq3A = arith.constant 30 : i32
    %eq3A_9 = arith.cmpi eq, %add3A, %eq3A : i32
    %convert_element_type3A_10 = arith.extui %eq3A_9 : i1 to i32
    %cond3A_11 = arith.constant 0 : i32
    %cond3A_12 = arith.cmpi ne, %convert_element_type3A_10, %cond3A_11 : i32
    scf.if %cond3A_12 {
      "tpu.region"() ({
        %run_scoped3A = tpu.sem_alloc : memref<!tpu.dma_semaphore, #tpu.memory_space<semaphore_mem>>
        %dma_start3A = arith.constant 0 : i32
        %dma_start3A_46 = tpu.memref_slice %arg10[%dma_start3A] : memref<1664xf32, #tpu.memory_space<vmem>> -> memref<80xf32, #tpu.memory_space<vmem>>
        %dma_start3A_47 = tpu.memref_slice %arg3[%add3A_6] : memref<100000xf32, #tpu.memory_space<hbm>> -> memref<80xf32, #tpu.memory_space<hbm>>
        %dma_start3A_48 = arith.constant 0 : i32
        %dma_start3A_49 = tpu.memref_slice %arg10[%dma_start3A_48] : memref<1664xf32, #tpu.memory_space<vmem>> -> memref<80xf32, #tpu.memory_space<vmem>>
        %dma_start3A_50 = tpu.memref_slice %arg3[%add3A_6] : memref<100000xf32, #tpu.memory_space<hbm>> -> memref<80xf32, #tpu.memory_space<hbm>>
        tpu.enqueue_dma source(%dma_start3A_50 : memref<80xf32, #tpu.memory_space<hbm>>) target(%dma_start3A_49 : memref<80xf32, #tpu.memory_space<vmem>>) target_semaphore(%run_scoped3A : memref<!tpu.dma_semaphore, #tpu.memory_space<semaphore_mem>>)
        %dma_wait3A = arith.constant 0 : i32
        %dma_wait3A_51 = tpu.memref_slice %arg10[%dma_wait3A] : memref<1664xf32, #tpu.memory_space<vmem>> -> memref<80xf32, #tpu.memory_space<vmem>>
        %dma_wait3A_52 = tpu.memref_slice %arg3[%add3A_6] : memref<100000xf32, #tpu.memory_space<hbm>> -> memref<80xf32, #tpu.memory_space<hbm>>
        %dma_wait3A_53 = arith.constant 0 : i32
        %dma_wait3A_54 = tpu.memref_slice %arg10[%dma_wait3A_53] : memref<1664xf32, #tpu.memory_space<vmem>> -> memref<80xf32, #tpu.memory_space<vmem>>
        %dma_wait3A_55 = tpu.memref_slice %arg3[%add3A_6] : memref<100000xf32, #tpu.memory_space<hbm>> -> memref<80xf32, #tpu.memory_space<hbm>>
        tpu.wait_dma2 semaphore(%run_scoped3A : memref<!tpu.dma_semaphore, #tpu.memory_space<semaphore_mem>>) src(%dma_wait3A_55 : memref<80xf32, #tpu.memory_space<hbm>>) dst(%dma_wait3A_54 : memref<80xf32, #tpu.memory_space<vmem>>)
        tpu.yield
      }) : () -> ()
      "tpu.region"() ({
        %run_scoped3A = tpu.sem_alloc : memref<!tpu.dma_semaphore, #tpu.memory_space<semaphore_mem>>
        %dma_start3A = arith.constant 0 : i32
        %dma_start3A_46 = tpu.memref_slice %arg11[%dma_start3A] : memref<1664xf32, #tpu.memory_space<vmem>> -> memref<80xf32, #tpu.memory_space<vmem>>
        %dma_start3A_47 = tpu.memref_slice %arg4[%add3A_6] : memref<100000xf32, #tpu.memory_space<hbm>> -> memref<80xf32, #tpu.memory_space<hbm>>
        %dma_start3A_48 = arith.constant 0 : i32
        %dma_start3A_49 = tpu.memref_slice %arg11[%dma_start3A_48] : memref<1664xf32, #tpu.memory_space<vmem>> -> memref<80xf32, #tpu.memory_space<vmem>>
        %dma_start3A_50 = tpu.memref_slice %arg4[%add3A_6] : memref<100000xf32, #tpu.memory_space<hbm>> -> memref<80xf32, #tpu.memory_space<hbm>>
        tpu.enqueue_dma source(%dma_start3A_50 : memref<80xf32, #tpu.memory_space<hbm>>) target(%dma_start3A_49 : memref<80xf32, #tpu.memory_space<vmem>>) target_semaphore(%run_scoped3A : memref<!tpu.dma_semaphore, #tpu.memory_space<semaphore_mem>>)
        %dma_wait3A = arith.constant 0 : i32
        %dma_wait3A_51 = tpu.memref_slice %arg11[%dma_wait3A] : memref<1664xf32, #tpu.memory_space<vmem>> -> memref<80xf32, #tpu.memory_space<vmem>>
        %dma_wait3A_52 = tpu.memref_slice %arg4[%add3A_6] : memref<100000xf32, #tpu.memory_space<hbm>> -> memref<80xf32, #tpu.memory_space<hbm>>
        %dma_wait3A_53 = arith.constant 0 : i32
        %dma_wait3A_54 = tpu.memref_slice %arg11[%dma_wait3A_53] : memref<1664xf32, #tpu.memory_space<vmem>> -> memref<80xf32, #tpu.memory_space<vmem>>
        %dma_wait3A_55 = tpu.memref_slice %arg4[%add3A_6] : memref<100000xf32, #tpu.memory_space<hbm>> -> memref<80xf32, #tpu.memory_space<hbm>>
        tpu.wait_dma2 semaphore(%run_scoped3A : memref<!tpu.dma_semaphore, #tpu.memory_space<semaphore_mem>>) src(%dma_wait3A_55 : memref<80xf32, #tpu.memory_space<hbm>>) dst(%dma_wait3A_54 : memref<80xf32, #tpu.memory_space<vmem>>)
        tpu.yield
      }) : () -> ()
    } else {
    }
    %scan3A = arith.constant 0 : i32
    %scan3A_13 = arith.constant 13 : i32
    %scan3A_14 = arith.addi %scan3A, %scan3A_13 : i32
    %scan3A_15 = arith.constant 1 : i32
    scf.for %scan3A_46 = %scan3A to %scan3A_14 step %scan3A_15  : i32 {
      %mul3A_47 = arith.constant 1 : i32
      %mul3A_48 = arith.muli %scan3A_46, %mul3A_47 : i32
      %add3A_49 = arith.constant 0 : i32
      %add3A_50 = arith.addi %add3A_49, %mul3A_48 : i32
      %mul3A_51 = arith.constant 128 : i32
      %mul3A_52 = arith.muli %add3A_50, %mul3A_51 : i32
      %add3A_53 = arith.constant 0 : i32
      %add3A_54 = arith.addi %mul3A_52, %add3A_53 : i32
      %get3A = arith.index_cast %add3A_54 : i32 to index
      %get3A_55 = tpu.vector_load %arg10[%get3A] {strides = array<i32>} : memref<1664xf32, #tpu.memory_space<vmem>>, vector<16xf32>,
      %get3A_56 = vector.shape_cast %get3A_55 : vector<16xf32> to vector<16xf32>
      %mul3A_57 = arith.constant 128 : i32
      %mul3A_58 = arith.muli %add3A_50, %mul3A_57 : i32
      %add3A_59 = arith.constant 0 : i32
      %add3A_60 = arith.addi %mul3A_58, %add3A_59 : i32
      %get3A_61 = arith.index_cast %add3A_60 : i32 to index
      %get3A_62 = tpu.vector_load %arg11[%get3A_61] {strides = array<i32>} : memref<1664xf32, #tpu.memory_space<vmem>>, vector<16xf32>,
      %get3A_63 = vector.shape_cast %get3A_62 : vector<16xf32> to vector<16xf32>
      %jit3A = arith.constant 0.000000e+00 : f32
      %jit3A_64 = arith.constant 1.000000e+00 : f32
      %max3A = vector.broadcast %jit3A : f32 to vector<16xf32>
      %max3A_65 = arith.maximumf %max3A, %get3A_56 : vector<16xf32>
      %min3A = vector.broadcast %jit3A_64 : f32 to vector<16xf32>
      %min3A_66 = arith.minimumf %min3A, %max3A_65 : vector<16xf32>
      %mul3A_67 = arith.constant 3.200000e+01 : f32
      %mul3A_68 = vector.broadcast %mul3A_67 : f32 to vector<16xf32>
      %mul3A_69 = arith.mulf %min3A_66, %mul3A_68 : vector<16xf32>
      %convert_element_type3A_70 = arith.fptosi %mul3A_69 : vector<16xf32> to vector<16xi32>
      %jit3A_71 = arith.constant 0 : i32
      %jit3A_72 = arith.constant 31 : i32
      %max3A_73 = vector.broadcast %jit3A_71 : i32 to vector<16xi32>
      %max3A_74 = arith.maxsi %max3A_73, %convert_element_type3A_70 : vector<16xi32>
      %min3A_75 = vector.broadcast %jit3A_72 : i32 to vector<16xi32>
      %min3A_76 = arith.minsi %min3A_75, %max3A_74 : vector<16xi32>
      %jit3A_77 = arith.constant 0.000000e+00 : f32
      %jit3A_78 = arith.constant 1.000000e+00 : f32
      %max3A_79 = vector.broadcast %jit3A_77 : f32 to vector<16xf32>
      %max3A_80 = arith.maximumf %max3A_79, %get3A_63 : vector<16xf32>
      %min3A_81 = vector.broadcast %jit3A_78 : f32 to vector<16xf32>
      %min3A_82 = arith.minimumf %min3A_81, %max3A_80 : vector<16xf32>
      %mul3A_83 = arith.constant 3.200000e+01 : f32
      %mul3A_84 = vector.broadcast %mul3A_83 : f32 to vector<16xf32>
      %mul3A_85 = arith.mulf %min3A_82, %mul3A_84 : vector<16xf32>
      %convert_element_type3A_86 = arith.fptosi %mul3A_85 : vector<16xf32> to vector<16xi32>
      %jit3A_87 = arith.constant 0 : i32
      %jit3A_88 = arith.constant 31 : i32
      %max3A_89 = vector.broadcast %jit3A_87 : i32 to vector<16xi32>
      %max3A_90 = arith.maxsi %max3A_89, %convert_element_type3A_86 : vector<16xi32>
      %min3A_91 = vector.broadcast %jit3A_88 : i32 to vector<16xi32>
      %min3A_92 = arith.minsi %min3A_91, %max3A_90 : vector<16xi32>
      %mul3A_93 = arith.constant 32 : i32
      %mul3A_94 = vector.broadcast %mul3A_93 : i32 to vector<16xi32>
      %mul3A_95 = arith.muli %min3A_76, %mul3A_94 : vector<16xi32>
      %add3A_96 = arith.addi %mul3A_95, %min3A_92 : vector<16xi32>
      %mul3A_97 = arith.constant 128 : i32
      %mul3A_98 = arith.muli %add3A_50, %mul3A_97 : i32
      %add3A_99 = arith.addi %add3A_6, %mul3A_98 : i32
      %add3A_100 = arith.constant 0 : i32
      %add3A_101 = arith.addi %add3A_99, %add3A_100 : i32
      %iota3A = tpu.iota {dimensions = array<i32: 0>} : vector<16xi32>
      %add3A_102 = vector.broadcast %add3A_101 : i32 to vector<16xi32>
      %add3A_103 = arith.addi %add3A_102, %iota3A : vector<16xi32>
      %lt3A_104 = arith.constant 50000 : i32
      %lt3A_105 = vector.broadcast %lt3A_104 : i32 to vector<16xi32>
      %lt3A_106 = arith.cmpi slt, %add3A_103, %lt3A_105 : vector<16xi32>
      %jit3A_107 = arith.constant 1024 : i32
      %broadcast_in_dim3A = vector.broadcast %jit3A_107 : i32 to vector<16xi32>
      %select_n3A = arith.select %lt3A_106, %add3A_96, %broadcast_in_dim3A : vector<16xi1>, vector<16xi32>
      %swap3A = arith.index_cast %add3A_50 : i32 to index
      %swap3A_108 = arith.constant 0 : index
      %swap3A_109 = tpu.vector_load %arg9[%swap3A, %swap3A_108] {strides = array<i32>} : memref<13x128xi32, #tpu.memory_space<vmem>>, vector<1x16xi32>,
      %swap3A_110 = vector.shape_cast %swap3A_109 : vector<1x16xi32> to vector<16xi32>
      %swap3A_111 = vector.shape_cast %select_n3A : vector<16xi32> to vector<1x16xi32>
      tpu.vector_store %arg9[%swap3A, %swap3A_108], %swap3A_111 {strides = array<i32>} : memref<13x128xi32, #tpu.memory_space<vmem>>, vector<1x16xi32>,
      %mul3A_112 = arith.constant 128 : i32
      %mul3A_113 = arith.muli %add3A_50, %mul3A_112 : i32
      %add3A_114 = arith.constant 16 : i32
      %add3A_115 = arith.addi %mul3A_113, %add3A_114 : i32
      %get3A_116 = arith.index_cast %add3A_115 : i32 to index
      %get3A_117 = tpu.vector_load %arg10[%get3A_116] {strides = array<i32>} : memref<1664xf32, #tpu.memory_space<vmem>>, vector<16xf32>,
      %get3A_118 = vector.shape_cast %get3A_117 : vector<16xf32> to vector<16xf32>
      %mul3A_119 = arith.constant 128 : i32
      %mul3A_120 = arith.muli %add3A_50, %mul3A_119 : i32
      %add3A_121 = arith.constant 16 : i32
      %add3A_122 = arith.addi %mul3A_120, %add3A_121 : i32
      %get3A_123 = arith.index_cast %add3A_122 : i32 to index
      %get3A_124 = tpu.vector_load %arg11[%get3A_123] {strides = array<i32>} : memref<1664xf32, #tpu.memory_space<vmem>>, vector<16xf32>,
      %get3A_125 = vector.shape_cast %get3A_124 : vector<16xf32> to vector<16xf32>
      %jit3A_126 = arith.constant 0.000000e+00 : f32
      %jit3A_127 = arith.constant 1.000000e+00 : f32
      %max3A_128 = vector.broadcast %jit3A_126 : f32 to vector<16xf32>
      %max3A_129 = arith.maximumf %max3A_128, %get3A_118 : vector<16xf32>
      %min3A_130 = vector.broadcast %jit3A_127 : f32 to vector<16xf32>
      %min3A_131 = arith.minimumf %min3A_130, %max3A_129 : vector<16xf32>
      %mul3A_132 = arith.constant 3.200000e+01 : f32
      %mul3A_133 = vector.broadcast %mul3A_132 : f32 to vector<16xf32>
      %mul3A_134 = arith.mulf %min3A_131, %mul3A_133 : vector<16xf32>
      %convert_element_type3A_135 = arith.fptosi %mul3A_134 : vector<16xf32> to vector<16xi32>
      %jit3A_136 = arith.constant 0 : i32
      %jit3A_137 = arith.constant 31 : i32
      %max3A_138 = vector.broadcast %jit3A_136 : i32 to vector<16xi32>
      %max3A_139 = arith.maxsi %max3A_138, %convert_element_type3A_135 : vector<16xi32>
      %min3A_140 = vector.broadcast %jit3A_137 : i32 to vector<16xi32>
      %min3A_141 = arith.minsi %min3A_140, %max3A_139 : vector<16xi32>
      %jit3A_142 = arith.constant 0.000000e+00 : f32
      %jit3A_143 = arith.constant 1.000000e+00 : f32
      %max3A_144 = vector.broadcast %jit3A_142 : f32 to vector<16xf32>
      %max3A_145 = arith.maximumf %max3A_144, %get3A_125 : vector<16xf32>
      %min3A_146 = vector.broadcast %jit3A_143 : f32 to vector<16xf32>
      %min3A_147 = arith.minimumf %min3A_146, %max3A_145 : vector<16xf32>
      %mul3A_148 = arith.constant 3.200000e+01 : f32
      %mul3A_149 = vector.broadcast %mul3A_148 : f32 to vector<16xf32>
      %mul3A_150 = arith.mulf %min3A_147, %mul3A_149 : vector<16xf32>
      %convert_element_type3A_151 = arith.fptosi %mul3A_150 : vector<16xf32> to vector<16xi32>
      %jit3A_152 = arith.constant 0 : i32
      %jit3A_153 = arith.constant 31 : i32
      %max3A_154 = vector.broadcast %jit3A_152 : i32 to vector<16xi32>
      %max3A_155 = arith.maxsi %max3A_154, %convert_element_type3A_151 : vector<16xi32>
      %min3A_156 = vector.broadcast %jit3A_153 : i32 to vector<16xi32>
      %min3A_157 = arith.minsi %min3A_156, %max3A_155 : vector<16xi32>
      %mul3A_158 = arith.constant 32 : i32
      %mul3A_159 = vector.broadcast %mul3A_158 : i32 to vector<16xi32>
      %mul3A_160 = arith.muli %min3A_141, %mul3A_159 : vector<16xi32>
      %add3A_161 = arith.addi %mul3A_160, %min3A_157 : vector<16xi32>
      %mul3A_162 = arith.constant 128 : i32
      %mul3A_163 = arith.muli %add3A_50, %mul3A_162 : i32
      %add3A_164 = arith.addi %add3A_6, %mul3A_163 : i32
      %add3A_165 = arith.constant 16 : i32
      %add3A_166 = arith.addi %add3A_164, %add3A_165 : i32
      %iota3A_167 = tpu.iota {dimensions = array<i32: 0>} : vector<16xi32>
      %add3A_168 = vector.broadcast %add3A_166 : i32 to vector<16xi32>
      %add3A_169 = arith.addi %add3A_168, %iota3A_167 : vector<16xi32>
      %lt3A_170 = arith.constant 50000 : i32
      %lt3A_171 = vector.broadcast %lt3A_170 : i32 to vector<16xi32>
      %lt3A_172 = arith.cmpi slt, %add3A_169, %lt3A_171 : vector<16xi32>
      %jit3A_173 = arith.constant 1024 : i32
      %broadcast_in_dim3A_174 = vector.broadcast %jit3A_173 : i32 to vector<16xi32>
      %select_n3A_175 = arith.select %lt3A_172, %add3A_161, %broadcast_in_dim3A_174 : vector<16xi1>, vector<16xi32>
      %swap3A_176 = arith.index_cast %add3A_50 : i32 to index
      %swap3A_177 = arith.constant 16 : index
      %swap3A_178 = tpu.vector_load %arg9[%swap3A_176, %swap3A_177] {strides = array<i32>} : memref<13x128xi32, #tpu.memory_space<vmem>>, vector<1x16xi32>,
      %swap3A_179 = vector.shape_cast %swap3A_178 : vector<1x16xi32> to vector<16xi32>
      %swap3A_180 = vector.shape_cast %select_n3A_175 : vector<16xi32> to vector<1x16xi32>
      tpu.vector_store %arg9[%swap3A_176, %swap3A_177], %swap3A_180 {strides = array<i32>} : memref<13x128xi32, #tpu.memory_space<vmem>>, vector<1x16xi32>,
      %mul3A_181 = arith.constant 128 : i32
      %mul3A_182 = arith.muli %add3A_50, %mul3A_181 : i32
      %add3A_183 = arith.constant 32 : i32
      %add3A_184 = arith.addi %mul3A_182, %add3A_183 : i32
      %get3A_185 = arith.index_cast %add3A_184 : i32 to index
      %get3A_186 = tpu.vector_load %arg10[%get3A_185] {strides = array<i32>} : memref<1664xf32, #tpu.memory_space<vmem>>, vector<16xf32>,
      %get3A_187 = vector.shape_cast %get3A_186 : vector<16xf32> to vector<16xf32>
      %mul3A_188 = arith.constant 128 : i32
      %mul3A_189 = arith.muli %add3A_50, %mul3A_188 : i32
      %add3A_190 = arith.constant 32 : i32
      %add3A_191 = arith.addi %mul3A_189, %add3A_190 : i32
      %get3A_192 = arith.index_cast %add3A_191 : i32 to index
      %get3A_193 = tpu.vector_load %arg11[%get3A_192] {strides = array<i32>} : memref<1664xf32, #tpu.memory_space<vmem>>, vector<16xf32>,
      %get3A_194 = vector.shape_cast %get3A_193 : vector<16xf32> to vector<16xf32>
      %jit3A_195 = arith.constant 0.000000e+00 : f32
      %jit3A_196 = arith.constant 1.000000e+00 : f32
      %max3A_197 = vector.broadcast %jit3A_195 : f32 to vector<16xf32>
      %max3A_198 = arith.maximumf %max3A_197, %get3A_187 : vector<16xf32>
      %min3A_199 = vector.broadcast %jit3A_196 : f32 to vector<16xf32>
      %min3A_200 = arith.minimumf %min3A_199, %max3A_198 : vector<16xf32>
      %mul3A_201 = arith.constant 3.200000e+01 : f32
      %mul3A_202 = vector.broadcast %mul3A_201 : f32 to vector<16xf32>
      %mul3A_203 = arith.mulf %min3A_200, %mul3A_202 : vector<16xf32>
      %convert_element_type3A_204 = arith.fptosi %mul3A_203 : vector<16xf32> to vector<16xi32>
      %jit3A_205 = arith.constant 0 : i32
      %jit3A_206 = arith.constant 31 : i32
      %max3A_207 = vector.broadcast %jit3A_205 : i32 to vector<16xi32>
      %max3A_208 = arith.maxsi %max3A_207, %convert_element_type3A_204 : vector<16xi32>
      %min3A_209 = vector.broadcast %jit3A_206 : i32 to vector<16xi32>
      %min3A_210 = arith.minsi %min3A_209, %max3A_208 : vector<16xi32>
      %jit3A_211 = arith.constant 0.000000e+00 : f32
      %jit3A_212 = arith.constant 1.000000e+00 : f32
      %max3A_213 = vector.broadcast %jit3A_211 : f32 to vector<16xf32>
      %max3A_214 = arith.maximumf %max3A_213, %get3A_194 : vector<16xf32>
      %min3A_215 = vector.broadcast %jit3A_212 : f32 to vector<16xf32>
      %min3A_216 = arith.minimumf %min3A_215, %max3A_214 : vector<16xf32>
      %mul3A_217 = arith.constant 3.200000e+01 : f32
      %mul3A_218 = vector.broadcast %mul3A_217 : f32 to vector<16xf32>
      %mul3A_219 = arith.mulf %min3A_216, %mul3A_218 : vector<16xf32>
      %convert_element_type3A_220 = arith.fptosi %mul3A_219 : vector<16xf32> to vector<16xi32>
      %jit3A_221 = arith.constant 0 : i32
      %jit3A_222 = arith.constant 31 : i32
      %max3A_223 = vector.broadcast %jit3A_221 : i32 to vector<16xi32>
      %max3A_224 = arith.maxsi %max3A_223, %convert_element_type3A_220 : vector<16xi32>
      %min3A_225 = vector.broadcast %jit3A_222 : i32 to vector<16xi32>
      %min3A_226 = arith.minsi %min3A_225, %max3A_224 : vector<16xi32>
      %mul3A_227 = arith.constant 32 : i32
      %mul3A_228 = vector.broadcast %mul3A_227 : i32 to vector<16xi32>
      %mul3A_229 = arith.muli %min3A_210, %mul3A_228 : vector<16xi32>
      %add3A_230 = arith.addi %mul3A_229, %min3A_226 : vector<16xi32>
      %mul3A_231 = arith.constant 128 : i32
      %mul3A_232 = arith.muli %add3A_50, %mul3A_231 : i32
      %add3A_233 = arith.addi %add3A_6, %mul3A_232 : i32
      %add3A_234 = arith.constant 32 : i32
      %add3A_235 = arith.addi %add3A_233, %add3A_234 : i32
      %iota3A_236 = tpu.iota {dimensions = array<i32: 0>} : vector<16xi32>
      %add3A_237 = vector.broadcast %add3A_235 : i32 to vector<16xi32>
      %add3A_238 = arith.addi %add3A_237, %iota3A_236 : vector<16xi32>
      %lt3A_239 = arith.constant 50000 : i32
      %lt3A_240 = vector.broadcast %lt3A_239 : i32 to vector<16xi32>
      %lt3A_241 = arith.cmpi slt, %add3A_238, %lt3A_240 : vector<16xi32>
      %jit3A_242 = arith.constant 1024 : i32
      %broadcast_in_dim3A_243 = vector.broadcast %jit3A_242 : i32 to vector<16xi32>
      %select_n3A_244 = arith.select %lt3A_241, %add3A_230, %broadcast_in_dim3A_243 : vector<16xi1>, vector<16xi32>
      %swap3A_245 = arith.index_cast %add3A_50 : i32 to index
      %swap3A_246 = arith.constant 32 : index
      %swap3A_247 = tpu.vector_load %arg9[%swap3A_245, %swap3A_246] {strides = array<i32>} : memref<13x128xi32, #tpu.memory_space<vmem>>, vector<1x16xi32>,
      %swap3A_248 = vector.shape_cast %swap3A_247 : vector<1x16xi32> to vector<16xi32>
      %swap3A_249 = vector.shape_cast %select_n3A_244 : vector<16xi32> to vector<1x16xi32>
      tpu.vector_store %arg9[%swap3A_245, %swap3A_246], %swap3A_249 {strides = array<i32>} : memref<13x128xi32, #tpu.memory_space<vmem>>, vector<1x16xi32>,
      %mul3A_250 = arith.constant 128 : i32
      %mul3A_251 = arith.muli %add3A_50, %mul3A_250 : i32
      %add3A_252 = arith.constant 48 : i32
      %add3A_253 = arith.addi %mul3A_251, %add3A_252 : i32
      %get3A_254 = arith.index_cast %add3A_253 : i32 to index
      %get3A_255 = tpu.vector_load %arg10[%get3A_254] {strides = array<i32>} : memref<1664xf32, #tpu.memory_space<vmem>>, vector<16xf32>,
      %get3A_256 = vector.shape_cast %get3A_255 : vector<16xf32> to vector<16xf32>
      %mul3A_257 = arith.constant 128 : i32
      %mul3A_258 = arith.muli %add3A_50, %mul3A_257 : i32
      %add3A_259 = arith.constant 48 : i32
      %add3A_260 = arith.addi %mul3A_258, %add3A_259 : i32
      %get3A_261 = arith.index_cast %add3A_260 : i32 to index
      %get3A_262 = tpu.vector_load %arg11[%get3A_261] {strides = array<i32>} : memref<1664xf32, #tpu.memory_space<vmem>>, vector<16xf32>,
      %get3A_263 = vector.shape_cast %get3A_262 : vector<16xf32> to vector<16xf32>
      %jit3A_264 = arith.constant 0.000000e+00 : f32
      %jit3A_265 = arith.constant 1.000000e+00 : f32
      %max3A_266 = vector.broadcast %jit3A_264 : f32 to vector<16xf32>
      %max3A_267 = arith.maximumf %max3A_266, %get3A_256 : vector<16xf32>
      %min3A_268 = vector.broadcast %jit3A_265 : f32 to vector<16xf32>
      %min3A_269 = arith.minimumf %min3A_268, %max3A_267 : vector<16xf32>
      %mul3A_270 = arith.constant 3.200000e+01 : f32
      %mul3A_271 = vector.broadcast %mul3A_270 : f32 to vector<16xf32>
      %mul3A_272 = arith.mulf %min3A_269, %mul3A_271 : vector<16xf32>
      %convert_element_type3A_273 = arith.fptosi %mul3A_272 : vector<16xf32> to vector<16xi32>
      %jit3A_274 = arith.constant 0 : i32
      %jit3A_275 = arith.constant 31 : i32
      %max3A_276 = vector.broadcast %jit3A_274 : i32 to vector<16xi32>
      %max3A_277 = arith.maxsi %max3A_276, %convert_element_type3A_273 : vector<16xi32>
      %min3A_278 = vector.broadcast %jit3A_275 : i32 to vector<16xi32>
      %min3A_279 = arith.minsi %min3A_278, %max3A_277 : vector<16xi32>
      %jit3A_280 = arith.constant 0.000000e+00 : f32
      %jit3A_281 = arith.constant 1.000000e+00 : f32
      %max3A_282 = vector.broadcast %jit3A_280 : f32 to vector<16xf32>
      %max3A_283 = arith.maximumf %max3A_282, %get3A_263 : vector<16xf32>
      %min3A_284 = vector.broadcast %jit3A_281 : f32 to vector<16xf32>
      %min3A_285 = arith.minimumf %min3A_284, %max3A_283 : vector<16xf32>
      %mul3A_286 = arith.constant 3.200000e+01 : f32
      %mul3A_287 = vector.broadcast %mul3A_286 : f32 to vector<16xf32>
      %mul3A_288 = arith.mulf %min3A_285, %mul3A_287 : vector<16xf32>
      %convert_element_type3A_289 = arith.fptosi %mul3A_288 : vector<16xf32> to vector<16xi32>
      %jit3A_290 = arith.constant 0 : i32
      %jit3A_291 = arith.constant 31 : i32
      %max3A_292 = vector.broadcast %jit3A_290 : i32 to vector<16xi32>
      %max3A_293 = arith.maxsi %max3A_292, %convert_element_type3A_289 : vector<16xi32>
      %min3A_294 = vector.broadcast %jit3A_291 : i32 to vector<16xi32>
      %min3A_295 = arith.minsi %min3A_294, %max3A_293 : vector<16xi32>
      %mul3A_296 = arith.constant 32 : i32
      %mul3A_297 = vector.broadcast %mul3A_296 : i32 to vector<16xi32>
      %mul3A_298 = arith.muli %min3A_279, %mul3A_297 : vector<16xi32>
      %add3A_299 = arith.addi %mul3A_298, %min3A_295 : vector<16xi32>
      %mul3A_300 = arith.constant 128 : i32
      %mul3A_301 = arith.muli %add3A_50, %mul3A_300 : i32
      %add3A_302 = arith.addi %add3A_6, %mul3A_301 : i32
      %add3A_303 = arith.constant 48 : i32
      %add3A_304 = arith.addi %add3A_302, %add3A_303 : i32
      %iota3A_305 = tpu.iota {dimensions = array<i32: 0>} : vector<16xi32>
      %add3A_306 = vector.broadcast %add3A_304 : i32 to vector<16xi32>
      %add3A_307 = arith.addi %add3A_306, %iota3A_305 : vector<16xi32>
      %lt3A_308 = arith.constant 50000 : i32
      %lt3A_309 = vector.broadcast %lt3A_308 : i32 to vector<16xi32>
      %lt3A_310 = arith.cmpi slt, %add3A_307, %lt3A_309 : vector<16xi32>
      %jit3A_311 = arith.constant 1024 : i32
      %broadcast_in_dim3A_312 = vector.broadcast %jit3A_311 : i32 to vector<16xi32>
      %select_n3A_313 = arith.select %lt3A_310, %add3A_299, %broadcast_in_dim3A_312 : vector<16xi1>, vector<16xi32>
      %swap3A_314 = arith.index_cast %add3A_50 : i32 to index
      %swap3A_315 = arith.constant 48 : index
      %swap3A_316 = tpu.vector_load %arg9[%swap3A_314, %swap3A_315] {strides = array<i32>} : memref<13x128xi32, #tpu.memory_space<vmem>>, vector<1x16xi32>,
      %swap3A_317 = vector.shape_cast %swap3A_316 : vector<1x16xi32> to vector<16xi32>
      %swap3A_318 = vector.shape_cast %select_n3A_313 : vector<16xi32> to vector<1x16xi32>
      tpu.vector_store %arg9[%swap3A_314, %swap3A_315], %swap3A_318 {strides = array<i32>} : memref<13x128xi32, #tpu.memory_space<vmem>>, vector<1x16xi32>,
      %mul3A_319 = arith.constant 128 : i32
      %mul3A_320 = arith.muli %add3A_50, %mul3A_319 : i32
      %add3A_321 = arith.constant 64 : i32
      %add3A_322 = arith.addi %mul3A_320, %add3A_321 : i32
      %get3A_323 = arith.index_cast %add3A_322 : i32 to index
      %get3A_324 = tpu.vector_load %arg10[%get3A_323] {strides = array<i32>} : memref<1664xf32, #tpu.memory_space<vmem>>, vector<16xf32>,
      %get3A_325 = vector.shape_cast %get3A_324 : vector<16xf32> to vector<16xf32>
      %mul3A_326 = arith.constant 128 : i32
      %mul3A_327 = arith.muli %add3A_50, %mul3A_326 : i32
      %add3A_328 = arith.constant 64 : i32
      %add3A_329 = arith.addi %mul3A_327, %add3A_328 : i32
      %get3A_330 = arith.index_cast %add3A_329 : i32 to index
      %get3A_331 = tpu.vector_load %arg11[%get3A_330] {strides = array<i32>} : memref<1664xf32, #tpu.memory_space<vmem>>, vector<16xf32>,
      %get3A_332 = vector.shape_cast %get3A_331 : vector<16xf32> to vector<16xf32>
      %jit3A_333 = arith.constant 0.000000e+00 : f32
      %jit3A_334 = arith.constant 1.000000e+00 : f32
      %max3A_335 = vector.broadcast %jit3A_333 : f32 to vector<16xf32>
      %max3A_336 = arith.maximumf %max3A_335, %get3A_325 : vector<16xf32>
      %min3A_337 = vector.broadcast %jit3A_334 : f32 to vector<16xf32>
      %min3A_338 = arith.minimumf %min3A_337, %max3A_336 : vector<16xf32>
      %mul3A_339 = arith.constant 3.200000e+01 : f32
      %mul3A_340 = vector.broadcast %mul3A_339 : f32 to vector<16xf32>
      %mul3A_341 = arith.mulf %min3A_338, %mul3A_340 : vector<16xf32>
      %convert_element_type3A_342 = arith.fptosi %mul3A_341 : vector<16xf32> to vector<16xi32>
      %jit3A_343 = arith.constant 0 : i32
      %jit3A_344 = arith.constant 31 : i32
      %max3A_345 = vector.broadcast %jit3A_343 : i32 to vector<16xi32>
      %max3A_346 = arith.maxsi %max3A_345, %convert_element_type3A_342 : vector<16xi32>
      %min3A_347 = vector.broadcast %jit3A_344 : i32 to vector<16xi32>
      %min3A_348 = arith.minsi %min3A_347, %max3A_346 : vector<16xi32>
      %jit3A_349 = arith.constant 0.000000e+00 : f32
      %jit3A_350 = arith.constant 1.000000e+00 : f32
      %max3A_351 = vector.broadcast %jit3A_349 : f32 to vector<16xf32>
      %max3A_352 = arith.maximumf %max3A_351, %get3A_332 : vector<16xf32>
      %min3A_353 = vector.broadcast %jit3A_350 : f32 to vector<16xf32>
      %min3A_354 = arith.minimumf %min3A_353, %max3A_352 : vector<16xf32>
      %mul3A_355 = arith.constant 3.200000e+01 : f32
      %mul3A_356 = vector.broadcast %mul3A_355 : f32 to vector<16xf32>
      %mul3A_357 = arith.mulf %min3A_354, %mul3A_356 : vector<16xf32>
      %convert_element_type3A_358 = arith.fptosi %mul3A_357 : vector<16xf32> to vector<16xi32>
      %jit3A_359 = arith.constant 0 : i32
      %jit3A_360 = arith.constant 31 : i32
      %max3A_361 = vector.broadcast %jit3A_359 : i32 to vector<16xi32>
      %max3A_362 = arith.maxsi %max3A_361, %convert_element_type3A_358 : vector<16xi32>
      %min3A_363 = vector.broadcast %jit3A_360 : i32 to vector<16xi32>
      %min3A_364 = arith.minsi %min3A_363, %max3A_362 : vector<16xi32>
      %mul3A_365 = arith.constant 32 : i32
      %mul3A_366 = vector.broadcast %mul3A_365 : i32 to vector<16xi32>
      %mul3A_367 = arith.muli %min3A_348, %mul3A_366 : vector<16xi32>
      %add3A_368 = arith.addi %mul3A_367, %min3A_364 : vector<16xi32>
      %mul3A_369 = arith.constant 128 : i32
      %mul3A_370 = arith.muli %add3A_50, %mul3A_369 : i32
      %add3A_371 = arith.addi %add3A_6, %mul3A_370 : i32
      %add3A_372 = arith.constant 64 : i32
      %add3A_373 = arith.addi %add3A_371, %add3A_372 : i32
      %iota3A_374 = tpu.iota {dimensions = array<i32: 0>} : vector<16xi32>
      %add3A_375 = vector.broadcast %add3A_373 : i32 to vector<16xi32>
      %add3A_376 = arith.addi %add3A_375, %iota3A_374 : vector<16xi32>
      %lt3A_377 = arith.constant 50000 : i32
      %lt3A_378 = vector.broadcast %lt3A_377 : i32 to vector<16xi32>
      %lt3A_379 = arith.cmpi slt, %add3A_376, %lt3A_378 : vector<16xi32>
      %jit3A_380 = arith.constant 1024 : i32
      %broadcast_in_dim3A_381 = vector.broadcast %jit3A_380 : i32 to vector<16xi32>
      %select_n3A_382 = arith.select %lt3A_379, %add3A_368, %broadcast_in_dim3A_381 : vector<16xi1>, vector<16xi32>
      %swap3A_383 = arith.index_cast %add3A_50 : i32 to index
      %swap3A_384 = arith.constant 64 : index
      %swap3A_385 = tpu.vector_load %arg9[%swap3A_383, %swap3A_384] {strides = array<i32>} : memref<13x128xi32, #tpu.memory_space<vmem>>, vector<1x16xi32>,
      %swap3A_386 = vector.shape_cast %swap3A_385 : vector<1x16xi32> to vector<16xi32>
      %swap3A_387 = vector.shape_cast %select_n3A_382 : vector<16xi32> to vector<1x16xi32>
      tpu.vector_store %arg9[%swap3A_383, %swap3A_384], %swap3A_387 {strides = array<i32>} : memref<13x128xi32, #tpu.memory_space<vmem>>, vector<1x16xi32>,
      %mul3A_388 = arith.constant 128 : i32
      %mul3A_389 = arith.muli %add3A_50, %mul3A_388 : i32
      %add3A_390 = arith.constant 80 : i32
      %add3A_391 = arith.addi %mul3A_389, %add3A_390 : i32
      %get3A_392 = arith.index_cast %add3A_391 : i32 to index
      %get3A_393 = tpu.vector_load %arg10[%get3A_392] {strides = array<i32>} : memref<1664xf32, #tpu.memory_space<vmem>>, vector<16xf32>,
      %get3A_394 = vector.shape_cast %get3A_393 : vector<16xf32> to vector<16xf32>
      %mul3A_395 = arith.constant 128 : i32
      %mul3A_396 = arith.muli %add3A_50, %mul3A_395 : i32
      %add3A_397 = arith.constant 80 : i32
      %add3A_398 = arith.addi %mul3A_396, %add3A_397 : i32
      %get3A_399 = arith.index_cast %add3A_398 : i32 to index
      %get3A_400 = tpu.vector_load %arg11[%get3A_399] {strides = array<i32>} : memref<1664xf32, #tpu.memory_space<vmem>>, vector<16xf32>,
      %get3A_401 = vector.shape_cast %get3A_400 : vector<16xf32> to vector<16xf32>
      %jit3A_402 = arith.constant 0.000000e+00 : f32
      %jit3A_403 = arith.constant 1.000000e+00 : f32
      %max3A_404 = vector.broadcast %jit3A_402 : f32 to vector<16xf32>
      %max3A_405 = arith.maximumf %max3A_404, %get3A_394 : vector<16xf32>
      %min3A_406 = vector.broadcast %jit3A_403 : f32 to vector<16xf32>
      %min3A_407 = arith.minimumf %min3A_406, %max3A_405 : vector<16xf32>
      %mul3A_408 = arith.constant 3.200000e+01 : f32
      %mul3A_409 = vector.broadcast %mul3A_408 : f32 to vector<16xf32>
      %mul3A_410 = arith.mulf %min3A_407, %mul3A_409 : vector<16xf32>
      %convert_element_type3A_411 = arith.fptosi %mul3A_410 : vector<16xf32> to vector<16xi32>
      %jit3A_412 = arith.constant 0 : i32
      %jit3A_413 = arith.constant 31 : i32
      %max3A_414 = vector.broadcast %jit3A_412 : i32 to vector<16xi32>
      %max3A_415 = arith.maxsi %max3A_414, %convert_element_type3A_411 : vector<16xi32>
      %min3A_416 = vector.broadcast %jit3A_413 : i32 to vector<16xi32>
      %min3A_417 = arith.minsi %min3A_416, %max3A_415 : vector<16xi32>
      %jit3A_418 = arith.constant 0.000000e+00 : f32
      %jit3A_419 = arith.constant 1.000000e+00 : f32
      %max3A_420 = vector.broadcast %jit3A_418 : f32 to vector<16xf32>
      %max3A_421 = arith.maximumf %max3A_420, %get3A_401 : vector<16xf32>
      %min3A_422 = vector.broadcast %jit3A_419 : f32 to vector<16xf32>
      %min3A_423 = arith.minimumf %min3A_422, %max3A_421 : vector<16xf32>
      %mul3A_424 = arith.constant 3.200000e+01 : f32
      %mul3A_425 = vector.broadcast %mul3A_424 : f32 to vector<16xf32>
      %mul3A_426 = arith.mulf %min3A_423, %mul3A_425 : vector<16xf32>
      %convert_element_type3A_427 = arith.fptosi %mul3A_426 : vector<16xf32> to vector<16xi32>
      %jit3A_428 = arith.constant 0 : i32
      %jit3A_429 = arith.constant 31 : i32
      %max3A_430 = vector.broadcast %jit3A_428 : i32 to vector<16xi32>
      %max3A_431 = arith.maxsi %max3A_430, %convert_element_type3A_427 : vector<16xi32>
      %min3A_432 = vector.broadcast %jit3A_429 : i32 to vector<16xi32>
      %min3A_433 = arith.minsi %min3A_432, %max3A_431 : vector<16xi32>
      %mul3A_434 = arith.constant 32 : i32
      %mul3A_435 = vector.broadcast %mul3A_434 : i32 to vector<16xi32>
      %mul3A_436 = arith.muli %min3A_417, %mul3A_435 : vector<16xi32>
      %add3A_437 = arith.addi %mul3A_436, %min3A_433 : vector<16xi32>
      %mul3A_438 = arith.constant 128 : i32
      %mul3A_439 = arith.muli %add3A_50, %mul3A_438 : i32
      %add3A_440 = arith.addi %add3A_6, %mul3A_439 : i32
      %add3A_441 = arith.constant 80 : i32
      %add3A_442 = arith.addi %add3A_440, %add3A_441 : i32
      %iota3A_443 = tpu.iota {dimensions = array<i32: 0>} : vector<16xi32>
      %add3A_444 = vector.broadcast %add3A_442 : i32 to vector<16xi32>
      %add3A_445 = arith.addi %add3A_444, %iota3A_443 : vector<16xi32>
      %lt3A_446 = arith.constant 50000 : i32
      %lt3A_447 = vector.broadcast %lt3A_446 : i32 to vector<16xi32>
      %lt3A_448 = arith.cmpi slt, %add3A_445, %lt3A_447 : vector<16xi32>
      %jit3A_449 = arith.constant 1024 : i32
      %broadcast_in_dim3A_450 = vector.broadcast %jit3A_449 : i32 to vector<16xi32>
      %select_n3A_451 = arith.select %lt3A_448, %add3A_437, %broadcast_in_dim3A_450 : vector<16xi1>, vector<16xi32>
      %swap3A_452 = arith.index_cast %add3A_50 : i32 to index
      %swap3A_453 = arith.constant 80 : index
      %swap3A_454 = tpu.vector_load %arg9[%swap3A_452, %swap3A_453] {strides = array<i32>} : memref<13x128xi32, #tpu.memory_space<vmem>>, vector<1x16xi32>,
      %swap3A_455 = vector.shape_cast %swap3A_454 : vector<1x16xi32> to vector<16xi32>
      %swap3A_456 = vector.shape_cast %select_n3A_451 : vector<16xi32> to vector<1x16xi32>
      tpu.vector_store %arg9[%swap3A_452, %swap3A_453], %swap3A_456 {strides = array<i32>} : memref<13x128xi32, #tpu.memory_space<vmem>>, vector<1x16xi32>,
      %mul3A_457 = arith.constant 128 : i32
      %mul3A_458 = arith.muli %add3A_50, %mul3A_457 : i32
      %add3A_459 = arith.constant 96 : i32
      %add3A_460 = arith.addi %mul3A_458, %add3A_459 : i32
      %get3A_461 = arith.index_cast %add3A_460 : i32 to index
      %get3A_462 = tpu.vector_load %arg10[%get3A_461] {strides = array<i32>} : memref<1664xf32, #tpu.memory_space<vmem>>, vector<16xf32>,
      %get3A_463 = vector.shape_cast %get3A_462 : vector<16xf32> to vector<16xf32>
      %mul3A_464 = arith.constant 128 : i32
      %mul3A_465 = arith.muli %add3A_50, %mul3A_464 : i32
      %add3A_466 = arith.constant 96 : i32
      %add3A_467 = arith.addi %mul3A_465, %add3A_466 : i32
      %get3A_468 = arith.index_cast %add3A_467 : i32 to index
      %get3A_469 = tpu.vector_load %arg11[%get3A_468] {strides = array<i32>} : memref<1664xf32, #tpu.memory_space<vmem>>, vector<16xf32>,
      %get3A_470 = vector.shape_cast %get3A_469 : vector<16xf32> to vector<16xf32>
      %jit3A_471 = arith.constant 0.000000e+00 : f32
      %jit3A_472 = arith.constant 1.000000e+00 : f32
      %max3A_473 = vector.broadcast %jit3A_471 : f32 to vector<16xf32>
      %max3A_474 = arith.maximumf %max3A_473, %get3A_463 : vector<16xf32>
      %min3A_475 = vector.broadcast %jit3A_472 : f32 to vector<16xf32>
      %min3A_476 = arith.minimumf %min3A_475, %max3A_474 : vector<16xf32>
      %mul3A_477 = arith.constant 3.200000e+01 : f32
      %mul3A_478 = vector.broadcast %mul3A_477 : f32 to vector<16xf32>
      %mul3A_479 = arith.mulf %min3A_476, %mul3A_478 : vector<16xf32>
      %convert_element_type3A_480 = arith.fptosi %mul3A_479 : vector<16xf32> to vector<16xi32>
      %jit3A_481 = arith.constant 0 : i32
      %jit3A_482 = arith.constant 31 : i32
      %max3A_483 = vector.broadcast %jit3A_481 : i32 to vector<16xi32>
      %max3A_484 = arith.maxsi %max3A_483, %convert_element_type3A_480 : vector<16xi32>
      %min3A_485 = vector.broadcast %jit3A_482 : i32 to vector<16xi32>
      %min3A_486 = arith.minsi %min3A_485, %max3A_484 : vector<16xi32>
      %jit3A_487 = arith.constant 0.000000e+00 : f32
      %jit3A_488 = arith.constant 1.000000e+00 : f32
      %max3A_489 = vector.broadcast %jit3A_487 : f32 to vector<16xf32>
      %max3A_490 = arith.maximumf %max3A_489, %get3A_470 : vector<16xf32>
      %min3A_491 = vector.broadcast %jit3A_488 : f32 to vector<16xf32>
      %min3A_492 = arith.minimumf %min3A_491, %max3A_490 : vector<16xf32>
      %mul3A_493 = arith.constant 3.200000e+01 : f32
      %mul3A_494 = vector.broadcast %mul3A_493 : f32 to vector<16xf32>
      %mul3A_495 = arith.mulf %min3A_492, %mul3A_494 : vector<16xf32>
      %convert_element_type3A_496 = arith.fptosi %mul3A_495 : vector<16xf32> to vector<16xi32>
      %jit3A_497 = arith.constant 0 : i32
      %jit3A_498 = arith.constant 31 : i32
      %max3A_499 = vector.broadcast %jit3A_497 : i32 to vector<16xi32>
      %max3A_500 = arith.maxsi %max3A_499, %convert_element_type3A_496 : vector<16xi32>
      %min3A_501 = vector.broadcast %jit3A_498 : i32 to vector<16xi32>
      %min3A_502 = arith.minsi %min3A_501, %max3A_500 : vector<16xi32>
      %mul3A_503 = arith.constant 32 : i32
      %mul3A_504 = vector.broadcast %mul3A_503 : i32 to vector<16xi32>
      %mul3A_505 = arith.muli %min3A_486, %mul3A_504 : vector<16xi32>
      %add3A_506 = arith.addi %mul3A_505, %min3A_502 : vector<16xi32>
      %mul3A_507 = arith.constant 128 : i32
      %mul3A_508 = arith.muli %add3A_50, %mul3A_507 : i32
      %add3A_509 = arith.addi %add3A_6, %mul3A_508 : i32
      %add3A_510 = arith.constant 96 : i32
      %add3A_511 = arith.addi %add3A_509, %add3A_510 : i32
      %iota3A_512 = tpu.iota {dimensions = array<i32: 0>} : vector<16xi32>
      %add3A_513 = vector.broadcast %add3A_511 : i32 to vector<16xi32>
      %add3A_514 = arith.addi %add3A_513, %iota3A_512 : vector<16xi32>
      %lt3A_515 = arith.constant 50000 : i32
      %lt3A_516 = vector.broadcast %lt3A_515 : i32 to vector<16xi32>
      %lt3A_517 = arith.cmpi slt, %add3A_514, %lt3A_516 : vector<16xi32>
      %jit3A_518 = arith.constant 1024 : i32
      %broadcast_in_dim3A_519 = vector.broadcast %jit3A_518 : i32 to vector<16xi32>
      %select_n3A_520 = arith.select %lt3A_517, %add3A_506, %broadcast_in_dim3A_519 : vector<16xi1>, vector<16xi32>
      %swap3A_521 = arith.index_cast %add3A_50 : i32 to index
      %swap3A_522 = arith.constant 96 : index
      %swap3A_523 = tpu.vector_load %arg9[%swap3A_521, %swap3A_522] {strides = array<i32>} : memref<13x128xi32, #tpu.memory_space<vmem>>, vector<1x16xi32>,
      %swap3A_524 = vector.shape_cast %swap3A_523 : vector<1x16xi32> to vector<16xi32>
      %swap3A_525 = vector.shape_cast %select_n3A_520 : vector<16xi32> to vector<1x16xi32>
      tpu.vector_store %arg9[%swap3A_521, %swap3A_522], %swap3A_525 {strides = array<i32>} : memref<13x128xi32, #tpu.memory_space<vmem>>, vector<1x16xi32>,
      %mul3A_526 = arith.constant 128 : i32
      %mul3A_527 = arith.muli %add3A_50, %mul3A_526 : i32
      %add3A_528 = arith.constant 112 : i32
      %add3A_529 = arith.addi %mul3A_527, %add3A_528 : i32
      %get3A_530 = arith.index_cast %add3A_529 : i32 to index
      %get3A_531 = tpu.vector_load %arg10[%get3A_530] {strides = array<i32>} : memref<1664xf32, #tpu.memory_space<vmem>>, vector<16xf32>,
      %get3A_532 = vector.shape_cast %get3A_531 : vector<16xf32> to vector<16xf32>
      %mul3A_533 = arith.constant 128 : i32
      %mul3A_534 = arith.muli %add3A_50, %mul3A_533 : i32
      %add3A_535 = arith.constant 112 : i32
      %add3A_536 = arith.addi %mul3A_534, %add3A_535 : i32
      %get3A_537 = arith.index_cast %add3A_536 : i32 to index
      %get3A_538 = tpu.vector_load %arg11[%get3A_537] {strides = array<i32>} : memref<1664xf32, #tpu.memory_space<vmem>>, vector<16xf32>,
      %get3A_539 = vector.shape_cast %get3A_538 : vector<16xf32> to vector<16xf32>
      %jit3A_540 = arith.constant 0.000000e+00 : f32
      %jit3A_541 = arith.constant 1.000000e+00 : f32
      %max3A_542 = vector.broadcast %jit3A_540 : f32 to vector<16xf32>
      %max3A_543 = arith.maximumf %max3A_542, %get3A_532 : vector<16xf32>
      %min3A_544 = vector.broadcast %jit3A_541 : f32 to vector<16xf32>
      %min3A_545 = arith.minimumf %min3A_544, %max3A_543 : vector<16xf32>
      %mul3A_546 = arith.constant 3.200000e+01 : f32
      %mul3A_547 = vector.broadcast %mul3A_546 : f32 to vector<16xf32>
      %mul3A_548 = arith.mulf %min3A_545, %mul3A_547 : vector<16xf32>
      %convert_element_type3A_549 = arith.fptosi %mul3A_548 : vector<16xf32> to vector<16xi32>
      %jit3A_550 = arith.constant 0 : i32
      %jit3A_551 = arith.constant 31 : i32
      %max3A_552 = vector.broadcast %jit3A_550 : i32 to vector<16xi32>
      %max3A_553 = arith.maxsi %max3A_552, %convert_element_type3A_549 : vector<16xi32>
      %min3A_554 = vector.broadcast %jit3A_551 : i32 to vector<16xi32>
      %min3A_555 = arith.minsi %min3A_554, %max3A_553 : vector<16xi32>
      %jit3A_556 = arith.constant 0.000000e+00 : f32
      %jit3A_557 = arith.constant 1.000000e+00 : f32
      %max3A_558 = vector.broadcast %jit3A_556 : f32 to vector<16xf32>
      %max3A_559 = arith.maximumf %max3A_558, %get3A_539 : vector<16xf32>
      %min3A_560 = vector.broadcast %jit3A_557 : f32 to vector<16xf32>
      %min3A_561 = arith.minimumf %min3A_560, %max3A_559 : vector<16xf32>
      %mul3A_562 = arith.constant 3.200000e+01 : f32
      %mul3A_563 = vector.broadcast %mul3A_562 : f32 to vector<16xf32>
      %mul3A_564 = arith.mulf %min3A_561, %mul3A_563 : vector<16xf32>
      %convert_element_type3A_565 = arith.fptosi %mul3A_564 : vector<16xf32> to vector<16xi32>
      %jit3A_566 = arith.constant 0 : i32
      %jit3A_567 = arith.constant 31 : i32
      %max3A_568 = vector.broadcast %jit3A_566 : i32 to vector<16xi32>
      %max3A_569 = arith.maxsi %max3A_568, %convert_element_type3A_565 : vector<16xi32>
      %min3A_570 = vector.broadcast %jit3A_567 : i32 to vector<16xi32>
      %min3A_571 = arith.minsi %min3A_570, %max3A_569 : vector<16xi32>
      %mul3A_572 = arith.constant 32 : i32
      %mul3A_573 = vector.broadcast %mul3A_572 : i32 to vector<16xi32>
      %mul3A_574 = arith.muli %min3A_555, %mul3A_573 : vector<16xi32>
      %add3A_575 = arith.addi %mul3A_574, %min3A_571 : vector<16xi32>
      %mul3A_576 = arith.constant 128 : i32
      %mul3A_577 = arith.muli %add3A_50, %mul3A_576 : i32
      %add3A_578 = arith.addi %add3A_6, %mul3A_577 : i32
      %add3A_579 = arith.constant 112 : i32
      %add3A_580 = arith.addi %add3A_578, %add3A_579 : i32
      %iota3A_581 = tpu.iota {dimensions = array<i32: 0>} : vector<16xi32>
      %add3A_582 = vector.broadcast %add3A_580 : i32 to vector<16xi32>
      %add3A_583 = arith.addi %add3A_582, %iota3A_581 : vector<16xi32>
      %lt3A_584 = arith.constant 50000 : i32
      %lt3A_585 = vector.broadcast %lt3A_584 : i32 to vector<16xi32>
      %lt3A_586 = arith.cmpi slt, %add3A_583, %lt3A_585 : vector<16xi32>
      %jit3A_587 = arith.constant 1024 : i32
      %broadcast_in_dim3A_588 = vector.broadcast %jit3A_587 : i32 to vector<16xi32>
      %select_n3A_589 = arith.select %lt3A_586, %add3A_575, %broadcast_in_dim3A_588 : vector<16xi1>, vector<16xi32>
      %swap3A_590 = arith.index_cast %add3A_50 : i32 to index
      %swap3A_591 = arith.constant 112 : index
      %swap3A_592 = tpu.vector_load %arg9[%swap3A_590, %swap3A_591] {strides = array<i32>} : memref<13x128xi32, #tpu.memory_space<vmem>>, vector<1x16xi32>,
      %swap3A_593 = vector.shape_cast %swap3A_592 : vector<1x16xi32> to vector<16xi32>
      %swap3A_594 = vector.shape_cast %select_n3A_589 : vector<16xi32> to vector<1x16xi32>
      tpu.vector_store %arg9[%swap3A_590, %swap3A_591], %swap3A_594 {strides = array<i32>} : memref<13x128xi32, #tpu.memory_space<vmem>>, vector<1x16xi32>,
    }
    %scan3A_16 = arith.constant 13 : i32
    %barrier3A = arith.constant 0 : index
    tpu.barrier barrier_id(%barrier3A)
    %mul3A_17 = arith.constant 13 : i32
    %mul3A_18 = arith.muli %add3A, %mul3A_17 : i32
    %add3A_19 = arith.constant 0 : i32
    %add3A_20 = arith.addi %mul3A_18, %add3A_19 : i32
    %lt3A_21 = arith.constant 390 : i32
    %lt3A_22 = arith.cmpi slt, %add3A_20, %lt3A_21 : i32
    %and3A = arith.constant true
    %and3A_23 = arith.andi %and3A, %lt3A_22 : i1
    %eq3A_24 = arith.constant 390 : i32
    %eq3A_25 = arith.cmpi eq, %add3A_20, %eq3A_24 : i32
    %and3A_26 = arith.constant true
    %and3A_27 = arith.andi %and3A_26, %eq3A_25 : i1
    %mul3A_28 = arith.constant 128 : i32
    %mul3A_29 = arith.muli %add3A_20, %mul3A_28 : i32
    %convert_element_type3A_30 = arith.extui %and3A_23 : i1 to i32
    %cond3A_31 = arith.constant 0 : i32
    %cond3A_32 = arith.cmpi ne, %convert_element_type3A_30, %cond3A_31 : i32
    scf.if %cond3A_32 {
      %dma_start3A = arith.constant 0 : i32
      %dma_start3A_46 = tpu.memref_slice %arg2[%mul3A_29, %dma_start3A] : memref<50000x128xf32, #tpu.memory_space<hbm>> -> memref<128x128xf32, #tpu.memory_space<hbm>>
      %dma_start3A_47 = arith.constant 0 : i32
      %dma_start3A_48 = tpu.memref_slice %arg2[%mul3A_29, %dma_start3A_47] : memref<50000x128xf32, #tpu.memory_space<hbm>> -> memref<128x128xf32, #tpu.memory_space<hbm>>
      tpu.enqueue_dma source(%dma_start3A_48 : memref<128x128xf32, #tpu.memory_space<hbm>>) target(%arg7 : memref<128x128xf32, #tpu.memory_space<vmem>>) target_semaphore(%arg13 : memref<!tpu.dma_semaphore, #tpu.memory_space<semaphore_mem>>)
    } else {
    }
    %convert_element_type3A_33 = arith.extui %and3A_27 : i1 to i32
    %cond3A_34 = arith.constant 0 : i32
    %cond3A_35 = arith.cmpi ne, %convert_element_type3A_33, %cond3A_34 : i32
    scf.if %cond3A_35 {
      %dma_start3A = arith.constant 0 : i32
      %dma_start3A_46 = arith.constant 0 : i32
      %dma_start3A_47 = tpu.memref_slice %arg7[%dma_start3A, %dma_start3A_46] : memref<128x128xf32, #tpu.memory_space<vmem>> -> memref<80x128xf32, #tpu.memory_space<vmem>>
      %dma_start3A_48 = arith.constant 49920 : i32
      %dma_start3A_49 = arith.constant 0 : i32
      %dma_start3A_50 = tpu.memref_slice %arg2[%dma_start3A_48, %dma_start3A_49] : memref<50000x128xf32, #tpu.memory_space<hbm>> -> memref<80x128xf32, #tpu.memory_space<hbm>>
      %dma_start3A_51 = arith.constant 0 : i32
      %dma_start3A_52 = arith.constant 0 : i32
      %dma_start3A_53 = tpu.memref_slice %arg7[%dma_start3A_51, %dma_start3A_52] : memref<128x128xf32, #tpu.memory_space<vmem>> -> memref<80x128xf32, #tpu.memory_space<vmem>>
      %dma_start3A_54 = arith.constant 49920 : i32
      %dma_start3A_55 = arith.constant 0 : i32
      %dma_start3A_56 = tpu.memref_slice %arg2[%dma_start3A_54, %dma_start3A_55] : memref<50000x128xf32, #tpu.memory_space<hbm>> -> memref<80x128xf32, #tpu.memory_space<hbm>>
      tpu.enqueue_dma source(%dma_start3A_56 : memref<80x128xf32, #tpu.memory_space<hbm>>) target(%dma_start3A_53 : memref<80x128xf32, #tpu.memory_space<vmem>>) target_semaphore(%arg13 : memref<!tpu.dma_semaphore, #tpu.memory_space<semaphore_mem>>)
    } else {
    }
    %scan3A_36 = arith.constant 0 : i32
    %scan3A_37 = arith.constant 7 : i32
    %scan3A_38 = arith.addi %scan3A_36, %scan3A_37 : i32
    %scan3A_39 = arith.constant 1 : i32
    scf.for %scan3A_46 = %scan3A_36 to %scan3A_38 step %scan3A_39  : i32 {
      %mul3A_47 = arith.constant 1 : i32
      %mul3A_48 = arith.muli %scan3A_46, %mul3A_47 : i32
      %add3A_49 = arith.constant 0 : i32
      %add3A_50 = arith.addi %add3A_49, %mul3A_48 : i32
      %mul3A_51 = arith.constant 2 : i32
      %mul3A_52 = arith.muli %mul3A_51, %add3A_50 : i32
      %mul3A_53 = arith.constant 2 : i32
      %mul3A_54 = arith.muli %mul3A_53, %add3A_50 : i32
      %add3A_55 = arith.constant 1 : i32
      %add3A_56 = arith.addi %mul3A_54, %add3A_55 : i32
      %mul3A_57 = arith.constant 13 : i32
      %mul3A_58 = arith.muli %add3A, %mul3A_57 : i32
      %add3A_59 = arith.addi %mul3A_58, %mul3A_52 : i32
      %lt3A_60 = arith.constant 13 : i32
      %lt3A_61 = arith.cmpi slt, %mul3A_52, %lt3A_60 : i32
      %lt3A_62 = arith.constant 390 : i32
      %lt3A_63 = arith.cmpi slt, %add3A_59, %lt3A_62 : i32
      %and3A_64 = arith.andi %lt3A_61, %lt3A_63 : i1
      %lt3A_65 = arith.constant 13 : i32
      %lt3A_66 = arith.cmpi slt, %mul3A_52, %lt3A_65 : i32
      %eq3A_67 = arith.constant 390 : i32
      %eq3A_68 = arith.cmpi eq, %add3A_59, %eq3A_67 : i32
      %and3A_69 = arith.andi %lt3A_66, %eq3A_68 : i1
      %mul3A_70 = arith.constant 128 : i32
      %mul3A_71 = arith.muli %add3A_59, %mul3A_70 : i32
      %convert_element_type3A_72 = arith.extui %and3A_64 : i1 to i32
      %cond3A_73 = arith.constant 0 : i32
      %cond3A_74 = arith.cmpi ne, %convert_element_type3A_72, %cond3A_73 : i32
      scf.if %cond3A_74 {
        %dma_wait3A = arith.constant 0 : i32
        %dma_wait3A_165 = tpu.memref_slice %arg2[%mul3A_71, %dma_wait3A] : memref<50000x128xf32, #tpu.memory_space<hbm>> -> memref<128x128xf32, #tpu.memory_space<hbm>>
        %dma_wait3A_166 = arith.constant 0 : i32
        %dma_wait3A_167 = tpu.memref_slice %arg2[%mul3A_71, %dma_wait3A_166] : memref<50000x128xf32, #tpu.memory_space<hbm>> -> memref<128x128xf32, #tpu.memory_space<hbm>>
        tpu.wait_dma2 semaphore(%arg13 : memref<!tpu.dma_semaphore, #tpu.memory_space<semaphore_mem>>) src(%dma_wait3A_167 : memref<128x128xf32, #tpu.memory_space<hbm>>) dst(%arg7 : memref<128x128xf32, #tpu.memory_space<vmem>>)
      } else {
      }
      %convert_element_type3A_75 = arith.extui %and3A_69 : i1 to i32
      %cond3A_76 = arith.constant 0 : i32
      %cond3A_77 = arith.cmpi ne, %convert_element_type3A_75, %cond3A_76 : i32
      scf.if %cond3A_77 {
        %dma_wait3A = arith.constant 0 : i32
        %dma_wait3A_165 = arith.constant 0 : i32
        %dma_wait3A_166 = tpu.memref_slice %arg7[%dma_wait3A, %dma_wait3A_165] : memref<128x128xf32, #tpu.memory_space<vmem>> -> memref<80x128xf32, #tpu.memory_space<vmem>>
        %dma_wait3A_167 = arith.constant 49920 : i32
        %dma_wait3A_168 = arith.constant 0 : i32
        %dma_wait3A_169 = tpu.memref_slice %arg2[%dma_wait3A_167, %dma_wait3A_168] : memref<50000x128xf32, #tpu.memory_space<hbm>> -> memref<80x128xf32, #tpu.memory_space<hbm>>
        %dma_wait3A_170 = arith.constant 0 : i32
        %dma_wait3A_171 = arith.constant 0 : i32
        %dma_wait3A_172 = tpu.memref_slice %arg7[%dma_wait3A_170, %dma_wait3A_171] : memref<128x128xf32, #tpu.memory_space<vmem>> -> memref<80x128xf32, #tpu.memory_space<vmem>>
        %dma_wait3A_173 = arith.constant 49920 : i32
        %dma_wait3A_174 = arith.constant 0 : i32
        %dma_wait3A_175 = tpu.memref_slice %arg2[%dma_wait3A_173, %dma_wait3A_174] : memref<50000x128xf32, #tpu.memory_space<hbm>> -> memref<80x128xf32, #tpu.memory_space<hbm>>
        tpu.wait_dma2 semaphore(%arg13 : memref<!tpu.dma_semaphore, #tpu.memory_space<semaphore_mem>>) src(%dma_wait3A_175 : memref<80x128xf32, #tpu.memory_space<hbm>>) dst(%dma_wait3A_172 : memref<80x128xf32, #tpu.memory_space<vmem>>)
      } else {
      }
      %mul3A_78 = arith.constant 13 : i32
      %mul3A_79 = arith.muli %add3A, %mul3A_78 : i32
      %add3A_80 = arith.addi %mul3A_79, %add3A_56 : i32
      %lt3A_81 = arith.constant 13 : i32
      %lt3A_82 = arith.cmpi slt, %add3A_56, %lt3A_81 : i32
      %lt3A_83 = arith.constant 390 : i32
      %lt3A_84 = arith.cmpi slt, %add3A_80, %lt3A_83 : i32
      %and3A_85 = arith.andi %lt3A_82, %lt3A_84 : i1
      %lt3A_86 = arith.constant 13 : i32
      %lt3A_87 = arith.cmpi slt, %add3A_56, %lt3A_86 : i32
      %eq3A_88 = arith.constant 390 : i32
      %eq3A_89 = arith.cmpi eq, %add3A_80, %eq3A_88 : i32
      %and3A_90 = arith.andi %lt3A_87, %eq3A_89 : i1
      %mul3A_91 = arith.constant 128 : i32
      %mul3A_92 = arith.muli %add3A_80, %mul3A_91 : i32
      %convert_element_type3A_93 = arith.extui %and3A_85 : i1 to i32
      %cond3A_94 = arith.constant 0 : i32
      %cond3A_95 = arith.cmpi ne, %convert_element_type3A_93, %cond3A_94 : i32
      scf.if %cond3A_95 {
        %dma_start3A = arith.constant 0 : i32
        %dma_start3A_165 = tpu.memref_slice %arg2[%mul3A_92, %dma_start3A] : memref<50000x128xf32, #tpu.memory_space<hbm>> -> memref<128x128xf32, #tpu.memory_space<hbm>>
        %dma_start3A_166 = arith.constant 0 : i32
        %dma_start3A_167 = tpu.memref_slice %arg2[%mul3A_92, %dma_start3A_166] : memref<50000x128xf32, #tpu.memory_space<hbm>> -> memref<128x128xf32, #tpu.memory_space<hbm>>
        tpu.enqueue_dma source(%dma_start3A_167 : memref<128x128xf32, #tpu.memory_space<hbm>>) target(%arg8 : memref<128x128xf32, #tpu.memory_space<vmem>>) target_semaphore(%arg14 : memref<!tpu.dma_semaphore, #tpu.memory_space<semaphore_mem>>)
      } else {
      }
      %convert_element_type3A_96 = arith.extui %and3A_90 : i1 to i32
      %cond3A_97 = arith.constant 0 : i32
      %cond3A_98 = arith.cmpi ne, %convert_element_type3A_96, %cond3A_97 : i32
      scf.if %cond3A_98 {
        %dma_start3A = arith.constant 0 : i32
        %dma_start3A_165 = arith.constant 0 : i32
        %dma_start3A_166 = tpu.memref_slice %arg8[%dma_start3A, %dma_start3A_165] : memref<128x128xf32, #tpu.memory_space<vmem>> -> memref<80x128xf32, #tpu.memory_space<vmem>>
        %dma_start3A_167 = arith.constant 49920 : i32
        %dma_start3A_168 = arith.constant 0 : i32
        %dma_start3A_169 = tpu.memref_slice %arg2[%dma_start3A_167, %dma_start3A_168] : memref<50000x128xf32, #tpu.memory_space<hbm>> -> memref<80x128xf32, #tpu.memory_space<hbm>>
        %dma_start3A_170 = arith.constant 0 : i32
        %dma_start3A_171 = arith.constant 0 : i32
        %dma_start3A_172 = tpu.memref_slice %arg8[%dma_start3A_170, %dma_start3A_171] : memref<128x128xf32, #tpu.memory_space<vmem>> -> memref<80x128xf32, #tpu.memory_space<vmem>>
        %dma_start3A_173 = arith.constant 49920 : i32
        %dma_start3A_174 = arith.constant 0 : i32
        %dma_start3A_175 = tpu.memref_slice %arg2[%dma_start3A_173, %dma_start3A_174] : memref<50000x128xf32, #tpu.memory_space<hbm>> -> memref<80x128xf32, #tpu.memory_space<hbm>>
        tpu.enqueue_dma source(%dma_start3A_175 : memref<80x128xf32, #tpu.memory_space<hbm>>) target(%dma_start3A_172 : memref<80x128xf32, #tpu.memory_space<vmem>>) target_semaphore(%arg14 : memref<!tpu.dma_semaphore, #tpu.memory_space<semaphore_mem>>)
      } else {
      }
      %mul3A_99 = arith.constant 13 : i32
      %mul3A_100 = arith.muli %add3A, %mul3A_99 : i32
      %add3A_101 = arith.addi %mul3A_100, %mul3A_52 : i32
      %lt3A_102 = arith.constant 13 : i32
      %lt3A_103 = arith.cmpi slt, %mul3A_52, %lt3A_102 : i32
      %lt3A_104 = arith.constant 391 : i32
      %lt3A_105 = arith.cmpi slt, %add3A_101, %lt3A_104 : i32
      %and3A_106 = arith.andi %lt3A_103, %lt3A_105 : i1
      %convert_element_type3A_107 = arith.extui %and3A_106 : i1 to i32
      %cond3A_108 = arith.constant 0 : i32
      %cond3A_109 = arith.cmpi ne, %convert_element_type3A_107, %cond3A_108 : i32
      scf.if %cond3A_109 {
        "tpu.region"() ({
          %run_scoped3A = tpu.sem_alloc : memref<!tpu.dma_semaphore, #tpu.memory_space<semaphore_mem>>
          %dma_start3A = arith.constant 0 : i32
          %dma_start3A_165 = tpu.memref_slice %arg9[%mul3A_52, %dma_start3A] : memref<13x128xi32, #tpu.memory_space<vmem>> -> memref<1x128xi32, #tpu.memory_space<vmem>>
          %dma_start3A_166 = tpu.memref_squeeze %dma_start3A_165 : memref<1x128xi32, #tpu.memory_space<vmem>> -> memref<128xi32, #tpu.memory_space<vmem>>
          %dma_start3A_167 = arith.constant 0 : i32
          %dma_start3A_168 = arith.constant 0 : i32
          %dma_start3A_169 = tpu.memref_slice %arg12[%dma_start3A_167, %dma_start3A_168] : memref<1025x128xf32, #tpu.memory_space<vmem_shared>> -> memref<1025x128xf32, #tpu.memory_space<vmem_shared>>
          tpu.enqueue_indirect_dma source(%arg7 : memref<128x128xf32, #tpu.memory_space<vmem>>) target(%dma_start3A_169 : memref<1025x128xf32, #tpu.memory_space<vmem_shared>>) offsets(%dma_start3A_166 : memref<128xi32, #tpu.memory_space<vmem>>) semaphore(%run_scoped3A : memref<!tpu.dma_semaphore, #tpu.memory_space<semaphore_mem>>) {add = true}
          %dma_wait3A = arith.constant 0 : i32
          %dma_wait3A_170 = tpu.memref_slice %arg9[%mul3A_52, %dma_wait3A] : memref<13x128xi32, #tpu.memory_space<vmem>> -> memref<1x128xi32, #tpu.memory_space<vmem>>
          %dma_wait3A_171 = tpu.memref_squeeze %dma_wait3A_170 : memref<1x128xi32, #tpu.memory_space<vmem>> -> memref<128xi32, #tpu.memory_space<vmem>>
          %dma_wait3A_172 = arith.constant 0 : i32
          %dma_wait3A_173 = arith.constant 0 : i32
          %dma_wait3A_174 = tpu.memref_slice %arg12[%dma_wait3A_172, %dma_wait3A_173] : memref<1025x128xf32, #tpu.memory_space<vmem_shared>> -> memref<1025x128xf32, #tpu.memory_space<vmem_shared>>
          tpu.wait_indirect_dma semaphore(%run_scoped3A : memref<!tpu.dma_semaphore, #tpu.memory_space<semaphore_mem>>) src(%arg7 : memref<128x128xf32, #tpu.memory_space<vmem>>) dst(%dma_wait3A_174 : memref<1025x128xf32, #tpu.memory_space<vmem_shared>>)
          tpu.yield
        }) : () -> ()
      } else {
      }
      %mul3A_110 = arith.constant 13 : i32
      %mul3A_111 = arith.muli %add3A, %mul3A_110 : i32
      %add3A_112 = arith.addi %mul3A_111, %add3A_56 : i32
      %lt3A_113 = arith.constant 13 : i32
      %lt3A_114 = arith.cmpi slt, %add3A_56, %lt3A_113 : i32
      %lt3A_115 = arith.constant 390 : i32
      %lt3A_116 = arith.cmpi slt, %add3A_112, %lt3A_115 : i32
      %and3A_117 = arith.andi %lt3A_114, %lt3A_116 : i1
      %lt3A_118 = arith.constant 13 : i32
      %lt3A_119 = arith.cmpi slt, %add3A_56, %lt3A_118 : i32
      %eq3A_120 = arith.constant 390 : i32
      %eq3A_121 = arith.cmpi eq, %add3A_112, %eq3A_120 : i32
      %and3A_122 = arith.andi %lt3A_119, %eq3A_121 : i1
      %mul3A_123 = arith.constant 128 : i32
      %mul3A_124 = arith.muli %add3A_112, %mul3A_123 : i32
      %convert_element_type3A_125 = arith.extui %and3A_117 : i1 to i32
      %cond3A_126 = arith.constant 0 : i32
      %cond3A_127 = arith.cmpi ne, %convert_element_type3A_125, %cond3A_126 : i32
      scf.if %cond3A_127 {
        %dma_wait3A = arith.constant 0 : i32
        %dma_wait3A_165 = tpu.memref_slice %arg2[%mul3A_124, %dma_wait3A] : memref<50000x128xf32, #tpu.memory_space<hbm>> -> memref<128x128xf32, #tpu.memory_space<hbm>>
        %dma_wait3A_166 = arith.constant 0 : i32
        %dma_wait3A_167 = tpu.memref_slice %arg2[%mul3A_124, %dma_wait3A_166] : memref<50000x128xf32, #tpu.memory_space<hbm>> -> memref<128x128xf32, #tpu.memory_space<hbm>>
        tpu.wait_dma2 semaphore(%arg14 : memref<!tpu.dma_semaphore, #tpu.memory_space<semaphore_mem>>) src(%dma_wait3A_167 : memref<128x128xf32, #tpu.memory_space<hbm>>) dst(%arg8 : memref<128x128xf32, #tpu.memory_space<vmem>>)
      } else {
      }
      %convert_element_type3A_128 = arith.extui %and3A_122 : i1 to i32
      %cond3A_129 = arith.constant 0 : i32
      %cond3A_130 = arith.cmpi ne, %convert_element_type3A_128, %cond3A_129 : i32
      scf.if %cond3A_130 {
        %dma_wait3A = arith.constant 0 : i32
        %dma_wait3A_165 = arith.constant 0 : i32
        %dma_wait3A_166 = tpu.memref_slice %arg8[%dma_wait3A, %dma_wait3A_165] : memref<128x128xf32, #tpu.memory_space<vmem>> -> memref<80x128xf32, #tpu.memory_space<vmem>>
        %dma_wait3A_167 = arith.constant 49920 : i32
        %dma_wait3A_168 = arith.constant 0 : i32
        %dma_wait3A_169 = tpu.memref_slice %arg2[%dma_wait3A_167, %dma_wait3A_168] : memref<50000x128xf32, #tpu.memory_space<hbm>> -> memref<80x128xf32, #tpu.memory_space<hbm>>
        %dma_wait3A_170 = arith.constant 0 : i32
        %dma_wait3A_171 = arith.constant 0 : i32
        %dma_wait3A_172 = tpu.memref_slice %arg8[%dma_wait3A_170, %dma_wait3A_171] : memref<128x128xf32, #tpu.memory_space<vmem>> -> memref<80x128xf32, #tpu.memory_space<vmem>>
        %dma_wait3A_173 = arith.constant 49920 : i32
        %dma_wait3A_174 = arith.constant 0 : i32
        %dma_wait3A_175 = tpu.memref_slice %arg2[%dma_wait3A_173, %dma_wait3A_174] : memref<50000x128xf32, #tpu.memory_space<hbm>> -> memref<80x128xf32, #tpu.memory_space<hbm>>
        tpu.wait_dma2 semaphore(%arg14 : memref<!tpu.dma_semaphore, #tpu.memory_space<semaphore_mem>>) src(%dma_wait3A_175 : memref<80x128xf32, #tpu.memory_space<hbm>>) dst(%dma_wait3A_172 : memref<80x128xf32, #tpu.memory_space<vmem>>)
      } else {
      }
      %add3A_131 = arith.constant 2 : i32
      %add3A_132 = arith.addi %mul3A_52, %add3A_131 : i32
      %mul3A_133 = arith.constant 13 : i32
      %mul3A_134 = arith.muli %add3A, %mul3A_133 : i32
      %add3A_135 = arith.addi %mul3A_134, %add3A_132 : i32
      %lt3A_136 = arith.constant 13 : i32
      %lt3A_137 = arith.cmpi slt, %add3A_132, %lt3A_136 : i32
      %lt3A_138 = arith.constant 390 : i32
      %lt3A_139 = arith.cmpi slt, %add3A_135, %lt3A_138 : i32
      %and3A_140 = arith.andi %lt3A_137, %lt3A_139 : i1
      %lt3A_141 = arith.constant 13 : i32
      %lt3A_142 = arith.cmpi slt, %add3A_132, %lt3A_141 : i32
      %eq3A_143 = arith.constant 390 : i32
      %eq3A_144 = arith.cmpi eq, %add3A_135, %eq3A_143 : i32
      %and3A_145 = arith.andi %lt3A_142, %eq3A_144 : i1
      %mul3A_146 = arith.constant 128 : i32
      %mul3A_147 = arith.muli %add3A_135, %mul3A_146 : i32
      %convert_element_type3A_148 = arith.extui %and3A_140 : i1 to i32
      %cond3A_149 = arith.constant 0 : i32
      %cond3A_150 = arith.cmpi ne, %convert_element_type3A_148, %cond3A_149 : i32
      scf.if %cond3A_150 {
        %dma_start3A = arith.constant 0 : i32
        %dma_start3A_165 = tpu.memref_slice %arg2[%mul3A_147, %dma_start3A] : memref<50000x128xf32, #tpu.memory_space<hbm>> -> memref<128x128xf32, #tpu.memory_space<hbm>>
        %dma_start3A_166 = arith.constant 0 : i32
        %dma_start3A_167 = tpu.memref_slice %arg2[%mul3A_147, %dma_start3A_166] : memref<50000x128xf32, #tpu.memory_space<hbm>> -> memref<128x128xf32, #tpu.memory_space<hbm>>
        tpu.enqueue_dma source(%dma_start3A_167 : memref<128x128xf32, #tpu.memory_space<hbm>>) target(%arg7 : memref<128x128xf32, #tpu.memory_space<vmem>>) target_semaphore(%arg13 : memref<!tpu.dma_semaphore, #tpu.memory_space<semaphore_mem>>)
      } else {
      }
      %convert_element_type3A_151 = arith.extui %and3A_145 : i1 to i32
      %cond3A_152 = arith.constant 0 : i32
      %cond3A_153 = arith.cmpi ne, %convert_element_type3A_151, %cond3A_152 : i32
      scf.if %cond3A_153 {
        %dma_start3A = arith.constant 0 : i32
        %dma_start3A_165 = arith.constant 0 : i32
        %dma_start3A_166 = tpu.memref_slice %arg7[%dma_start3A, %dma_start3A_165] : memref<128x128xf32, #tpu.memory_space<vmem>> -> memref<80x128xf32, #tpu.memory_space<vmem>>
        %dma_start3A_167 = arith.constant 49920 : i32
        %dma_start3A_168 = arith.constant 0 : i32
        %dma_start3A_169 = tpu.memref_slice %arg2[%dma_start3A_167, %dma_start3A_168] : memref<50000x128xf32, #tpu.memory_space<hbm>> -> memref<80x128xf32, #tpu.memory_space<hbm>>
        %dma_start3A_170 = arith.constant 0 : i32
        %dma_start3A_171 = arith.constant 0 : i32
        %dma_start3A_172 = tpu.memref_slice %arg7[%dma_start3A_170, %dma_start3A_171] : memref<128x128xf32, #tpu.memory_space<vmem>> -> memref<80x128xf32, #tpu.memory_space<vmem>>
        %dma_start3A_173 = arith.constant 49920 : i32
        %dma_start3A_174 = arith.constant 0 : i32
        %dma_start3A_175 = tpu.memref_slice %arg2[%dma_start3A_173, %dma_start3A_174] : memref<50000x128xf32, #tpu.memory_space<hbm>> -> memref<80x128xf32, #tpu.memory_space<hbm>>
        tpu.enqueue_dma source(%dma_start3A_175 : memref<80x128xf32, #tpu.memory_space<hbm>>) target(%dma_start3A_172 : memref<80x128xf32, #tpu.memory_space<vmem>>) target_semaphore(%arg13 : memref<!tpu.dma_semaphore, #tpu.memory_space<semaphore_mem>>)
      } else {
      }
      %mul3A_154 = arith.constant 13 : i32
      %mul3A_155 = arith.muli %add3A, %mul3A_154 : i32
      %add3A_156 = arith.addi %mul3A_155, %add3A_56 : i32
      %lt3A_157 = arith.constant 13 : i32
      %lt3A_158 = arith.cmpi slt, %add3A_56, %lt3A_157 : i32
      %lt3A_159 = arith.constant 391 : i32
      %lt3A_160 = arith.cmpi slt, %add3A_156, %lt3A_159 : i32
      %and3A_161 = arith.andi %lt3A_158, %lt3A_160 : i1
      %convert_element_type3A_162 = arith.extui %and3A_161 : i1 to i32
      %cond3A_163 = arith.constant 0 : i32
      %cond3A_164 = arith.cmpi ne, %convert_element_type3A_162, %cond3A_163 : i32
      scf.if %cond3A_164 {
        "tpu.region"() ({
          %run_scoped3A = tpu.sem_alloc : memref<!tpu.dma_semaphore, #tpu.memory_space<semaphore_mem>>
          %dma_start3A = arith.constant 0 : i32
          %dma_start3A_165 = tpu.memref_slice %arg9[%add3A_56, %dma_start3A] : memref<13x128xi32, #tpu.memory_space<vmem>> -> memref<1x128xi32, #tpu.memory_space<vmem>>
          %dma_start3A_166 = tpu.memref_squeeze %dma_start3A_165 : memref<1x128xi32, #tpu.memory_space<vmem>> -> memref<128xi32, #tpu.memory_space<vmem>>
          %dma_start3A_167 = arith.constant 0 : i32
          %dma_start3A_168 = arith.constant 0 : i32
          %dma_start3A_169 = tpu.memref_slice %arg12[%dma_start3A_167, %dma_start3A_168] : memref<1025x128xf32, #tpu.memory_space<vmem_shared>> -> memref<1025x128xf32, #tpu.memory_space<vmem_shared>>
          tpu.enqueue_indirect_dma source(%arg8 : memref<128x128xf32, #tpu.memory_space<vmem>>) target(%dma_start3A_169 : memref<1025x128xf32, #tpu.memory_space<vmem_shared>>) offsets(%dma_start3A_166 : memref<128xi32, #tpu.memory_space<vmem>>) semaphore(%run_scoped3A : memref<!tpu.dma_semaphore, #tpu.memory_space<semaphore_mem>>) {add = true}
          %dma_wait3A = arith.constant 0 : i32
          %dma_wait3A_170 = tpu.memref_slice %arg9[%add3A_56, %dma_wait3A] : memref<13x128xi32, #tpu.memory_space<vmem>> -> memref<1x128xi32, #tpu.memory_space<vmem>>
          %dma_wait3A_171 = tpu.memref_squeeze %dma_wait3A_170 : memref<1x128xi32, #tpu.memory_space<vmem>> -> memref<128xi32, #tpu.memory_space<vmem>>
          %dma_wait3A_172 = arith.constant 0 : i32
          %dma_wait3A_173 = arith.constant 0 : i32
          %dma_wait3A_174 = tpu.memref_slice %arg12[%dma_wait3A_172, %dma_wait3A_173] : memref<1025x128xf32, #tpu.memory_space<vmem_shared>> -> memref<1025x128xf32, #tpu.memory_space<vmem_shared>>
          tpu.wait_indirect_dma semaphore(%run_scoped3A : memref<!tpu.dma_semaphore, #tpu.memory_space<semaphore_mem>>) src(%arg8 : memref<128x128xf32, #tpu.memory_space<vmem>>) dst(%dma_wait3A_174 : memref<1025x128xf32, #tpu.memory_space<vmem_shared>>)
          tpu.yield
        }) : () -> ()
      } else {
      }
    }
    %scan3A_40 = arith.constant 7 : i32
    %barrier3A_41 = arith.constant 0 : index
    tpu.barrier barrier_id(%barrier3A_41)
    %mul3A_42 = arith.constant 64 : i32
    %mul3A_43 = arith.muli %arg1, %mul3A_42 : i32
    %mul3A_44 = arith.constant 64 : i32
    %mul3A_45 = arith.muli %arg1, %mul3A_44 : i32
    "tpu.region"() ({
      %run_scoped3A = tpu.sem_alloc : memref<!tpu.dma_semaphore, #tpu.memory_space<semaphore_mem>>
      %dma_start3A = arith.constant 0 : i32
      %dma_start3A_46 = tpu.memref_slice %arg6[%arg0, %mul3A_45, %dma_start3A] : memref<2x1024x128xf32, #tpu.memory_space<hbm>> -> memref<1x64x128xf32, #tpu.memory_space<hbm>>
      %dma_start3A_47 = tpu.memref_squeeze %dma_start3A_46 : memref<1x64x128xf32, #tpu.memory_space<hbm>> -> memref<64x128xf32, #tpu.memory_space<hbm>>
      %dma_start3A_48 = arith.constant 0 : i32
      %dma_start3A_49 = tpu.memref_slice %arg12[%mul3A_43, %dma_start3A_48] : memref<1025x128xf32, #tpu.memory_space<vmem_shared>> -> memref<64x128xf32, #tpu.memory_space<vmem_shared>>
      tpu.enqueue_dma source(%dma_start3A_49 : memref<64x128xf32, #tpu.memory_space<vmem_shared>>) target(%dma_start3A_47 : memref<64x128xf32, #tpu.memory_space<hbm>>) target_semaphore(%run_scoped3A : memref<!tpu.dma_semaphore, #tpu.memory_space<semaphore_mem>>)
      %dma_wait3A = arith.constant 0 : i32
      %dma_wait3A_50 = tpu.memref_slice %arg6[%arg0, %mul3A_45, %dma_wait3A] : memref<2x1024x128xf32, #tpu.memory_space<hbm>> -> memref<1x64x128xf32, #tpu.memory_space<hbm>>
      %dma_wait3A_51 = tpu.memref_squeeze %dma_wait3A_50 : memref<1x64x128xf32, #tpu.memory_space<hbm>> -> memref<64x128xf32, #tpu.memory_space<hbm>>
      %dma_wait3A_52 = arith.constant 0 : i32
      %dma_wait3A_53 = tpu.memref_slice %arg12[%mul3A_43, %dma_wait3A_52] : memref<1025x128xf32, #tpu.memory_space<vmem_shared>> -> memref<64x128xf32, #tpu.memory_space<vmem_shared>>
      tpu.wait_dma2 semaphore(%run_scoped3A : memref<!tpu.dma_semaphore, #tpu.memory_space<semaphore_mem>>) src(%dma_wait3A_53 : memref<64x128xf32, #tpu.memory_space<vmem_shared>>) dst(%dma_wait3A_51 : memref<64x128xf32, #tpu.memory_space<hbm>>)
      tpu.yield
    }) : () -> ()
    return
  }
}

#map = affine_map<(d0, d1) -> (0, 0)>
#map1 = affine_map<(d0, d1) -> (0)>
#map2 = affine_map<(d0, d1) -> (0, 0, 0)>
module attributes {stable_mosaic.version = 14 : i64} {
  func.func @kern(%arg0: i32, %arg1: i32, %arg2: memref<50000x128xf32, #tpu.memory_space<hbm>>, %arg3: memref<100000xf32, #tpu.memory_space<hbm>>, %arg4: memref<100000xf32, #tpu.memory_space<hbm>>, %arg5: memref<64x128xf32, #tpu.memory_space<hbm>>, %arg6: memref<2x1024x128xf32, #tpu.memory_space<hbm>>, %arg7: memref<128x128xf32, #tpu.memory_space<vmem>>, %arg8: memref<128x128xf32, #tpu.memory_space<vmem>>, %arg9: memref<13x128xi32, #tpu.memory_space<vmem>>, %arg10: memref<1664xf32, #tpu.memory_space<vmem>>, %arg11: memref<1664xf32, #tpu.memory_space<vmem>>, %arg12: memref<1025x128xf32, #tpu.memory_space<vmem_shared>>, %arg13: memref<!tpu.dma_semaphore, #tpu.memory_space<semaphore_mem>>, %arg14: memref<!tpu.dma_semaphore, #tpu.memory_space<semaphore_mem>>) attributes {dimension_semantics = [#tpu.dimension_semantics<core_parallel>, #tpu.dimension_semantics<subcore_parallel>], iteration_bounds = array<i64: 2, 16>, scalar_prefetch = 0 : i64, scratch_operands = 8 : i64, tpu.core_type = #tpu.core_type<sc_vector_subcore>, window_params = [{transform_indices = #map}, {transform_indices = #map1}, {transform_indices = #map1}, {transform_indices = #map}, {transform_indices = #map2}]} {
    %mul3A = arith.constant 16 : i32
    %mul3A_0 = arith.muli %arg0, %mul3A : i32
    %add3A = arith.addi %mul3A_0, %arg1 : i32
    %mul3A_1 = arith.constant 64 : i32
    %mul3A_2 = arith.muli %arg1, %mul3A_1 : i32
    "tpu.region"() ({
      %run_scoped3A = tpu.sem_alloc : memref<!tpu.dma_semaphore, #tpu.memory_space<semaphore_mem>>
      %dma_start3A = arith.constant 0 : i32
      %dma_start3A_46 = tpu.memref_slice %arg12[%mul3A_2, %dma_start3A] : memref<1025x128xf32, #tpu.memory_space<vmem_shared>> -> memref<64x128xf32, #tpu.memory_space<vmem_shared>>
      tpu.enqueue_dma source(%arg5 : memref<64x128xf32, #tpu.memory_space<hbm>>) target(%dma_start3A_46 : memref<64x128xf32, #tpu.memory_space<vmem_shared>>) target_semaphore(%run_scoped3A : memref<!tpu.dma_semaphore, #tpu.memory_space<semaphore_mem>>)
      %dma_wait3A = arith.constant 0 : i32
      %dma_wait3A_47 = tpu.memref_slice %arg12[%mul3A_2, %dma_wait3A] : memref<1025x128xf32, #tpu.memory_space<vmem_shared>> -> memref<64x128xf32, #tpu.memory_space<vmem_shared>>
      tpu.wait_dma2 semaphore(%run_scoped3A : memref<!tpu.dma_semaphore, #tpu.memory_space<semaphore_mem>>) src(%arg5 : memref<64x128xf32, #tpu.memory_space<hbm>>) dst(%dma_wait3A_47 : memref<64x128xf32, #tpu.memory_space<vmem_shared>>)
      tpu.yield
    }) : () -> ()
    %mul3A_3 = arith.constant 1664 : i32
    %mul3A_4 = arith.muli %add3A, %mul3A_3 : i32
    %add3A_5 = arith.constant 50000 : i32
    %add3A_6 = arith.addi %add3A_5, %mul3A_4 : i32
    %lt3A = arith.constant 30 : i32
    %lt3A_7 = arith.cmpi slt, %add3A, %lt3A : i32
    %convert_element_type3A = arith.extui %lt3A_7 : i1 to i32
    %cond3A = arith.constant 0 : i32
    %cond3A_8 = arith.cmpi ne, %convert_element_type3A, %cond3A : i32
    scf.if %cond3A_8 {
      "tpu.region"() ({
        %run_scoped3A = tpu.sem_alloc : memref<!tpu.dma_semaphore, #tpu.memory_space<semaphore_mem>>
        %dma_start3A = tpu.memref_slice %arg3[%add3A_6] : memref<100000xf32, #tpu.memory_space<hbm>> -> memref<1664xf32, #tpu.memory_space<hbm>>
        %dma_start3A_46 = tpu.memref_slice %arg3[%add3A_6] : memref<100000xf32, #tpu.memory_space<hbm>> -> memref<1664xf32, #tpu.memory_space<hbm>>
        tpu.enqueue_dma source(%dma_start3A_46 : memref<1664xf32, #tpu.memory_space<hbm>>) target(%arg10 : memref<1664xf32, #tpu.memory_space<vmem>>) target_semaphore(%run_scoped3A : memref<!tpu.dma_semaphore, #tpu.memory_space<semaphore_mem>>)
        %dma_wait3A = tpu.memref_slice %arg3[%add3A_6] : memref<100000xf32, #tpu.memory_space<hbm>> -> memref<1664xf32, #tpu.memory_space<hbm>>
        %dma_wait3A_47 = tpu.memref_slice %arg3[%add3A_6] : memref<100000xf32, #tpu.memory_space<hbm>> -> memref<1664xf32, #tpu.memory_space<hbm>>
        tpu.wait_dma2 semaphore(%run_scoped3A : memref<!tpu.dma_semaphore, #tpu.memory_space<semaphore_mem>>) src(%dma_wait3A_47 : memref<1664xf32, #tpu.memory_space<hbm>>) dst(%arg10 : memref<1664xf32, #tpu.memory_space<vmem>>)
        tpu.yield
      }) : () -> ()
      "tpu.region"() ({
        %run_scoped3A = tpu.sem_alloc : memref<!tpu.dma_semaphore, #tpu.memory_space<semaphore_mem>>
        %dma_start3A = tpu.memref_slice %arg4[%add3A_6] : memref<100000xf32, #tpu.memory_space<hbm>> -> memref<1664xf32, #tpu.memory_space<hbm>>
        %dma_start3A_46 = tpu.memref_slice %arg4[%add3A_6] : memref<100000xf32, #tpu.memory_space<hbm>> -> memref<1664xf32, #tpu.memory_space<hbm>>
        tpu.enqueue_dma source(%dma_start3A_46 : memref<1664xf32, #tpu.memory_space<hbm>>) target(%arg11 : memref<1664xf32, #tpu.memory_space<vmem>>) target_semaphore(%run_scoped3A : memref<!tpu.dma_semaphore, #tpu.memory_space<semaphore_mem>>)
        %dma_wait3A = tpu.memref_slice %arg4[%add3A_6] : memref<100000xf32, #tpu.memory_space<hbm>> -> memref<1664xf32, #tpu.memory_space<hbm>>
        %dma_wait3A_47 = tpu.memref_slice %arg4[%add3A_6] : memref<100000xf32, #tpu.memory_space<hbm>> -> memref<1664xf32, #tpu.memory_space<hbm>>
        tpu.wait_dma2 semaphore(%run_scoped3A : memref<!tpu.dma_semaphore, #tpu.memory_space<semaphore_mem>>) src(%dma_wait3A_47 : memref<1664xf32, #tpu.memory_space<hbm>>) dst(%arg11 : memref<1664xf32, #tpu.memory_space<vmem>>)
        tpu.yield
      }) : () -> ()
    } else {
    }
    %eq3A = arith.constant 30 : i32
    %eq3A_9 = arith.cmpi eq, %add3A, %eq3A : i32
    %convert_element_type3A_10 = arith.extui %eq3A_9 : i1 to i32
    %cond3A_11 = arith.constant 0 : i32
    %cond3A_12 = arith.cmpi ne, %convert_element_type3A_10, %cond3A_11 : i32
    scf.if %cond3A_12 {
      "tpu.region"() ({
        %run_scoped3A = tpu.sem_alloc : memref<!tpu.dma_semaphore, #tpu.memory_space<semaphore_mem>>
        %dma_start3A = arith.constant 0 : i32
        %dma_start3A_46 = tpu.memref_slice %arg10[%dma_start3A] : memref<1664xf32, #tpu.memory_space<vmem>> -> memref<80xf32, #tpu.memory_space<vmem>>
        %dma_start3A_47 = tpu.memref_slice %arg3[%add3A_6] : memref<100000xf32, #tpu.memory_space<hbm>> -> memref<80xf32, #tpu.memory_space<hbm>>
        %dma_start3A_48 = arith.constant 0 : i32
        %dma_start3A_49 = tpu.memref_slice %arg10[%dma_start3A_48] : memref<1664xf32, #tpu.memory_space<vmem>> -> memref<80xf32, #tpu.memory_space<vmem>>
        %dma_start3A_50 = tpu.memref_slice %arg3[%add3A_6] : memref<100000xf32, #tpu.memory_space<hbm>> -> memref<80xf32, #tpu.memory_space<hbm>>
        tpu.enqueue_dma source(%dma_start3A_50 : memref<80xf32, #tpu.memory_space<hbm>>) target(%dma_start3A_49 : memref<80xf32, #tpu.memory_space<vmem>>) target_semaphore(%run_scoped3A : memref<!tpu.dma_semaphore, #tpu.memory_space<semaphore_mem>>)
        %dma_wait3A = arith.constant 0 : i32
        %dma_wait3A_51 = tpu.memref_slice %arg10[%dma_wait3A] : memref<1664xf32, #tpu.memory_space<vmem>> -> memref<80xf32, #tpu.memory_space<vmem>>
        %dma_wait3A_52 = tpu.memref_slice %arg3[%add3A_6] : memref<100000xf32, #tpu.memory_space<hbm>> -> memref<80xf32, #tpu.memory_space<hbm>>
        %dma_wait3A_53 = arith.constant 0 : i32
        %dma_wait3A_54 = tpu.memref_slice %arg10[%dma_wait3A_53] : memref<1664xf32, #tpu.memory_space<vmem>> -> memref<80xf32, #tpu.memory_space<vmem>>
        %dma_wait3A_55 = tpu.memref_slice %arg3[%add3A_6] : memref<100000xf32, #tpu.memory_space<hbm>> -> memref<80xf32, #tpu.memory_space<hbm>>
        tpu.wait_dma2 semaphore(%run_scoped3A : memref<!tpu.dma_semaphore, #tpu.memory_space<semaphore_mem>>) src(%dma_wait3A_55 : memref<80xf32, #tpu.memory_space<hbm>>) dst(%dma_wait3A_54 : memref<80xf32, #tpu.memory_space<vmem>>)
        tpu.yield
      }) : () -> ()
      "tpu.region"() ({
        %run_scoped3A = tpu.sem_alloc : memref<!tpu.dma_semaphore, #tpu.memory_space<semaphore_mem>>
        %dma_start3A = arith.constant 0 : i32
        %dma_start3A_46 = tpu.memref_slice %arg11[%dma_start3A] : memref<1664xf32, #tpu.memory_space<vmem>> -> memref<80xf32, #tpu.memory_space<vmem>>
        %dma_start3A_47 = tpu.memref_slice %arg4[%add3A_6] : memref<100000xf32, #tpu.memory_space<hbm>> -> memref<80xf32, #tpu.memory_space<hbm>>
        %dma_start3A_48 = arith.constant 0 : i32
        %dma_start3A_49 = tpu.memref_slice %arg11[%dma_start3A_48] : memref<1664xf32, #tpu.memory_space<vmem>> -> memref<80xf32, #tpu.memory_space<vmem>>
        %dma_start3A_50 = tpu.memref_slice %arg4[%add3A_6] : memref<100000xf32, #tpu.memory_space<hbm>> -> memref<80xf32, #tpu.memory_space<hbm>>
        tpu.enqueue_dma source(%dma_start3A_50 : memref<80xf32, #tpu.memory_space<hbm>>) target(%dma_start3A_49 : memref<80xf32, #tpu.memory_space<vmem>>) target_semaphore(%run_scoped3A : memref<!tpu.dma_semaphore, #tpu.memory_space<semaphore_mem>>)
        %dma_wait3A = arith.constant 0 : i32
        %dma_wait3A_51 = tpu.memref_slice %arg11[%dma_wait3A] : memref<1664xf32, #tpu.memory_space<vmem>> -> memref<80xf32, #tpu.memory_space<vmem>>
        %dma_wait3A_52 = tpu.memref_slice %arg4[%add3A_6] : memref<100000xf32, #tpu.memory_space<hbm>> -> memref<80xf32, #tpu.memory_space<hbm>>
        %dma_wait3A_53 = arith.constant 0 : i32
        %dma_wait3A_54 = tpu.memref_slice %arg11[%dma_wait3A_53] : memref<1664xf32, #tpu.memory_space<vmem>> -> memref<80xf32, #tpu.memory_space<vmem>>
        %dma_wait3A_55 = tpu.memref_slice %arg4[%add3A_6] : memref<100000xf32, #tpu.memory_space<hbm>> -> memref<80xf32, #tpu.memory_space<hbm>>
        tpu.wait_dma2 semaphore(%run_scoped3A : memref<!tpu.dma_semaphore, #tpu.memory_space<semaphore_mem>>) src(%dma_wait3A_55 : memref<80xf32, #tpu.memory_space<hbm>>) dst(%dma_wait3A_54 : memref<80xf32, #tpu.memory_space<vmem>>)
        tpu.yield
      }) : () -> ()
    } else {
    }
    %scan3A = arith.constant 0 : i32
    %scan3A_13 = arith.constant 13 : i32
    %scan3A_14 = arith.addi %scan3A, %scan3A_13 : i32
    %scan3A_15 = arith.constant 1 : i32
    scf.for %scan3A_46 = %scan3A to %scan3A_14 step %scan3A_15  : i32 {
      %mul3A_47 = arith.constant 1 : i32
      %mul3A_48 = arith.muli %scan3A_46, %mul3A_47 : i32
      %add3A_49 = arith.constant 0 : i32
      %add3A_50 = arith.addi %add3A_49, %mul3A_48 : i32
      %mul3A_51 = arith.constant 128 : i32
      %mul3A_52 = arith.muli %add3A_50, %mul3A_51 : i32
      %add3A_53 = arith.constant 0 : i32
      %add3A_54 = arith.addi %mul3A_52, %add3A_53 : i32
      %get3A = arith.index_cast %add3A_54 : i32 to index
      %get3A_55 = tpu.vector_load %arg10[%get3A] {strides = array<i32>} : memref<1664xf32, #tpu.memory_space<vmem>>, vector<16xf32>,
      %get3A_56 = vector.shape_cast %get3A_55 : vector<16xf32> to vector<16xf32>
      %mul3A_57 = arith.constant 128 : i32
      %mul3A_58 = arith.muli %add3A_50, %mul3A_57 : i32
      %add3A_59 = arith.constant 0 : i32
      %add3A_60 = arith.addi %mul3A_58, %add3A_59 : i32
      %get3A_61 = arith.index_cast %add3A_60 : i32 to index
      %get3A_62 = tpu.vector_load %arg11[%get3A_61] {strides = array<i32>} : memref<1664xf32, #tpu.memory_space<vmem>>, vector<16xf32>,
      %get3A_63 = vector.shape_cast %get3A_62 : vector<16xf32> to vector<16xf32>
      %jit3A = arith.constant 0.000000e+00 : f32
      %jit3A_64 = arith.constant 1.000000e+00 : f32
      %max3A = vector.broadcast %jit3A : f32 to vector<16xf32>
      %max3A_65 = arith.maximumf %max3A, %get3A_56 : vector<16xf32>
      %min3A = vector.broadcast %jit3A_64 : f32 to vector<16xf32>
      %min3A_66 = arith.minimumf %min3A, %max3A_65 : vector<16xf32>
      %mul3A_67 = arith.constant 3.200000e+01 : f32
      %mul3A_68 = vector.broadcast %mul3A_67 : f32 to vector<16xf32>
      %mul3A_69 = arith.mulf %min3A_66, %mul3A_68 : vector<16xf32>
      %convert_element_type3A_70 = arith.fptosi %mul3A_69 : vector<16xf32> to vector<16xi32>
      %jit3A_71 = arith.constant 0 : i32
      %jit3A_72 = arith.constant 31 : i32
      %max3A_73 = vector.broadcast %jit3A_71 : i32 to vector<16xi32>
      %max3A_74 = arith.maxsi %max3A_73, %convert_element_type3A_70 : vector<16xi32>
      %min3A_75 = vector.broadcast %jit3A_72 : i32 to vector<16xi32>
      %min3A_76 = arith.minsi %min3A_75, %max3A_74 : vector<16xi32>
      %jit3A_77 = arith.constant 0.000000e+00 : f32
      %jit3A_78 = arith.constant 1.000000e+00 : f32
      %max3A_79 = vector.broadcast %jit3A_77 : f32 to vector<16xf32>
      %max3A_80 = arith.maximumf %max3A_79, %get3A_63 : vector<16xf32>
      %min3A_81 = vector.broadcast %jit3A_78 : f32 to vector<16xf32>
      %min3A_82 = arith.minimumf %min3A_81, %max3A_80 : vector<16xf32>
      %mul3A_83 = arith.constant 3.200000e+01 : f32
      %mul3A_84 = vector.broadcast %mul3A_83 : f32 to vector<16xf32>
      %mul3A_85 = arith.mulf %min3A_82, %mul3A_84 : vector<16xf32>
      %convert_element_type3A_86 = arith.fptosi %mul3A_85 : vector<16xf32> to vector<16xi32>
      %jit3A_87 = arith.constant 0 : i32
      %jit3A_88 = arith.constant 31 : i32
      %max3A_89 = vector.broadcast %jit3A_87 : i32 to vector<16xi32>
      %max3A_90 = arith.maxsi %max3A_89, %convert_element_type3A_86 : vector<16xi32>
      %min3A_91 = vector.broadcast %jit3A_88 : i32 to vector<16xi32>
      %min3A_92 = arith.minsi %min3A_91, %max3A_90 : vector<16xi32>
      %mul3A_93 = arith.constant 32 : i32
      %mul3A_94 = vector.broadcast %mul3A_93 : i32 to vector<16xi32>
      %mul3A_95 = arith.muli %min3A_76, %mul3A_94 : vector<16xi32>
      %add3A_96 = arith.addi %mul3A_95, %min3A_92 : vector<16xi32>
      %mul3A_97 = arith.constant 128 : i32
      %mul3A_98 = arith.muli %add3A_50, %mul3A_97 : i32
      %add3A_99 = arith.addi %add3A_6, %mul3A_98 : i32
      %add3A_100 = arith.constant 0 : i32
      %add3A_101 = arith.addi %add3A_99, %add3A_100 : i32
      %iota3A = tpu.iota {dimensions = array<i32: 0>} : vector<16xi32>
      %add3A_102 = vector.broadcast %add3A_101 : i32 to vector<16xi32>
      %add3A_103 = arith.addi %add3A_102, %iota3A : vector<16xi32>
      %lt3A_104 = arith.constant 100000 : i32
      %lt3A_105 = vector.broadcast %lt3A_104 : i32 to vector<16xi32>
      %lt3A_106 = arith.cmpi slt, %add3A_103, %lt3A_105 : vector<16xi32>
      %jit3A_107 = arith.constant 1024 : i32
      %broadcast_in_dim3A = vector.broadcast %jit3A_107 : i32 to vector<16xi32>
      %select_n3A = arith.select %lt3A_106, %add3A_96, %broadcast_in_dim3A : vector<16xi1>, vector<16xi32>
      %swap3A = arith.index_cast %add3A_50 : i32 to index
      %swap3A_108 = arith.constant 0 : index
      %swap3A_109 = tpu.vector_load %arg9[%swap3A, %swap3A_108] {strides = array<i32>} : memref<13x128xi32, #tpu.memory_space<vmem>>, vector<1x16xi32>,
      %swap3A_110 = vector.shape_cast %swap3A_109 : vector<1x16xi32> to vector<16xi32>
      %swap3A_111 = vector.shape_cast %select_n3A : vector<16xi32> to vector<1x16xi32>
      tpu.vector_store %arg9[%swap3A, %swap3A_108], %swap3A_111 {strides = array<i32>} : memref<13x128xi32, #tpu.memory_space<vmem>>, vector<1x16xi32>,
      %mul3A_112 = arith.constant 128 : i32
      %mul3A_113 = arith.muli %add3A_50, %mul3A_112 : i32
      %add3A_114 = arith.constant 16 : i32
      %add3A_115 = arith.addi %mul3A_113, %add3A_114 : i32
      %get3A_116 = arith.index_cast %add3A_115 : i32 to index
      %get3A_117 = tpu.vector_load %arg10[%get3A_116] {strides = array<i32>} : memref<1664xf32, #tpu.memory_space<vmem>>, vector<16xf32>,
      %get3A_118 = vector.shape_cast %get3A_117 : vector<16xf32> to vector<16xf32>
      %mul3A_119 = arith.constant 128 : i32
      %mul3A_120 = arith.muli %add3A_50, %mul3A_119 : i32
      %add3A_121 = arith.constant 16 : i32
      %add3A_122 = arith.addi %mul3A_120, %add3A_121 : i32
      %get3A_123 = arith.index_cast %add3A_122 : i32 to index
      %get3A_124 = tpu.vector_load %arg11[%get3A_123] {strides = array<i32>} : memref<1664xf32, #tpu.memory_space<vmem>>, vector<16xf32>,
      %get3A_125 = vector.shape_cast %get3A_124 : vector<16xf32> to vector<16xf32>
      %jit3A_126 = arith.constant 0.000000e+00 : f32
      %jit3A_127 = arith.constant 1.000000e+00 : f32
      %max3A_128 = vector.broadcast %jit3A_126 : f32 to vector<16xf32>
      %max3A_129 = arith.maximumf %max3A_128, %get3A_118 : vector<16xf32>
      %min3A_130 = vector.broadcast %jit3A_127 : f32 to vector<16xf32>
      %min3A_131 = arith.minimumf %min3A_130, %max3A_129 : vector<16xf32>
      %mul3A_132 = arith.constant 3.200000e+01 : f32
      %mul3A_133 = vector.broadcast %mul3A_132 : f32 to vector<16xf32>
      %mul3A_134 = arith.mulf %min3A_131, %mul3A_133 : vector<16xf32>
      %convert_element_type3A_135 = arith.fptosi %mul3A_134 : vector<16xf32> to vector<16xi32>
      %jit3A_136 = arith.constant 0 : i32
      %jit3A_137 = arith.constant 31 : i32
      %max3A_138 = vector.broadcast %jit3A_136 : i32 to vector<16xi32>
      %max3A_139 = arith.maxsi %max3A_138, %convert_element_type3A_135 : vector<16xi32>
      %min3A_140 = vector.broadcast %jit3A_137 : i32 to vector<16xi32>
      %min3A_141 = arith.minsi %min3A_140, %max3A_139 : vector<16xi32>
      %jit3A_142 = arith.constant 0.000000e+00 : f32
      %jit3A_143 = arith.constant 1.000000e+00 : f32
      %max3A_144 = vector.broadcast %jit3A_142 : f32 to vector<16xf32>
      %max3A_145 = arith.maximumf %max3A_144, %get3A_125 : vector<16xf32>
      %min3A_146 = vector.broadcast %jit3A_143 : f32 to vector<16xf32>
      %min3A_147 = arith.minimumf %min3A_146, %max3A_145 : vector<16xf32>
      %mul3A_148 = arith.constant 3.200000e+01 : f32
      %mul3A_149 = vector.broadcast %mul3A_148 : f32 to vector<16xf32>
      %mul3A_150 = arith.mulf %min3A_147, %mul3A_149 : vector<16xf32>
      %convert_element_type3A_151 = arith.fptosi %mul3A_150 : vector<16xf32> to vector<16xi32>
      %jit3A_152 = arith.constant 0 : i32
      %jit3A_153 = arith.constant 31 : i32
      %max3A_154 = vector.broadcast %jit3A_152 : i32 to vector<16xi32>
      %max3A_155 = arith.maxsi %max3A_154, %convert_element_type3A_151 : vector<16xi32>
      %min3A_156 = vector.broadcast %jit3A_153 : i32 to vector<16xi32>
      %min3A_157 = arith.minsi %min3A_156, %max3A_155 : vector<16xi32>
      %mul3A_158 = arith.constant 32 : i32
      %mul3A_159 = vector.broadcast %mul3A_158 : i32 to vector<16xi32>
      %mul3A_160 = arith.muli %min3A_141, %mul3A_159 : vector<16xi32>
      %add3A_161 = arith.addi %mul3A_160, %min3A_157 : vector<16xi32>
      %mul3A_162 = arith.constant 128 : i32
      %mul3A_163 = arith.muli %add3A_50, %mul3A_162 : i32
      %add3A_164 = arith.addi %add3A_6, %mul3A_163 : i32
      %add3A_165 = arith.constant 16 : i32
      %add3A_166 = arith.addi %add3A_164, %add3A_165 : i32
      %iota3A_167 = tpu.iota {dimensions = array<i32: 0>} : vector<16xi32>
      %add3A_168 = vector.broadcast %add3A_166 : i32 to vector<16xi32>
      %add3A_169 = arith.addi %add3A_168, %iota3A_167 : vector<16xi32>
      %lt3A_170 = arith.constant 100000 : i32
      %lt3A_171 = vector.broadcast %lt3A_170 : i32 to vector<16xi32>
      %lt3A_172 = arith.cmpi slt, %add3A_169, %lt3A_171 : vector<16xi32>
      %jit3A_173 = arith.constant 1024 : i32
      %broadcast_in_dim3A_174 = vector.broadcast %jit3A_173 : i32 to vector<16xi32>
      %select_n3A_175 = arith.select %lt3A_172, %add3A_161, %broadcast_in_dim3A_174 : vector<16xi1>, vector<16xi32>
      %swap3A_176 = arith.index_cast %add3A_50 : i32 to index
      %swap3A_177 = arith.constant 16 : index
      %swap3A_178 = tpu.vector_load %arg9[%swap3A_176, %swap3A_177] {strides = array<i32>} : memref<13x128xi32, #tpu.memory_space<vmem>>, vector<1x16xi32>,
      %swap3A_179 = vector.shape_cast %swap3A_178 : vector<1x16xi32> to vector<16xi32>
      %swap3A_180 = vector.shape_cast %select_n3A_175 : vector<16xi32> to vector<1x16xi32>
      tpu.vector_store %arg9[%swap3A_176, %swap3A_177], %swap3A_180 {strides = array<i32>} : memref<13x128xi32, #tpu.memory_space<vmem>>, vector<1x16xi32>,
      %mul3A_181 = arith.constant 128 : i32
      %mul3A_182 = arith.muli %add3A_50, %mul3A_181 : i32
      %add3A_183 = arith.constant 32 : i32
      %add3A_184 = arith.addi %mul3A_182, %add3A_183 : i32
      %get3A_185 = arith.index_cast %add3A_184 : i32 to index
      %get3A_186 = tpu.vector_load %arg10[%get3A_185] {strides = array<i32>} : memref<1664xf32, #tpu.memory_space<vmem>>, vector<16xf32>,
      %get3A_187 = vector.shape_cast %get3A_186 : vector<16xf32> to vector<16xf32>
      %mul3A_188 = arith.constant 128 : i32
      %mul3A_189 = arith.muli %add3A_50, %mul3A_188 : i32
      %add3A_190 = arith.constant 32 : i32
      %add3A_191 = arith.addi %mul3A_189, %add3A_190 : i32
      %get3A_192 = arith.index_cast %add3A_191 : i32 to index
      %get3A_193 = tpu.vector_load %arg11[%get3A_192] {strides = array<i32>} : memref<1664xf32, #tpu.memory_space<vmem>>, vector<16xf32>,
      %get3A_194 = vector.shape_cast %get3A_193 : vector<16xf32> to vector<16xf32>
      %jit3A_195 = arith.constant 0.000000e+00 : f32
      %jit3A_196 = arith.constant 1.000000e+00 : f32
      %max3A_197 = vector.broadcast %jit3A_195 : f32 to vector<16xf32>
      %max3A_198 = arith.maximumf %max3A_197, %get3A_187 : vector<16xf32>
      %min3A_199 = vector.broadcast %jit3A_196 : f32 to vector<16xf32>
      %min3A_200 = arith.minimumf %min3A_199, %max3A_198 : vector<16xf32>
      %mul3A_201 = arith.constant 3.200000e+01 : f32
      %mul3A_202 = vector.broadcast %mul3A_201 : f32 to vector<16xf32>
      %mul3A_203 = arith.mulf %min3A_200, %mul3A_202 : vector<16xf32>
      %convert_element_type3A_204 = arith.fptosi %mul3A_203 : vector<16xf32> to vector<16xi32>
      %jit3A_205 = arith.constant 0 : i32
      %jit3A_206 = arith.constant 31 : i32
      %max3A_207 = vector.broadcast %jit3A_205 : i32 to vector<16xi32>
      %max3A_208 = arith.maxsi %max3A_207, %convert_element_type3A_204 : vector<16xi32>
      %min3A_209 = vector.broadcast %jit3A_206 : i32 to vector<16xi32>
      %min3A_210 = arith.minsi %min3A_209, %max3A_208 : vector<16xi32>
      %jit3A_211 = arith.constant 0.000000e+00 : f32
      %jit3A_212 = arith.constant 1.000000e+00 : f32
      %max3A_213 = vector.broadcast %jit3A_211 : f32 to vector<16xf32>
      %max3A_214 = arith.maximumf %max3A_213, %get3A_194 : vector<16xf32>
      %min3A_215 = vector.broadcast %jit3A_212 : f32 to vector<16xf32>
      %min3A_216 = arith.minimumf %min3A_215, %max3A_214 : vector<16xf32>
      %mul3A_217 = arith.constant 3.200000e+01 : f32
      %mul3A_218 = vector.broadcast %mul3A_217 : f32 to vector<16xf32>
      %mul3A_219 = arith.mulf %min3A_216, %mul3A_218 : vector<16xf32>
      %convert_element_type3A_220 = arith.fptosi %mul3A_219 : vector<16xf32> to vector<16xi32>
      %jit3A_221 = arith.constant 0 : i32
      %jit3A_222 = arith.constant 31 : i32
      %max3A_223 = vector.broadcast %jit3A_221 : i32 to vector<16xi32>
      %max3A_224 = arith.maxsi %max3A_223, %convert_element_type3A_220 : vector<16xi32>
      %min3A_225 = vector.broadcast %jit3A_222 : i32 to vector<16xi32>
      %min3A_226 = arith.minsi %min3A_225, %max3A_224 : vector<16xi32>
      %mul3A_227 = arith.constant 32 : i32
      %mul3A_228 = vector.broadcast %mul3A_227 : i32 to vector<16xi32>
      %mul3A_229 = arith.muli %min3A_210, %mul3A_228 : vector<16xi32>
      %add3A_230 = arith.addi %mul3A_229, %min3A_226 : vector<16xi32>
      %mul3A_231 = arith.constant 128 : i32
      %mul3A_232 = arith.muli %add3A_50, %mul3A_231 : i32
      %add3A_233 = arith.addi %add3A_6, %mul3A_232 : i32
      %add3A_234 = arith.constant 32 : i32
      %add3A_235 = arith.addi %add3A_233, %add3A_234 : i32
      %iota3A_236 = tpu.iota {dimensions = array<i32: 0>} : vector<16xi32>
      %add3A_237 = vector.broadcast %add3A_235 : i32 to vector<16xi32>
      %add3A_238 = arith.addi %add3A_237, %iota3A_236 : vector<16xi32>
      %lt3A_239 = arith.constant 100000 : i32
      %lt3A_240 = vector.broadcast %lt3A_239 : i32 to vector<16xi32>
      %lt3A_241 = arith.cmpi slt, %add3A_238, %lt3A_240 : vector<16xi32>
      %jit3A_242 = arith.constant 1024 : i32
      %broadcast_in_dim3A_243 = vector.broadcast %jit3A_242 : i32 to vector<16xi32>
      %select_n3A_244 = arith.select %lt3A_241, %add3A_230, %broadcast_in_dim3A_243 : vector<16xi1>, vector<16xi32>
      %swap3A_245 = arith.index_cast %add3A_50 : i32 to index
      %swap3A_246 = arith.constant 32 : index
      %swap3A_247 = tpu.vector_load %arg9[%swap3A_245, %swap3A_246] {strides = array<i32>} : memref<13x128xi32, #tpu.memory_space<vmem>>, vector<1x16xi32>,
      %swap3A_248 = vector.shape_cast %swap3A_247 : vector<1x16xi32> to vector<16xi32>
      %swap3A_249 = vector.shape_cast %select_n3A_244 : vector<16xi32> to vector<1x16xi32>
      tpu.vector_store %arg9[%swap3A_245, %swap3A_246], %swap3A_249 {strides = array<i32>} : memref<13x128xi32, #tpu.memory_space<vmem>>, vector<1x16xi32>,
      %mul3A_250 = arith.constant 128 : i32
      %mul3A_251 = arith.muli %add3A_50, %mul3A_250 : i32
      %add3A_252 = arith.constant 48 : i32
      %add3A_253 = arith.addi %mul3A_251, %add3A_252 : i32
      %get3A_254 = arith.index_cast %add3A_253 : i32 to index
      %get3A_255 = tpu.vector_load %arg10[%get3A_254] {strides = array<i32>} : memref<1664xf32, #tpu.memory_space<vmem>>, vector<16xf32>,
      %get3A_256 = vector.shape_cast %get3A_255 : vector<16xf32> to vector<16xf32>
      %mul3A_257 = arith.constant 128 : i32
      %mul3A_258 = arith.muli %add3A_50, %mul3A_257 : i32
      %add3A_259 = arith.constant 48 : i32
      %add3A_260 = arith.addi %mul3A_258, %add3A_259 : i32
      %get3A_261 = arith.index_cast %add3A_260 : i32 to index
      %get3A_262 = tpu.vector_load %arg11[%get3A_261] {strides = array<i32>} : memref<1664xf32, #tpu.memory_space<vmem>>, vector<16xf32>,
      %get3A_263 = vector.shape_cast %get3A_262 : vector<16xf32> to vector<16xf32>
      %jit3A_264 = arith.constant 0.000000e+00 : f32
      %jit3A_265 = arith.constant 1.000000e+00 : f32
      %max3A_266 = vector.broadcast %jit3A_264 : f32 to vector<16xf32>
      %max3A_267 = arith.maximumf %max3A_266, %get3A_256 : vector<16xf32>
      %min3A_268 = vector.broadcast %jit3A_265 : f32 to vector<16xf32>
      %min3A_269 = arith.minimumf %min3A_268, %max3A_267 : vector<16xf32>
      %mul3A_270 = arith.constant 3.200000e+01 : f32
      %mul3A_271 = vector.broadcast %mul3A_270 : f32 to vector<16xf32>
      %mul3A_272 = arith.mulf %min3A_269, %mul3A_271 : vector<16xf32>
      %convert_element_type3A_273 = arith.fptosi %mul3A_272 : vector<16xf32> to vector<16xi32>
      %jit3A_274 = arith.constant 0 : i32
      %jit3A_275 = arith.constant 31 : i32
      %max3A_276 = vector.broadcast %jit3A_274 : i32 to vector<16xi32>
      %max3A_277 = arith.maxsi %max3A_276, %convert_element_type3A_273 : vector<16xi32>
      %min3A_278 = vector.broadcast %jit3A_275 : i32 to vector<16xi32>
      %min3A_279 = arith.minsi %min3A_278, %max3A_277 : vector<16xi32>
      %jit3A_280 = arith.constant 0.000000e+00 : f32
      %jit3A_281 = arith.constant 1.000000e+00 : f32
      %max3A_282 = vector.broadcast %jit3A_280 : f32 to vector<16xf32>
      %max3A_283 = arith.maximumf %max3A_282, %get3A_263 : vector<16xf32>
      %min3A_284 = vector.broadcast %jit3A_281 : f32 to vector<16xf32>
      %min3A_285 = arith.minimumf %min3A_284, %max3A_283 : vector<16xf32>
      %mul3A_286 = arith.constant 3.200000e+01 : f32
      %mul3A_287 = vector.broadcast %mul3A_286 : f32 to vector<16xf32>
      %mul3A_288 = arith.mulf %min3A_285, %mul3A_287 : vector<16xf32>
      %convert_element_type3A_289 = arith.fptosi %mul3A_288 : vector<16xf32> to vector<16xi32>
      %jit3A_290 = arith.constant 0 : i32
      %jit3A_291 = arith.constant 31 : i32
      %max3A_292 = vector.broadcast %jit3A_290 : i32 to vector<16xi32>
      %max3A_293 = arith.maxsi %max3A_292, %convert_element_type3A_289 : vector<16xi32>
      %min3A_294 = vector.broadcast %jit3A_291 : i32 to vector<16xi32>
      %min3A_295 = arith.minsi %min3A_294, %max3A_293 : vector<16xi32>
      %mul3A_296 = arith.constant 32 : i32
      %mul3A_297 = vector.broadcast %mul3A_296 : i32 to vector<16xi32>
      %mul3A_298 = arith.muli %min3A_279, %mul3A_297 : vector<16xi32>
      %add3A_299 = arith.addi %mul3A_298, %min3A_295 : vector<16xi32>
      %mul3A_300 = arith.constant 128 : i32
      %mul3A_301 = arith.muli %add3A_50, %mul3A_300 : i32
      %add3A_302 = arith.addi %add3A_6, %mul3A_301 : i32
      %add3A_303 = arith.constant 48 : i32
      %add3A_304 = arith.addi %add3A_302, %add3A_303 : i32
      %iota3A_305 = tpu.iota {dimensions = array<i32: 0>} : vector<16xi32>
      %add3A_306 = vector.broadcast %add3A_304 : i32 to vector<16xi32>
      %add3A_307 = arith.addi %add3A_306, %iota3A_305 : vector<16xi32>
      %lt3A_308 = arith.constant 100000 : i32
      %lt3A_309 = vector.broadcast %lt3A_308 : i32 to vector<16xi32>
      %lt3A_310 = arith.cmpi slt, %add3A_307, %lt3A_309 : vector<16xi32>
      %jit3A_311 = arith.constant 1024 : i32
      %broadcast_in_dim3A_312 = vector.broadcast %jit3A_311 : i32 to vector<16xi32>
      %select_n3A_313 = arith.select %lt3A_310, %add3A_299, %broadcast_in_dim3A_312 : vector<16xi1>, vector<16xi32>
      %swap3A_314 = arith.index_cast %add3A_50 : i32 to index
      %swap3A_315 = arith.constant 48 : index
      %swap3A_316 = tpu.vector_load %arg9[%swap3A_314, %swap3A_315] {strides = array<i32>} : memref<13x128xi32, #tpu.memory_space<vmem>>, vector<1x16xi32>,
      %swap3A_317 = vector.shape_cast %swap3A_316 : vector<1x16xi32> to vector<16xi32>
      %swap3A_318 = vector.shape_cast %select_n3A_313 : vector<16xi32> to vector<1x16xi32>
      tpu.vector_store %arg9[%swap3A_314, %swap3A_315], %swap3A_318 {strides = array<i32>} : memref<13x128xi32, #tpu.memory_space<vmem>>, vector<1x16xi32>,
      %mul3A_319 = arith.constant 128 : i32
      %mul3A_320 = arith.muli %add3A_50, %mul3A_319 : i32
      %add3A_321 = arith.constant 64 : i32
      %add3A_322 = arith.addi %mul3A_320, %add3A_321 : i32
      %get3A_323 = arith.index_cast %add3A_322 : i32 to index
      %get3A_324 = tpu.vector_load %arg10[%get3A_323] {strides = array<i32>} : memref<1664xf32, #tpu.memory_space<vmem>>, vector<16xf32>,
      %get3A_325 = vector.shape_cast %get3A_324 : vector<16xf32> to vector<16xf32>
      %mul3A_326 = arith.constant 128 : i32
      %mul3A_327 = arith.muli %add3A_50, %mul3A_326 : i32
      %add3A_328 = arith.constant 64 : i32
      %add3A_329 = arith.addi %mul3A_327, %add3A_328 : i32
      %get3A_330 = arith.index_cast %add3A_329 : i32 to index
      %get3A_331 = tpu.vector_load %arg11[%get3A_330] {strides = array<i32>} : memref<1664xf32, #tpu.memory_space<vmem>>, vector<16xf32>,
      %get3A_332 = vector.shape_cast %get3A_331 : vector<16xf32> to vector<16xf32>
      %jit3A_333 = arith.constant 0.000000e+00 : f32
      %jit3A_334 = arith.constant 1.000000e+00 : f32
      %max3A_335 = vector.broadcast %jit3A_333 : f32 to vector<16xf32>
      %max3A_336 = arith.maximumf %max3A_335, %get3A_325 : vector<16xf32>
      %min3A_337 = vector.broadcast %jit3A_334 : f32 to vector<16xf32>
      %min3A_338 = arith.minimumf %min3A_337, %max3A_336 : vector<16xf32>
      %mul3A_339 = arith.constant 3.200000e+01 : f32
      %mul3A_340 = vector.broadcast %mul3A_339 : f32 to vector<16xf32>
      %mul3A_341 = arith.mulf %min3A_338, %mul3A_340 : vector<16xf32>
      %convert_element_type3A_342 = arith.fptosi %mul3A_341 : vector<16xf32> to vector<16xi32>
      %jit3A_343 = arith.constant 0 : i32
      %jit3A_344 = arith.constant 31 : i32
      %max3A_345 = vector.broadcast %jit3A_343 : i32 to vector<16xi32>
      %max3A_346 = arith.maxsi %max3A_345, %convert_element_type3A_342 : vector<16xi32>
      %min3A_347 = vector.broadcast %jit3A_344 : i32 to vector<16xi32>
      %min3A_348 = arith.minsi %min3A_347, %max3A_346 : vector<16xi32>
      %jit3A_349 = arith.constant 0.000000e+00 : f32
      %jit3A_350 = arith.constant 1.000000e+00 : f32
      %max3A_351 = vector.broadcast %jit3A_349 : f32 to vector<16xf32>
      %max3A_352 = arith.maximumf %max3A_351, %get3A_332 : vector<16xf32>
      %min3A_353 = vector.broadcast %jit3A_350 : f32 to vector<16xf32>
      %min3A_354 = arith.minimumf %min3A_353, %max3A_352 : vector<16xf32>
      %mul3A_355 = arith.constant 3.200000e+01 : f32
      %mul3A_356 = vector.broadcast %mul3A_355 : f32 to vector<16xf32>
      %mul3A_357 = arith.mulf %min3A_354, %mul3A_356 : vector<16xf32>
      %convert_element_type3A_358 = arith.fptosi %mul3A_357 : vector<16xf32> to vector<16xi32>
      %jit3A_359 = arith.constant 0 : i32
      %jit3A_360 = arith.constant 31 : i32
      %max3A_361 = vector.broadcast %jit3A_359 : i32 to vector<16xi32>
      %max3A_362 = arith.maxsi %max3A_361, %convert_element_type3A_358 : vector<16xi32>
      %min3A_363 = vector.broadcast %jit3A_360 : i32 to vector<16xi32>
      %min3A_364 = arith.minsi %min3A_363, %max3A_362 : vector<16xi32>
      %mul3A_365 = arith.constant 32 : i32
      %mul3A_366 = vector.broadcast %mul3A_365 : i32 to vector<16xi32>
      %mul3A_367 = arith.muli %min3A_348, %mul3A_366 : vector<16xi32>
      %add3A_368 = arith.addi %mul3A_367, %min3A_364 : vector<16xi32>
      %mul3A_369 = arith.constant 128 : i32
      %mul3A_370 = arith.muli %add3A_50, %mul3A_369 : i32
      %add3A_371 = arith.addi %add3A_6, %mul3A_370 : i32
      %add3A_372 = arith.constant 64 : i32
      %add3A_373 = arith.addi %add3A_371, %add3A_372 : i32
      %iota3A_374 = tpu.iota {dimensions = array<i32: 0>} : vector<16xi32>
      %add3A_375 = vector.broadcast %add3A_373 : i32 to vector<16xi32>
      %add3A_376 = arith.addi %add3A_375, %iota3A_374 : vector<16xi32>
      %lt3A_377 = arith.constant 100000 : i32
      %lt3A_378 = vector.broadcast %lt3A_377 : i32 to vector<16xi32>
      %lt3A_379 = arith.cmpi slt, %add3A_376, %lt3A_378 : vector<16xi32>
      %jit3A_380 = arith.constant 1024 : i32
      %broadcast_in_dim3A_381 = vector.broadcast %jit3A_380 : i32 to vector<16xi32>
      %select_n3A_382 = arith.select %lt3A_379, %add3A_368, %broadcast_in_dim3A_381 : vector<16xi1>, vector<16xi32>
      %swap3A_383 = arith.index_cast %add3A_50 : i32 to index
      %swap3A_384 = arith.constant 64 : index
      %swap3A_385 = tpu.vector_load %arg9[%swap3A_383, %swap3A_384] {strides = array<i32>} : memref<13x128xi32, #tpu.memory_space<vmem>>, vector<1x16xi32>,
      %swap3A_386 = vector.shape_cast %swap3A_385 : vector<1x16xi32> to vector<16xi32>
      %swap3A_387 = vector.shape_cast %select_n3A_382 : vector<16xi32> to vector<1x16xi32>
      tpu.vector_store %arg9[%swap3A_383, %swap3A_384], %swap3A_387 {strides = array<i32>} : memref<13x128xi32, #tpu.memory_space<vmem>>, vector<1x16xi32>,
      %mul3A_388 = arith.constant 128 : i32
      %mul3A_389 = arith.muli %add3A_50, %mul3A_388 : i32
      %add3A_390 = arith.constant 80 : i32
      %add3A_391 = arith.addi %mul3A_389, %add3A_390 : i32
      %get3A_392 = arith.index_cast %add3A_391 : i32 to index
      %get3A_393 = tpu.vector_load %arg10[%get3A_392] {strides = array<i32>} : memref<1664xf32, #tpu.memory_space<vmem>>, vector<16xf32>,
      %get3A_394 = vector.shape_cast %get3A_393 : vector<16xf32> to vector<16xf32>
      %mul3A_395 = arith.constant 128 : i32
      %mul3A_396 = arith.muli %add3A_50, %mul3A_395 : i32
      %add3A_397 = arith.constant 80 : i32
      %add3A_398 = arith.addi %mul3A_396, %add3A_397 : i32
      %get3A_399 = arith.index_cast %add3A_398 : i32 to index
      %get3A_400 = tpu.vector_load %arg11[%get3A_399] {strides = array<i32>} : memref<1664xf32, #tpu.memory_space<vmem>>, vector<16xf32>,
      %get3A_401 = vector.shape_cast %get3A_400 : vector<16xf32> to vector<16xf32>
      %jit3A_402 = arith.constant 0.000000e+00 : f32
      %jit3A_403 = arith.constant 1.000000e+00 : f32
      %max3A_404 = vector.broadcast %jit3A_402 : f32 to vector<16xf32>
      %max3A_405 = arith.maximumf %max3A_404, %get3A_394 : vector<16xf32>
      %min3A_406 = vector.broadcast %jit3A_403 : f32 to vector<16xf32>
      %min3A_407 = arith.minimumf %min3A_406, %max3A_405 : vector<16xf32>
      %mul3A_408 = arith.constant 3.200000e+01 : f32
      %mul3A_409 = vector.broadcast %mul3A_408 : f32 to vector<16xf32>
      %mul3A_410 = arith.mulf %min3A_407, %mul3A_409 : vector<16xf32>
      %convert_element_type3A_411 = arith.fptosi %mul3A_410 : vector<16xf32> to vector<16xi32>
      %jit3A_412 = arith.constant 0 : i32
      %jit3A_413 = arith.constant 31 : i32
      %max3A_414 = vector.broadcast %jit3A_412 : i32 to vector<16xi32>
      %max3A_415 = arith.maxsi %max3A_414, %convert_element_type3A_411 : vector<16xi32>
      %min3A_416 = vector.broadcast %jit3A_413 : i32 to vector<16xi32>
      %min3A_417 = arith.minsi %min3A_416, %max3A_415 : vector<16xi32>
      %jit3A_418 = arith.constant 0.000000e+00 : f32
      %jit3A_419 = arith.constant 1.000000e+00 : f32
      %max3A_420 = vector.broadcast %jit3A_418 : f32 to vector<16xf32>
      %max3A_421 = arith.maximumf %max3A_420, %get3A_401 : vector<16xf32>
      %min3A_422 = vector.broadcast %jit3A_419 : f32 to vector<16xf32>
      %min3A_423 = arith.minimumf %min3A_422, %max3A_421 : vector<16xf32>
      %mul3A_424 = arith.constant 3.200000e+01 : f32
      %mul3A_425 = vector.broadcast %mul3A_424 : f32 to vector<16xf32>
      %mul3A_426 = arith.mulf %min3A_423, %mul3A_425 : vector<16xf32>
      %convert_element_type3A_427 = arith.fptosi %mul3A_426 : vector<16xf32> to vector<16xi32>
      %jit3A_428 = arith.constant 0 : i32
      %jit3A_429 = arith.constant 31 : i32
      %max3A_430 = vector.broadcast %jit3A_428 : i32 to vector<16xi32>
      %max3A_431 = arith.maxsi %max3A_430, %convert_element_type3A_427 : vector<16xi32>
      %min3A_432 = vector.broadcast %jit3A_429 : i32 to vector<16xi32>
      %min3A_433 = arith.minsi %min3A_432, %max3A_431 : vector<16xi32>
      %mul3A_434 = arith.constant 32 : i32
      %mul3A_435 = vector.broadcast %mul3A_434 : i32 to vector<16xi32>
      %mul3A_436 = arith.muli %min3A_417, %mul3A_435 : vector<16xi32>
      %add3A_437 = arith.addi %mul3A_436, %min3A_433 : vector<16xi32>
      %mul3A_438 = arith.constant 128 : i32
      %mul3A_439 = arith.muli %add3A_50, %mul3A_438 : i32
      %add3A_440 = arith.addi %add3A_6, %mul3A_439 : i32
      %add3A_441 = arith.constant 80 : i32
      %add3A_442 = arith.addi %add3A_440, %add3A_441 : i32
      %iota3A_443 = tpu.iota {dimensions = array<i32: 0>} : vector<16xi32>
      %add3A_444 = vector.broadcast %add3A_442 : i32 to vector<16xi32>
      %add3A_445 = arith.addi %add3A_444, %iota3A_443 : vector<16xi32>
      %lt3A_446 = arith.constant 100000 : i32
      %lt3A_447 = vector.broadcast %lt3A_446 : i32 to vector<16xi32>
      %lt3A_448 = arith.cmpi slt, %add3A_445, %lt3A_447 : vector<16xi32>
      %jit3A_449 = arith.constant 1024 : i32
      %broadcast_in_dim3A_450 = vector.broadcast %jit3A_449 : i32 to vector<16xi32>
      %select_n3A_451 = arith.select %lt3A_448, %add3A_437, %broadcast_in_dim3A_450 : vector<16xi1>, vector<16xi32>
      %swap3A_452 = arith.index_cast %add3A_50 : i32 to index
      %swap3A_453 = arith.constant 80 : index
      %swap3A_454 = tpu.vector_load %arg9[%swap3A_452, %swap3A_453] {strides = array<i32>} : memref<13x128xi32, #tpu.memory_space<vmem>>, vector<1x16xi32>,
      %swap3A_455 = vector.shape_cast %swap3A_454 : vector<1x16xi32> to vector<16xi32>
      %swap3A_456 = vector.shape_cast %select_n3A_451 : vector<16xi32> to vector<1x16xi32>
      tpu.vector_store %arg9[%swap3A_452, %swap3A_453], %swap3A_456 {strides = array<i32>} : memref<13x128xi32, #tpu.memory_space<vmem>>, vector<1x16xi32>,
      %mul3A_457 = arith.constant 128 : i32
      %mul3A_458 = arith.muli %add3A_50, %mul3A_457 : i32
      %add3A_459 = arith.constant 96 : i32
      %add3A_460 = arith.addi %mul3A_458, %add3A_459 : i32
      %get3A_461 = arith.index_cast %add3A_460 : i32 to index
      %get3A_462 = tpu.vector_load %arg10[%get3A_461] {strides = array<i32>} : memref<1664xf32, #tpu.memory_space<vmem>>, vector<16xf32>,
      %get3A_463 = vector.shape_cast %get3A_462 : vector<16xf32> to vector<16xf32>
      %mul3A_464 = arith.constant 128 : i32
      %mul3A_465 = arith.muli %add3A_50, %mul3A_464 : i32
      %add3A_466 = arith.constant 96 : i32
      %add3A_467 = arith.addi %mul3A_465, %add3A_466 : i32
      %get3A_468 = arith.index_cast %add3A_467 : i32 to index
      %get3A_469 = tpu.vector_load %arg11[%get3A_468] {strides = array<i32>} : memref<1664xf32, #tpu.memory_space<vmem>>, vector<16xf32>,
      %get3A_470 = vector.shape_cast %get3A_469 : vector<16xf32> to vector<16xf32>
      %jit3A_471 = arith.constant 0.000000e+00 : f32
      %jit3A_472 = arith.constant 1.000000e+00 : f32
      %max3A_473 = vector.broadcast %jit3A_471 : f32 to vector<16xf32>
      %max3A_474 = arith.maximumf %max3A_473, %get3A_463 : vector<16xf32>
      %min3A_475 = vector.broadcast %jit3A_472 : f32 to vector<16xf32>
      %min3A_476 = arith.minimumf %min3A_475, %max3A_474 : vector<16xf32>
      %mul3A_477 = arith.constant 3.200000e+01 : f32
      %mul3A_478 = vector.broadcast %mul3A_477 : f32 to vector<16xf32>
      %mul3A_479 = arith.mulf %min3A_476, %mul3A_478 : vector<16xf32>
      %convert_element_type3A_480 = arith.fptosi %mul3A_479 : vector<16xf32> to vector<16xi32>
      %jit3A_481 = arith.constant 0 : i32
      %jit3A_482 = arith.constant 31 : i32
      %max3A_483 = vector.broadcast %jit3A_481 : i32 to vector<16xi32>
      %max3A_484 = arith.maxsi %max3A_483, %convert_element_type3A_480 : vector<16xi32>
      %min3A_485 = vector.broadcast %jit3A_482 : i32 to vector<16xi32>
      %min3A_486 = arith.minsi %min3A_485, %max3A_484 : vector<16xi32>
      %jit3A_487 = arith.constant 0.000000e+00 : f32
      %jit3A_488 = arith.constant 1.000000e+00 : f32
      %max3A_489 = vector.broadcast %jit3A_487 : f32 to vector<16xf32>
      %max3A_490 = arith.maximumf %max3A_489, %get3A_470 : vector<16xf32>
      %min3A_491 = vector.broadcast %jit3A_488 : f32 to vector<16xf32>
      %min3A_492 = arith.minimumf %min3A_491, %max3A_490 : vector<16xf32>
      %mul3A_493 = arith.constant 3.200000e+01 : f32
      %mul3A_494 = vector.broadcast %mul3A_493 : f32 to vector<16xf32>
      %mul3A_495 = arith.mulf %min3A_492, %mul3A_494 : vector<16xf32>
      %convert_element_type3A_496 = arith.fptosi %mul3A_495 : vector<16xf32> to vector<16xi32>
      %jit3A_497 = arith.constant 0 : i32
      %jit3A_498 = arith.constant 31 : i32
      %max3A_499 = vector.broadcast %jit3A_497 : i32 to vector<16xi32>
      %max3A_500 = arith.maxsi %max3A_499, %convert_element_type3A_496 : vector<16xi32>
      %min3A_501 = vector.broadcast %jit3A_498 : i32 to vector<16xi32>
      %min3A_502 = arith.minsi %min3A_501, %max3A_500 : vector<16xi32>
      %mul3A_503 = arith.constant 32 : i32
      %mul3A_504 = vector.broadcast %mul3A_503 : i32 to vector<16xi32>
      %mul3A_505 = arith.muli %min3A_486, %mul3A_504 : vector<16xi32>
      %add3A_506 = arith.addi %mul3A_505, %min3A_502 : vector<16xi32>
      %mul3A_507 = arith.constant 128 : i32
      %mul3A_508 = arith.muli %add3A_50, %mul3A_507 : i32
      %add3A_509 = arith.addi %add3A_6, %mul3A_508 : i32
      %add3A_510 = arith.constant 96 : i32
      %add3A_511 = arith.addi %add3A_509, %add3A_510 : i32
      %iota3A_512 = tpu.iota {dimensions = array<i32: 0>} : vector<16xi32>
      %add3A_513 = vector.broadcast %add3A_511 : i32 to vector<16xi32>
      %add3A_514 = arith.addi %add3A_513, %iota3A_512 : vector<16xi32>
      %lt3A_515 = arith.constant 100000 : i32
      %lt3A_516 = vector.broadcast %lt3A_515 : i32 to vector<16xi32>
      %lt3A_517 = arith.cmpi slt, %add3A_514, %lt3A_516 : vector<16xi32>
      %jit3A_518 = arith.constant 1024 : i32
      %broadcast_in_dim3A_519 = vector.broadcast %jit3A_518 : i32 to vector<16xi32>
      %select_n3A_520 = arith.select %lt3A_517, %add3A_506, %broadcast_in_dim3A_519 : vector<16xi1>, vector<16xi32>
      %swap3A_521 = arith.index_cast %add3A_50 : i32 to index
      %swap3A_522 = arith.constant 96 : index
      %swap3A_523 = tpu.vector_load %arg9[%swap3A_521, %swap3A_522] {strides = array<i32>} : memref<13x128xi32, #tpu.memory_space<vmem>>, vector<1x16xi32>,
      %swap3A_524 = vector.shape_cast %swap3A_523 : vector<1x16xi32> to vector<16xi32>
      %swap3A_525 = vector.shape_cast %select_n3A_520 : vector<16xi32> to vector<1x16xi32>
      tpu.vector_store %arg9[%swap3A_521, %swap3A_522], %swap3A_525 {strides = array<i32>} : memref<13x128xi32, #tpu.memory_space<vmem>>, vector<1x16xi32>,
      %mul3A_526 = arith.constant 128 : i32
      %mul3A_527 = arith.muli %add3A_50, %mul3A_526 : i32
      %add3A_528 = arith.constant 112 : i32
      %add3A_529 = arith.addi %mul3A_527, %add3A_528 : i32
      %get3A_530 = arith.index_cast %add3A_529 : i32 to index
      %get3A_531 = tpu.vector_load %arg10[%get3A_530] {strides = array<i32>} : memref<1664xf32, #tpu.memory_space<vmem>>, vector<16xf32>,
      %get3A_532 = vector.shape_cast %get3A_531 : vector<16xf32> to vector<16xf32>
      %mul3A_533 = arith.constant 128 : i32
      %mul3A_534 = arith.muli %add3A_50, %mul3A_533 : i32
      %add3A_535 = arith.constant 112 : i32
      %add3A_536 = arith.addi %mul3A_534, %add3A_535 : i32
      %get3A_537 = arith.index_cast %add3A_536 : i32 to index
      %get3A_538 = tpu.vector_load %arg11[%get3A_537] {strides = array<i32>} : memref<1664xf32, #tpu.memory_space<vmem>>, vector<16xf32>,
      %get3A_539 = vector.shape_cast %get3A_538 : vector<16xf32> to vector<16xf32>
      %jit3A_540 = arith.constant 0.000000e+00 : f32
      %jit3A_541 = arith.constant 1.000000e+00 : f32
      %max3A_542 = vector.broadcast %jit3A_540 : f32 to vector<16xf32>
      %max3A_543 = arith.maximumf %max3A_542, %get3A_532 : vector<16xf32>
      %min3A_544 = vector.broadcast %jit3A_541 : f32 to vector<16xf32>
      %min3A_545 = arith.minimumf %min3A_544, %max3A_543 : vector<16xf32>
      %mul3A_546 = arith.constant 3.200000e+01 : f32
      %mul3A_547 = vector.broadcast %mul3A_546 : f32 to vector<16xf32>
      %mul3A_548 = arith.mulf %min3A_545, %mul3A_547 : vector<16xf32>
      %convert_element_type3A_549 = arith.fptosi %mul3A_548 : vector<16xf32> to vector<16xi32>
      %jit3A_550 = arith.constant 0 : i32
      %jit3A_551 = arith.constant 31 : i32
      %max3A_552 = vector.broadcast %jit3A_550 : i32 to vector<16xi32>
      %max3A_553 = arith.maxsi %max3A_552, %convert_element_type3A_549 : vector<16xi32>
      %min3A_554 = vector.broadcast %jit3A_551 : i32 to vector<16xi32>
      %min3A_555 = arith.minsi %min3A_554, %max3A_553 : vector<16xi32>
      %jit3A_556 = arith.constant 0.000000e+00 : f32
      %jit3A_557 = arith.constant 1.000000e+00 : f32
      %max3A_558 = vector.broadcast %jit3A_556 : f32 to vector<16xf32>
      %max3A_559 = arith.maximumf %max3A_558, %get3A_539 : vector<16xf32>
      %min3A_560 = vector.broadcast %jit3A_557 : f32 to vector<16xf32>
      %min3A_561 = arith.minimumf %min3A_560, %max3A_559 : vector<16xf32>
      %mul3A_562 = arith.constant 3.200000e+01 : f32
      %mul3A_563 = vector.broadcast %mul3A_562 : f32 to vector<16xf32>
      %mul3A_564 = arith.mulf %min3A_561, %mul3A_563 : vector<16xf32>
      %convert_element_type3A_565 = arith.fptosi %mul3A_564 : vector<16xf32> to vector<16xi32>
      %jit3A_566 = arith.constant 0 : i32
      %jit3A_567 = arith.constant 31 : i32
      %max3A_568 = vector.broadcast %jit3A_566 : i32 to vector<16xi32>
      %max3A_569 = arith.maxsi %max3A_568, %convert_element_type3A_565 : vector<16xi32>
      %min3A_570 = vector.broadcast %jit3A_567 : i32 to vector<16xi32>
      %min3A_571 = arith.minsi %min3A_570, %max3A_569 : vector<16xi32>
      %mul3A_572 = arith.constant 32 : i32
      %mul3A_573 = vector.broadcast %mul3A_572 : i32 to vector<16xi32>
      %mul3A_574 = arith.muli %min3A_555, %mul3A_573 : vector<16xi32>
      %add3A_575 = arith.addi %mul3A_574, %min3A_571 : vector<16xi32>
      %mul3A_576 = arith.constant 128 : i32
      %mul3A_577 = arith.muli %add3A_50, %mul3A_576 : i32
      %add3A_578 = arith.addi %add3A_6, %mul3A_577 : i32
      %add3A_579 = arith.constant 112 : i32
      %add3A_580 = arith.addi %add3A_578, %add3A_579 : i32
      %iota3A_581 = tpu.iota {dimensions = array<i32: 0>} : vector<16xi32>
      %add3A_582 = vector.broadcast %add3A_580 : i32 to vector<16xi32>
      %add3A_583 = arith.addi %add3A_582, %iota3A_581 : vector<16xi32>
      %lt3A_584 = arith.constant 100000 : i32
      %lt3A_585 = vector.broadcast %lt3A_584 : i32 to vector<16xi32>
      %lt3A_586 = arith.cmpi slt, %add3A_583, %lt3A_585 : vector<16xi32>
      %jit3A_587 = arith.constant 1024 : i32
      %broadcast_in_dim3A_588 = vector.broadcast %jit3A_587 : i32 to vector<16xi32>
      %select_n3A_589 = arith.select %lt3A_586, %add3A_575, %broadcast_in_dim3A_588 : vector<16xi1>, vector<16xi32>
      %swap3A_590 = arith.index_cast %add3A_50 : i32 to index
      %swap3A_591 = arith.constant 112 : index
      %swap3A_592 = tpu.vector_load %arg9[%swap3A_590, %swap3A_591] {strides = array<i32>} : memref<13x128xi32, #tpu.memory_space<vmem>>, vector<1x16xi32>,
      %swap3A_593 = vector.shape_cast %swap3A_592 : vector<1x16xi32> to vector<16xi32>
      %swap3A_594 = vector.shape_cast %select_n3A_589 : vector<16xi32> to vector<1x16xi32>
      tpu.vector_store %arg9[%swap3A_590, %swap3A_591], %swap3A_594 {strides = array<i32>} : memref<13x128xi32, #tpu.memory_space<vmem>>, vector<1x16xi32>,
    }
    %scan3A_16 = arith.constant 13 : i32
    %barrier3A = arith.constant 0 : index
    tpu.barrier barrier_id(%barrier3A)
    %mul3A_17 = arith.constant 13 : i32
    %mul3A_18 = arith.muli %add3A, %mul3A_17 : i32
    %add3A_19 = arith.constant 0 : i32
    %add3A_20 = arith.addi %mul3A_18, %add3A_19 : i32
    %lt3A_21 = arith.constant 390 : i32
    %lt3A_22 = arith.cmpi slt, %add3A_20, %lt3A_21 : i32
    %and3A = arith.constant true
    %and3A_23 = arith.andi %and3A, %lt3A_22 : i1
    %eq3A_24 = arith.constant 390 : i32
    %eq3A_25 = arith.cmpi eq, %add3A_20, %eq3A_24 : i32
    %and3A_26 = arith.constant true
    %and3A_27 = arith.andi %and3A_26, %eq3A_25 : i1
    %mul3A_28 = arith.constant 128 : i32
    %mul3A_29 = arith.muli %add3A_20, %mul3A_28 : i32
    %convert_element_type3A_30 = arith.extui %and3A_23 : i1 to i32
    %cond3A_31 = arith.constant 0 : i32
    %cond3A_32 = arith.cmpi ne, %convert_element_type3A_30, %cond3A_31 : i32
    scf.if %cond3A_32 {
      %dma_start3A = arith.constant 0 : i32
      %dma_start3A_46 = tpu.memref_slice %arg2[%mul3A_29, %dma_start3A] : memref<50000x128xf32, #tpu.memory_space<hbm>> -> memref<128x128xf32, #tpu.memory_space<hbm>>
      %dma_start3A_47 = arith.constant 0 : i32
      %dma_start3A_48 = tpu.memref_slice %arg2[%mul3A_29, %dma_start3A_47] : memref<50000x128xf32, #tpu.memory_space<hbm>> -> memref<128x128xf32, #tpu.memory_space<hbm>>
      tpu.enqueue_dma source(%dma_start3A_48 : memref<128x128xf32, #tpu.memory_space<hbm>>) target(%arg7 : memref<128x128xf32, #tpu.memory_space<vmem>>) target_semaphore(%arg13 : memref<!tpu.dma_semaphore, #tpu.memory_space<semaphore_mem>>)
    } else {
    }
    %convert_element_type3A_33 = arith.extui %and3A_27 : i1 to i32
    %cond3A_34 = arith.constant 0 : i32
    %cond3A_35 = arith.cmpi ne, %convert_element_type3A_33, %cond3A_34 : i32
    scf.if %cond3A_35 {
      %dma_start3A = arith.constant 0 : i32
      %dma_start3A_46 = arith.constant 0 : i32
      %dma_start3A_47 = tpu.memref_slice %arg7[%dma_start3A, %dma_start3A_46] : memref<128x128xf32, #tpu.memory_space<vmem>> -> memref<80x128xf32, #tpu.memory_space<vmem>>
      %dma_start3A_48 = arith.constant 49920 : i32
      %dma_start3A_49 = arith.constant 0 : i32
      %dma_start3A_50 = tpu.memref_slice %arg2[%dma_start3A_48, %dma_start3A_49] : memref<50000x128xf32, #tpu.memory_space<hbm>> -> memref<80x128xf32, #tpu.memory_space<hbm>>
      %dma_start3A_51 = arith.constant 0 : i32
      %dma_start3A_52 = arith.constant 0 : i32
      %dma_start3A_53 = tpu.memref_slice %arg7[%dma_start3A_51, %dma_start3A_52] : memref<128x128xf32, #tpu.memory_space<vmem>> -> memref<80x128xf32, #tpu.memory_space<vmem>>
      %dma_start3A_54 = arith.constant 49920 : i32
      %dma_start3A_55 = arith.constant 0 : i32
      %dma_start3A_56 = tpu.memref_slice %arg2[%dma_start3A_54, %dma_start3A_55] : memref<50000x128xf32, #tpu.memory_space<hbm>> -> memref<80x128xf32, #tpu.memory_space<hbm>>
      tpu.enqueue_dma source(%dma_start3A_56 : memref<80x128xf32, #tpu.memory_space<hbm>>) target(%dma_start3A_53 : memref<80x128xf32, #tpu.memory_space<vmem>>) target_semaphore(%arg13 : memref<!tpu.dma_semaphore, #tpu.memory_space<semaphore_mem>>)
    } else {
    }
    %scan3A_36 = arith.constant 0 : i32
    %scan3A_37 = arith.constant 7 : i32
    %scan3A_38 = arith.addi %scan3A_36, %scan3A_37 : i32
    %scan3A_39 = arith.constant 1 : i32
    scf.for %scan3A_46 = %scan3A_36 to %scan3A_38 step %scan3A_39  : i32 {
      %mul3A_47 = arith.constant 1 : i32
      %mul3A_48 = arith.muli %scan3A_46, %mul3A_47 : i32
      %add3A_49 = arith.constant 0 : i32
      %add3A_50 = arith.addi %add3A_49, %mul3A_48 : i32
      %mul3A_51 = arith.constant 2 : i32
      %mul3A_52 = arith.muli %mul3A_51, %add3A_50 : i32
      %mul3A_53 = arith.constant 2 : i32
      %mul3A_54 = arith.muli %mul3A_53, %add3A_50 : i32
      %add3A_55 = arith.constant 1 : i32
      %add3A_56 = arith.addi %mul3A_54, %add3A_55 : i32
      %mul3A_57 = arith.constant 13 : i32
      %mul3A_58 = arith.muli %add3A, %mul3A_57 : i32
      %add3A_59 = arith.addi %mul3A_58, %mul3A_52 : i32
      %lt3A_60 = arith.constant 13 : i32
      %lt3A_61 = arith.cmpi slt, %mul3A_52, %lt3A_60 : i32
      %lt3A_62 = arith.constant 390 : i32
      %lt3A_63 = arith.cmpi slt, %add3A_59, %lt3A_62 : i32
      %and3A_64 = arith.andi %lt3A_61, %lt3A_63 : i1
      %lt3A_65 = arith.constant 13 : i32
      %lt3A_66 = arith.cmpi slt, %mul3A_52, %lt3A_65 : i32
      %eq3A_67 = arith.constant 390 : i32
      %eq3A_68 = arith.cmpi eq, %add3A_59, %eq3A_67 : i32
      %and3A_69 = arith.andi %lt3A_66, %eq3A_68 : i1
      %mul3A_70 = arith.constant 128 : i32
      %mul3A_71 = arith.muli %add3A_59, %mul3A_70 : i32
      %convert_element_type3A_72 = arith.extui %and3A_64 : i1 to i32
      %cond3A_73 = arith.constant 0 : i32
      %cond3A_74 = arith.cmpi ne, %convert_element_type3A_72, %cond3A_73 : i32
      scf.if %cond3A_74 {
        %dma_wait3A = arith.constant 0 : i32
        %dma_wait3A_165 = tpu.memref_slice %arg2[%mul3A_71, %dma_wait3A] : memref<50000x128xf32, #tpu.memory_space<hbm>> -> memref<128x128xf32, #tpu.memory_space<hbm>>
        %dma_wait3A_166 = arith.constant 0 : i32
        %dma_wait3A_167 = tpu.memref_slice %arg2[%mul3A_71, %dma_wait3A_166] : memref<50000x128xf32, #tpu.memory_space<hbm>> -> memref<128x128xf32, #tpu.memory_space<hbm>>
        tpu.wait_dma2 semaphore(%arg13 : memref<!tpu.dma_semaphore, #tpu.memory_space<semaphore_mem>>) src(%dma_wait3A_167 : memref<128x128xf32, #tpu.memory_space<hbm>>) dst(%arg7 : memref<128x128xf32, #tpu.memory_space<vmem>>)
      } else {
      }
      %convert_element_type3A_75 = arith.extui %and3A_69 : i1 to i32
      %cond3A_76 = arith.constant 0 : i32
      %cond3A_77 = arith.cmpi ne, %convert_element_type3A_75, %cond3A_76 : i32
      scf.if %cond3A_77 {
        %dma_wait3A = arith.constant 0 : i32
        %dma_wait3A_165 = arith.constant 0 : i32
        %dma_wait3A_166 = tpu.memref_slice %arg7[%dma_wait3A, %dma_wait3A_165] : memref<128x128xf32, #tpu.memory_space<vmem>> -> memref<80x128xf32, #tpu.memory_space<vmem>>
        %dma_wait3A_167 = arith.constant 49920 : i32
        %dma_wait3A_168 = arith.constant 0 : i32
        %dma_wait3A_169 = tpu.memref_slice %arg2[%dma_wait3A_167, %dma_wait3A_168] : memref<50000x128xf32, #tpu.memory_space<hbm>> -> memref<80x128xf32, #tpu.memory_space<hbm>>
        %dma_wait3A_170 = arith.constant 0 : i32
        %dma_wait3A_171 = arith.constant 0 : i32
        %dma_wait3A_172 = tpu.memref_slice %arg7[%dma_wait3A_170, %dma_wait3A_171] : memref<128x128xf32, #tpu.memory_space<vmem>> -> memref<80x128xf32, #tpu.memory_space<vmem>>
        %dma_wait3A_173 = arith.constant 49920 : i32
        %dma_wait3A_174 = arith.constant 0 : i32
        %dma_wait3A_175 = tpu.memref_slice %arg2[%dma_wait3A_173, %dma_wait3A_174] : memref<50000x128xf32, #tpu.memory_space<hbm>> -> memref<80x128xf32, #tpu.memory_space<hbm>>
        tpu.wait_dma2 semaphore(%arg13 : memref<!tpu.dma_semaphore, #tpu.memory_space<semaphore_mem>>) src(%dma_wait3A_175 : memref<80x128xf32, #tpu.memory_space<hbm>>) dst(%dma_wait3A_172 : memref<80x128xf32, #tpu.memory_space<vmem>>)
      } else {
      }
      %mul3A_78 = arith.constant 13 : i32
      %mul3A_79 = arith.muli %add3A, %mul3A_78 : i32
      %add3A_80 = arith.addi %mul3A_79, %add3A_56 : i32
      %lt3A_81 = arith.constant 13 : i32
      %lt3A_82 = arith.cmpi slt, %add3A_56, %lt3A_81 : i32
      %lt3A_83 = arith.constant 390 : i32
      %lt3A_84 = arith.cmpi slt, %add3A_80, %lt3A_83 : i32
      %and3A_85 = arith.andi %lt3A_82, %lt3A_84 : i1
      %lt3A_86 = arith.constant 13 : i32
      %lt3A_87 = arith.cmpi slt, %add3A_56, %lt3A_86 : i32
      %eq3A_88 = arith.constant 390 : i32
      %eq3A_89 = arith.cmpi eq, %add3A_80, %eq3A_88 : i32
      %and3A_90 = arith.andi %lt3A_87, %eq3A_89 : i1
      %mul3A_91 = arith.constant 128 : i32
      %mul3A_92 = arith.muli %add3A_80, %mul3A_91 : i32
      %convert_element_type3A_93 = arith.extui %and3A_85 : i1 to i32
      %cond3A_94 = arith.constant 0 : i32
      %cond3A_95 = arith.cmpi ne, %convert_element_type3A_93, %cond3A_94 : i32
      scf.if %cond3A_95 {
        %dma_start3A = arith.constant 0 : i32
        %dma_start3A_165 = tpu.memref_slice %arg2[%mul3A_92, %dma_start3A] : memref<50000x128xf32, #tpu.memory_space<hbm>> -> memref<128x128xf32, #tpu.memory_space<hbm>>
        %dma_start3A_166 = arith.constant 0 : i32
        %dma_start3A_167 = tpu.memref_slice %arg2[%mul3A_92, %dma_start3A_166] : memref<50000x128xf32, #tpu.memory_space<hbm>> -> memref<128x128xf32, #tpu.memory_space<hbm>>
        tpu.enqueue_dma source(%dma_start3A_167 : memref<128x128xf32, #tpu.memory_space<hbm>>) target(%arg8 : memref<128x128xf32, #tpu.memory_space<vmem>>) target_semaphore(%arg14 : memref<!tpu.dma_semaphore, #tpu.memory_space<semaphore_mem>>)
      } else {
      }
      %convert_element_type3A_96 = arith.extui %and3A_90 : i1 to i32
      %cond3A_97 = arith.constant 0 : i32
      %cond3A_98 = arith.cmpi ne, %convert_element_type3A_96, %cond3A_97 : i32
      scf.if %cond3A_98 {
        %dma_start3A = arith.constant 0 : i32
        %dma_start3A_165 = arith.constant 0 : i32
        %dma_start3A_166 = tpu.memref_slice %arg8[%dma_start3A, %dma_start3A_165] : memref<128x128xf32, #tpu.memory_space<vmem>> -> memref<80x128xf32, #tpu.memory_space<vmem>>
        %dma_start3A_167 = arith.constant 49920 : i32
        %dma_start3A_168 = arith.constant 0 : i32
        %dma_start3A_169 = tpu.memref_slice %arg2[%dma_start3A_167, %dma_start3A_168] : memref<50000x128xf32, #tpu.memory_space<hbm>> -> memref<80x128xf32, #tpu.memory_space<hbm>>
        %dma_start3A_170 = arith.constant 0 : i32
        %dma_start3A_171 = arith.constant 0 : i32
        %dma_start3A_172 = tpu.memref_slice %arg8[%dma_start3A_170, %dma_start3A_171] : memref<128x128xf32, #tpu.memory_space<vmem>> -> memref<80x128xf32, #tpu.memory_space<vmem>>
        %dma_start3A_173 = arith.constant 49920 : i32
        %dma_start3A_174 = arith.constant 0 : i32
        %dma_start3A_175 = tpu.memref_slice %arg2[%dma_start3A_173, %dma_start3A_174] : memref<50000x128xf32, #tpu.memory_space<hbm>> -> memref<80x128xf32, #tpu.memory_space<hbm>>
        tpu.enqueue_dma source(%dma_start3A_175 : memref<80x128xf32, #tpu.memory_space<hbm>>) target(%dma_start3A_172 : memref<80x128xf32, #tpu.memory_space<vmem>>) target_semaphore(%arg14 : memref<!tpu.dma_semaphore, #tpu.memory_space<semaphore_mem>>)
      } else {
      }
      %mul3A_99 = arith.constant 13 : i32
      %mul3A_100 = arith.muli %add3A, %mul3A_99 : i32
      %add3A_101 = arith.addi %mul3A_100, %mul3A_52 : i32
      %lt3A_102 = arith.constant 13 : i32
      %lt3A_103 = arith.cmpi slt, %mul3A_52, %lt3A_102 : i32
      %lt3A_104 = arith.constant 391 : i32
      %lt3A_105 = arith.cmpi slt, %add3A_101, %lt3A_104 : i32
      %and3A_106 = arith.andi %lt3A_103, %lt3A_105 : i1
      %convert_element_type3A_107 = arith.extui %and3A_106 : i1 to i32
      %cond3A_108 = arith.constant 0 : i32
      %cond3A_109 = arith.cmpi ne, %convert_element_type3A_107, %cond3A_108 : i32
      scf.if %cond3A_109 {
        "tpu.region"() ({
          %run_scoped3A = tpu.sem_alloc : memref<!tpu.dma_semaphore, #tpu.memory_space<semaphore_mem>>
          %dma_start3A = arith.constant 0 : i32
          %dma_start3A_165 = tpu.memref_slice %arg9[%mul3A_52, %dma_start3A] : memref<13x128xi32, #tpu.memory_space<vmem>> -> memref<1x128xi32, #tpu.memory_space<vmem>>
          %dma_start3A_166 = tpu.memref_squeeze %dma_start3A_165 : memref<1x128xi32, #tpu.memory_space<vmem>> -> memref<128xi32, #tpu.memory_space<vmem>>
          %dma_start3A_167 = arith.constant 0 : i32
          %dma_start3A_168 = arith.constant 0 : i32
          %dma_start3A_169 = tpu.memref_slice %arg12[%dma_start3A_167, %dma_start3A_168] : memref<1025x128xf32, #tpu.memory_space<vmem_shared>> -> memref<1025x128xf32, #tpu.memory_space<vmem_shared>>
          tpu.enqueue_indirect_dma source(%arg7 : memref<128x128xf32, #tpu.memory_space<vmem>>) target(%dma_start3A_169 : memref<1025x128xf32, #tpu.memory_space<vmem_shared>>) offsets(%dma_start3A_166 : memref<128xi32, #tpu.memory_space<vmem>>) semaphore(%run_scoped3A : memref<!tpu.dma_semaphore, #tpu.memory_space<semaphore_mem>>) {add = true}
          %dma_wait3A = arith.constant 0 : i32
          %dma_wait3A_170 = tpu.memref_slice %arg9[%mul3A_52, %dma_wait3A] : memref<13x128xi32, #tpu.memory_space<vmem>> -> memref<1x128xi32, #tpu.memory_space<vmem>>
          %dma_wait3A_171 = tpu.memref_squeeze %dma_wait3A_170 : memref<1x128xi32, #tpu.memory_space<vmem>> -> memref<128xi32, #tpu.memory_space<vmem>>
          %dma_wait3A_172 = arith.constant 0 : i32
          %dma_wait3A_173 = arith.constant 0 : i32
          %dma_wait3A_174 = tpu.memref_slice %arg12[%dma_wait3A_172, %dma_wait3A_173] : memref<1025x128xf32, #tpu.memory_space<vmem_shared>> -> memref<1025x128xf32, #tpu.memory_space<vmem_shared>>
          tpu.wait_indirect_dma semaphore(%run_scoped3A : memref<!tpu.dma_semaphore, #tpu.memory_space<semaphore_mem>>) src(%arg7 : memref<128x128xf32, #tpu.memory_space<vmem>>) dst(%dma_wait3A_174 : memref<1025x128xf32, #tpu.memory_space<vmem_shared>>)
          tpu.yield
        }) : () -> ()
      } else {
      }
      %mul3A_110 = arith.constant 13 : i32
      %mul3A_111 = arith.muli %add3A, %mul3A_110 : i32
      %add3A_112 = arith.addi %mul3A_111, %add3A_56 : i32
      %lt3A_113 = arith.constant 13 : i32
      %lt3A_114 = arith.cmpi slt, %add3A_56, %lt3A_113 : i32
      %lt3A_115 = arith.constant 390 : i32
      %lt3A_116 = arith.cmpi slt, %add3A_112, %lt3A_115 : i32
      %and3A_117 = arith.andi %lt3A_114, %lt3A_116 : i1
      %lt3A_118 = arith.constant 13 : i32
      %lt3A_119 = arith.cmpi slt, %add3A_56, %lt3A_118 : i32
      %eq3A_120 = arith.constant 390 : i32
      %eq3A_121 = arith.cmpi eq, %add3A_112, %eq3A_120 : i32
      %and3A_122 = arith.andi %lt3A_119, %eq3A_121 : i1
      %mul3A_123 = arith.constant 128 : i32
      %mul3A_124 = arith.muli %add3A_112, %mul3A_123 : i32
      %convert_element_type3A_125 = arith.extui %and3A_117 : i1 to i32
      %cond3A_126 = arith.constant 0 : i32
      %cond3A_127 = arith.cmpi ne, %convert_element_type3A_125, %cond3A_126 : i32
      scf.if %cond3A_127 {
        %dma_wait3A = arith.constant 0 : i32
        %dma_wait3A_165 = tpu.memref_slice %arg2[%mul3A_124, %dma_wait3A] : memref<50000x128xf32, #tpu.memory_space<hbm>> -> memref<128x128xf32, #tpu.memory_space<hbm>>
        %dma_wait3A_166 = arith.constant 0 : i32
        %dma_wait3A_167 = tpu.memref_slice %arg2[%mul3A_124, %dma_wait3A_166] : memref<50000x128xf32, #tpu.memory_space<hbm>> -> memref<128x128xf32, #tpu.memory_space<hbm>>
        tpu.wait_dma2 semaphore(%arg14 : memref<!tpu.dma_semaphore, #tpu.memory_space<semaphore_mem>>) src(%dma_wait3A_167 : memref<128x128xf32, #tpu.memory_space<hbm>>) dst(%arg8 : memref<128x128xf32, #tpu.memory_space<vmem>>)
      } else {
      }
      %convert_element_type3A_128 = arith.extui %and3A_122 : i1 to i32
      %cond3A_129 = arith.constant 0 : i32
      %cond3A_130 = arith.cmpi ne, %convert_element_type3A_128, %cond3A_129 : i32
      scf.if %cond3A_130 {
        %dma_wait3A = arith.constant 0 : i32
        %dma_wait3A_165 = arith.constant 0 : i32
        %dma_wait3A_166 = tpu.memref_slice %arg8[%dma_wait3A, %dma_wait3A_165] : memref<128x128xf32, #tpu.memory_space<vmem>> -> memref<80x128xf32, #tpu.memory_space<vmem>>
        %dma_wait3A_167 = arith.constant 49920 : i32
        %dma_wait3A_168 = arith.constant 0 : i32
        %dma_wait3A_169 = tpu.memref_slice %arg2[%dma_wait3A_167, %dma_wait3A_168] : memref<50000x128xf32, #tpu.memory_space<hbm>> -> memref<80x128xf32, #tpu.memory_space<hbm>>
        %dma_wait3A_170 = arith.constant 0 : i32
        %dma_wait3A_171 = arith.constant 0 : i32
        %dma_wait3A_172 = tpu.memref_slice %arg8[%dma_wait3A_170, %dma_wait3A_171] : memref<128x128xf32, #tpu.memory_space<vmem>> -> memref<80x128xf32, #tpu.memory_space<vmem>>
        %dma_wait3A_173 = arith.constant 49920 : i32
        %dma_wait3A_174 = arith.constant 0 : i32
        %dma_wait3A_175 = tpu.memref_slice %arg2[%dma_wait3A_173, %dma_wait3A_174] : memref<50000x128xf32, #tpu.memory_space<hbm>> -> memref<80x128xf32, #tpu.memory_space<hbm>>
        tpu.wait_dma2 semaphore(%arg14 : memref<!tpu.dma_semaphore, #tpu.memory_space<semaphore_mem>>) src(%dma_wait3A_175 : memref<80x128xf32, #tpu.memory_space<hbm>>) dst(%dma_wait3A_172 : memref<80x128xf32, #tpu.memory_space<vmem>>)
      } else {
      }
      %add3A_131 = arith.constant 2 : i32
      %add3A_132 = arith.addi %mul3A_52, %add3A_131 : i32
      %mul3A_133 = arith.constant 13 : i32
      %mul3A_134 = arith.muli %add3A, %mul3A_133 : i32
      %add3A_135 = arith.addi %mul3A_134, %add3A_132 : i32
      %lt3A_136 = arith.constant 13 : i32
      %lt3A_137 = arith.cmpi slt, %add3A_132, %lt3A_136 : i32
      %lt3A_138 = arith.constant 390 : i32
      %lt3A_139 = arith.cmpi slt, %add3A_135, %lt3A_138 : i32
      %and3A_140 = arith.andi %lt3A_137, %lt3A_139 : i1
      %lt3A_141 = arith.constant 13 : i32
      %lt3A_142 = arith.cmpi slt, %add3A_132, %lt3A_141 : i32
      %eq3A_143 = arith.constant 390 : i32
      %eq3A_144 = arith.cmpi eq, %add3A_135, %eq3A_143 : i32
      %and3A_145 = arith.andi %lt3A_142, %eq3A_144 : i1
      %mul3A_146 = arith.constant 128 : i32
      %mul3A_147 = arith.muli %add3A_135, %mul3A_146 : i32
      %convert_element_type3A_148 = arith.extui %and3A_140 : i1 to i32
      %cond3A_149 = arith.constant 0 : i32
      %cond3A_150 = arith.cmpi ne, %convert_element_type3A_148, %cond3A_149 : i32
      scf.if %cond3A_150 {
        %dma_start3A = arith.constant 0 : i32
        %dma_start3A_165 = tpu.memref_slice %arg2[%mul3A_147, %dma_start3A] : memref<50000x128xf32, #tpu.memory_space<hbm>> -> memref<128x128xf32, #tpu.memory_space<hbm>>
        %dma_start3A_166 = arith.constant 0 : i32
        %dma_start3A_167 = tpu.memref_slice %arg2[%mul3A_147, %dma_start3A_166] : memref<50000x128xf32, #tpu.memory_space<hbm>> -> memref<128x128xf32, #tpu.memory_space<hbm>>
        tpu.enqueue_dma source(%dma_start3A_167 : memref<128x128xf32, #tpu.memory_space<hbm>>) target(%arg7 : memref<128x128xf32, #tpu.memory_space<vmem>>) target_semaphore(%arg13 : memref<!tpu.dma_semaphore, #tpu.memory_space<semaphore_mem>>)
      } else {
      }
      %convert_element_type3A_151 = arith.extui %and3A_145 : i1 to i32
      %cond3A_152 = arith.constant 0 : i32
      %cond3A_153 = arith.cmpi ne, %convert_element_type3A_151, %cond3A_152 : i32
      scf.if %cond3A_153 {
        %dma_start3A = arith.constant 0 : i32
        %dma_start3A_165 = arith.constant 0 : i32
        %dma_start3A_166 = tpu.memref_slice %arg7[%dma_start3A, %dma_start3A_165] : memref<128x128xf32, #tpu.memory_space<vmem>> -> memref<80x128xf32, #tpu.memory_space<vmem>>
        %dma_start3A_167 = arith.constant 49920 : i32
        %dma_start3A_168 = arith.constant 0 : i32
        %dma_start3A_169 = tpu.memref_slice %arg2[%dma_start3A_167, %dma_start3A_168] : memref<50000x128xf32, #tpu.memory_space<hbm>> -> memref<80x128xf32, #tpu.memory_space<hbm>>
        %dma_start3A_170 = arith.constant 0 : i32
        %dma_start3A_171 = arith.constant 0 : i32
        %dma_start3A_172 = tpu.memref_slice %arg7[%dma_start3A_170, %dma_start3A_171] : memref<128x128xf32, #tpu.memory_space<vmem>> -> memref<80x128xf32, #tpu.memory_space<vmem>>
        %dma_start3A_173 = arith.constant 49920 : i32
        %dma_start3A_174 = arith.constant 0 : i32
        %dma_start3A_175 = tpu.memref_slice %arg2[%dma_start3A_173, %dma_start3A_174] : memref<50000x128xf32, #tpu.memory_space<hbm>> -> memref<80x128xf32, #tpu.memory_space<hbm>>
        tpu.enqueue_dma source(%dma_start3A_175 : memref<80x128xf32, #tpu.memory_space<hbm>>) target(%dma_start3A_172 : memref<80x128xf32, #tpu.memory_space<vmem>>) target_semaphore(%arg13 : memref<!tpu.dma_semaphore, #tpu.memory_space<semaphore_mem>>)
      } else {
      }
      %mul3A_154 = arith.constant 13 : i32
      %mul3A_155 = arith.muli %add3A, %mul3A_154 : i32
      %add3A_156 = arith.addi %mul3A_155, %add3A_56 : i32
      %lt3A_157 = arith.constant 13 : i32
      %lt3A_158 = arith.cmpi slt, %add3A_56, %lt3A_157 : i32
      %lt3A_159 = arith.constant 391 : i32
      %lt3A_160 = arith.cmpi slt, %add3A_156, %lt3A_159 : i32
      %and3A_161 = arith.andi %lt3A_158, %lt3A_160 : i1
      %convert_element_type3A_162 = arith.extui %and3A_161 : i1 to i32
      %cond3A_163 = arith.constant 0 : i32
      %cond3A_164 = arith.cmpi ne, %convert_element_type3A_162, %cond3A_163 : i32
      scf.if %cond3A_164 {
        "tpu.region"() ({
          %run_scoped3A = tpu.sem_alloc : memref<!tpu.dma_semaphore, #tpu.memory_space<semaphore_mem>>
          %dma_start3A = arith.constant 0 : i32
          %dma_start3A_165 = tpu.memref_slice %arg9[%add3A_56, %dma_start3A] : memref<13x128xi32, #tpu.memory_space<vmem>> -> memref<1x128xi32, #tpu.memory_space<vmem>>
          %dma_start3A_166 = tpu.memref_squeeze %dma_start3A_165 : memref<1x128xi32, #tpu.memory_space<vmem>> -> memref<128xi32, #tpu.memory_space<vmem>>
          %dma_start3A_167 = arith.constant 0 : i32
          %dma_start3A_168 = arith.constant 0 : i32
          %dma_start3A_169 = tpu.memref_slice %arg12[%dma_start3A_167, %dma_start3A_168] : memref<1025x128xf32, #tpu.memory_space<vmem_shared>> -> memref<1025x128xf32, #tpu.memory_space<vmem_shared>>
          tpu.enqueue_indirect_dma source(%arg8 : memref<128x128xf32, #tpu.memory_space<vmem>>) target(%dma_start3A_169 : memref<1025x128xf32, #tpu.memory_space<vmem_shared>>) offsets(%dma_start3A_166 : memref<128xi32, #tpu.memory_space<vmem>>) semaphore(%run_scoped3A : memref<!tpu.dma_semaphore, #tpu.memory_space<semaphore_mem>>) {add = true}
          %dma_wait3A = arith.constant 0 : i32
          %dma_wait3A_170 = tpu.memref_slice %arg9[%add3A_56, %dma_wait3A] : memref<13x128xi32, #tpu.memory_space<vmem>> -> memref<1x128xi32, #tpu.memory_space<vmem>>
          %dma_wait3A_171 = tpu.memref_squeeze %dma_wait3A_170 : memref<1x128xi32, #tpu.memory_space<vmem>> -> memref<128xi32, #tpu.memory_space<vmem>>
          %dma_wait3A_172 = arith.constant 0 : i32
          %dma_wait3A_173 = arith.constant 0 : i32
          %dma_wait3A_174 = tpu.memref_slice %arg12[%dma_wait3A_172, %dma_wait3A_173] : memref<1025x128xf32, #tpu.memory_space<vmem_shared>> -> memref<1025x128xf32, #tpu.memory_space<vmem_shared>>
          tpu.wait_indirect_dma semaphore(%run_scoped3A : memref<!tpu.dma_semaphore, #tpu.memory_space<semaphore_mem>>) src(%arg8 : memref<128x128xf32, #tpu.memory_space<vmem>>) dst(%dma_wait3A_174 : memref<1025x128xf32, #tpu.memory_space<vmem_shared>>)
          tpu.yield
        }) : () -> ()
      } else {
      }
    }
    %scan3A_40 = arith.constant 7 : i32
    %barrier3A_41 = arith.constant 0 : index
    tpu.barrier barrier_id(%barrier3A_41)
    %mul3A_42 = arith.constant 64 : i32
    %mul3A_43 = arith.muli %arg1, %mul3A_42 : i32
    %mul3A_44 = arith.constant 64 : i32
    %mul3A_45 = arith.muli %arg1, %mul3A_44 : i32
    "tpu.region"() ({
      %run_scoped3A = tpu.sem_alloc : memref<!tpu.dma_semaphore, #tpu.memory_space<semaphore_mem>>
      %dma_start3A = arith.constant 0 : i32
      %dma_start3A_46 = tpu.memref_slice %arg6[%arg0, %mul3A_45, %dma_start3A] : memref<2x1024x128xf32, #tpu.memory_space<hbm>> -> memref<1x64x128xf32, #tpu.memory_space<hbm>>
      %dma_start3A_47 = tpu.memref_squeeze %dma_start3A_46 : memref<1x64x128xf32, #tpu.memory_space<hbm>> -> memref<64x128xf32, #tpu.memory_space<hbm>>
      %dma_start3A_48 = arith.constant 0 : i32
      %dma_start3A_49 = tpu.memref_slice %arg12[%mul3A_43, %dma_start3A_48] : memref<1025x128xf32, #tpu.memory_space<vmem_shared>> -> memref<64x128xf32, #tpu.memory_space<vmem_shared>>
      tpu.enqueue_dma source(%dma_start3A_49 : memref<64x128xf32, #tpu.memory_space<vmem_shared>>) target(%dma_start3A_47 : memref<64x128xf32, #tpu.memory_space<hbm>>) target_semaphore(%run_scoped3A : memref<!tpu.dma_semaphore, #tpu.memory_space<semaphore_mem>>)
      %dma_wait3A = arith.constant 0 : i32
      %dma_wait3A_50 = tpu.memref_slice %arg6[%arg0, %mul3A_45, %dma_wait3A] : memref<2x1024x128xf32, #tpu.memory_space<hbm>> -> memref<1x64x128xf32, #tpu.memory_space<hbm>>
      %dma_wait3A_51 = tpu.memref_squeeze %dma_wait3A_50 : memref<1x64x128xf32, #tpu.memory_space<hbm>> -> memref<64x128xf32, #tpu.memory_space<hbm>>
      %dma_wait3A_52 = arith.constant 0 : i32
      %dma_wait3A_53 = tpu.memref_slice %arg12[%mul3A_43, %dma_wait3A_52] : memref<1025x128xf32, #tpu.memory_space<vmem_shared>> -> memref<64x128xf32, #tpu.memory_space<vmem_shared>>
      tpu.wait_dma2 semaphore(%run_scoped3A : memref<!tpu.dma_semaphore, #tpu.memory_space<semaphore_mem>>) src(%dma_wait3A_53 : memref<64x128xf32, #tpu.memory_space<vmem_shared>>) dst(%dma_wait3A_51 : memref<64x128xf32, #tpu.memory_space<hbm>>)
      tpu.yield
    }) : () -> ()
    return
  }
}

#map = affine_map<(d0, d1) -> (0, 0, 0)>
#map1 = affine_map<(d0, d1) -> (0)>
#map2 = affine_map<(d0, d1) -> (0, 0)>
module attributes {stable_mosaic.version = 14 : i64} {
  func.func @_sc_gather_kernel(%arg0: i32, %arg1: i32, %arg2: memref<2x1024x128xf32, #tpu.memory_space<hbm>>, %arg3: memref<2x1024x128xf32, #tpu.memory_space<hbm>>, %arg4: memref<100000xf32, #tpu.memory_space<hbm>>, %arg5: memref<100000xf32, #tpu.memory_space<hbm>>, %arg6: memref<100000x128xf32, #tpu.memory_space<hbm>>, %arg7: memref<128x128xf32, #tpu.memory_space<vmem>>, %arg8: memref<128x128xf32, #tpu.memory_space<vmem>>, %arg9: memref<128x128xf32, #tpu.memory_space<vmem>>, %arg10: memref<128x128xf32, #tpu.memory_space<vmem>>, %arg11: memref<25x128xi32, #tpu.memory_space<vmem>>, %arg12: memref<3200xf32, #tpu.memory_space<vmem>>, %arg13: memref<3200xf32, #tpu.memory_space<vmem>>, %arg14: memref<64x128xf32, #tpu.memory_space<vmem>>, %arg15: memref<64x128xf32, #tpu.memory_space<vmem>>, %arg16: memref<1025x128xf32, #tpu.memory_space<vmem_shared>>, %arg17: memref<!tpu.dma_semaphore, #tpu.memory_space<semaphore_mem>>, %arg18: memref<!tpu.dma_semaphore, #tpu.memory_space<semaphore_mem>>, %arg19: memref<!tpu.dma_semaphore, #tpu.memory_space<semaphore_mem>>, %arg20: memref<!tpu.dma_semaphore, #tpu.memory_space<semaphore_mem>>, %arg21: memref<!tpu.dma_semaphore, #tpu.memory_space<semaphore_mem>>, %arg22: memref<!tpu.dma_semaphore, #tpu.memory_space<semaphore_mem>>, %arg23: memref<!tpu.dma_semaphore, #tpu.memory_space<semaphore_mem>>, %arg24: memref<!tpu.dma_semaphore, #tpu.memory_space<semaphore_mem>>) attributes {dimension_semantics = [#tpu.dimension_semantics<core_parallel>, #tpu.dimension_semantics<subcore_parallel>], iteration_bounds = array<i64: 2, 16>, scalar_prefetch = 0 : i64, scratch_operands = 18 : i64, tpu.core_type = #tpu.core_type<sc_vector_subcore>, window_params = [{transform_indices = #map}, {transform_indices = #map}, {transform_indices = #map1}, {transform_indices = #map1}, {transform_indices = #map2}]} {
    %mul3A = arith.constant 16 : i32
    %mul3A_0 = arith.muli %arg0, %mul3A : i32
    %add3A = arith.addi %mul3A_0, %arg1 : i32
    %mul3A_1 = arith.constant 64 : i32
    %mul3A_2 = arith.muli %arg1, %mul3A_1 : i32
    %run_scoped3A = arith.constant 0 : i32
    "tpu.region"() ({
      %run_scoped3A_87 = tpu.sem_alloc : memref<!tpu.dma_semaphore, #tpu.memory_space<semaphore_mem>>
      %dma_start3A = arith.constant 0 : i32
      %dma_start3A_88 = tpu.memref_slice %arg2[%run_scoped3A, %mul3A_2, %dma_start3A] : memref<2x1024x128xf32, #tpu.memory_space<hbm>> -> memref<1x64x128xf32, #tpu.memory_space<hbm>>
      %dma_start3A_89 = tpu.memref_squeeze %dma_start3A_88 : memref<1x64x128xf32, #tpu.memory_space<hbm>> -> memref<64x128xf32, #tpu.memory_space<hbm>>
      %dma_start3A_90 = arith.constant 0 : i32
      %dma_start3A_91 = tpu.memref_slice %arg2[%run_scoped3A, %mul3A_2, %dma_start3A_90] : memref<2x1024x128xf32, #tpu.memory_space<hbm>> -> memref<1x64x128xf32, #tpu.memory_space<hbm>>
      %dma_start3A_92 = tpu.memref_squeeze %dma_start3A_91 : memref<1x64x128xf32, #tpu.memory_space<hbm>> -> memref<64x128xf32, #tpu.memory_space<hbm>>
      tpu.enqueue_dma source(%dma_start3A_92 : memref<64x128xf32, #tpu.memory_space<hbm>>) target(%arg14 : memref<64x128xf32, #tpu.memory_space<vmem>>) target_semaphore(%run_scoped3A_87 : memref<!tpu.dma_semaphore, #tpu.memory_space<semaphore_mem>>)
      %dma_wait3A = arith.constant 0 : i32
      %dma_wait3A_93 = tpu.memref_slice %arg2[%run_scoped3A, %mul3A_2, %dma_wait3A] : memref<2x1024x128xf32, #tpu.memory_space<hbm>> -> memref<1x64x128xf32, #tpu.memory_space<hbm>>
      %dma_wait3A_94 = tpu.memref_squeeze %dma_wait3A_93 : memref<1x64x128xf32, #tpu.memory_space<hbm>> -> memref<64x128xf32, #tpu.memory_space<hbm>>
      %dma_wait3A_95 = arith.constant 0 : i32
      %dma_wait3A_96 = tpu.memref_slice %arg2[%run_scoped3A, %mul3A_2, %dma_wait3A_95] : memref<2x1024x128xf32, #tpu.memory_space<hbm>> -> memref<1x64x128xf32, #tpu.memory_space<hbm>>
      %dma_wait3A_97 = tpu.memref_squeeze %dma_wait3A_96 : memref<1x64x128xf32, #tpu.memory_space<hbm>> -> memref<64x128xf32, #tpu.memory_space<hbm>>
      tpu.wait_dma2 semaphore(%run_scoped3A_87 : memref<!tpu.dma_semaphore, #tpu.memory_space<semaphore_mem>>) src(%dma_wait3A_97 : memref<64x128xf32, #tpu.memory_space<hbm>>) dst(%arg14 : memref<64x128xf32, #tpu.memory_space<vmem>>)
      tpu.yield
    }) : () -> ()
    %run_scoped3A_3 = arith.constant 1 : i32
    "tpu.region"() ({
      %run_scoped3A_87 = tpu.sem_alloc : memref<!tpu.dma_semaphore, #tpu.memory_space<semaphore_mem>>
      %dma_start3A = arith.constant 0 : i32
      %dma_start3A_88 = tpu.memref_slice %arg2[%run_scoped3A_3, %mul3A_2, %dma_start3A] : memref<2x1024x128xf32, #tpu.memory_space<hbm>> -> memref<1x64x128xf32, #tpu.memory_space<hbm>>
      %dma_start3A_89 = tpu.memref_squeeze %dma_start3A_88 : memref<1x64x128xf32, #tpu.memory_space<hbm>> -> memref<64x128xf32, #tpu.memory_space<hbm>>
      %dma_start3A_90 = arith.constant 0 : i32
      %dma_start3A_91 = tpu.memref_slice %arg2[%run_scoped3A_3, %mul3A_2, %dma_start3A_90] : memref<2x1024x128xf32, #tpu.memory_space<hbm>> -> memref<1x64x128xf32, #tpu.memory_space<hbm>>
      %dma_start3A_92 = tpu.memref_squeeze %dma_start3A_91 : memref<1x64x128xf32, #tpu.memory_space<hbm>> -> memref<64x128xf32, #tpu.memory_space<hbm>>
      tpu.enqueue_dma source(%dma_start3A_92 : memref<64x128xf32, #tpu.memory_space<hbm>>) target(%arg15 : memref<64x128xf32, #tpu.memory_space<vmem>>) target_semaphore(%run_scoped3A_87 : memref<!tpu.dma_semaphore, #tpu.memory_space<semaphore_mem>>)
      %dma_wait3A = arith.constant 0 : i32
      %dma_wait3A_93 = tpu.memref_slice %arg2[%run_scoped3A_3, %mul3A_2, %dma_wait3A] : memref<2x1024x128xf32, #tpu.memory_space<hbm>> -> memref<1x64x128xf32, #tpu.memory_space<hbm>>
      %dma_wait3A_94 = tpu.memref_squeeze %dma_wait3A_93 : memref<1x64x128xf32, #tpu.memory_space<hbm>> -> memref<64x128xf32, #tpu.memory_space<hbm>>
      %dma_wait3A_95 = arith.constant 0 : i32
      %dma_wait3A_96 = tpu.memref_slice %arg2[%run_scoped3A_3, %mul3A_2, %dma_wait3A_95] : memref<2x1024x128xf32, #tpu.memory_space<hbm>> -> memref<1x64x128xf32, #tpu.memory_space<hbm>>
      %dma_wait3A_97 = tpu.memref_squeeze %dma_wait3A_96 : memref<1x64x128xf32, #tpu.memory_space<hbm>> -> memref<64x128xf32, #tpu.memory_space<hbm>>
      tpu.wait_dma2 semaphore(%run_scoped3A_87 : memref<!tpu.dma_semaphore, #tpu.memory_space<semaphore_mem>>) src(%dma_wait3A_97 : memref<64x128xf32, #tpu.memory_space<hbm>>) dst(%arg15 : memref<64x128xf32, #tpu.memory_space<vmem>>)
      tpu.yield
    }) : () -> ()
    %scan3A = arith.constant 0 : i32
    %scan3A_4 = arith.constant 64 : i32
    %scan3A_5 = arith.addi %scan3A, %scan3A_4 : i32
    %scan3A_6 = arith.constant 1 : i32
    scf.for %scan3A_87 = %scan3A to %scan3A_5 step %scan3A_6  : i32 {
      %mul3A_88 = arith.constant 1 : i32
      %mul3A_89 = arith.muli %scan3A_87, %mul3A_88 : i32
      %add3A_90 = arith.constant 0 : i32
      %add3A_91 = arith.addi %add3A_90, %mul3A_89 : i32
      %get3A = arith.index_cast %add3A_91 : i32 to index
      %get3A_92 = arith.constant 0 : index
      %get3A_93 = tpu.vector_load %arg14[%get3A, %get3A_92] {strides = array<i32>} : memref<64x128xf32, #tpu.memory_space<vmem>>, vector<1x16xf32>,
      %get3A_94 = vector.shape_cast %get3A_93 : vector<1x16xf32> to vector<16xf32>
      %get3A_95 = arith.index_cast %add3A_91 : i32 to index
      %get3A_96 = arith.constant 0 : index
      %get3A_97 = tpu.vector_load %arg15[%get3A_95, %get3A_96] {strides = array<i32>} : memref<64x128xf32, #tpu.memory_space<vmem>>, vector<1x16xf32>,
      %get3A_98 = vector.shape_cast %get3A_97 : vector<1x16xf32> to vector<16xf32>
      %add3A_99 = arith.addf %get3A_94, %get3A_98 : vector<16xf32>
      %swap3A = arith.index_cast %add3A_91 : i32 to index
      %swap3A_100 = arith.constant 0 : index
      %swap3A_101 = tpu.vector_load %arg14[%swap3A, %swap3A_100] {strides = array<i32>} : memref<64x128xf32, #tpu.memory_space<vmem>>, vector<1x16xf32>,
      %swap3A_102 = vector.shape_cast %swap3A_101 : vector<1x16xf32> to vector<16xf32>
      %swap3A_103 = vector.shape_cast %add3A_99 : vector<16xf32> to vector<1x16xf32>
      tpu.vector_store %arg14[%swap3A, %swap3A_100], %swap3A_103 {strides = array<i32>} : memref<64x128xf32, #tpu.memory_space<vmem>>, vector<1x16xf32>,
      %get3A_104 = arith.index_cast %add3A_91 : i32 to index
      %get3A_105 = arith.constant 16 : index
      %get3A_106 = tpu.vector_load %arg14[%get3A_104, %get3A_105] {strides = array<i32>} : memref<64x128xf32, #tpu.memory_space<vmem>>, vector<1x16xf32>,
      %get3A_107 = vector.shape_cast %get3A_106 : vector<1x16xf32> to vector<16xf32>
      %get3A_108 = arith.index_cast %add3A_91 : i32 to index
      %get3A_109 = arith.constant 16 : index
      %get3A_110 = tpu.vector_load %arg15[%get3A_108, %get3A_109] {strides = array<i32>} : memref<64x128xf32, #tpu.memory_space<vmem>>, vector<1x16xf32>,
      %get3A_111 = vector.shape_cast %get3A_110 : vector<1x16xf32> to vector<16xf32>
      %add3A_112 = arith.addf %get3A_107, %get3A_111 : vector<16xf32>
      %swap3A_113 = arith.index_cast %add3A_91 : i32 to index
      %swap3A_114 = arith.constant 16 : index
      %swap3A_115 = tpu.vector_load %arg14[%swap3A_113, %swap3A_114] {strides = array<i32>} : memref<64x128xf32, #tpu.memory_space<vmem>>, vector<1x16xf32>,
      %swap3A_116 = vector.shape_cast %swap3A_115 : vector<1x16xf32> to vector<16xf32>
      %swap3A_117 = vector.shape_cast %add3A_112 : vector<16xf32> to vector<1x16xf32>
      tpu.vector_store %arg14[%swap3A_113, %swap3A_114], %swap3A_117 {strides = array<i32>} : memref<64x128xf32, #tpu.memory_space<vmem>>, vector<1x16xf32>,
      %get3A_118 = arith.index_cast %add3A_91 : i32 to index
      %get3A_119 = arith.constant 32 : index
      %get3A_120 = tpu.vector_load %arg14[%get3A_118, %get3A_119] {strides = array<i32>} : memref<64x128xf32, #tpu.memory_space<vmem>>, vector<1x16xf32>,
      %get3A_121 = vector.shape_cast %get3A_120 : vector<1x16xf32> to vector<16xf32>
      %get3A_122 = arith.index_cast %add3A_91 : i32 to index
      %get3A_123 = arith.constant 32 : index
      %get3A_124 = tpu.vector_load %arg15[%get3A_122, %get3A_123] {strides = array<i32>} : memref<64x128xf32, #tpu.memory_space<vmem>>, vector<1x16xf32>,
      %get3A_125 = vector.shape_cast %get3A_124 : vector<1x16xf32> to vector<16xf32>
      %add3A_126 = arith.addf %get3A_121, %get3A_125 : vector<16xf32>
      %swap3A_127 = arith.index_cast %add3A_91 : i32 to index
      %swap3A_128 = arith.constant 32 : index
      %swap3A_129 = tpu.vector_load %arg14[%swap3A_127, %swap3A_128] {strides = array<i32>} : memref<64x128xf32, #tpu.memory_space<vmem>>, vector<1x16xf32>,
      %swap3A_130 = vector.shape_cast %swap3A_129 : vector<1x16xf32> to vector<16xf32>
      %swap3A_131 = vector.shape_cast %add3A_126 : vector<16xf32> to vector<1x16xf32>
      tpu.vector_store %arg14[%swap3A_127, %swap3A_128], %swap3A_131 {strides = array<i32>} : memref<64x128xf32, #tpu.memory_space<vmem>>, vector<1x16xf32>,
      %get3A_132 = arith.index_cast %add3A_91 : i32 to index
      %get3A_133 = arith.constant 48 : index
      %get3A_134 = tpu.vector_load %arg14[%get3A_132, %get3A_133] {strides = array<i32>} : memref<64x128xf32, #tpu.memory_space<vmem>>, vector<1x16xf32>,
      %get3A_135 = vector.shape_cast %get3A_134 : vector<1x16xf32> to vector<16xf32>
      %get3A_136 = arith.index_cast %add3A_91 : i32 to index
      %get3A_137 = arith.constant 48 : index
      %get3A_138 = tpu.vector_load %arg15[%get3A_136, %get3A_137] {strides = array<i32>} : memref<64x128xf32, #tpu.memory_space<vmem>>, vector<1x16xf32>,
      %get3A_139 = vector.shape_cast %get3A_138 : vector<1x16xf32> to vector<16xf32>
      %add3A_140 = arith.addf %get3A_135, %get3A_139 : vector<16xf32>
      %swap3A_141 = arith.index_cast %add3A_91 : i32 to index
      %swap3A_142 = arith.constant 48 : index
      %swap3A_143 = tpu.vector_load %arg14[%swap3A_141, %swap3A_142] {strides = array<i32>} : memref<64x128xf32, #tpu.memory_space<vmem>>, vector<1x16xf32>,
      %swap3A_144 = vector.shape_cast %swap3A_143 : vector<1x16xf32> to vector<16xf32>
      %swap3A_145 = vector.shape_cast %add3A_140 : vector<16xf32> to vector<1x16xf32>
      tpu.vector_store %arg14[%swap3A_141, %swap3A_142], %swap3A_145 {strides = array<i32>} : memref<64x128xf32, #tpu.memory_space<vmem>>, vector<1x16xf32>,
      %get3A_146 = arith.index_cast %add3A_91 : i32 to index
      %get3A_147 = arith.constant 64 : index
      %get3A_148 = tpu.vector_load %arg14[%get3A_146, %get3A_147] {strides = array<i32>} : memref<64x128xf32, #tpu.memory_space<vmem>>, vector<1x16xf32>,
      %get3A_149 = vector.shape_cast %get3A_148 : vector<1x16xf32> to vector<16xf32>
      %get3A_150 = arith.index_cast %add3A_91 : i32 to index
      %get3A_151 = arith.constant 64 : index
      %get3A_152 = tpu.vector_load %arg15[%get3A_150, %get3A_151] {strides = array<i32>} : memref<64x128xf32, #tpu.memory_space<vmem>>, vector<1x16xf32>,
      %get3A_153 = vector.shape_cast %get3A_152 : vector<1x16xf32> to vector<16xf32>
      %add3A_154 = arith.addf %get3A_149, %get3A_153 : vector<16xf32>
      %swap3A_155 = arith.index_cast %add3A_91 : i32 to index
      %swap3A_156 = arith.constant 64 : index
      %swap3A_157 = tpu.vector_load %arg14[%swap3A_155, %swap3A_156] {strides = array<i32>} : memref<64x128xf32, #tpu.memory_space<vmem>>, vector<1x16xf32>,
      %swap3A_158 = vector.shape_cast %swap3A_157 : vector<1x16xf32> to vector<16xf32>
      %swap3A_159 = vector.shape_cast %add3A_154 : vector<16xf32> to vector<1x16xf32>
      tpu.vector_store %arg14[%swap3A_155, %swap3A_156], %swap3A_159 {strides = array<i32>} : memref<64x128xf32, #tpu.memory_space<vmem>>, vector<1x16xf32>,
      %get3A_160 = arith.index_cast %add3A_91 : i32 to index
      %get3A_161 = arith.constant 80 : index
      %get3A_162 = tpu.vector_load %arg14[%get3A_160, %get3A_161] {strides = array<i32>} : memref<64x128xf32, #tpu.memory_space<vmem>>, vector<1x16xf32>,
      %get3A_163 = vector.shape_cast %get3A_162 : vector<1x16xf32> to vector<16xf32>
      %get3A_164 = arith.index_cast %add3A_91 : i32 to index
      %get3A_165 = arith.constant 80 : index
      %get3A_166 = tpu.vector_load %arg15[%get3A_164, %get3A_165] {strides = array<i32>} : memref<64x128xf32, #tpu.memory_space<vmem>>, vector<1x16xf32>,
      %get3A_167 = vector.shape_cast %get3A_166 : vector<1x16xf32> to vector<16xf32>
      %add3A_168 = arith.addf %get3A_163, %get3A_167 : vector<16xf32>
      %swap3A_169 = arith.index_cast %add3A_91 : i32 to index
      %swap3A_170 = arith.constant 80 : index
      %swap3A_171 = tpu.vector_load %arg14[%swap3A_169, %swap3A_170] {strides = array<i32>} : memref<64x128xf32, #tpu.memory_space<vmem>>, vector<1x16xf32>,
      %swap3A_172 = vector.shape_cast %swap3A_171 : vector<1x16xf32> to vector<16xf32>
      %swap3A_173 = vector.shape_cast %add3A_168 : vector<16xf32> to vector<1x16xf32>
      tpu.vector_store %arg14[%swap3A_169, %swap3A_170], %swap3A_173 {strides = array<i32>} : memref<64x128xf32, #tpu.memory_space<vmem>>, vector<1x16xf32>,
      %get3A_174 = arith.index_cast %add3A_91 : i32 to index
      %get3A_175 = arith.constant 96 : index
      %get3A_176 = tpu.vector_load %arg14[%get3A_174, %get3A_175] {strides = array<i32>} : memref<64x128xf32, #tpu.memory_space<vmem>>, vector<1x16xf32>,
      %get3A_177 = vector.shape_cast %get3A_176 : vector<1x16xf32> to vector<16xf32>
      %get3A_178 = arith.index_cast %add3A_91 : i32 to index
      %get3A_179 = arith.constant 96 : index
      %get3A_180 = tpu.vector_load %arg15[%get3A_178, %get3A_179] {strides = array<i32>} : memref<64x128xf32, #tpu.memory_space<vmem>>, vector<1x16xf32>,
      %get3A_181 = vector.shape_cast %get3A_180 : vector<1x16xf32> to vector<16xf32>
      %add3A_182 = arith.addf %get3A_177, %get3A_181 : vector<16xf32>
      %swap3A_183 = arith.index_cast %add3A_91 : i32 to index
      %swap3A_184 = arith.constant 96 : index
      %swap3A_185 = tpu.vector_load %arg14[%swap3A_183, %swap3A_184] {strides = array<i32>} : memref<64x128xf32, #tpu.memory_space<vmem>>, vector<1x16xf32>,
      %swap3A_186 = vector.shape_cast %swap3A_185 : vector<1x16xf32> to vector<16xf32>
      %swap3A_187 = vector.shape_cast %add3A_182 : vector<16xf32> to vector<1x16xf32>
      tpu.vector_store %arg14[%swap3A_183, %swap3A_184], %swap3A_187 {strides = array<i32>} : memref<64x128xf32, #tpu.memory_space<vmem>>, vector<1x16xf32>,
      %get3A_188 = arith.index_cast %add3A_91 : i32 to index
      %get3A_189 = arith.constant 112 : index
      %get3A_190 = tpu.vector_load %arg14[%get3A_188, %get3A_189] {strides = array<i32>} : memref<64x128xf32, #tpu.memory_space<vmem>>, vector<1x16xf32>,
      %get3A_191 = vector.shape_cast %get3A_190 : vector<1x16xf32> to vector<16xf32>
      %get3A_192 = arith.index_cast %add3A_91 : i32 to index
      %get3A_193 = arith.constant 112 : index
      %get3A_194 = tpu.vector_load %arg15[%get3A_192, %get3A_193] {strides = array<i32>} : memref<64x128xf32, #tpu.memory_space<vmem>>, vector<1x16xf32>,
      %get3A_195 = vector.shape_cast %get3A_194 : vector<1x16xf32> to vector<16xf32>
      %add3A_196 = arith.addf %get3A_191, %get3A_195 : vector<16xf32>
      %swap3A_197 = arith.index_cast %add3A_91 : i32 to index
      %swap3A_198 = arith.constant 112 : index
      %swap3A_199 = tpu.vector_load %arg14[%swap3A_197, %swap3A_198] {strides = array<i32>} : memref<64x128xf32, #tpu.memory_space<vmem>>, vector<1x16xf32>,
      %swap3A_200 = vector.shape_cast %swap3A_199 : vector<1x16xf32> to vector<16xf32>
      %swap3A_201 = vector.shape_cast %add3A_196 : vector<16xf32> to vector<1x16xf32>
      tpu.vector_store %arg14[%swap3A_197, %swap3A_198], %swap3A_201 {strides = array<i32>} : memref<64x128xf32, #tpu.memory_space<vmem>>, vector<1x16xf32>,
    }
    %scan3A_7 = arith.constant 64 : i32
    %run_scoped3A_8 = arith.constant 0 : i32
    "tpu.region"() ({
      %run_scoped3A_87 = tpu.sem_alloc : memref<!tpu.dma_semaphore, #tpu.memory_space<semaphore_mem>>
      %dma_start3A = arith.constant 0 : i32
      %dma_start3A_88 = tpu.memref_slice %arg3[%run_scoped3A_8, %mul3A_2, %dma_start3A] : memref<2x1024x128xf32, #tpu.memory_space<hbm>> -> memref<1x64x128xf32, #tpu.memory_space<hbm>>
      %dma_start3A_89 = tpu.memref_squeeze %dma_start3A_88 : memref<1x64x128xf32, #tpu.memory_space<hbm>> -> memref<64x128xf32, #tpu.memory_space<hbm>>
      %dma_start3A_90 = arith.constant 0 : i32
      %dma_start3A_91 = tpu.memref_slice %arg3[%run_scoped3A_8, %mul3A_2, %dma_start3A_90] : memref<2x1024x128xf32, #tpu.memory_space<hbm>> -> memref<1x64x128xf32, #tpu.memory_space<hbm>>
      %dma_start3A_92 = tpu.memref_squeeze %dma_start3A_91 : memref<1x64x128xf32, #tpu.memory_space<hbm>> -> memref<64x128xf32, #tpu.memory_space<hbm>>
      tpu.enqueue_dma source(%dma_start3A_92 : memref<64x128xf32, #tpu.memory_space<hbm>>) target(%arg15 : memref<64x128xf32, #tpu.memory_space<vmem>>) target_semaphore(%run_scoped3A_87 : memref<!tpu.dma_semaphore, #tpu.memory_space<semaphore_mem>>)
      %dma_wait3A = arith.constant 0 : i32
      %dma_wait3A_93 = tpu.memref_slice %arg3[%run_scoped3A_8, %mul3A_2, %dma_wait3A] : memref<2x1024x128xf32, #tpu.memory_space<hbm>> -> memref<1x64x128xf32, #tpu.memory_space<hbm>>
      %dma_wait3A_94 = tpu.memref_squeeze %dma_wait3A_93 : memref<1x64x128xf32, #tpu.memory_space<hbm>> -> memref<64x128xf32, #tpu.memory_space<hbm>>
      %dma_wait3A_95 = arith.constant 0 : i32
      %dma_wait3A_96 = tpu.memref_slice %arg3[%run_scoped3A_8, %mul3A_2, %dma_wait3A_95] : memref<2x1024x128xf32, #tpu.memory_space<hbm>> -> memref<1x64x128xf32, #tpu.memory_space<hbm>>
      %dma_wait3A_97 = tpu.memref_squeeze %dma_wait3A_96 : memref<1x64x128xf32, #tpu.memory_space<hbm>> -> memref<64x128xf32, #tpu.memory_space<hbm>>
      tpu.wait_dma2 semaphore(%run_scoped3A_87 : memref<!tpu.dma_semaphore, #tpu.memory_space<semaphore_mem>>) src(%dma_wait3A_97 : memref<64x128xf32, #tpu.memory_space<hbm>>) dst(%arg15 : memref<64x128xf32, #tpu.memory_space<vmem>>)
      tpu.yield
    }) : () -> ()
    %scan3A_9 = arith.constant 0 : i32
    %scan3A_10 = arith.constant 64 : i32
    %scan3A_11 = arith.addi %scan3A_9, %scan3A_10 : i32
    %scan3A_12 = arith.constant 1 : i32
    scf.for %scan3A_87 = %scan3A_9 to %scan3A_11 step %scan3A_12  : i32 {
      %mul3A_88 = arith.constant 1 : i32
      %mul3A_89 = arith.muli %scan3A_87, %mul3A_88 : i32
      %add3A_90 = arith.constant 0 : i32
      %add3A_91 = arith.addi %add3A_90, %mul3A_89 : i32
      %get3A = arith.index_cast %add3A_91 : i32 to index
      %get3A_92 = arith.constant 0 : index
      %get3A_93 = tpu.vector_load %arg14[%get3A, %get3A_92] {strides = array<i32>} : memref<64x128xf32, #tpu.memory_space<vmem>>, vector<1x16xf32>,
      %get3A_94 = vector.shape_cast %get3A_93 : vector<1x16xf32> to vector<16xf32>
      %get3A_95 = arith.index_cast %add3A_91 : i32 to index
      %get3A_96 = arith.constant 0 : index
      %get3A_97 = tpu.vector_load %arg15[%get3A_95, %get3A_96] {strides = array<i32>} : memref<64x128xf32, #tpu.memory_space<vmem>>, vector<1x16xf32>,
      %get3A_98 = vector.shape_cast %get3A_97 : vector<1x16xf32> to vector<16xf32>
      %add3A_99 = arith.addf %get3A_94, %get3A_98 : vector<16xf32>
      %swap3A = arith.index_cast %add3A_91 : i32 to index
      %swap3A_100 = arith.constant 0 : index
      %swap3A_101 = tpu.vector_load %arg14[%swap3A, %swap3A_100] {strides = array<i32>} : memref<64x128xf32, #tpu.memory_space<vmem>>, vector<1x16xf32>,
      %swap3A_102 = vector.shape_cast %swap3A_101 : vector<1x16xf32> to vector<16xf32>
      %swap3A_103 = vector.shape_cast %add3A_99 : vector<16xf32> to vector<1x16xf32>
      tpu.vector_store %arg14[%swap3A, %swap3A_100], %swap3A_103 {strides = array<i32>} : memref<64x128xf32, #tpu.memory_space<vmem>>, vector<1x16xf32>,
      %get3A_104 = arith.index_cast %add3A_91 : i32 to index
      %get3A_105 = arith.constant 16 : index
      %get3A_106 = tpu.vector_load %arg14[%get3A_104, %get3A_105] {strides = array<i32>} : memref<64x128xf32, #tpu.memory_space<vmem>>, vector<1x16xf32>,
      %get3A_107 = vector.shape_cast %get3A_106 : vector<1x16xf32> to vector<16xf32>
      %get3A_108 = arith.index_cast %add3A_91 : i32 to index
      %get3A_109 = arith.constant 16 : index
      %get3A_110 = tpu.vector_load %arg15[%get3A_108, %get3A_109] {strides = array<i32>} : memref<64x128xf32, #tpu.memory_space<vmem>>, vector<1x16xf32>,
      %get3A_111 = vector.shape_cast %get3A_110 : vector<1x16xf32> to vector<16xf32>
      %add3A_112 = arith.addf %get3A_107, %get3A_111 : vector<16xf32>
      %swap3A_113 = arith.index_cast %add3A_91 : i32 to index
      %swap3A_114 = arith.constant 16 : index
      %swap3A_115 = tpu.vector_load %arg14[%swap3A_113, %swap3A_114] {strides = array<i32>} : memref<64x128xf32, #tpu.memory_space<vmem>>, vector<1x16xf32>,
      %swap3A_116 = vector.shape_cast %swap3A_115 : vector<1x16xf32> to vector<16xf32>
      %swap3A_117 = vector.shape_cast %add3A_112 : vector<16xf32> to vector<1x16xf32>
      tpu.vector_store %arg14[%swap3A_113, %swap3A_114], %swap3A_117 {strides = array<i32>} : memref<64x128xf32, #tpu.memory_space<vmem>>, vector<1x16xf32>,
      %get3A_118 = arith.index_cast %add3A_91 : i32 to index
      %get3A_119 = arith.constant 32 : index
      %get3A_120 = tpu.vector_load %arg14[%get3A_118, %get3A_119] {strides = array<i32>} : memref<64x128xf32, #tpu.memory_space<vmem>>, vector<1x16xf32>,
      %get3A_121 = vector.shape_cast %get3A_120 : vector<1x16xf32> to vector<16xf32>
      %get3A_122 = arith.index_cast %add3A_91 : i32 to index
      %get3A_123 = arith.constant 32 : index
      %get3A_124 = tpu.vector_load %arg15[%get3A_122, %get3A_123] {strides = array<i32>} : memref<64x128xf32, #tpu.memory_space<vmem>>, vector<1x16xf32>,
      %get3A_125 = vector.shape_cast %get3A_124 : vector<1x16xf32> to vector<16xf32>
      %add3A_126 = arith.addf %get3A_121, %get3A_125 : vector<16xf32>
      %swap3A_127 = arith.index_cast %add3A_91 : i32 to index
      %swap3A_128 = arith.constant 32 : index
      %swap3A_129 = tpu.vector_load %arg14[%swap3A_127, %swap3A_128] {strides = array<i32>} : memref<64x128xf32, #tpu.memory_space<vmem>>, vector<1x16xf32>,
      %swap3A_130 = vector.shape_cast %swap3A_129 : vector<1x16xf32> to vector<16xf32>
      %swap3A_131 = vector.shape_cast %add3A_126 : vector<16xf32> to vector<1x16xf32>
      tpu.vector_store %arg14[%swap3A_127, %swap3A_128], %swap3A_131 {strides = array<i32>} : memref<64x128xf32, #tpu.memory_space<vmem>>, vector<1x16xf32>,
      %get3A_132 = arith.index_cast %add3A_91 : i32 to index
      %get3A_133 = arith.constant 48 : index
      %get3A_134 = tpu.vector_load %arg14[%get3A_132, %get3A_133] {strides = array<i32>} : memref<64x128xf32, #tpu.memory_space<vmem>>, vector<1x16xf32>,
      %get3A_135 = vector.shape_cast %get3A_134 : vector<1x16xf32> to vector<16xf32>
      %get3A_136 = arith.index_cast %add3A_91 : i32 to index
      %get3A_137 = arith.constant 48 : index
      %get3A_138 = tpu.vector_load %arg15[%get3A_136, %get3A_137] {strides = array<i32>} : memref<64x128xf32, #tpu.memory_space<vmem>>, vector<1x16xf32>,
      %get3A_139 = vector.shape_cast %get3A_138 : vector<1x16xf32> to vector<16xf32>
      %add3A_140 = arith.addf %get3A_135, %get3A_139 : vector<16xf32>
      %swap3A_141 = arith.index_cast %add3A_91 : i32 to index
      %swap3A_142 = arith.constant 48 : index
      %swap3A_143 = tpu.vector_load %arg14[%swap3A_141, %swap3A_142] {strides = array<i32>} : memref<64x128xf32, #tpu.memory_space<vmem>>, vector<1x16xf32>,
      %swap3A_144 = vector.shape_cast %swap3A_143 : vector<1x16xf32> to vector<16xf32>
      %swap3A_145 = vector.shape_cast %add3A_140 : vector<16xf32> to vector<1x16xf32>
      tpu.vector_store %arg14[%swap3A_141, %swap3A_142], %swap3A_145 {strides = array<i32>} : memref<64x128xf32, #tpu.memory_space<vmem>>, vector<1x16xf32>,
      %get3A_146 = arith.index_cast %add3A_91 : i32 to index
      %get3A_147 = arith.constant 64 : index
      %get3A_148 = tpu.vector_load %arg14[%get3A_146, %get3A_147] {strides = array<i32>} : memref<64x128xf32, #tpu.memory_space<vmem>>, vector<1x16xf32>,
      %get3A_149 = vector.shape_cast %get3A_148 : vector<1x16xf32> to vector<16xf32>
      %get3A_150 = arith.index_cast %add3A_91 : i32 to index
      %get3A_151 = arith.constant 64 : index
      %get3A_152 = tpu.vector_load %arg15[%get3A_150, %get3A_151] {strides = array<i32>} : memref<64x128xf32, #tpu.memory_space<vmem>>, vector<1x16xf32>,
      %get3A_153 = vector.shape_cast %get3A_152 : vector<1x16xf32> to vector<16xf32>
      %add3A_154 = arith.addf %get3A_149, %get3A_153 : vector<16xf32>
      %swap3A_155 = arith.index_cast %add3A_91 : i32 to index
      %swap3A_156 = arith.constant 64 : index
      %swap3A_157 = tpu.vector_load %arg14[%swap3A_155, %swap3A_156] {strides = array<i32>} : memref<64x128xf32, #tpu.memory_space<vmem>>, vector<1x16xf32>,
      %swap3A_158 = vector.shape_cast %swap3A_157 : vector<1x16xf32> to vector<16xf32>
      %swap3A_159 = vector.shape_cast %add3A_154 : vector<16xf32> to vector<1x16xf32>
      tpu.vector_store %arg14[%swap3A_155, %swap3A_156], %swap3A_159 {strides = array<i32>} : memref<64x128xf32, #tpu.memory_space<vmem>>, vector<1x16xf32>,
      %get3A_160 = arith.index_cast %add3A_91 : i32 to index
      %get3A_161 = arith.constant 80 : index
      %get3A_162 = tpu.vector_load %arg14[%get3A_160, %get3A_161] {strides = array<i32>} : memref<64x128xf32, #tpu.memory_space<vmem>>, vector<1x16xf32>,
      %get3A_163 = vector.shape_cast %get3A_162 : vector<1x16xf32> to vector<16xf32>
      %get3A_164 = arith.index_cast %add3A_91 : i32 to index
      %get3A_165 = arith.constant 80 : index
      %get3A_166 = tpu.vector_load %arg15[%get3A_164, %get3A_165] {strides = array<i32>} : memref<64x128xf32, #tpu.memory_space<vmem>>, vector<1x16xf32>,
      %get3A_167 = vector.shape_cast %get3A_166 : vector<1x16xf32> to vector<16xf32>
      %add3A_168 = arith.addf %get3A_163, %get3A_167 : vector<16xf32>
      %swap3A_169 = arith.index_cast %add3A_91 : i32 to index
      %swap3A_170 = arith.constant 80 : index
      %swap3A_171 = tpu.vector_load %arg14[%swap3A_169, %swap3A_170] {strides = array<i32>} : memref<64x128xf32, #tpu.memory_space<vmem>>, vector<1x16xf32>,
      %swap3A_172 = vector.shape_cast %swap3A_171 : vector<1x16xf32> to vector<16xf32>
      %swap3A_173 = vector.shape_cast %add3A_168 : vector<16xf32> to vector<1x16xf32>
      tpu.vector_store %arg14[%swap3A_169, %swap3A_170], %swap3A_173 {strides = array<i32>} : memref<64x128xf32, #tpu.memory_space<vmem>>, vector<1x16xf32>,
      %get3A_174 = arith.index_cast %add3A_91 : i32 to index
      %get3A_175 = arith.constant 96 : index
      %get3A_176 = tpu.vector_load %arg14[%get3A_174, %get3A_175] {strides = array<i32>} : memref<64x128xf32, #tpu.memory_space<vmem>>, vector<1x16xf32>,
      %get3A_177 = vector.shape_cast %get3A_176 : vector<1x16xf32> to vector<16xf32>
      %get3A_178 = arith.index_cast %add3A_91 : i32 to index
      %get3A_179 = arith.constant 96 : index
      %get3A_180 = tpu.vector_load %arg15[%get3A_178, %get3A_179] {strides = array<i32>} : memref<64x128xf32, #tpu.memory_space<vmem>>, vector<1x16xf32>,
      %get3A_181 = vector.shape_cast %get3A_180 : vector<1x16xf32> to vector<16xf32>
      %add3A_182 = arith.addf %get3A_177, %get3A_181 : vector<16xf32>
      %swap3A_183 = arith.index_cast %add3A_91 : i32 to index
      %swap3A_184 = arith.constant 96 : index
      %swap3A_185 = tpu.vector_load %arg14[%swap3A_183, %swap3A_184] {strides = array<i32>} : memref<64x128xf32, #tpu.memory_space<vmem>>, vector<1x16xf32>,
      %swap3A_186 = vector.shape_cast %swap3A_185 : vector<1x16xf32> to vector<16xf32>
      %swap3A_187 = vector.shape_cast %add3A_182 : vector<16xf32> to vector<1x16xf32>
      tpu.vector_store %arg14[%swap3A_183, %swap3A_184], %swap3A_187 {strides = array<i32>} : memref<64x128xf32, #tpu.memory_space<vmem>>, vector<1x16xf32>,
      %get3A_188 = arith.index_cast %add3A_91 : i32 to index
      %get3A_189 = arith.constant 112 : index
      %get3A_190 = tpu.vector_load %arg14[%get3A_188, %get3A_189] {strides = array<i32>} : memref<64x128xf32, #tpu.memory_space<vmem>>, vector<1x16xf32>,
      %get3A_191 = vector.shape_cast %get3A_190 : vector<1x16xf32> to vector<16xf32>
      %get3A_192 = arith.index_cast %add3A_91 : i32 to index
      %get3A_193 = arith.constant 112 : index
      %get3A_194 = tpu.vector_load %arg15[%get3A_192, %get3A_193] {strides = array<i32>} : memref<64x128xf32, #tpu.memory_space<vmem>>, vector<1x16xf32>,
      %get3A_195 = vector.shape_cast %get3A_194 : vector<1x16xf32> to vector<16xf32>
      %add3A_196 = arith.addf %get3A_191, %get3A_195 : vector<16xf32>
      %swap3A_197 = arith.index_cast %add3A_91 : i32 to index
      %swap3A_198 = arith.constant 112 : index
      %swap3A_199 = tpu.vector_load %arg14[%swap3A_197, %swap3A_198] {strides = array<i32>} : memref<64x128xf32, #tpu.memory_space<vmem>>, vector<1x16xf32>,
      %swap3A_200 = vector.shape_cast %swap3A_199 : vector<1x16xf32> to vector<16xf32>
      %swap3A_201 = vector.shape_cast %add3A_196 : vector<16xf32> to vector<1x16xf32>
      tpu.vector_store %arg14[%swap3A_197, %swap3A_198], %swap3A_201 {strides = array<i32>} : memref<64x128xf32, #tpu.memory_space<vmem>>, vector<1x16xf32>,
    }
    %scan3A_13 = arith.constant 64 : i32
    %run_scoped3A_14 = arith.constant 1 : i32
    "tpu.region"() ({
      %run_scoped3A_87 = tpu.sem_alloc : memref<!tpu.dma_semaphore, #tpu.memory_space<semaphore_mem>>
      %dma_start3A = arith.constant 0 : i32
      %dma_start3A_88 = tpu.memref_slice %arg3[%run_scoped3A_14, %mul3A_2, %dma_start3A] : memref<2x1024x128xf32, #tpu.memory_space<hbm>> -> memref<1x64x128xf32, #tpu.memory_space<hbm>>
      %dma_start3A_89 = tpu.memref_squeeze %dma_start3A_88 : memref<1x64x128xf32, #tpu.memory_space<hbm>> -> memref<64x128xf32, #tpu.memory_space<hbm>>
      %dma_start3A_90 = arith.constant 0 : i32
      %dma_start3A_91 = tpu.memref_slice %arg3[%run_scoped3A_14, %mul3A_2, %dma_start3A_90] : memref<2x1024x128xf32, #tpu.memory_space<hbm>> -> memref<1x64x128xf32, #tpu.memory_space<hbm>>
      %dma_start3A_92 = tpu.memref_squeeze %dma_start3A_91 : memref<1x64x128xf32, #tpu.memory_space<hbm>> -> memref<64x128xf32, #tpu.memory_space<hbm>>
      tpu.enqueue_dma source(%dma_start3A_92 : memref<64x128xf32, #tpu.memory_space<hbm>>) target(%arg15 : memref<64x128xf32, #tpu.memory_space<vmem>>) target_semaphore(%run_scoped3A_87 : memref<!tpu.dma_semaphore, #tpu.memory_space<semaphore_mem>>)
      %dma_wait3A = arith.constant 0 : i32
      %dma_wait3A_93 = tpu.memref_slice %arg3[%run_scoped3A_14, %mul3A_2, %dma_wait3A] : memref<2x1024x128xf32, #tpu.memory_space<hbm>> -> memref<1x64x128xf32, #tpu.memory_space<hbm>>
      %dma_wait3A_94 = tpu.memref_squeeze %dma_wait3A_93 : memref<1x64x128xf32, #tpu.memory_space<hbm>> -> memref<64x128xf32, #tpu.memory_space<hbm>>
      %dma_wait3A_95 = arith.constant 0 : i32
      %dma_wait3A_96 = tpu.memref_slice %arg3[%run_scoped3A_14, %mul3A_2, %dma_wait3A_95] : memref<2x1024x128xf32, #tpu.memory_space<hbm>> -> memref<1x64x128xf32, #tpu.memory_space<hbm>>
      %dma_wait3A_97 = tpu.memref_squeeze %dma_wait3A_96 : memref<1x64x128xf32, #tpu.memory_space<hbm>> -> memref<64x128xf32, #tpu.memory_space<hbm>>
      tpu.wait_dma2 semaphore(%run_scoped3A_87 : memref<!tpu.dma_semaphore, #tpu.memory_space<semaphore_mem>>) src(%dma_wait3A_97 : memref<64x128xf32, #tpu.memory_space<hbm>>) dst(%arg15 : memref<64x128xf32, #tpu.memory_space<vmem>>)
      tpu.yield
    }) : () -> ()
    %scan3A_15 = arith.constant 0 : i32
    %scan3A_16 = arith.constant 64 : i32
    %scan3A_17 = arith.addi %scan3A_15, %scan3A_16 : i32
    %scan3A_18 = arith.constant 1 : i32
    scf.for %scan3A_87 = %scan3A_15 to %scan3A_17 step %scan3A_18  : i32 {
      %mul3A_88 = arith.constant 1 : i32
      %mul3A_89 = arith.muli %scan3A_87, %mul3A_88 : i32
      %add3A_90 = arith.constant 0 : i32
      %add3A_91 = arith.addi %add3A_90, %mul3A_89 : i32
      %get3A = arith.index_cast %add3A_91 : i32 to index
      %get3A_92 = arith.constant 0 : index
      %get3A_93 = tpu.vector_load %arg14[%get3A, %get3A_92] {strides = array<i32>} : memref<64x128xf32, #tpu.memory_space<vmem>>, vector<1x16xf32>,
      %get3A_94 = vector.shape_cast %get3A_93 : vector<1x16xf32> to vector<16xf32>
      %get3A_95 = arith.index_cast %add3A_91 : i32 to index
      %get3A_96 = arith.constant 0 : index
      %get3A_97 = tpu.vector_load %arg15[%get3A_95, %get3A_96] {strides = array<i32>} : memref<64x128xf32, #tpu.memory_space<vmem>>, vector<1x16xf32>,
      %get3A_98 = vector.shape_cast %get3A_97 : vector<1x16xf32> to vector<16xf32>
      %add3A_99 = arith.addf %get3A_94, %get3A_98 : vector<16xf32>
      %swap3A = arith.index_cast %add3A_91 : i32 to index
      %swap3A_100 = arith.constant 0 : index
      %swap3A_101 = tpu.vector_load %arg14[%swap3A, %swap3A_100] {strides = array<i32>} : memref<64x128xf32, #tpu.memory_space<vmem>>, vector<1x16xf32>,
      %swap3A_102 = vector.shape_cast %swap3A_101 : vector<1x16xf32> to vector<16xf32>
      %swap3A_103 = vector.shape_cast %add3A_99 : vector<16xf32> to vector<1x16xf32>
      tpu.vector_store %arg14[%swap3A, %swap3A_100], %swap3A_103 {strides = array<i32>} : memref<64x128xf32, #tpu.memory_space<vmem>>, vector<1x16xf32>,
      %get3A_104 = arith.index_cast %add3A_91 : i32 to index
      %get3A_105 = arith.constant 16 : index
      %get3A_106 = tpu.vector_load %arg14[%get3A_104, %get3A_105] {strides = array<i32>} : memref<64x128xf32, #tpu.memory_space<vmem>>, vector<1x16xf32>,
      %get3A_107 = vector.shape_cast %get3A_106 : vector<1x16xf32> to vector<16xf32>
      %get3A_108 = arith.index_cast %add3A_91 : i32 to index
      %get3A_109 = arith.constant 16 : index
      %get3A_110 = tpu.vector_load %arg15[%get3A_108, %get3A_109] {strides = array<i32>} : memref<64x128xf32, #tpu.memory_space<vmem>>, vector<1x16xf32>,
      %get3A_111 = vector.shape_cast %get3A_110 : vector<1x16xf32> to vector<16xf32>
      %add3A_112 = arith.addf %get3A_107, %get3A_111 : vector<16xf32>
      %swap3A_113 = arith.index_cast %add3A_91 : i32 to index
      %swap3A_114 = arith.constant 16 : index
      %swap3A_115 = tpu.vector_load %arg14[%swap3A_113, %swap3A_114] {strides = array<i32>} : memref<64x128xf32, #tpu.memory_space<vmem>>, vector<1x16xf32>,
      %swap3A_116 = vector.shape_cast %swap3A_115 : vector<1x16xf32> to vector<16xf32>
      %swap3A_117 = vector.shape_cast %add3A_112 : vector<16xf32> to vector<1x16xf32>
      tpu.vector_store %arg14[%swap3A_113, %swap3A_114], %swap3A_117 {strides = array<i32>} : memref<64x128xf32, #tpu.memory_space<vmem>>, vector<1x16xf32>,
      %get3A_118 = arith.index_cast %add3A_91 : i32 to index
      %get3A_119 = arith.constant 32 : index
      %get3A_120 = tpu.vector_load %arg14[%get3A_118, %get3A_119] {strides = array<i32>} : memref<64x128xf32, #tpu.memory_space<vmem>>, vector<1x16xf32>,
      %get3A_121 = vector.shape_cast %get3A_120 : vector<1x16xf32> to vector<16xf32>
      %get3A_122 = arith.index_cast %add3A_91 : i32 to index
      %get3A_123 = arith.constant 32 : index
      %get3A_124 = tpu.vector_load %arg15[%get3A_122, %get3A_123] {strides = array<i32>} : memref<64x128xf32, #tpu.memory_space<vmem>>, vector<1x16xf32>,
      %get3A_125 = vector.shape_cast %get3A_124 : vector<1x16xf32> to vector<16xf32>
      %add3A_126 = arith.addf %get3A_121, %get3A_125 : vector<16xf32>
      %swap3A_127 = arith.index_cast %add3A_91 : i32 to index
      %swap3A_128 = arith.constant 32 : index
      %swap3A_129 = tpu.vector_load %arg14[%swap3A_127, %swap3A_128] {strides = array<i32>} : memref<64x128xf32, #tpu.memory_space<vmem>>, vector<1x16xf32>,
      %swap3A_130 = vector.shape_cast %swap3A_129 : vector<1x16xf32> to vector<16xf32>
      %swap3A_131 = vector.shape_cast %add3A_126 : vector<16xf32> to vector<1x16xf32>
      tpu.vector_store %arg14[%swap3A_127, %swap3A_128], %swap3A_131 {strides = array<i32>} : memref<64x128xf32, #tpu.memory_space<vmem>>, vector<1x16xf32>,
      %get3A_132 = arith.index_cast %add3A_91 : i32 to index
      %get3A_133 = arith.constant 48 : index
      %get3A_134 = tpu.vector_load %arg14[%get3A_132, %get3A_133] {strides = array<i32>} : memref<64x128xf32, #tpu.memory_space<vmem>>, vector<1x16xf32>,
      %get3A_135 = vector.shape_cast %get3A_134 : vector<1x16xf32> to vector<16xf32>
      %get3A_136 = arith.index_cast %add3A_91 : i32 to index
      %get3A_137 = arith.constant 48 : index
      %get3A_138 = tpu.vector_load %arg15[%get3A_136, %get3A_137] {strides = array<i32>} : memref<64x128xf32, #tpu.memory_space<vmem>>, vector<1x16xf32>,
      %get3A_139 = vector.shape_cast %get3A_138 : vector<1x16xf32> to vector<16xf32>
      %add3A_140 = arith.addf %get3A_135, %get3A_139 : vector<16xf32>
      %swap3A_141 = arith.index_cast %add3A_91 : i32 to index
      %swap3A_142 = arith.constant 48 : index
      %swap3A_143 = tpu.vector_load %arg14[%swap3A_141, %swap3A_142] {strides = array<i32>} : memref<64x128xf32, #tpu.memory_space<vmem>>, vector<1x16xf32>,
      %swap3A_144 = vector.shape_cast %swap3A_143 : vector<1x16xf32> to vector<16xf32>
      %swap3A_145 = vector.shape_cast %add3A_140 : vector<16xf32> to vector<1x16xf32>
      tpu.vector_store %arg14[%swap3A_141, %swap3A_142], %swap3A_145 {strides = array<i32>} : memref<64x128xf32, #tpu.memory_space<vmem>>, vector<1x16xf32>,
      %get3A_146 = arith.index_cast %add3A_91 : i32 to index
      %get3A_147 = arith.constant 64 : index
      %get3A_148 = tpu.vector_load %arg14[%get3A_146, %get3A_147] {strides = array<i32>} : memref<64x128xf32, #tpu.memory_space<vmem>>, vector<1x16xf32>,
      %get3A_149 = vector.shape_cast %get3A_148 : vector<1x16xf32> to vector<16xf32>
      %get3A_150 = arith.index_cast %add3A_91 : i32 to index
      %get3A_151 = arith.constant 64 : index
      %get3A_152 = tpu.vector_load %arg15[%get3A_150, %get3A_151] {strides = array<i32>} : memref<64x128xf32, #tpu.memory_space<vmem>>, vector<1x16xf32>,
      %get3A_153 = vector.shape_cast %get3A_152 : vector<1x16xf32> to vector<16xf32>
      %add3A_154 = arith.addf %get3A_149, %get3A_153 : vector<16xf32>
      %swap3A_155 = arith.index_cast %add3A_91 : i32 to index
      %swap3A_156 = arith.constant 64 : index
      %swap3A_157 = tpu.vector_load %arg14[%swap3A_155, %swap3A_156] {strides = array<i32>} : memref<64x128xf32, #tpu.memory_space<vmem>>, vector<1x16xf32>,
      %swap3A_158 = vector.shape_cast %swap3A_157 : vector<1x16xf32> to vector<16xf32>
      %swap3A_159 = vector.shape_cast %add3A_154 : vector<16xf32> to vector<1x16xf32>
      tpu.vector_store %arg14[%swap3A_155, %swap3A_156], %swap3A_159 {strides = array<i32>} : memref<64x128xf32, #tpu.memory_space<vmem>>, vector<1x16xf32>,
      %get3A_160 = arith.index_cast %add3A_91 : i32 to index
      %get3A_161 = arith.constant 80 : index
      %get3A_162 = tpu.vector_load %arg14[%get3A_160, %get3A_161] {strides = array<i32>} : memref<64x128xf32, #tpu.memory_space<vmem>>, vector<1x16xf32>,
      %get3A_163 = vector.shape_cast %get3A_162 : vector<1x16xf32> to vector<16xf32>
      %get3A_164 = arith.index_cast %add3A_91 : i32 to index
      %get3A_165 = arith.constant 80 : index
      %get3A_166 = tpu.vector_load %arg15[%get3A_164, %get3A_165] {strides = array<i32>} : memref<64x128xf32, #tpu.memory_space<vmem>>, vector<1x16xf32>,
      %get3A_167 = vector.shape_cast %get3A_166 : vector<1x16xf32> to vector<16xf32>
      %add3A_168 = arith.addf %get3A_163, %get3A_167 : vector<16xf32>
      %swap3A_169 = arith.index_cast %add3A_91 : i32 to index
      %swap3A_170 = arith.constant 80 : index
      %swap3A_171 = tpu.vector_load %arg14[%swap3A_169, %swap3A_170] {strides = array<i32>} : memref<64x128xf32, #tpu.memory_space<vmem>>, vector<1x16xf32>,
      %swap3A_172 = vector.shape_cast %swap3A_171 : vector<1x16xf32> to vector<16xf32>
      %swap3A_173 = vector.shape_cast %add3A_168 : vector<16xf32> to vector<1x16xf32>
      tpu.vector_store %arg14[%swap3A_169, %swap3A_170], %swap3A_173 {strides = array<i32>} : memref<64x128xf32, #tpu.memory_space<vmem>>, vector<1x16xf32>,
      %get3A_174 = arith.index_cast %add3A_91 : i32 to index
      %get3A_175 = arith.constant 96 : index
      %get3A_176 = tpu.vector_load %arg14[%get3A_174, %get3A_175] {strides = array<i32>} : memref<64x128xf32, #tpu.memory_space<vmem>>, vector<1x16xf32>,
      %get3A_177 = vector.shape_cast %get3A_176 : vector<1x16xf32> to vector<16xf32>
      %get3A_178 = arith.index_cast %add3A_91 : i32 to index
      %get3A_179 = arith.constant 96 : index
      %get3A_180 = tpu.vector_load %arg15[%get3A_178, %get3A_179] {strides = array<i32>} : memref<64x128xf32, #tpu.memory_space<vmem>>, vector<1x16xf32>,
      %get3A_181 = vector.shape_cast %get3A_180 : vector<1x16xf32> to vector<16xf32>
      %add3A_182 = arith.addf %get3A_177, %get3A_181 : vector<16xf32>
      %swap3A_183 = arith.index_cast %add3A_91 : i32 to index
      %swap3A_184 = arith.constant 96 : index
      %swap3A_185 = tpu.vector_load %arg14[%swap3A_183, %swap3A_184] {strides = array<i32>} : memref<64x128xf32, #tpu.memory_space<vmem>>, vector<1x16xf32>,
      %swap3A_186 = vector.shape_cast %swap3A_185 : vector<1x16xf32> to vector<16xf32>
      %swap3A_187 = vector.shape_cast %add3A_182 : vector<16xf32> to vector<1x16xf32>
      tpu.vector_store %arg14[%swap3A_183, %swap3A_184], %swap3A_187 {strides = array<i32>} : memref<64x128xf32, #tpu.memory_space<vmem>>, vector<1x16xf32>,
      %get3A_188 = arith.index_cast %add3A_91 : i32 to index
      %get3A_189 = arith.constant 112 : index
      %get3A_190 = tpu.vector_load %arg14[%get3A_188, %get3A_189] {strides = array<i32>} : memref<64x128xf32, #tpu.memory_space<vmem>>, vector<1x16xf32>,
      %get3A_191 = vector.shape_cast %get3A_190 : vector<1x16xf32> to vector<16xf32>
      %get3A_192 = arith.index_cast %add3A_91 : i32 to index
      %get3A_193 = arith.constant 112 : index
      %get3A_194 = tpu.vector_load %arg15[%get3A_192, %get3A_193] {strides = array<i32>} : memref<64x128xf32, #tpu.memory_space<vmem>>, vector<1x16xf32>,
      %get3A_195 = vector.shape_cast %get3A_194 : vector<1x16xf32> to vector<16xf32>
      %add3A_196 = arith.addf %get3A_191, %get3A_195 : vector<16xf32>
      %swap3A_197 = arith.index_cast %add3A_91 : i32 to index
      %swap3A_198 = arith.constant 112 : index
      %swap3A_199 = tpu.vector_load %arg14[%swap3A_197, %swap3A_198] {strides = array<i32>} : memref<64x128xf32, #tpu.memory_space<vmem>>, vector<1x16xf32>,
      %swap3A_200 = vector.shape_cast %swap3A_199 : vector<1x16xf32> to vector<16xf32>
      %swap3A_201 = vector.shape_cast %add3A_196 : vector<16xf32> to vector<1x16xf32>
      tpu.vector_store %arg14[%swap3A_197, %swap3A_198], %swap3A_201 {strides = array<i32>} : memref<64x128xf32, #tpu.memory_space<vmem>>, vector<1x16xf32>,
    }
    %scan3A_19 = arith.constant 64 : i32
    "tpu.region"() ({
      %run_scoped3A_87 = tpu.sem_alloc : memref<!tpu.dma_semaphore, #tpu.memory_space<semaphore_mem>>
      %dma_start3A = arith.constant 0 : i32
      %dma_start3A_88 = tpu.memref_slice %arg16[%mul3A_2, %dma_start3A] : memref<1025x128xf32, #tpu.memory_space<vmem_shared>> -> memref<64x128xf32, #tpu.memory_space<vmem_shared>>
      %dma_start3A_89 = arith.constant 0 : i32
      %dma_start3A_90 = tpu.memref_slice %arg16[%mul3A_2, %dma_start3A_89] : memref<1025x128xf32, #tpu.memory_space<vmem_shared>> -> memref<64x128xf32, #tpu.memory_space<vmem_shared>>
      tpu.enqueue_dma source(%arg14 : memref<64x128xf32, #tpu.memory_space<vmem>>) target(%dma_start3A_90 : memref<64x128xf32, #tpu.memory_space<vmem_shared>>) target_semaphore(%run_scoped3A_87 : memref<!tpu.dma_semaphore, #tpu.memory_space<semaphore_mem>>)
      %dma_wait3A = arith.constant 0 : i32
      %dma_wait3A_91 = tpu.memref_slice %arg16[%mul3A_2, %dma_wait3A] : memref<1025x128xf32, #tpu.memory_space<vmem_shared>> -> memref<64x128xf32, #tpu.memory_space<vmem_shared>>
      %dma_wait3A_92 = arith.constant 0 : i32
      %dma_wait3A_93 = tpu.memref_slice %arg16[%mul3A_2, %dma_wait3A_92] : memref<1025x128xf32, #tpu.memory_space<vmem_shared>> -> memref<64x128xf32, #tpu.memory_space<vmem_shared>>
      tpu.wait_dma2 semaphore(%run_scoped3A_87 : memref<!tpu.dma_semaphore, #tpu.memory_space<semaphore_mem>>) src(%arg14 : memref<64x128xf32, #tpu.memory_space<vmem>>) dst(%dma_wait3A_93 : memref<64x128xf32, #tpu.memory_space<vmem_shared>>)
      tpu.yield
    }) : () -> ()
    %mul3A_20 = arith.constant 3200 : i32
    %mul3A_21 = arith.muli %add3A, %mul3A_20 : i32
    %add3A_22 = arith.constant 0 : i32
    %add3A_23 = arith.addi %add3A_22, %mul3A_21 : i32
    %lt3A = arith.constant 31 : i32
    %lt3A_24 = arith.cmpi slt, %add3A, %lt3A : i32
    %convert_element_type3A = arith.extui %lt3A_24 : i1 to i32
    %cond3A = arith.constant 0 : i32
    %cond3A_25 = arith.cmpi ne, %convert_element_type3A, %cond3A : i32
    scf.if %cond3A_25 {
      "tpu.region"() ({
        %run_scoped3A_87 = tpu.sem_alloc : memref<!tpu.dma_semaphore, #tpu.memory_space<semaphore_mem>>
        %dma_start3A = tpu.memref_slice %arg4[%add3A_23] : memref<100000xf32, #tpu.memory_space<hbm>> -> memref<3200xf32, #tpu.memory_space<hbm>>
        %dma_start3A_88 = tpu.memref_slice %arg4[%add3A_23] : memref<100000xf32, #tpu.memory_space<hbm>> -> memref<3200xf32, #tpu.memory_space<hbm>>
        tpu.enqueue_dma source(%dma_start3A_88 : memref<3200xf32, #tpu.memory_space<hbm>>) target(%arg12 : memref<3200xf32, #tpu.memory_space<vmem>>) target_semaphore(%run_scoped3A_87 : memref<!tpu.dma_semaphore, #tpu.memory_space<semaphore_mem>>)
        %dma_wait3A = tpu.memref_slice %arg4[%add3A_23] : memref<100000xf32, #tpu.memory_space<hbm>> -> memref<3200xf32, #tpu.memory_space<hbm>>
        %dma_wait3A_89 = tpu.memref_slice %arg4[%add3A_23] : memref<100000xf32, #tpu.memory_space<hbm>> -> memref<3200xf32, #tpu.memory_space<hbm>>
        tpu.wait_dma2 semaphore(%run_scoped3A_87 : memref<!tpu.dma_semaphore, #tpu.memory_space<semaphore_mem>>) src(%dma_wait3A_89 : memref<3200xf32, #tpu.memory_space<hbm>>) dst(%arg12 : memref<3200xf32, #tpu.memory_space<vmem>>)
        tpu.yield
      }) : () -> ()
      "tpu.region"() ({
        %run_scoped3A_87 = tpu.sem_alloc : memref<!tpu.dma_semaphore, #tpu.memory_space<semaphore_mem>>
        %dma_start3A = tpu.memref_slice %arg5[%add3A_23] : memref<100000xf32, #tpu.memory_space<hbm>> -> memref<3200xf32, #tpu.memory_space<hbm>>
        %dma_start3A_88 = tpu.memref_slice %arg5[%add3A_23] : memref<100000xf32, #tpu.memory_space<hbm>> -> memref<3200xf32, #tpu.memory_space<hbm>>
        tpu.enqueue_dma source(%dma_start3A_88 : memref<3200xf32, #tpu.memory_space<hbm>>) target(%arg13 : memref<3200xf32, #tpu.memory_space<vmem>>) target_semaphore(%run_scoped3A_87 : memref<!tpu.dma_semaphore, #tpu.memory_space<semaphore_mem>>)
        %dma_wait3A = tpu.memref_slice %arg5[%add3A_23] : memref<100000xf32, #tpu.memory_space<hbm>> -> memref<3200xf32, #tpu.memory_space<hbm>>
        %dma_wait3A_89 = tpu.memref_slice %arg5[%add3A_23] : memref<100000xf32, #tpu.memory_space<hbm>> -> memref<3200xf32, #tpu.memory_space<hbm>>
        tpu.wait_dma2 semaphore(%run_scoped3A_87 : memref<!tpu.dma_semaphore, #tpu.memory_space<semaphore_mem>>) src(%dma_wait3A_89 : memref<3200xf32, #tpu.memory_space<hbm>>) dst(%arg13 : memref<3200xf32, #tpu.memory_space<vmem>>)
        tpu.yield
      }) : () -> ()
    } else {
    }
    %eq3A = arith.constant 31 : i32
    %eq3A_26 = arith.cmpi eq, %add3A, %eq3A : i32
    %convert_element_type3A_27 = arith.extui %eq3A_26 : i1 to i32
    %cond3A_28 = arith.constant 0 : i32
    %cond3A_29 = arith.cmpi ne, %convert_element_type3A_27, %cond3A_28 : i32
    scf.if %cond3A_29 {
      "tpu.region"() ({
        %run_scoped3A_87 = tpu.sem_alloc : memref<!tpu.dma_semaphore, #tpu.memory_space<semaphore_mem>>
        %dma_start3A = arith.constant 0 : i32
        %dma_start3A_88 = tpu.memref_slice %arg12[%dma_start3A] : memref<3200xf32, #tpu.memory_space<vmem>> -> memref<800xf32, #tpu.memory_space<vmem>>
        %dma_start3A_89 = tpu.memref_slice %arg4[%add3A_23] : memref<100000xf32, #tpu.memory_space<hbm>> -> memref<800xf32, #tpu.memory_space<hbm>>
        %dma_start3A_90 = arith.constant 0 : i32
        %dma_start3A_91 = tpu.memref_slice %arg12[%dma_start3A_90] : memref<3200xf32, #tpu.memory_space<vmem>> -> memref<800xf32, #tpu.memory_space<vmem>>
        %dma_start3A_92 = tpu.memref_slice %arg4[%add3A_23] : memref<100000xf32, #tpu.memory_space<hbm>> -> memref<800xf32, #tpu.memory_space<hbm>>
        tpu.enqueue_dma source(%dma_start3A_92 : memref<800xf32, #tpu.memory_space<hbm>>) target(%dma_start3A_91 : memref<800xf32, #tpu.memory_space<vmem>>) target_semaphore(%run_scoped3A_87 : memref<!tpu.dma_semaphore, #tpu.memory_space<semaphore_mem>>)
        %dma_wait3A = arith.constant 0 : i32
        %dma_wait3A_93 = tpu.memref_slice %arg12[%dma_wait3A] : memref<3200xf32, #tpu.memory_space<vmem>> -> memref<800xf32, #tpu.memory_space<vmem>>
        %dma_wait3A_94 = tpu.memref_slice %arg4[%add3A_23] : memref<100000xf32, #tpu.memory_space<hbm>> -> memref<800xf32, #tpu.memory_space<hbm>>
        %dma_wait3A_95 = arith.constant 0 : i32
        %dma_wait3A_96 = tpu.memref_slice %arg12[%dma_wait3A_95] : memref<3200xf32, #tpu.memory_space<vmem>> -> memref<800xf32, #tpu.memory_space<vmem>>
        %dma_wait3A_97 = tpu.memref_slice %arg4[%add3A_23] : memref<100000xf32, #tpu.memory_space<hbm>> -> memref<800xf32, #tpu.memory_space<hbm>>
        tpu.wait_dma2 semaphore(%run_scoped3A_87 : memref<!tpu.dma_semaphore, #tpu.memory_space<semaphore_mem>>) src(%dma_wait3A_97 : memref<800xf32, #tpu.memory_space<hbm>>) dst(%dma_wait3A_96 : memref<800xf32, #tpu.memory_space<vmem>>)
        tpu.yield
      }) : () -> ()
      "tpu.region"() ({
        %run_scoped3A_87 = tpu.sem_alloc : memref<!tpu.dma_semaphore, #tpu.memory_space<semaphore_mem>>
        %dma_start3A = arith.constant 0 : i32
        %dma_start3A_88 = tpu.memref_slice %arg13[%dma_start3A] : memref<3200xf32, #tpu.memory_space<vmem>> -> memref<800xf32, #tpu.memory_space<vmem>>
        %dma_start3A_89 = tpu.memref_slice %arg5[%add3A_23] : memref<100000xf32, #tpu.memory_space<hbm>> -> memref<800xf32, #tpu.memory_space<hbm>>
        %dma_start3A_90 = arith.constant 0 : i32
        %dma_start3A_91 = tpu.memref_slice %arg13[%dma_start3A_90] : memref<3200xf32, #tpu.memory_space<vmem>> -> memref<800xf32, #tpu.memory_space<vmem>>
        %dma_start3A_92 = tpu.memref_slice %arg5[%add3A_23] : memref<100000xf32, #tpu.memory_space<hbm>> -> memref<800xf32, #tpu.memory_space<hbm>>
        tpu.enqueue_dma source(%dma_start3A_92 : memref<800xf32, #tpu.memory_space<hbm>>) target(%dma_start3A_91 : memref<800xf32, #tpu.memory_space<vmem>>) target_semaphore(%run_scoped3A_87 : memref<!tpu.dma_semaphore, #tpu.memory_space<semaphore_mem>>)
        %dma_wait3A = arith.constant 0 : i32
        %dma_wait3A_93 = tpu.memref_slice %arg13[%dma_wait3A] : memref<3200xf32, #tpu.memory_space<vmem>> -> memref<800xf32, #tpu.memory_space<vmem>>
        %dma_wait3A_94 = tpu.memref_slice %arg5[%add3A_23] : memref<100000xf32, #tpu.memory_space<hbm>> -> memref<800xf32, #tpu.memory_space<hbm>>
        %dma_wait3A_95 = arith.constant 0 : i32
        %dma_wait3A_96 = tpu.memref_slice %arg13[%dma_wait3A_95] : memref<3200xf32, #tpu.memory_space<vmem>> -> memref<800xf32, #tpu.memory_space<vmem>>
        %dma_wait3A_97 = tpu.memref_slice %arg5[%add3A_23] : memref<100000xf32, #tpu.memory_space<hbm>> -> memref<800xf32, #tpu.memory_space<hbm>>
        tpu.wait_dma2 semaphore(%run_scoped3A_87 : memref<!tpu.dma_semaphore, #tpu.memory_space<semaphore_mem>>) src(%dma_wait3A_97 : memref<800xf32, #tpu.memory_space<hbm>>) dst(%dma_wait3A_96 : memref<800xf32, #tpu.memory_space<vmem>>)
        tpu.yield
      }) : () -> ()
    } else {
    }
    %scan3A_30 = arith.constant 0 : i32
    %scan3A_31 = arith.constant 25 : i32
    %scan3A_32 = arith.addi %scan3A_30, %scan3A_31 : i32
    %scan3A_33 = arith.constant 1 : i32
    scf.for %scan3A_87 = %scan3A_30 to %scan3A_32 step %scan3A_33  : i32 {
      %mul3A_88 = arith.constant 1 : i32
      %mul3A_89 = arith.muli %scan3A_87, %mul3A_88 : i32
      %add3A_90 = arith.constant 0 : i32
      %add3A_91 = arith.addi %add3A_90, %mul3A_89 : i32
      %mul3A_92 = arith.constant 128 : i32
      %mul3A_93 = arith.muli %add3A_91, %mul3A_92 : i32
      %add3A_94 = arith.constant 0 : i32
      %add3A_95 = arith.addi %mul3A_93, %add3A_94 : i32
      %get3A = arith.index_cast %add3A_95 : i32 to index
      %get3A_96 = tpu.vector_load %arg12[%get3A] {strides = array<i32>} : memref<3200xf32, #tpu.memory_space<vmem>>, vector<16xf32>,
      %get3A_97 = vector.shape_cast %get3A_96 : vector<16xf32> to vector<16xf32>
      %mul3A_98 = arith.constant 128 : i32
      %mul3A_99 = arith.muli %add3A_91, %mul3A_98 : i32
      %add3A_100 = arith.constant 0 : i32
      %add3A_101 = arith.addi %mul3A_99, %add3A_100 : i32
      %get3A_102 = arith.index_cast %add3A_101 : i32 to index
      %get3A_103 = tpu.vector_load %arg13[%get3A_102] {strides = array<i32>} : memref<3200xf32, #tpu.memory_space<vmem>>, vector<16xf32>,
      %get3A_104 = vector.shape_cast %get3A_103 : vector<16xf32> to vector<16xf32>
      %jit3A = arith.constant 0.000000e+00 : f32
      %jit3A_105 = arith.constant 1.000000e+00 : f32
      %max3A = vector.broadcast %jit3A : f32 to vector<16xf32>
      %max3A_106 = arith.maximumf %max3A, %get3A_97 : vector<16xf32>
      %min3A = vector.broadcast %jit3A_105 : f32 to vector<16xf32>
      %min3A_107 = arith.minimumf %min3A, %max3A_106 : vector<16xf32>
      %mul3A_108 = arith.constant 3.200000e+01 : f32
      %mul3A_109 = vector.broadcast %mul3A_108 : f32 to vector<16xf32>
      %mul3A_110 = arith.mulf %min3A_107, %mul3A_109 : vector<16xf32>
      %convert_element_type3A_111 = arith.fptosi %mul3A_110 : vector<16xf32> to vector<16xi32>
      %jit3A_112 = arith.constant 0 : i32
      %jit3A_113 = arith.constant 31 : i32
      %max3A_114 = vector.broadcast %jit3A_112 : i32 to vector<16xi32>
      %max3A_115 = arith.maxsi %max3A_114, %convert_element_type3A_111 : vector<16xi32>
      %min3A_116 = vector.broadcast %jit3A_113 : i32 to vector<16xi32>
      %min3A_117 = arith.minsi %min3A_116, %max3A_115 : vector<16xi32>
      %jit3A_118 = arith.constant 0.000000e+00 : f32
      %jit3A_119 = arith.constant 1.000000e+00 : f32
      %max3A_120 = vector.broadcast %jit3A_118 : f32 to vector<16xf32>
      %max3A_121 = arith.maximumf %max3A_120, %get3A_104 : vector<16xf32>
      %min3A_122 = vector.broadcast %jit3A_119 : f32 to vector<16xf32>
      %min3A_123 = arith.minimumf %min3A_122, %max3A_121 : vector<16xf32>
      %mul3A_124 = arith.constant 3.200000e+01 : f32
      %mul3A_125 = vector.broadcast %mul3A_124 : f32 to vector<16xf32>
      %mul3A_126 = arith.mulf %min3A_123, %mul3A_125 : vector<16xf32>
      %convert_element_type3A_127 = arith.fptosi %mul3A_126 : vector<16xf32> to vector<16xi32>
      %jit3A_128 = arith.constant 0 : i32
      %jit3A_129 = arith.constant 31 : i32
      %max3A_130 = vector.broadcast %jit3A_128 : i32 to vector<16xi32>
      %max3A_131 = arith.maxsi %max3A_130, %convert_element_type3A_127 : vector<16xi32>
      %min3A_132 = vector.broadcast %jit3A_129 : i32 to vector<16xi32>
      %min3A_133 = arith.minsi %min3A_132, %max3A_131 : vector<16xi32>
      %mul3A_134 = arith.constant 32 : i32
      %mul3A_135 = vector.broadcast %mul3A_134 : i32 to vector<16xi32>
      %mul3A_136 = arith.muli %min3A_117, %mul3A_135 : vector<16xi32>
      %add3A_137 = arith.addi %mul3A_136, %min3A_133 : vector<16xi32>
      %mul3A_138 = arith.constant 128 : i32
      %mul3A_139 = arith.muli %add3A_91, %mul3A_138 : i32
      %add3A_140 = arith.addi %add3A_23, %mul3A_139 : i32
      %add3A_141 = arith.constant 0 : i32
      %add3A_142 = arith.addi %add3A_140, %add3A_141 : i32
      %iota3A = tpu.iota {dimensions = array<i32: 0>} : vector<16xi32>
      %add3A_143 = vector.broadcast %add3A_142 : i32 to vector<16xi32>
      %add3A_144 = arith.addi %add3A_143, %iota3A : vector<16xi32>
      %lt3A_145 = arith.constant 100000 : i32
      %lt3A_146 = vector.broadcast %lt3A_145 : i32 to vector<16xi32>
      %lt3A_147 = arith.cmpi slt, %add3A_144, %lt3A_146 : vector<16xi32>
      %jit3A_148 = arith.constant 1024 : i32
      %broadcast_in_dim3A = vector.broadcast %jit3A_148 : i32 to vector<16xi32>
      %select_n3A = arith.select %lt3A_147, %add3A_137, %broadcast_in_dim3A : vector<16xi1>, vector<16xi32>
      %swap3A = arith.index_cast %add3A_91 : i32 to index
      %swap3A_149 = arith.constant 0 : index
      %swap3A_150 = tpu.vector_load %arg11[%swap3A, %swap3A_149] {strides = array<i32>} : memref<25x128xi32, #tpu.memory_space<vmem>>, vector<1x16xi32>,
      %swap3A_151 = vector.shape_cast %swap3A_150 : vector<1x16xi32> to vector<16xi32>
      %swap3A_152 = vector.shape_cast %select_n3A : vector<16xi32> to vector<1x16xi32>
      tpu.vector_store %arg11[%swap3A, %swap3A_149], %swap3A_152 {strides = array<i32>} : memref<25x128xi32, #tpu.memory_space<vmem>>, vector<1x16xi32>,
      %mul3A_153 = arith.constant 128 : i32
      %mul3A_154 = arith.muli %add3A_91, %mul3A_153 : i32
      %add3A_155 = arith.constant 16 : i32
      %add3A_156 = arith.addi %mul3A_154, %add3A_155 : i32
      %get3A_157 = arith.index_cast %add3A_156 : i32 to index
      %get3A_158 = tpu.vector_load %arg12[%get3A_157] {strides = array<i32>} : memref<3200xf32, #tpu.memory_space<vmem>>, vector<16xf32>,
      %get3A_159 = vector.shape_cast %get3A_158 : vector<16xf32> to vector<16xf32>
      %mul3A_160 = arith.constant 128 : i32
      %mul3A_161 = arith.muli %add3A_91, %mul3A_160 : i32
      %add3A_162 = arith.constant 16 : i32
      %add3A_163 = arith.addi %mul3A_161, %add3A_162 : i32
      %get3A_164 = arith.index_cast %add3A_163 : i32 to index
      %get3A_165 = tpu.vector_load %arg13[%get3A_164] {strides = array<i32>} : memref<3200xf32, #tpu.memory_space<vmem>>, vector<16xf32>,
      %get3A_166 = vector.shape_cast %get3A_165 : vector<16xf32> to vector<16xf32>
      %jit3A_167 = arith.constant 0.000000e+00 : f32
      %jit3A_168 = arith.constant 1.000000e+00 : f32
      %max3A_169 = vector.broadcast %jit3A_167 : f32 to vector<16xf32>
      %max3A_170 = arith.maximumf %max3A_169, %get3A_159 : vector<16xf32>
      %min3A_171 = vector.broadcast %jit3A_168 : f32 to vector<16xf32>
      %min3A_172 = arith.minimumf %min3A_171, %max3A_170 : vector<16xf32>
      %mul3A_173 = arith.constant 3.200000e+01 : f32
      %mul3A_174 = vector.broadcast %mul3A_173 : f32 to vector<16xf32>
      %mul3A_175 = arith.mulf %min3A_172, %mul3A_174 : vector<16xf32>
      %convert_element_type3A_176 = arith.fptosi %mul3A_175 : vector<16xf32> to vector<16xi32>
      %jit3A_177 = arith.constant 0 : i32
      %jit3A_178 = arith.constant 31 : i32
      %max3A_179 = vector.broadcast %jit3A_177 : i32 to vector<16xi32>
      %max3A_180 = arith.maxsi %max3A_179, %convert_element_type3A_176 : vector<16xi32>
      %min3A_181 = vector.broadcast %jit3A_178 : i32 to vector<16xi32>
      %min3A_182 = arith.minsi %min3A_181, %max3A_180 : vector<16xi32>
      %jit3A_183 = arith.constant 0.000000e+00 : f32
      %jit3A_184 = arith.constant 1.000000e+00 : f32
      %max3A_185 = vector.broadcast %jit3A_183 : f32 to vector<16xf32>
      %max3A_186 = arith.maximumf %max3A_185, %get3A_166 : vector<16xf32>
      %min3A_187 = vector.broadcast %jit3A_184 : f32 to vector<16xf32>
      %min3A_188 = arith.minimumf %min3A_187, %max3A_186 : vector<16xf32>
      %mul3A_189 = arith.constant 3.200000e+01 : f32
      %mul3A_190 = vector.broadcast %mul3A_189 : f32 to vector<16xf32>
      %mul3A_191 = arith.mulf %min3A_188, %mul3A_190 : vector<16xf32>
      %convert_element_type3A_192 = arith.fptosi %mul3A_191 : vector<16xf32> to vector<16xi32>
      %jit3A_193 = arith.constant 0 : i32
      %jit3A_194 = arith.constant 31 : i32
      %max3A_195 = vector.broadcast %jit3A_193 : i32 to vector<16xi32>
      %max3A_196 = arith.maxsi %max3A_195, %convert_element_type3A_192 : vector<16xi32>
      %min3A_197 = vector.broadcast %jit3A_194 : i32 to vector<16xi32>
      %min3A_198 = arith.minsi %min3A_197, %max3A_196 : vector<16xi32>
      %mul3A_199 = arith.constant 32 : i32
      %mul3A_200 = vector.broadcast %mul3A_199 : i32 to vector<16xi32>
      %mul3A_201 = arith.muli %min3A_182, %mul3A_200 : vector<16xi32>
      %add3A_202 = arith.addi %mul3A_201, %min3A_198 : vector<16xi32>
      %mul3A_203 = arith.constant 128 : i32
      %mul3A_204 = arith.muli %add3A_91, %mul3A_203 : i32
      %add3A_205 = arith.addi %add3A_23, %mul3A_204 : i32
      %add3A_206 = arith.constant 16 : i32
      %add3A_207 = arith.addi %add3A_205, %add3A_206 : i32
      %iota3A_208 = tpu.iota {dimensions = array<i32: 0>} : vector<16xi32>
      %add3A_209 = vector.broadcast %add3A_207 : i32 to vector<16xi32>
      %add3A_210 = arith.addi %add3A_209, %iota3A_208 : vector<16xi32>
      %lt3A_211 = arith.constant 100000 : i32
      %lt3A_212 = vector.broadcast %lt3A_211 : i32 to vector<16xi32>
      %lt3A_213 = arith.cmpi slt, %add3A_210, %lt3A_212 : vector<16xi32>
      %jit3A_214 = arith.constant 1024 : i32
      %broadcast_in_dim3A_215 = vector.broadcast %jit3A_214 : i32 to vector<16xi32>
      %select_n3A_216 = arith.select %lt3A_213, %add3A_202, %broadcast_in_dim3A_215 : vector<16xi1>, vector<16xi32>
      %swap3A_217 = arith.index_cast %add3A_91 : i32 to index
      %swap3A_218 = arith.constant 16 : index
      %swap3A_219 = tpu.vector_load %arg11[%swap3A_217, %swap3A_218] {strides = array<i32>} : memref<25x128xi32, #tpu.memory_space<vmem>>, vector<1x16xi32>,
      %swap3A_220 = vector.shape_cast %swap3A_219 : vector<1x16xi32> to vector<16xi32>
      %swap3A_221 = vector.shape_cast %select_n3A_216 : vector<16xi32> to vector<1x16xi32>
      tpu.vector_store %arg11[%swap3A_217, %swap3A_218], %swap3A_221 {strides = array<i32>} : memref<25x128xi32, #tpu.memory_space<vmem>>, vector<1x16xi32>,
      %mul3A_222 = arith.constant 128 : i32
      %mul3A_223 = arith.muli %add3A_91, %mul3A_222 : i32
      %add3A_224 = arith.constant 32 : i32
      %add3A_225 = arith.addi %mul3A_223, %add3A_224 : i32
      %get3A_226 = arith.index_cast %add3A_225 : i32 to index
      %get3A_227 = tpu.vector_load %arg12[%get3A_226] {strides = array<i32>} : memref<3200xf32, #tpu.memory_space<vmem>>, vector<16xf32>,
      %get3A_228 = vector.shape_cast %get3A_227 : vector<16xf32> to vector<16xf32>
      %mul3A_229 = arith.constant 128 : i32
      %mul3A_230 = arith.muli %add3A_91, %mul3A_229 : i32
      %add3A_231 = arith.constant 32 : i32
      %add3A_232 = arith.addi %mul3A_230, %add3A_231 : i32
      %get3A_233 = arith.index_cast %add3A_232 : i32 to index
      %get3A_234 = tpu.vector_load %arg13[%get3A_233] {strides = array<i32>} : memref<3200xf32, #tpu.memory_space<vmem>>, vector<16xf32>,
      %get3A_235 = vector.shape_cast %get3A_234 : vector<16xf32> to vector<16xf32>
      %jit3A_236 = arith.constant 0.000000e+00 : f32
      %jit3A_237 = arith.constant 1.000000e+00 : f32
      %max3A_238 = vector.broadcast %jit3A_236 : f32 to vector<16xf32>
      %max3A_239 = arith.maximumf %max3A_238, %get3A_228 : vector<16xf32>
      %min3A_240 = vector.broadcast %jit3A_237 : f32 to vector<16xf32>
      %min3A_241 = arith.minimumf %min3A_240, %max3A_239 : vector<16xf32>
      %mul3A_242 = arith.constant 3.200000e+01 : f32
      %mul3A_243 = vector.broadcast %mul3A_242 : f32 to vector<16xf32>
      %mul3A_244 = arith.mulf %min3A_241, %mul3A_243 : vector<16xf32>
      %convert_element_type3A_245 = arith.fptosi %mul3A_244 : vector<16xf32> to vector<16xi32>
      %jit3A_246 = arith.constant 0 : i32
      %jit3A_247 = arith.constant 31 : i32
      %max3A_248 = vector.broadcast %jit3A_246 : i32 to vector<16xi32>
      %max3A_249 = arith.maxsi %max3A_248, %convert_element_type3A_245 : vector<16xi32>
      %min3A_250 = vector.broadcast %jit3A_247 : i32 to vector<16xi32>
      %min3A_251 = arith.minsi %min3A_250, %max3A_249 : vector<16xi32>
      %jit3A_252 = arith.constant 0.000000e+00 : f32
      %jit3A_253 = arith.constant 1.000000e+00 : f32
      %max3A_254 = vector.broadcast %jit3A_252 : f32 to vector<16xf32>
      %max3A_255 = arith.maximumf %max3A_254, %get3A_235 : vector<16xf32>
      %min3A_256 = vector.broadcast %jit3A_253 : f32 to vector<16xf32>
      %min3A_257 = arith.minimumf %min3A_256, %max3A_255 : vector<16xf32>
      %mul3A_258 = arith.constant 3.200000e+01 : f32
      %mul3A_259 = vector.broadcast %mul3A_258 : f32 to vector<16xf32>
      %mul3A_260 = arith.mulf %min3A_257, %mul3A_259 : vector<16xf32>
      %convert_element_type3A_261 = arith.fptosi %mul3A_260 : vector<16xf32> to vector<16xi32>
      %jit3A_262 = arith.constant 0 : i32
      %jit3A_263 = arith.constant 31 : i32
      %max3A_264 = vector.broadcast %jit3A_262 : i32 to vector<16xi32>
      %max3A_265 = arith.maxsi %max3A_264, %convert_element_type3A_261 : vector<16xi32>
      %min3A_266 = vector.broadcast %jit3A_263 : i32 to vector<16xi32>
      %min3A_267 = arith.minsi %min3A_266, %max3A_265 : vector<16xi32>
      %mul3A_268 = arith.constant 32 : i32
      %mul3A_269 = vector.broadcast %mul3A_268 : i32 to vector<16xi32>
      %mul3A_270 = arith.muli %min3A_251, %mul3A_269 : vector<16xi32>
      %add3A_271 = arith.addi %mul3A_270, %min3A_267 : vector<16xi32>
      %mul3A_272 = arith.constant 128 : i32
      %mul3A_273 = arith.muli %add3A_91, %mul3A_272 : i32
      %add3A_274 = arith.addi %add3A_23, %mul3A_273 : i32
      %add3A_275 = arith.constant 32 : i32
      %add3A_276 = arith.addi %add3A_274, %add3A_275 : i32
      %iota3A_277 = tpu.iota {dimensions = array<i32: 0>} : vector<16xi32>
      %add3A_278 = vector.broadcast %add3A_276 : i32 to vector<16xi32>
      %add3A_279 = arith.addi %add3A_278, %iota3A_277 : vector<16xi32>
      %lt3A_280 = arith.constant 100000 : i32
      %lt3A_281 = vector.broadcast %lt3A_280 : i32 to vector<16xi32>
      %lt3A_282 = arith.cmpi slt, %add3A_279, %lt3A_281 : vector<16xi32>
      %jit3A_283 = arith.constant 1024 : i32
      %broadcast_in_dim3A_284 = vector.broadcast %jit3A_283 : i32 to vector<16xi32>
      %select_n3A_285 = arith.select %lt3A_282, %add3A_271, %broadcast_in_dim3A_284 : vector<16xi1>, vector<16xi32>
      %swap3A_286 = arith.index_cast %add3A_91 : i32 to index
      %swap3A_287 = arith.constant 32 : index
      %swap3A_288 = tpu.vector_load %arg11[%swap3A_286, %swap3A_287] {strides = array<i32>} : memref<25x128xi32, #tpu.memory_space<vmem>>, vector<1x16xi32>,
      %swap3A_289 = vector.shape_cast %swap3A_288 : vector<1x16xi32> to vector<16xi32>
      %swap3A_290 = vector.shape_cast %select_n3A_285 : vector<16xi32> to vector<1x16xi32>
      tpu.vector_store %arg11[%swap3A_286, %swap3A_287], %swap3A_290 {strides = array<i32>} : memref<25x128xi32, #tpu.memory_space<vmem>>, vector<1x16xi32>,
      %mul3A_291 = arith.constant 128 : i32
      %mul3A_292 = arith.muli %add3A_91, %mul3A_291 : i32
      %add3A_293 = arith.constant 48 : i32
      %add3A_294 = arith.addi %mul3A_292, %add3A_293 : i32
      %get3A_295 = arith.index_cast %add3A_294 : i32 to index
      %get3A_296 = tpu.vector_load %arg12[%get3A_295] {strides = array<i32>} : memref<3200xf32, #tpu.memory_space<vmem>>, vector<16xf32>,
      %get3A_297 = vector.shape_cast %get3A_296 : vector<16xf32> to vector<16xf32>
      %mul3A_298 = arith.constant 128 : i32
      %mul3A_299 = arith.muli %add3A_91, %mul3A_298 : i32
      %add3A_300 = arith.constant 48 : i32
      %add3A_301 = arith.addi %mul3A_299, %add3A_300 : i32
      %get3A_302 = arith.index_cast %add3A_301 : i32 to index
      %get3A_303 = tpu.vector_load %arg13[%get3A_302] {strides = array<i32>} : memref<3200xf32, #tpu.memory_space<vmem>>, vector<16xf32>,
      %get3A_304 = vector.shape_cast %get3A_303 : vector<16xf32> to vector<16xf32>
      %jit3A_305 = arith.constant 0.000000e+00 : f32
      %jit3A_306 = arith.constant 1.000000e+00 : f32
      %max3A_307 = vector.broadcast %jit3A_305 : f32 to vector<16xf32>
      %max3A_308 = arith.maximumf %max3A_307, %get3A_297 : vector<16xf32>
      %min3A_309 = vector.broadcast %jit3A_306 : f32 to vector<16xf32>
      %min3A_310 = arith.minimumf %min3A_309, %max3A_308 : vector<16xf32>
      %mul3A_311 = arith.constant 3.200000e+01 : f32
      %mul3A_312 = vector.broadcast %mul3A_311 : f32 to vector<16xf32>
      %mul3A_313 = arith.mulf %min3A_310, %mul3A_312 : vector<16xf32>
      %convert_element_type3A_314 = arith.fptosi %mul3A_313 : vector<16xf32> to vector<16xi32>
      %jit3A_315 = arith.constant 0 : i32
      %jit3A_316 = arith.constant 31 : i32
      %max3A_317 = vector.broadcast %jit3A_315 : i32 to vector<16xi32>
      %max3A_318 = arith.maxsi %max3A_317, %convert_element_type3A_314 : vector<16xi32>
      %min3A_319 = vector.broadcast %jit3A_316 : i32 to vector<16xi32>
      %min3A_320 = arith.minsi %min3A_319, %max3A_318 : vector<16xi32>
      %jit3A_321 = arith.constant 0.000000e+00 : f32
      %jit3A_322 = arith.constant 1.000000e+00 : f32
      %max3A_323 = vector.broadcast %jit3A_321 : f32 to vector<16xf32>
      %max3A_324 = arith.maximumf %max3A_323, %get3A_304 : vector<16xf32>
      %min3A_325 = vector.broadcast %jit3A_322 : f32 to vector<16xf32>
      %min3A_326 = arith.minimumf %min3A_325, %max3A_324 : vector<16xf32>
      %mul3A_327 = arith.constant 3.200000e+01 : f32
      %mul3A_328 = vector.broadcast %mul3A_327 : f32 to vector<16xf32>
      %mul3A_329 = arith.mulf %min3A_326, %mul3A_328 : vector<16xf32>
      %convert_element_type3A_330 = arith.fptosi %mul3A_329 : vector<16xf32> to vector<16xi32>
      %jit3A_331 = arith.constant 0 : i32
      %jit3A_332 = arith.constant 31 : i32
      %max3A_333 = vector.broadcast %jit3A_331 : i32 to vector<16xi32>
      %max3A_334 = arith.maxsi %max3A_333, %convert_element_type3A_330 : vector<16xi32>
      %min3A_335 = vector.broadcast %jit3A_332 : i32 to vector<16xi32>
      %min3A_336 = arith.minsi %min3A_335, %max3A_334 : vector<16xi32>
      %mul3A_337 = arith.constant 32 : i32
      %mul3A_338 = vector.broadcast %mul3A_337 : i32 to vector<16xi32>
      %mul3A_339 = arith.muli %min3A_320, %mul3A_338 : vector<16xi32>
      %add3A_340 = arith.addi %mul3A_339, %min3A_336 : vector<16xi32>
      %mul3A_341 = arith.constant 128 : i32
      %mul3A_342 = arith.muli %add3A_91, %mul3A_341 : i32
      %add3A_343 = arith.addi %add3A_23, %mul3A_342 : i32
      %add3A_344 = arith.constant 48 : i32
      %add3A_345 = arith.addi %add3A_343, %add3A_344 : i32
      %iota3A_346 = tpu.iota {dimensions = array<i32: 0>} : vector<16xi32>
      %add3A_347 = vector.broadcast %add3A_345 : i32 to vector<16xi32>
      %add3A_348 = arith.addi %add3A_347, %iota3A_346 : vector<16xi32>
      %lt3A_349 = arith.constant 100000 : i32
      %lt3A_350 = vector.broadcast %lt3A_349 : i32 to vector<16xi32>
      %lt3A_351 = arith.cmpi slt, %add3A_348, %lt3A_350 : vector<16xi32>
      %jit3A_352 = arith.constant 1024 : i32
      %broadcast_in_dim3A_353 = vector.broadcast %jit3A_352 : i32 to vector<16xi32>
      %select_n3A_354 = arith.select %lt3A_351, %add3A_340, %broadcast_in_dim3A_353 : vector<16xi1>, vector<16xi32>
      %swap3A_355 = arith.index_cast %add3A_91 : i32 to index
      %swap3A_356 = arith.constant 48 : index
      %swap3A_357 = tpu.vector_load %arg11[%swap3A_355, %swap3A_356] {strides = array<i32>} : memref<25x128xi32, #tpu.memory_space<vmem>>, vector<1x16xi32>,
      %swap3A_358 = vector.shape_cast %swap3A_357 : vector<1x16xi32> to vector<16xi32>
      %swap3A_359 = vector.shape_cast %select_n3A_354 : vector<16xi32> to vector<1x16xi32>
      tpu.vector_store %arg11[%swap3A_355, %swap3A_356], %swap3A_359 {strides = array<i32>} : memref<25x128xi32, #tpu.memory_space<vmem>>, vector<1x16xi32>,
      %mul3A_360 = arith.constant 128 : i32
      %mul3A_361 = arith.muli %add3A_91, %mul3A_360 : i32
      %add3A_362 = arith.constant 64 : i32
      %add3A_363 = arith.addi %mul3A_361, %add3A_362 : i32
      %get3A_364 = arith.index_cast %add3A_363 : i32 to index
      %get3A_365 = tpu.vector_load %arg12[%get3A_364] {strides = array<i32>} : memref<3200xf32, #tpu.memory_space<vmem>>, vector<16xf32>,
      %get3A_366 = vector.shape_cast %get3A_365 : vector<16xf32> to vector<16xf32>
      %mul3A_367 = arith.constant 128 : i32
      %mul3A_368 = arith.muli %add3A_91, %mul3A_367 : i32
      %add3A_369 = arith.constant 64 : i32
      %add3A_370 = arith.addi %mul3A_368, %add3A_369 : i32
      %get3A_371 = arith.index_cast %add3A_370 : i32 to index
      %get3A_372 = tpu.vector_load %arg13[%get3A_371] {strides = array<i32>} : memref<3200xf32, #tpu.memory_space<vmem>>, vector<16xf32>,
      %get3A_373 = vector.shape_cast %get3A_372 : vector<16xf32> to vector<16xf32>
      %jit3A_374 = arith.constant 0.000000e+00 : f32
      %jit3A_375 = arith.constant 1.000000e+00 : f32
      %max3A_376 = vector.broadcast %jit3A_374 : f32 to vector<16xf32>
      %max3A_377 = arith.maximumf %max3A_376, %get3A_366 : vector<16xf32>
      %min3A_378 = vector.broadcast %jit3A_375 : f32 to vector<16xf32>
      %min3A_379 = arith.minimumf %min3A_378, %max3A_377 : vector<16xf32>
      %mul3A_380 = arith.constant 3.200000e+01 : f32
      %mul3A_381 = vector.broadcast %mul3A_380 : f32 to vector<16xf32>
      %mul3A_382 = arith.mulf %min3A_379, %mul3A_381 : vector<16xf32>
      %convert_element_type3A_383 = arith.fptosi %mul3A_382 : vector<16xf32> to vector<16xi32>
      %jit3A_384 = arith.constant 0 : i32
      %jit3A_385 = arith.constant 31 : i32
      %max3A_386 = vector.broadcast %jit3A_384 : i32 to vector<16xi32>
      %max3A_387 = arith.maxsi %max3A_386, %convert_element_type3A_383 : vector<16xi32>
      %min3A_388 = vector.broadcast %jit3A_385 : i32 to vector<16xi32>
      %min3A_389 = arith.minsi %min3A_388, %max3A_387 : vector<16xi32>
      %jit3A_390 = arith.constant 0.000000e+00 : f32
      %jit3A_391 = arith.constant 1.000000e+00 : f32
      %max3A_392 = vector.broadcast %jit3A_390 : f32 to vector<16xf32>
      %max3A_393 = arith.maximumf %max3A_392, %get3A_373 : vector<16xf32>
      %min3A_394 = vector.broadcast %jit3A_391 : f32 to vector<16xf32>
      %min3A_395 = arith.minimumf %min3A_394, %max3A_393 : vector<16xf32>
      %mul3A_396 = arith.constant 3.200000e+01 : f32
      %mul3A_397 = vector.broadcast %mul3A_396 : f32 to vector<16xf32>
      %mul3A_398 = arith.mulf %min3A_395, %mul3A_397 : vector<16xf32>
      %convert_element_type3A_399 = arith.fptosi %mul3A_398 : vector<16xf32> to vector<16xi32>
      %jit3A_400 = arith.constant 0 : i32
      %jit3A_401 = arith.constant 31 : i32
      %max3A_402 = vector.broadcast %jit3A_400 : i32 to vector<16xi32>
      %max3A_403 = arith.maxsi %max3A_402, %convert_element_type3A_399 : vector<16xi32>
      %min3A_404 = vector.broadcast %jit3A_401 : i32 to vector<16xi32>
      %min3A_405 = arith.minsi %min3A_404, %max3A_403 : vector<16xi32>
      %mul3A_406 = arith.constant 32 : i32
      %mul3A_407 = vector.broadcast %mul3A_406 : i32 to vector<16xi32>
      %mul3A_408 = arith.muli %min3A_389, %mul3A_407 : vector<16xi32>
      %add3A_409 = arith.addi %mul3A_408, %min3A_405 : vector<16xi32>
      %mul3A_410 = arith.constant 128 : i32
      %mul3A_411 = arith.muli %add3A_91, %mul3A_410 : i32
      %add3A_412 = arith.addi %add3A_23, %mul3A_411 : i32
      %add3A_413 = arith.constant 64 : i32
      %add3A_414 = arith.addi %add3A_412, %add3A_413 : i32
      %iota3A_415 = tpu.iota {dimensions = array<i32: 0>} : vector<16xi32>
      %add3A_416 = vector.broadcast %add3A_414 : i32 to vector<16xi32>
      %add3A_417 = arith.addi %add3A_416, %iota3A_415 : vector<16xi32>
      %lt3A_418 = arith.constant 100000 : i32
      %lt3A_419 = vector.broadcast %lt3A_418 : i32 to vector<16xi32>
      %lt3A_420 = arith.cmpi slt, %add3A_417, %lt3A_419 : vector<16xi32>
      %jit3A_421 = arith.constant 1024 : i32
      %broadcast_in_dim3A_422 = vector.broadcast %jit3A_421 : i32 to vector<16xi32>
      %select_n3A_423 = arith.select %lt3A_420, %add3A_409, %broadcast_in_dim3A_422 : vector<16xi1>, vector<16xi32>
      %swap3A_424 = arith.index_cast %add3A_91 : i32 to index
      %swap3A_425 = arith.constant 64 : index
      %swap3A_426 = tpu.vector_load %arg11[%swap3A_424, %swap3A_425] {strides = array<i32>} : memref<25x128xi32, #tpu.memory_space<vmem>>, vector<1x16xi32>,
      %swap3A_427 = vector.shape_cast %swap3A_426 : vector<1x16xi32> to vector<16xi32>
      %swap3A_428 = vector.shape_cast %select_n3A_423 : vector<16xi32> to vector<1x16xi32>
      tpu.vector_store %arg11[%swap3A_424, %swap3A_425], %swap3A_428 {strides = array<i32>} : memref<25x128xi32, #tpu.memory_space<vmem>>, vector<1x16xi32>,
      %mul3A_429 = arith.constant 128 : i32
      %mul3A_430 = arith.muli %add3A_91, %mul3A_429 : i32
      %add3A_431 = arith.constant 80 : i32
      %add3A_432 = arith.addi %mul3A_430, %add3A_431 : i32
      %get3A_433 = arith.index_cast %add3A_432 : i32 to index
      %get3A_434 = tpu.vector_load %arg12[%get3A_433] {strides = array<i32>} : memref<3200xf32, #tpu.memory_space<vmem>>, vector<16xf32>,
      %get3A_435 = vector.shape_cast %get3A_434 : vector<16xf32> to vector<16xf32>
      %mul3A_436 = arith.constant 128 : i32
      %mul3A_437 = arith.muli %add3A_91, %mul3A_436 : i32
      %add3A_438 = arith.constant 80 : i32
      %add3A_439 = arith.addi %mul3A_437, %add3A_438 : i32
      %get3A_440 = arith.index_cast %add3A_439 : i32 to index
      %get3A_441 = tpu.vector_load %arg13[%get3A_440] {strides = array<i32>} : memref<3200xf32, #tpu.memory_space<vmem>>, vector<16xf32>,
      %get3A_442 = vector.shape_cast %get3A_441 : vector<16xf32> to vector<16xf32>
      %jit3A_443 = arith.constant 0.000000e+00 : f32
      %jit3A_444 = arith.constant 1.000000e+00 : f32
      %max3A_445 = vector.broadcast %jit3A_443 : f32 to vector<16xf32>
      %max3A_446 = arith.maximumf %max3A_445, %get3A_435 : vector<16xf32>
      %min3A_447 = vector.broadcast %jit3A_444 : f32 to vector<16xf32>
      %min3A_448 = arith.minimumf %min3A_447, %max3A_446 : vector<16xf32>
      %mul3A_449 = arith.constant 3.200000e+01 : f32
      %mul3A_450 = vector.broadcast %mul3A_449 : f32 to vector<16xf32>
      %mul3A_451 = arith.mulf %min3A_448, %mul3A_450 : vector<16xf32>
      %convert_element_type3A_452 = arith.fptosi %mul3A_451 : vector<16xf32> to vector<16xi32>
      %jit3A_453 = arith.constant 0 : i32
      %jit3A_454 = arith.constant 31 : i32
      %max3A_455 = vector.broadcast %jit3A_453 : i32 to vector<16xi32>
      %max3A_456 = arith.maxsi %max3A_455, %convert_element_type3A_452 : vector<16xi32>
      %min3A_457 = vector.broadcast %jit3A_454 : i32 to vector<16xi32>
      %min3A_458 = arith.minsi %min3A_457, %max3A_456 : vector<16xi32>
      %jit3A_459 = arith.constant 0.000000e+00 : f32
      %jit3A_460 = arith.constant 1.000000e+00 : f32
      %max3A_461 = vector.broadcast %jit3A_459 : f32 to vector<16xf32>
      %max3A_462 = arith.maximumf %max3A_461, %get3A_442 : vector<16xf32>
      %min3A_463 = vector.broadcast %jit3A_460 : f32 to vector<16xf32>
      %min3A_464 = arith.minimumf %min3A_463, %max3A_462 : vector<16xf32>
      %mul3A_465 = arith.constant 3.200000e+01 : f32
      %mul3A_466 = vector.broadcast %mul3A_465 : f32 to vector<16xf32>
      %mul3A_467 = arith.mulf %min3A_464, %mul3A_466 : vector<16xf32>
      %convert_element_type3A_468 = arith.fptosi %mul3A_467 : vector<16xf32> to vector<16xi32>
      %jit3A_469 = arith.constant 0 : i32
      %jit3A_470 = arith.constant 31 : i32
      %max3A_471 = vector.broadcast %jit3A_469 : i32 to vector<16xi32>
      %max3A_472 = arith.maxsi %max3A_471, %convert_element_type3A_468 : vector<16xi32>
      %min3A_473 = vector.broadcast %jit3A_470 : i32 to vector<16xi32>
      %min3A_474 = arith.minsi %min3A_473, %max3A_472 : vector<16xi32>
      %mul3A_475 = arith.constant 32 : i32
      %mul3A_476 = vector.broadcast %mul3A_475 : i32 to vector<16xi32>
      %mul3A_477 = arith.muli %min3A_458, %mul3A_476 : vector<16xi32>
      %add3A_478 = arith.addi %mul3A_477, %min3A_474 : vector<16xi32>
      %mul3A_479 = arith.constant 128 : i32
      %mul3A_480 = arith.muli %add3A_91, %mul3A_479 : i32
      %add3A_481 = arith.addi %add3A_23, %mul3A_480 : i32
      %add3A_482 = arith.constant 80 : i32
      %add3A_483 = arith.addi %add3A_481, %add3A_482 : i32
      %iota3A_484 = tpu.iota {dimensions = array<i32: 0>} : vector<16xi32>
      %add3A_485 = vector.broadcast %add3A_483 : i32 to vector<16xi32>
      %add3A_486 = arith.addi %add3A_485, %iota3A_484 : vector<16xi32>
      %lt3A_487 = arith.constant 100000 : i32
      %lt3A_488 = vector.broadcast %lt3A_487 : i32 to vector<16xi32>
      %lt3A_489 = arith.cmpi slt, %add3A_486, %lt3A_488 : vector<16xi32>
      %jit3A_490 = arith.constant 1024 : i32
      %broadcast_in_dim3A_491 = vector.broadcast %jit3A_490 : i32 to vector<16xi32>
      %select_n3A_492 = arith.select %lt3A_489, %add3A_478, %broadcast_in_dim3A_491 : vector<16xi1>, vector<16xi32>
      %swap3A_493 = arith.index_cast %add3A_91 : i32 to index
      %swap3A_494 = arith.constant 80 : index
      %swap3A_495 = tpu.vector_load %arg11[%swap3A_493, %swap3A_494] {strides = array<i32>} : memref<25x128xi32, #tpu.memory_space<vmem>>, vector<1x16xi32>,
      %swap3A_496 = vector.shape_cast %swap3A_495 : vector<1x16xi32> to vector<16xi32>
      %swap3A_497 = vector.shape_cast %select_n3A_492 : vector<16xi32> to vector<1x16xi32>
      tpu.vector_store %arg11[%swap3A_493, %swap3A_494], %swap3A_497 {strides = array<i32>} : memref<25x128xi32, #tpu.memory_space<vmem>>, vector<1x16xi32>,
      %mul3A_498 = arith.constant 128 : i32
      %mul3A_499 = arith.muli %add3A_91, %mul3A_498 : i32
      %add3A_500 = arith.constant 96 : i32
      %add3A_501 = arith.addi %mul3A_499, %add3A_500 : i32
      %get3A_502 = arith.index_cast %add3A_501 : i32 to index
      %get3A_503 = tpu.vector_load %arg12[%get3A_502] {strides = array<i32>} : memref<3200xf32, #tpu.memory_space<vmem>>, vector<16xf32>,
      %get3A_504 = vector.shape_cast %get3A_503 : vector<16xf32> to vector<16xf32>
      %mul3A_505 = arith.constant 128 : i32
      %mul3A_506 = arith.muli %add3A_91, %mul3A_505 : i32
      %add3A_507 = arith.constant 96 : i32
      %add3A_508 = arith.addi %mul3A_506, %add3A_507 : i32
      %get3A_509 = arith.index_cast %add3A_508 : i32 to index
      %get3A_510 = tpu.vector_load %arg13[%get3A_509] {strides = array<i32>} : memref<3200xf32, #tpu.memory_space<vmem>>, vector<16xf32>,
      %get3A_511 = vector.shape_cast %get3A_510 : vector<16xf32> to vector<16xf32>
      %jit3A_512 = arith.constant 0.000000e+00 : f32
      %jit3A_513 = arith.constant 1.000000e+00 : f32
      %max3A_514 = vector.broadcast %jit3A_512 : f32 to vector<16xf32>
      %max3A_515 = arith.maximumf %max3A_514, %get3A_504 : vector<16xf32>
      %min3A_516 = vector.broadcast %jit3A_513 : f32 to vector<16xf32>
      %min3A_517 = arith.minimumf %min3A_516, %max3A_515 : vector<16xf32>
      %mul3A_518 = arith.constant 3.200000e+01 : f32
      %mul3A_519 = vector.broadcast %mul3A_518 : f32 to vector<16xf32>
      %mul3A_520 = arith.mulf %min3A_517, %mul3A_519 : vector<16xf32>
      %convert_element_type3A_521 = arith.fptosi %mul3A_520 : vector<16xf32> to vector<16xi32>
      %jit3A_522 = arith.constant 0 : i32
      %jit3A_523 = arith.constant 31 : i32
      %max3A_524 = vector.broadcast %jit3A_522 : i32 to vector<16xi32>
      %max3A_525 = arith.maxsi %max3A_524, %convert_element_type3A_521 : vector<16xi32>
      %min3A_526 = vector.broadcast %jit3A_523 : i32 to vector<16xi32>
      %min3A_527 = arith.minsi %min3A_526, %max3A_525 : vector<16xi32>
      %jit3A_528 = arith.constant 0.000000e+00 : f32
      %jit3A_529 = arith.constant 1.000000e+00 : f32
      %max3A_530 = vector.broadcast %jit3A_528 : f32 to vector<16xf32>
      %max3A_531 = arith.maximumf %max3A_530, %get3A_511 : vector<16xf32>
      %min3A_532 = vector.broadcast %jit3A_529 : f32 to vector<16xf32>
      %min3A_533 = arith.minimumf %min3A_532, %max3A_531 : vector<16xf32>
      %mul3A_534 = arith.constant 3.200000e+01 : f32
      %mul3A_535 = vector.broadcast %mul3A_534 : f32 to vector<16xf32>
      %mul3A_536 = arith.mulf %min3A_533, %mul3A_535 : vector<16xf32>
      %convert_element_type3A_537 = arith.fptosi %mul3A_536 : vector<16xf32> to vector<16xi32>
      %jit3A_538 = arith.constant 0 : i32
      %jit3A_539 = arith.constant 31 : i32
      %max3A_540 = vector.broadcast %jit3A_538 : i32 to vector<16xi32>
      %max3A_541 = arith.maxsi %max3A_540, %convert_element_type3A_537 : vector<16xi32>
      %min3A_542 = vector.broadcast %jit3A_539 : i32 to vector<16xi32>
      %min3A_543 = arith.minsi %min3A_542, %max3A_541 : vector<16xi32>
      %mul3A_544 = arith.constant 32 : i32
      %mul3A_545 = vector.broadcast %mul3A_544 : i32 to vector<16xi32>
      %mul3A_546 = arith.muli %min3A_527, %mul3A_545 : vector<16xi32>
      %add3A_547 = arith.addi %mul3A_546, %min3A_543 : vector<16xi32>
      %mul3A_548 = arith.constant 128 : i32
      %mul3A_549 = arith.muli %add3A_91, %mul3A_548 : i32
      %add3A_550 = arith.addi %add3A_23, %mul3A_549 : i32
      %add3A_551 = arith.constant 96 : i32
      %add3A_552 = arith.addi %add3A_550, %add3A_551 : i32
      %iota3A_553 = tpu.iota {dimensions = array<i32: 0>} : vector<16xi32>
      %add3A_554 = vector.broadcast %add3A_552 : i32 to vector<16xi32>
      %add3A_555 = arith.addi %add3A_554, %iota3A_553 : vector<16xi32>
      %lt3A_556 = arith.constant 100000 : i32
      %lt3A_557 = vector.broadcast %lt3A_556 : i32 to vector<16xi32>
      %lt3A_558 = arith.cmpi slt, %add3A_555, %lt3A_557 : vector<16xi32>
      %jit3A_559 = arith.constant 1024 : i32
      %broadcast_in_dim3A_560 = vector.broadcast %jit3A_559 : i32 to vector<16xi32>
      %select_n3A_561 = arith.select %lt3A_558, %add3A_547, %broadcast_in_dim3A_560 : vector<16xi1>, vector<16xi32>
      %swap3A_562 = arith.index_cast %add3A_91 : i32 to index
      %swap3A_563 = arith.constant 96 : index
      %swap3A_564 = tpu.vector_load %arg11[%swap3A_562, %swap3A_563] {strides = array<i32>} : memref<25x128xi32, #tpu.memory_space<vmem>>, vector<1x16xi32>,
      %swap3A_565 = vector.shape_cast %swap3A_564 : vector<1x16xi32> to vector<16xi32>
      %swap3A_566 = vector.shape_cast %select_n3A_561 : vector<16xi32> to vector<1x16xi32>
      tpu.vector_store %arg11[%swap3A_562, %swap3A_563], %swap3A_566 {strides = array<i32>} : memref<25x128xi32, #tpu.memory_space<vmem>>, vector<1x16xi32>,
      %mul3A_567 = arith.constant 128 : i32
      %mul3A_568 = arith.muli %add3A_91, %mul3A_567 : i32
      %add3A_569 = arith.constant 112 : i32
      %add3A_570 = arith.addi %mul3A_568, %add3A_569 : i32
      %get3A_571 = arith.index_cast %add3A_570 : i32 to index
      %get3A_572 = tpu.vector_load %arg12[%get3A_571] {strides = array<i32>} : memref<3200xf32, #tpu.memory_space<vmem>>, vector<16xf32>,
      %get3A_573 = vector.shape_cast %get3A_572 : vector<16xf32> to vector<16xf32>
      %mul3A_574 = arith.constant 128 : i32
      %mul3A_575 = arith.muli %add3A_91, %mul3A_574 : i32
      %add3A_576 = arith.constant 112 : i32
      %add3A_577 = arith.addi %mul3A_575, %add3A_576 : i32
      %get3A_578 = arith.index_cast %add3A_577 : i32 to index
      %get3A_579 = tpu.vector_load %arg13[%get3A_578] {strides = array<i32>} : memref<3200xf32, #tpu.memory_space<vmem>>, vector<16xf32>,
      %get3A_580 = vector.shape_cast %get3A_579 : vector<16xf32> to vector<16xf32>
      %jit3A_581 = arith.constant 0.000000e+00 : f32
      %jit3A_582 = arith.constant 1.000000e+00 : f32
      %max3A_583 = vector.broadcast %jit3A_581 : f32 to vector<16xf32>
      %max3A_584 = arith.maximumf %max3A_583, %get3A_573 : vector<16xf32>
      %min3A_585 = vector.broadcast %jit3A_582 : f32 to vector<16xf32>
      %min3A_586 = arith.minimumf %min3A_585, %max3A_584 : vector<16xf32>
      %mul3A_587 = arith.constant 3.200000e+01 : f32
      %mul3A_588 = vector.broadcast %mul3A_587 : f32 to vector<16xf32>
      %mul3A_589 = arith.mulf %min3A_586, %mul3A_588 : vector<16xf32>
      %convert_element_type3A_590 = arith.fptosi %mul3A_589 : vector<16xf32> to vector<16xi32>
      %jit3A_591 = arith.constant 0 : i32
      %jit3A_592 = arith.constant 31 : i32
      %max3A_593 = vector.broadcast %jit3A_591 : i32 to vector<16xi32>
      %max3A_594 = arith.maxsi %max3A_593, %convert_element_type3A_590 : vector<16xi32>
      %min3A_595 = vector.broadcast %jit3A_592 : i32 to vector<16xi32>
      %min3A_596 = arith.minsi %min3A_595, %max3A_594 : vector<16xi32>
      %jit3A_597 = arith.constant 0.000000e+00 : f32
      %jit3A_598 = arith.constant 1.000000e+00 : f32
      %max3A_599 = vector.broadcast %jit3A_597 : f32 to vector<16xf32>
      %max3A_600 = arith.maximumf %max3A_599, %get3A_580 : vector<16xf32>
      %min3A_601 = vector.broadcast %jit3A_598 : f32 to vector<16xf32>
      %min3A_602 = arith.minimumf %min3A_601, %max3A_600 : vector<16xf32>
      %mul3A_603 = arith.constant 3.200000e+01 : f32
      %mul3A_604 = vector.broadcast %mul3A_603 : f32 to vector<16xf32>
      %mul3A_605 = arith.mulf %min3A_602, %mul3A_604 : vector<16xf32>
      %convert_element_type3A_606 = arith.fptosi %mul3A_605 : vector<16xf32> to vector<16xi32>
      %jit3A_607 = arith.constant 0 : i32
      %jit3A_608 = arith.constant 31 : i32
      %max3A_609 = vector.broadcast %jit3A_607 : i32 to vector<16xi32>
      %max3A_610 = arith.maxsi %max3A_609, %convert_element_type3A_606 : vector<16xi32>
      %min3A_611 = vector.broadcast %jit3A_608 : i32 to vector<16xi32>
      %min3A_612 = arith.minsi %min3A_611, %max3A_610 : vector<16xi32>
      %mul3A_613 = arith.constant 32 : i32
      %mul3A_614 = vector.broadcast %mul3A_613 : i32 to vector<16xi32>
      %mul3A_615 = arith.muli %min3A_596, %mul3A_614 : vector<16xi32>
      %add3A_616 = arith.addi %mul3A_615, %min3A_612 : vector<16xi32>
      %mul3A_617 = arith.constant 128 : i32
      %mul3A_618 = arith.muli %add3A_91, %mul3A_617 : i32
      %add3A_619 = arith.addi %add3A_23, %mul3A_618 : i32
      %add3A_620 = arith.constant 112 : i32
      %add3A_621 = arith.addi %add3A_619, %add3A_620 : i32
      %iota3A_622 = tpu.iota {dimensions = array<i32: 0>} : vector<16xi32>
      %add3A_623 = vector.broadcast %add3A_621 : i32 to vector<16xi32>
      %add3A_624 = arith.addi %add3A_623, %iota3A_622 : vector<16xi32>
      %lt3A_625 = arith.constant 100000 : i32
      %lt3A_626 = vector.broadcast %lt3A_625 : i32 to vector<16xi32>
      %lt3A_627 = arith.cmpi slt, %add3A_624, %lt3A_626 : vector<16xi32>
      %jit3A_628 = arith.constant 1024 : i32
      %broadcast_in_dim3A_629 = vector.broadcast %jit3A_628 : i32 to vector<16xi32>
      %select_n3A_630 = arith.select %lt3A_627, %add3A_616, %broadcast_in_dim3A_629 : vector<16xi1>, vector<16xi32>
      %swap3A_631 = arith.index_cast %add3A_91 : i32 to index
      %swap3A_632 = arith.constant 112 : index
      %swap3A_633 = tpu.vector_load %arg11[%swap3A_631, %swap3A_632] {strides = array<i32>} : memref<25x128xi32, #tpu.memory_space<vmem>>, vector<1x16xi32>,
      %swap3A_634 = vector.shape_cast %swap3A_633 : vector<1x16xi32> to vector<16xi32>
      %swap3A_635 = vector.shape_cast %select_n3A_630 : vector<16xi32> to vector<1x16xi32>
      tpu.vector_store %arg11[%swap3A_631, %swap3A_632], %swap3A_635 {strides = array<i32>} : memref<25x128xi32, #tpu.memory_space<vmem>>, vector<1x16xi32>,
    }
    %scan3A_34 = arith.constant 25 : i32
    %barrier3A = arith.constant 0 : index
    tpu.barrier barrier_id(%barrier3A)
    %mul3A_35 = arith.constant 25 : i32
    %mul3A_36 = arith.muli %add3A, %mul3A_35 : i32
    %add3A_37 = arith.constant 0 : i32
    %add3A_38 = arith.addi %mul3A_36, %add3A_37 : i32
    %lt3A_39 = arith.constant 782 : i32
    %lt3A_40 = arith.cmpi slt, %add3A_38, %lt3A_39 : i32
    %and3A = arith.constant true
    %and3A_41 = arith.andi %and3A, %lt3A_40 : i1
    %convert_element_type3A_42 = arith.extui %and3A_41 : i1 to i32
    %cond3A_43 = arith.constant 0 : i32
    %cond3A_44 = arith.constant 0 : i32
    %cond3A_45 = arith.cmpi ne, %convert_element_type3A_42, %cond3A_44 : i32
    scf.if %cond3A_45 {
      %dma_start3A = arith.constant 0 : i32
      %dma_start3A_87 = tpu.memref_slice %arg11[%cond3A_43, %dma_start3A] : memref<25x128xi32, #tpu.memory_space<vmem>> -> memref<1x128xi32, #tpu.memory_space<vmem>>
      %dma_start3A_88 = tpu.memref_squeeze %dma_start3A_87 : memref<1x128xi32, #tpu.memory_space<vmem>> -> memref<128xi32, #tpu.memory_space<vmem>>
      %dma_start3A_89 = arith.constant 0 : i32
      %dma_start3A_90 = arith.constant 0 : i32
      %dma_start3A_91 = tpu.memref_slice %arg16[%dma_start3A_89, %dma_start3A_90] : memref<1025x128xf32, #tpu.memory_space<vmem_shared>> -> memref<1025x128xf32, #tpu.memory_space<vmem_shared>>
      tpu.enqueue_indirect_dma source(%dma_start3A_91 : memref<1025x128xf32, #tpu.memory_space<vmem_shared>>) target(%arg7 : memref<128x128xf32, #tpu.memory_space<vmem>>) offsets(%dma_start3A_88 : memref<128xi32, #tpu.memory_space<vmem>>) semaphore(%arg17 : memref<!tpu.dma_semaphore, #tpu.memory_space<semaphore_mem>>)
    } else {
    }
    %mul3A_46 = arith.constant 25 : i32
    %mul3A_47 = arith.muli %add3A, %mul3A_46 : i32
    %add3A_48 = arith.constant 1 : i32
    %add3A_49 = arith.addi %mul3A_47, %add3A_48 : i32
    %lt3A_50 = arith.constant 782 : i32
    %lt3A_51 = arith.cmpi slt, %add3A_49, %lt3A_50 : i32
    %and3A_52 = arith.constant true
    %and3A_53 = arith.andi %and3A_52, %lt3A_51 : i1
    %convert_element_type3A_54 = arith.extui %and3A_53 : i1 to i32
    %cond3A_55 = arith.constant 1 : i32
    %cond3A_56 = arith.constant 0 : i32
    %cond3A_57 = arith.cmpi ne, %convert_element_type3A_54, %cond3A_56 : i32
    scf.if %cond3A_57 {
      %dma_start3A = arith.constant 0 : i32
      %dma_start3A_87 = tpu.memref_slice %arg11[%cond3A_55, %dma_start3A] : memref<25x128xi32, #tpu.memory_space<vmem>> -> memref<1x128xi32, #tpu.memory_space<vmem>>
      %dma_start3A_88 = tpu.memref_squeeze %dma_start3A_87 : memref<1x128xi32, #tpu.memory_space<vmem>> -> memref<128xi32, #tpu.memory_space<vmem>>
      %dma_start3A_89 = arith.constant 0 : i32
      %dma_start3A_90 = arith.constant 0 : i32
      %dma_start3A_91 = tpu.memref_slice %arg16[%dma_start3A_89, %dma_start3A_90] : memref<1025x128xf32, #tpu.memory_space<vmem_shared>> -> memref<1025x128xf32, #tpu.memory_space<vmem_shared>>
      tpu.enqueue_indirect_dma source(%dma_start3A_91 : memref<1025x128xf32, #tpu.memory_space<vmem_shared>>) target(%arg8 : memref<128x128xf32, #tpu.memory_space<vmem>>) offsets(%dma_start3A_88 : memref<128xi32, #tpu.memory_space<vmem>>) semaphore(%arg18 : memref<!tpu.dma_semaphore, #tpu.memory_space<semaphore_mem>>)
    } else {
    }
    %mul3A_58 = arith.constant 25 : i32
    %mul3A_59 = arith.muli %add3A, %mul3A_58 : i32
    %add3A_60 = arith.constant 2 : i32
    %add3A_61 = arith.addi %mul3A_59, %add3A_60 : i32
    %lt3A_62 = arith.constant 782 : i32
    %lt3A_63 = arith.cmpi slt, %add3A_61, %lt3A_62 : i32
    %and3A_64 = arith.constant true
    %and3A_65 = arith.andi %and3A_64, %lt3A_63 : i1
    %convert_element_type3A_66 = arith.extui %and3A_65 : i1 to i32
    %cond3A_67 = arith.constant 2 : i32
    %cond3A_68 = arith.constant 0 : i32
    %cond3A_69 = arith.cmpi ne, %convert_element_type3A_66, %cond3A_68 : i32
    scf.if %cond3A_69 {
      %dma_start3A = arith.constant 0 : i32
      %dma_start3A_87 = tpu.memref_slice %arg11[%cond3A_67, %dma_start3A] : memref<25x128xi32, #tpu.memory_space<vmem>> -> memref<1x128xi32, #tpu.memory_space<vmem>>
      %dma_start3A_88 = tpu.memref_squeeze %dma_start3A_87 : memref<1x128xi32, #tpu.memory_space<vmem>> -> memref<128xi32, #tpu.memory_space<vmem>>
      %dma_start3A_89 = arith.constant 0 : i32
      %dma_start3A_90 = arith.constant 0 : i32
      %dma_start3A_91 = tpu.memref_slice %arg16[%dma_start3A_89, %dma_start3A_90] : memref<1025x128xf32, #tpu.memory_space<vmem_shared>> -> memref<1025x128xf32, #tpu.memory_space<vmem_shared>>
      tpu.enqueue_indirect_dma source(%dma_start3A_91 : memref<1025x128xf32, #tpu.memory_space<vmem_shared>>) target(%arg9 : memref<128x128xf32, #tpu.memory_space<vmem>>) offsets(%dma_start3A_88 : memref<128xi32, #tpu.memory_space<vmem>>) semaphore(%arg19 : memref<!tpu.dma_semaphore, #tpu.memory_space<semaphore_mem>>)
    } else {
    }
    %mul3A_70 = arith.constant 25 : i32
    %mul3A_71 = arith.muli %add3A, %mul3A_70 : i32
    %add3A_72 = arith.constant 3 : i32
    %add3A_73 = arith.addi %mul3A_71, %add3A_72 : i32
    %lt3A_74 = arith.constant 782 : i32
    %lt3A_75 = arith.cmpi slt, %add3A_73, %lt3A_74 : i32
    %and3A_76 = arith.constant true
    %and3A_77 = arith.andi %and3A_76, %lt3A_75 : i1
    %convert_element_type3A_78 = arith.extui %and3A_77 : i1 to i32
    %cond3A_79 = arith.constant 3 : i32
    %cond3A_80 = arith.constant 0 : i32
    %cond3A_81 = arith.cmpi ne, %convert_element_type3A_78, %cond3A_80 : i32
    scf.if %cond3A_81 {
      %dma_start3A = arith.constant 0 : i32
      %dma_start3A_87 = tpu.memref_slice %arg11[%cond3A_79, %dma_start3A] : memref<25x128xi32, #tpu.memory_space<vmem>> -> memref<1x128xi32, #tpu.memory_space<vmem>>
      %dma_start3A_88 = tpu.memref_squeeze %dma_start3A_87 : memref<1x128xi32, #tpu.memory_space<vmem>> -> memref<128xi32, #tpu.memory_space<vmem>>
      %dma_start3A_89 = arith.constant 0 : i32
      %dma_start3A_90 = arith.constant 0 : i32
      %dma_start3A_91 = tpu.memref_slice %arg16[%dma_start3A_89, %dma_start3A_90] : memref<1025x128xf32, #tpu.memory_space<vmem_shared>> -> memref<1025x128xf32, #tpu.memory_space<vmem_shared>>
      tpu.enqueue_indirect_dma source(%dma_start3A_91 : memref<1025x128xf32, #tpu.memory_space<vmem_shared>>) target(%arg10 : memref<128x128xf32, #tpu.memory_space<vmem>>) offsets(%dma_start3A_88 : memref<128xi32, #tpu.memory_space<vmem>>) semaphore(%arg20 : memref<!tpu.dma_semaphore, #tpu.memory_space<semaphore_mem>>)
    } else {
    }
    %scan3A_82 = arith.constant 0 : i32
    %scan3A_83 = arith.constant 7 : i32
    %scan3A_84 = arith.addi %scan3A_82, %scan3A_83 : i32
    %scan3A_85 = arith.constant 1 : i32
    scf.for %scan3A_87 = %scan3A_82 to %scan3A_84 step %scan3A_85  : i32 {
      %mul3A_88 = arith.constant 1 : i32
      %mul3A_89 = arith.muli %scan3A_87, %mul3A_88 : i32
      %add3A_90 = arith.constant 0 : i32
      %add3A_91 = arith.addi %add3A_90, %mul3A_89 : i32
      %mul3A_92 = arith.constant 4 : i32
      %mul3A_93 = arith.muli %mul3A_92, %add3A_91 : i32
      %add3A_94 = arith.constant 0 : i32
      %add3A_95 = arith.addi %mul3A_93, %add3A_94 : i32
      %lt3A_96 = arith.constant 25 : i32
      %lt3A_97 = arith.cmpi slt, %add3A_95, %lt3A_96 : i32
      %mul3A_98 = arith.constant 25 : i32
      %mul3A_99 = arith.muli %add3A, %mul3A_98 : i32
      %add3A_100 = arith.addi %mul3A_99, %add3A_95 : i32
      %lt3A_101 = arith.constant 782 : i32
      %lt3A_102 = arith.cmpi slt, %add3A_100, %lt3A_101 : i32
      %and3A_103 = arith.andi %lt3A_97, %lt3A_102 : i1
      %convert_element_type3A_104 = arith.extui %and3A_103 : i1 to i32
      %cond3A_105 = arith.constant 0 : i32
      %cond3A_106 = arith.cmpi ne, %convert_element_type3A_104, %cond3A_105 : i32
      scf.if %cond3A_106 {
        %dma_wait3A = arith.constant 0 : i32
        %dma_wait3A_388 = tpu.memref_slice %arg11[%add3A_95, %dma_wait3A] : memref<25x128xi32, #tpu.memory_space<vmem>> -> memref<1x128xi32, #tpu.memory_space<vmem>>
        %dma_wait3A_389 = tpu.memref_squeeze %dma_wait3A_388 : memref<1x128xi32, #tpu.memory_space<vmem>> -> memref<128xi32, #tpu.memory_space<vmem>>
        %dma_wait3A_390 = arith.constant 0 : i32
        %dma_wait3A_391 = arith.constant 0 : i32
        %dma_wait3A_392 = tpu.memref_slice %arg16[%dma_wait3A_390, %dma_wait3A_391] : memref<1025x128xf32, #tpu.memory_space<vmem_shared>> -> memref<1025x128xf32, #tpu.memory_space<vmem_shared>>
        tpu.wait_indirect_dma semaphore(%arg17 : memref<!tpu.dma_semaphore, #tpu.memory_space<semaphore_mem>>) src(%dma_wait3A_392 : memref<1025x128xf32, #tpu.memory_space<vmem_shared>>) dst(%arg7 : memref<128x128xf32, #tpu.memory_space<vmem>>)
      } else {
      }
      %mul3A_107 = arith.constant 25 : i32
      %mul3A_108 = arith.muli %add3A, %mul3A_107 : i32
      %add3A_109 = arith.addi %mul3A_108, %add3A_95 : i32
      %lt3A_110 = arith.constant 25 : i32
      %lt3A_111 = arith.cmpi slt, %add3A_95, %lt3A_110 : i32
      %lt3A_112 = arith.constant 781 : i32
      %lt3A_113 = arith.cmpi slt, %add3A_109, %lt3A_112 : i32
      %and3A_114 = arith.andi %lt3A_111, %lt3A_113 : i1
      %lt3A_115 = arith.constant 25 : i32
      %lt3A_116 = arith.cmpi slt, %add3A_95, %lt3A_115 : i32
      %eq3A_117 = arith.constant 781 : i32
      %eq3A_118 = arith.cmpi eq, %add3A_109, %eq3A_117 : i32
      %and3A_119 = arith.andi %lt3A_116, %eq3A_118 : i1
      %mul3A_120 = arith.constant 128 : i32
      %mul3A_121 = arith.muli %add3A_109, %mul3A_120 : i32
      %convert_element_type3A_122 = arith.extui %and3A_114 : i1 to i32
      %cond3A_123 = arith.constant 0 : i32
      %cond3A_124 = arith.cmpi ne, %convert_element_type3A_122, %cond3A_123 : i32
      scf.if %cond3A_124 {
        %dma_start3A = arith.constant 0 : i32
        %dma_start3A_388 = tpu.memref_slice %arg6[%mul3A_121, %dma_start3A] : memref<100000x128xf32, #tpu.memory_space<hbm>> -> memref<128x128xf32, #tpu.memory_space<hbm>>
        %dma_start3A_389 = arith.constant 0 : i32
        %dma_start3A_390 = tpu.memref_slice %arg6[%mul3A_121, %dma_start3A_389] : memref<100000x128xf32, #tpu.memory_space<hbm>> -> memref<128x128xf32, #tpu.memory_space<hbm>>
        tpu.enqueue_dma source(%arg7 : memref<128x128xf32, #tpu.memory_space<vmem>>) target(%dma_start3A_390 : memref<128x128xf32, #tpu.memory_space<hbm>>) target_semaphore(%arg21 : memref<!tpu.dma_semaphore, #tpu.memory_space<semaphore_mem>>)
      } else {
      }
      %convert_element_type3A_125 = arith.extui %and3A_119 : i1 to i32
      %cond3A_126 = arith.constant 0 : i32
      %cond3A_127 = arith.cmpi ne, %convert_element_type3A_125, %cond3A_126 : i32
      scf.if %cond3A_127 {
        %dma_start3A = arith.constant 0 : i32
        %dma_start3A_388 = arith.constant 0 : i32
        %dma_start3A_389 = tpu.memref_slice %arg7[%dma_start3A, %dma_start3A_388] : memref<128x128xf32, #tpu.memory_space<vmem>> -> memref<32x128xf32, #tpu.memory_space<vmem>>
        %dma_start3A_390 = arith.constant 99968 : i32
        %dma_start3A_391 = arith.constant 0 : i32
        %dma_start3A_392 = tpu.memref_slice %arg6[%dma_start3A_390, %dma_start3A_391] : memref<100000x128xf32, #tpu.memory_space<hbm>> -> memref<32x128xf32, #tpu.memory_space<hbm>>
        %dma_start3A_393 = arith.constant 99968 : i32
        %dma_start3A_394 = arith.constant 0 : i32
        %dma_start3A_395 = tpu.memref_slice %arg6[%dma_start3A_393, %dma_start3A_394] : memref<100000x128xf32, #tpu.memory_space<hbm>> -> memref<32x128xf32, #tpu.memory_space<hbm>>
        %dma_start3A_396 = arith.constant 0 : i32
        %dma_start3A_397 = arith.constant 0 : i32
        %dma_start3A_398 = tpu.memref_slice %arg7[%dma_start3A_396, %dma_start3A_397] : memref<128x128xf32, #tpu.memory_space<vmem>> -> memref<32x128xf32, #tpu.memory_space<vmem>>
        tpu.enqueue_dma source(%dma_start3A_398 : memref<32x128xf32, #tpu.memory_space<vmem>>) target(%dma_start3A_395 : memref<32x128xf32, #tpu.memory_space<hbm>>) target_semaphore(%arg21 : memref<!tpu.dma_semaphore, #tpu.memory_space<semaphore_mem>>)
      } else {
      }
      %mul3A_128 = arith.constant 4 : i32
      %mul3A_129 = arith.muli %mul3A_128, %add3A_91 : i32
      %add3A_130 = arith.constant 1 : i32
      %add3A_131 = arith.addi %mul3A_129, %add3A_130 : i32
      %lt3A_132 = arith.constant 25 : i32
      %lt3A_133 = arith.cmpi slt, %add3A_131, %lt3A_132 : i32
      %mul3A_134 = arith.constant 25 : i32
      %mul3A_135 = arith.muli %add3A, %mul3A_134 : i32
      %add3A_136 = arith.addi %mul3A_135, %add3A_131 : i32
      %lt3A_137 = arith.constant 782 : i32
      %lt3A_138 = arith.cmpi slt, %add3A_136, %lt3A_137 : i32
      %and3A_139 = arith.andi %lt3A_133, %lt3A_138 : i1
      %convert_element_type3A_140 = arith.extui %and3A_139 : i1 to i32
      %cond3A_141 = arith.constant 0 : i32
      %cond3A_142 = arith.cmpi ne, %convert_element_type3A_140, %cond3A_141 : i32
      scf.if %cond3A_142 {
        %dma_wait3A = arith.constant 0 : i32
        %dma_wait3A_388 = tpu.memref_slice %arg11[%add3A_131, %dma_wait3A] : memref<25x128xi32, #tpu.memory_space<vmem>> -> memref<1x128xi32, #tpu.memory_space<vmem>>
        %dma_wait3A_389 = tpu.memref_squeeze %dma_wait3A_388 : memref<1x128xi32, #tpu.memory_space<vmem>> -> memref<128xi32, #tpu.memory_space<vmem>>
        %dma_wait3A_390 = arith.constant 0 : i32
        %dma_wait3A_391 = arith.constant 0 : i32
        %dma_wait3A_392 = tpu.memref_slice %arg16[%dma_wait3A_390, %dma_wait3A_391] : memref<1025x128xf32, #tpu.memory_space<vmem_shared>> -> memref<1025x128xf32, #tpu.memory_space<vmem_shared>>
        tpu.wait_indirect_dma semaphore(%arg18 : memref<!tpu.dma_semaphore, #tpu.memory_space<semaphore_mem>>) src(%dma_wait3A_392 : memref<1025x128xf32, #tpu.memory_space<vmem_shared>>) dst(%arg8 : memref<128x128xf32, #tpu.memory_space<vmem>>)
      } else {
      }
      %mul3A_143 = arith.constant 25 : i32
      %mul3A_144 = arith.muli %add3A, %mul3A_143 : i32
      %add3A_145 = arith.addi %mul3A_144, %add3A_131 : i32
      %lt3A_146 = arith.constant 25 : i32
      %lt3A_147 = arith.cmpi slt, %add3A_131, %lt3A_146 : i32
      %lt3A_148 = arith.constant 781 : i32
      %lt3A_149 = arith.cmpi slt, %add3A_145, %lt3A_148 : i32
      %and3A_150 = arith.andi %lt3A_147, %lt3A_149 : i1
      %lt3A_151 = arith.constant 25 : i32
      %lt3A_152 = arith.cmpi slt, %add3A_131, %lt3A_151 : i32
      %eq3A_153 = arith.constant 781 : i32
      %eq3A_154 = arith.cmpi eq, %add3A_145, %eq3A_153 : i32
      %and3A_155 = arith.andi %lt3A_152, %eq3A_154 : i1
      %mul3A_156 = arith.constant 128 : i32
      %mul3A_157 = arith.muli %add3A_145, %mul3A_156 : i32
      %convert_element_type3A_158 = arith.extui %and3A_150 : i1 to i32
      %cond3A_159 = arith.constant 0 : i32
      %cond3A_160 = arith.cmpi ne, %convert_element_type3A_158, %cond3A_159 : i32
      scf.if %cond3A_160 {
        %dma_start3A = arith.constant 0 : i32
        %dma_start3A_388 = tpu.memref_slice %arg6[%mul3A_157, %dma_start3A] : memref<100000x128xf32, #tpu.memory_space<hbm>> -> memref<128x128xf32, #tpu.memory_space<hbm>>
        %dma_start3A_389 = arith.constant 0 : i32
        %dma_start3A_390 = tpu.memref_slice %arg6[%mul3A_157, %dma_start3A_389] : memref<100000x128xf32, #tpu.memory_space<hbm>> -> memref<128x128xf32, #tpu.memory_space<hbm>>
        tpu.enqueue_dma source(%arg8 : memref<128x128xf32, #tpu.memory_space<vmem>>) target(%dma_start3A_390 : memref<128x128xf32, #tpu.memory_space<hbm>>) target_semaphore(%arg22 : memref<!tpu.dma_semaphore, #tpu.memory_space<semaphore_mem>>)
      } else {
      }
      %convert_element_type3A_161 = arith.extui %and3A_155 : i1 to i32
      %cond3A_162 = arith.constant 0 : i32
      %cond3A_163 = arith.cmpi ne, %convert_element_type3A_161, %cond3A_162 : i32
      scf.if %cond3A_163 {
        %dma_start3A = arith.constant 0 : i32
        %dma_start3A_388 = arith.constant 0 : i32
        %dma_start3A_389 = tpu.memref_slice %arg8[%dma_start3A, %dma_start3A_388] : memref<128x128xf32, #tpu.memory_space<vmem>> -> memref<32x128xf32, #tpu.memory_space<vmem>>
        %dma_start3A_390 = arith.constant 99968 : i32
        %dma_start3A_391 = arith.constant 0 : i32
        %dma_start3A_392 = tpu.memref_slice %arg6[%dma_start3A_390, %dma_start3A_391] : memref<100000x128xf32, #tpu.memory_space<hbm>> -> memref<32x128xf32, #tpu.memory_space<hbm>>
        %dma_start3A_393 = arith.constant 99968 : i32
        %dma_start3A_394 = arith.constant 0 : i32
        %dma_start3A_395 = tpu.memref_slice %arg6[%dma_start3A_393, %dma_start3A_394] : memref<100000x128xf32, #tpu.memory_space<hbm>> -> memref<32x128xf32, #tpu.memory_space<hbm>>
        %dma_start3A_396 = arith.constant 0 : i32
        %dma_start3A_397 = arith.constant 0 : i32
        %dma_start3A_398 = tpu.memref_slice %arg8[%dma_start3A_396, %dma_start3A_397] : memref<128x128xf32, #tpu.memory_space<vmem>> -> memref<32x128xf32, #tpu.memory_space<vmem>>
        tpu.enqueue_dma source(%dma_start3A_398 : memref<32x128xf32, #tpu.memory_space<vmem>>) target(%dma_start3A_395 : memref<32x128xf32, #tpu.memory_space<hbm>>) target_semaphore(%arg22 : memref<!tpu.dma_semaphore, #tpu.memory_space<semaphore_mem>>)
      } else {
      }
      %mul3A_164 = arith.constant 4 : i32
      %mul3A_165 = arith.muli %mul3A_164, %add3A_91 : i32
      %add3A_166 = arith.constant 2 : i32
      %add3A_167 = arith.addi %mul3A_165, %add3A_166 : i32
      %lt3A_168 = arith.constant 25 : i32
      %lt3A_169 = arith.cmpi slt, %add3A_167, %lt3A_168 : i32
      %mul3A_170 = arith.constant 25 : i32
      %mul3A_171 = arith.muli %add3A, %mul3A_170 : i32
      %add3A_172 = arith.addi %mul3A_171, %add3A_167 : i32
      %lt3A_173 = arith.constant 782 : i32
      %lt3A_174 = arith.cmpi slt, %add3A_172, %lt3A_173 : i32
      %and3A_175 = arith.andi %lt3A_169, %lt3A_174 : i1
      %convert_element_type3A_176 = arith.extui %and3A_175 : i1 to i32
      %cond3A_177 = arith.constant 0 : i32
      %cond3A_178 = arith.cmpi ne, %convert_element_type3A_176, %cond3A_177 : i32
      scf.if %cond3A_178 {
        %dma_wait3A = arith.constant 0 : i32
        %dma_wait3A_388 = tpu.memref_slice %arg11[%add3A_167, %dma_wait3A] : memref<25x128xi32, #tpu.memory_space<vmem>> -> memref<1x128xi32, #tpu.memory_space<vmem>>
        %dma_wait3A_389 = tpu.memref_squeeze %dma_wait3A_388 : memref<1x128xi32, #tpu.memory_space<vmem>> -> memref<128xi32, #tpu.memory_space<vmem>>
        %dma_wait3A_390 = arith.constant 0 : i32
        %dma_wait3A_391 = arith.constant 0 : i32
        %dma_wait3A_392 = tpu.memref_slice %arg16[%dma_wait3A_390, %dma_wait3A_391] : memref<1025x128xf32, #tpu.memory_space<vmem_shared>> -> memref<1025x128xf32, #tpu.memory_space<vmem_shared>>
        tpu.wait_indirect_dma semaphore(%arg19 : memref<!tpu.dma_semaphore, #tpu.memory_space<semaphore_mem>>) src(%dma_wait3A_392 : memref<1025x128xf32, #tpu.memory_space<vmem_shared>>) dst(%arg9 : memref<128x128xf32, #tpu.memory_space<vmem>>)
      } else {
      }
      %mul3A_179 = arith.constant 25 : i32
      %mul3A_180 = arith.muli %add3A, %mul3A_179 : i32
      %add3A_181 = arith.addi %mul3A_180, %add3A_167 : i32
      %lt3A_182 = arith.constant 25 : i32
      %lt3A_183 = arith.cmpi slt, %add3A_167, %lt3A_182 : i32
      %lt3A_184 = arith.constant 781 : i32
      %lt3A_185 = arith.cmpi slt, %add3A_181, %lt3A_184 : i32
      %and3A_186 = arith.andi %lt3A_183, %lt3A_185 : i1
      %lt3A_187 = arith.constant 25 : i32
      %lt3A_188 = arith.cmpi slt, %add3A_167, %lt3A_187 : i32
      %eq3A_189 = arith.constant 781 : i32
      %eq3A_190 = arith.cmpi eq, %add3A_181, %eq3A_189 : i32
      %and3A_191 = arith.andi %lt3A_188, %eq3A_190 : i1
      %mul3A_192 = arith.constant 128 : i32
      %mul3A_193 = arith.muli %add3A_181, %mul3A_192 : i32
      %convert_element_type3A_194 = arith.extui %and3A_186 : i1 to i32
      %cond3A_195 = arith.constant 0 : i32
      %cond3A_196 = arith.cmpi ne, %convert_element_type3A_194, %cond3A_195 : i32
      scf.if %cond3A_196 {
        %dma_start3A = arith.constant 0 : i32
        %dma_start3A_388 = tpu.memref_slice %arg6[%mul3A_193, %dma_start3A] : memref<100000x128xf32, #tpu.memory_space<hbm>> -> memref<128x128xf32, #tpu.memory_space<hbm>>
        %dma_start3A_389 = arith.constant 0 : i32
        %dma_start3A_390 = tpu.memref_slice %arg6[%mul3A_193, %dma_start3A_389] : memref<100000x128xf32, #tpu.memory_space<hbm>> -> memref<128x128xf32, #tpu.memory_space<hbm>>
        tpu.enqueue_dma source(%arg9 : memref<128x128xf32, #tpu.memory_space<vmem>>) target(%dma_start3A_390 : memref<128x128xf32, #tpu.memory_space<hbm>>) target_semaphore(%arg23 : memref<!tpu.dma_semaphore, #tpu.memory_space<semaphore_mem>>)
      } else {
      }
      %convert_element_type3A_197 = arith.extui %and3A_191 : i1 to i32
      %cond3A_198 = arith.constant 0 : i32
      %cond3A_199 = arith.cmpi ne, %convert_element_type3A_197, %cond3A_198 : i32
      scf.if %cond3A_199 {
        %dma_start3A = arith.constant 0 : i32
        %dma_start3A_388 = arith.constant 0 : i32
        %dma_start3A_389 = tpu.memref_slice %arg9[%dma_start3A, %dma_start3A_388] : memref<128x128xf32, #tpu.memory_space<vmem>> -> memref<32x128xf32, #tpu.memory_space<vmem>>
        %dma_start3A_390 = arith.constant 99968 : i32
        %dma_start3A_391 = arith.constant 0 : i32
        %dma_start3A_392 = tpu.memref_slice %arg6[%dma_start3A_390, %dma_start3A_391] : memref<100000x128xf32, #tpu.memory_space<hbm>> -> memref<32x128xf32, #tpu.memory_space<hbm>>
        %dma_start3A_393 = arith.constant 99968 : i32
        %dma_start3A_394 = arith.constant 0 : i32
        %dma_start3A_395 = tpu.memref_slice %arg6[%dma_start3A_393, %dma_start3A_394] : memref<100000x128xf32, #tpu.memory_space<hbm>> -> memref<32x128xf32, #tpu.memory_space<hbm>>
        %dma_start3A_396 = arith.constant 0 : i32
        %dma_start3A_397 = arith.constant 0 : i32
        %dma_start3A_398 = tpu.memref_slice %arg9[%dma_start3A_396, %dma_start3A_397] : memref<128x128xf32, #tpu.memory_space<vmem>> -> memref<32x128xf32, #tpu.memory_space<vmem>>
        tpu.enqueue_dma source(%dma_start3A_398 : memref<32x128xf32, #tpu.memory_space<vmem>>) target(%dma_start3A_395 : memref<32x128xf32, #tpu.memory_space<hbm>>) target_semaphore(%arg23 : memref<!tpu.dma_semaphore, #tpu.memory_space<semaphore_mem>>)
      } else {
      }
      %mul3A_200 = arith.constant 4 : i32
      %mul3A_201 = arith.muli %mul3A_200, %add3A_91 : i32
      %add3A_202 = arith.constant 3 : i32
      %add3A_203 = arith.addi %mul3A_201, %add3A_202 : i32
      %lt3A_204 = arith.constant 25 : i32
      %lt3A_205 = arith.cmpi slt, %add3A_203, %lt3A_204 : i32
      %mul3A_206 = arith.constant 25 : i32
      %mul3A_207 = arith.muli %add3A, %mul3A_206 : i32
      %add3A_208 = arith.addi %mul3A_207, %add3A_203 : i32
      %lt3A_209 = arith.constant 782 : i32
      %lt3A_210 = arith.cmpi slt, %add3A_208, %lt3A_209 : i32
      %and3A_211 = arith.andi %lt3A_205, %lt3A_210 : i1
      %convert_element_type3A_212 = arith.extui %and3A_211 : i1 to i32
      %cond3A_213 = arith.constant 0 : i32
      %cond3A_214 = arith.cmpi ne, %convert_element_type3A_212, %cond3A_213 : i32
      scf.if %cond3A_214 {
        %dma_wait3A = arith.constant 0 : i32
        %dma_wait3A_388 = tpu.memref_slice %arg11[%add3A_203, %dma_wait3A] : memref<25x128xi32, #tpu.memory_space<vmem>> -> memref<1x128xi32, #tpu.memory_space<vmem>>
        %dma_wait3A_389 = tpu.memref_squeeze %dma_wait3A_388 : memref<1x128xi32, #tpu.memory_space<vmem>> -> memref<128xi32, #tpu.memory_space<vmem>>
        %dma_wait3A_390 = arith.constant 0 : i32
        %dma_wait3A_391 = arith.constant 0 : i32
        %dma_wait3A_392 = tpu.memref_slice %arg16[%dma_wait3A_390, %dma_wait3A_391] : memref<1025x128xf32, #tpu.memory_space<vmem_shared>> -> memref<1025x128xf32, #tpu.memory_space<vmem_shared>>
        tpu.wait_indirect_dma semaphore(%arg20 : memref<!tpu.dma_semaphore, #tpu.memory_space<semaphore_mem>>) src(%dma_wait3A_392 : memref<1025x128xf32, #tpu.memory_space<vmem_shared>>) dst(%arg10 : memref<128x128xf32, #tpu.memory_space<vmem>>)
      } else {
      }
      %mul3A_215 = arith.constant 25 : i32
      %mul3A_216 = arith.muli %add3A, %mul3A_215 : i32
      %add3A_217 = arith.addi %mul3A_216, %add3A_203 : i32
      %lt3A_218 = arith.constant 25 : i32
      %lt3A_219 = arith.cmpi slt, %add3A_203, %lt3A_218 : i32
      %lt3A_220 = arith.constant 781 : i32
      %lt3A_221 = arith.cmpi slt, %add3A_217, %lt3A_220 : i32
      %and3A_222 = arith.andi %lt3A_219, %lt3A_221 : i1
      %lt3A_223 = arith.constant 25 : i32
      %lt3A_224 = arith.cmpi slt, %add3A_203, %lt3A_223 : i32
      %eq3A_225 = arith.constant 781 : i32
      %eq3A_226 = arith.cmpi eq, %add3A_217, %eq3A_225 : i32
      %and3A_227 = arith.andi %lt3A_224, %eq3A_226 : i1
      %mul3A_228 = arith.constant 128 : i32
      %mul3A_229 = arith.muli %add3A_217, %mul3A_228 : i32
      %convert_element_type3A_230 = arith.extui %and3A_222 : i1 to i32
      %cond3A_231 = arith.constant 0 : i32
      %cond3A_232 = arith.cmpi ne, %convert_element_type3A_230, %cond3A_231 : i32
      scf.if %cond3A_232 {
        %dma_start3A = arith.constant 0 : i32
        %dma_start3A_388 = tpu.memref_slice %arg6[%mul3A_229, %dma_start3A] : memref<100000x128xf32, #tpu.memory_space<hbm>> -> memref<128x128xf32, #tpu.memory_space<hbm>>
        %dma_start3A_389 = arith.constant 0 : i32
        %dma_start3A_390 = tpu.memref_slice %arg6[%mul3A_229, %dma_start3A_389] : memref<100000x128xf32, #tpu.memory_space<hbm>> -> memref<128x128xf32, #tpu.memory_space<hbm>>
        tpu.enqueue_dma source(%arg10 : memref<128x128xf32, #tpu.memory_space<vmem>>) target(%dma_start3A_390 : memref<128x128xf32, #tpu.memory_space<hbm>>) target_semaphore(%arg24 : memref<!tpu.dma_semaphore, #tpu.memory_space<semaphore_mem>>)
      } else {
      }
      %convert_element_type3A_233 = arith.extui %and3A_227 : i1 to i32
      %cond3A_234 = arith.constant 0 : i32
      %cond3A_235 = arith.cmpi ne, %convert_element_type3A_233, %cond3A_234 : i32
      scf.if %cond3A_235 {
        %dma_start3A = arith.constant 0 : i32
        %dma_start3A_388 = arith.constant 0 : i32
        %dma_start3A_389 = tpu.memref_slice %arg10[%dma_start3A, %dma_start3A_388] : memref<128x128xf32, #tpu.memory_space<vmem>> -> memref<32x128xf32, #tpu.memory_space<vmem>>
        %dma_start3A_390 = arith.constant 99968 : i32
        %dma_start3A_391 = arith.constant 0 : i32
        %dma_start3A_392 = tpu.memref_slice %arg6[%dma_start3A_390, %dma_start3A_391] : memref<100000x128xf32, #tpu.memory_space<hbm>> -> memref<32x128xf32, #tpu.memory_space<hbm>>
        %dma_start3A_393 = arith.constant 99968 : i32
        %dma_start3A_394 = arith.constant 0 : i32
        %dma_start3A_395 = tpu.memref_slice %arg6[%dma_start3A_393, %dma_start3A_394] : memref<100000x128xf32, #tpu.memory_space<hbm>> -> memref<32x128xf32, #tpu.memory_space<hbm>>
        %dma_start3A_396 = arith.constant 0 : i32
        %dma_start3A_397 = arith.constant 0 : i32
        %dma_start3A_398 = tpu.memref_slice %arg10[%dma_start3A_396, %dma_start3A_397] : memref<128x128xf32, #tpu.memory_space<vmem>> -> memref<32x128xf32, #tpu.memory_space<vmem>>
        tpu.enqueue_dma source(%dma_start3A_398 : memref<32x128xf32, #tpu.memory_space<vmem>>) target(%dma_start3A_395 : memref<32x128xf32, #tpu.memory_space<hbm>>) target_semaphore(%arg24 : memref<!tpu.dma_semaphore, #tpu.memory_space<semaphore_mem>>)
      } else {
      }
      %mul3A_236 = arith.constant 4 : i32
      %mul3A_237 = arith.muli %mul3A_236, %add3A_91 : i32
      %add3A_238 = arith.constant 0 : i32
      %add3A_239 = arith.addi %mul3A_237, %add3A_238 : i32
      %mul3A_240 = arith.constant 25 : i32
      %mul3A_241 = arith.muli %add3A, %mul3A_240 : i32
      %add3A_242 = arith.addi %mul3A_241, %add3A_239 : i32
      %lt3A_243 = arith.constant 25 : i32
      %lt3A_244 = arith.cmpi slt, %add3A_239, %lt3A_243 : i32
      %lt3A_245 = arith.constant 781 : i32
      %lt3A_246 = arith.cmpi slt, %add3A_242, %lt3A_245 : i32
      %and3A_247 = arith.andi %lt3A_244, %lt3A_246 : i1
      %lt3A_248 = arith.constant 25 : i32
      %lt3A_249 = arith.cmpi slt, %add3A_239, %lt3A_248 : i32
      %eq3A_250 = arith.constant 781 : i32
      %eq3A_251 = arith.cmpi eq, %add3A_242, %eq3A_250 : i32
      %and3A_252 = arith.andi %lt3A_249, %eq3A_251 : i1
      %mul3A_253 = arith.constant 128 : i32
      %mul3A_254 = arith.muli %add3A_242, %mul3A_253 : i32
      %convert_element_type3A_255 = arith.extui %and3A_247 : i1 to i32
      %cond3A_256 = arith.constant 0 : i32
      %cond3A_257 = arith.cmpi ne, %convert_element_type3A_255, %cond3A_256 : i32
      scf.if %cond3A_257 {
        %dma_wait3A = arith.constant 0 : i32
        %dma_wait3A_388 = tpu.memref_slice %arg6[%mul3A_254, %dma_wait3A] : memref<100000x128xf32, #tpu.memory_space<hbm>> -> memref<128x128xf32, #tpu.memory_space<hbm>>
        %dma_wait3A_389 = arith.constant 0 : i32
        %dma_wait3A_390 = tpu.memref_slice %arg6[%mul3A_254, %dma_wait3A_389] : memref<100000x128xf32, #tpu.memory_space<hbm>> -> memref<128x128xf32, #tpu.memory_space<hbm>>
        tpu.wait_dma2 semaphore(%arg21 : memref<!tpu.dma_semaphore, #tpu.memory_space<semaphore_mem>>) src(%arg7 : memref<128x128xf32, #tpu.memory_space<vmem>>) dst(%dma_wait3A_390 : memref<128x128xf32, #tpu.memory_space<hbm>>)
      } else {
      }
      %convert_element_type3A_258 = arith.extui %and3A_252 : i1 to i32
      %cond3A_259 = arith.constant 0 : i32
      %cond3A_260 = arith.cmpi ne, %convert_element_type3A_258, %cond3A_259 : i32
      scf.if %cond3A_260 {
        %dma_wait3A = arith.constant 0 : i32
        %dma_wait3A_388 = arith.constant 0 : i32
        %dma_wait3A_389 = tpu.memref_slice %arg7[%dma_wait3A, %dma_wait3A_388] : memref<128x128xf32, #tpu.memory_space<vmem>> -> memref<32x128xf32, #tpu.memory_space<vmem>>
        %dma_wait3A_390 = arith.constant 99968 : i32
        %dma_wait3A_391 = arith.constant 0 : i32
        %dma_wait3A_392 = tpu.memref_slice %arg6[%dma_wait3A_390, %dma_wait3A_391] : memref<100000x128xf32, #tpu.memory_space<hbm>> -> memref<32x128xf32, #tpu.memory_space<hbm>>
        %dma_wait3A_393 = arith.constant 99968 : i32
        %dma_wait3A_394 = arith.constant 0 : i32
        %dma_wait3A_395 = tpu.memref_slice %arg6[%dma_wait3A_393, %dma_wait3A_394] : memref<100000x128xf32, #tpu.memory_space<hbm>> -> memref<32x128xf32, #tpu.memory_space<hbm>>
        %dma_wait3A_396 = arith.constant 0 : i32
        %dma_wait3A_397 = arith.constant 0 : i32
        %dma_wait3A_398 = tpu.memref_slice %arg7[%dma_wait3A_396, %dma_wait3A_397] : memref<128x128xf32, #tpu.memory_space<vmem>> -> memref<32x128xf32, #tpu.memory_space<vmem>>
        tpu.wait_dma2 semaphore(%arg21 : memref<!tpu.dma_semaphore, #tpu.memory_space<semaphore_mem>>) src(%dma_wait3A_398 : memref<32x128xf32, #tpu.memory_space<vmem>>) dst(%dma_wait3A_395 : memref<32x128xf32, #tpu.memory_space<hbm>>)
      } else {
      }
      %add3A_261 = arith.constant 4 : i32
      %add3A_262 = arith.addi %add3A_239, %add3A_261 : i32
      %lt3A_263 = arith.constant 25 : i32
      %lt3A_264 = arith.cmpi slt, %add3A_262, %lt3A_263 : i32
      %mul3A_265 = arith.constant 25 : i32
      %mul3A_266 = arith.muli %add3A, %mul3A_265 : i32
      %add3A_267 = arith.addi %mul3A_266, %add3A_262 : i32
      %lt3A_268 = arith.constant 782 : i32
      %lt3A_269 = arith.cmpi slt, %add3A_267, %lt3A_268 : i32
      %and3A_270 = arith.andi %lt3A_264, %lt3A_269 : i1
      %convert_element_type3A_271 = arith.extui %and3A_270 : i1 to i32
      %cond3A_272 = arith.constant 0 : i32
      %cond3A_273 = arith.cmpi ne, %convert_element_type3A_271, %cond3A_272 : i32
      scf.if %cond3A_273 {
        %dma_start3A = arith.constant 0 : i32
        %dma_start3A_388 = tpu.memref_slice %arg11[%add3A_262, %dma_start3A] : memref<25x128xi32, #tpu.memory_space<vmem>> -> memref<1x128xi32, #tpu.memory_space<vmem>>
        %dma_start3A_389 = tpu.memref_squeeze %dma_start3A_388 : memref<1x128xi32, #tpu.memory_space<vmem>> -> memref<128xi32, #tpu.memory_space<vmem>>
        %dma_start3A_390 = arith.constant 0 : i32
        %dma_start3A_391 = arith.constant 0 : i32
        %dma_start3A_392 = tpu.memref_slice %arg16[%dma_start3A_390, %dma_start3A_391] : memref<1025x128xf32, #tpu.memory_space<vmem_shared>> -> memref<1025x128xf32, #tpu.memory_space<vmem_shared>>
        tpu.enqueue_indirect_dma source(%dma_start3A_392 : memref<1025x128xf32, #tpu.memory_space<vmem_shared>>) target(%arg7 : memref<128x128xf32, #tpu.memory_space<vmem>>) offsets(%dma_start3A_389 : memref<128xi32, #tpu.memory_space<vmem>>) semaphore(%arg17 : memref<!tpu.dma_semaphore, #tpu.memory_space<semaphore_mem>>)
      } else {
      }
      %mul3A_274 = arith.constant 4 : i32
      %mul3A_275 = arith.muli %mul3A_274, %add3A_91 : i32
      %add3A_276 = arith.constant 1 : i32
      %add3A_277 = arith.addi %mul3A_275, %add3A_276 : i32
      %mul3A_278 = arith.constant 25 : i32
      %mul3A_279 = arith.muli %add3A, %mul3A_278 : i32
      %add3A_280 = arith.addi %mul3A_279, %add3A_277 : i32
      %lt3A_281 = arith.constant 25 : i32
      %lt3A_282 = arith.cmpi slt, %add3A_277, %lt3A_281 : i32
      %lt3A_283 = arith.constant 781 : i32
      %lt3A_284 = arith.cmpi slt, %add3A_280, %lt3A_283 : i32
      %and3A_285 = arith.andi %lt3A_282, %lt3A_284 : i1
      %lt3A_286 = arith.constant 25 : i32
      %lt3A_287 = arith.cmpi slt, %add3A_277, %lt3A_286 : i32
      %eq3A_288 = arith.constant 781 : i32
      %eq3A_289 = arith.cmpi eq, %add3A_280, %eq3A_288 : i32
      %and3A_290 = arith.andi %lt3A_287, %eq3A_289 : i1
      %mul3A_291 = arith.constant 128 : i32
      %mul3A_292 = arith.muli %add3A_280, %mul3A_291 : i32
      %convert_element_type3A_293 = arith.extui %and3A_285 : i1 to i32
      %cond3A_294 = arith.constant 0 : i32
      %cond3A_295 = arith.cmpi ne, %convert_element_type3A_293, %cond3A_294 : i32
      scf.if %cond3A_295 {
        %dma_wait3A = arith.constant 0 : i32
        %dma_wait3A_388 = tpu.memref_slice %arg6[%mul3A_292, %dma_wait3A] : memref<100000x128xf32, #tpu.memory_space<hbm>> -> memref<128x128xf32, #tpu.memory_space<hbm>>
        %dma_wait3A_389 = arith.constant 0 : i32
        %dma_wait3A_390 = tpu.memref_slice %arg6[%mul3A_292, %dma_wait3A_389] : memref<100000x128xf32, #tpu.memory_space<hbm>> -> memref<128x128xf32, #tpu.memory_space<hbm>>
        tpu.wait_dma2 semaphore(%arg22 : memref<!tpu.dma_semaphore, #tpu.memory_space<semaphore_mem>>) src(%arg8 : memref<128x128xf32, #tpu.memory_space<vmem>>) dst(%dma_wait3A_390 : memref<128x128xf32, #tpu.memory_space<hbm>>)
      } else {
      }
      %convert_element_type3A_296 = arith.extui %and3A_290 : i1 to i32
      %cond3A_297 = arith.constant 0 : i32
      %cond3A_298 = arith.cmpi ne, %convert_element_type3A_296, %cond3A_297 : i32
      scf.if %cond3A_298 {
        %dma_wait3A = arith.constant 0 : i32
        %dma_wait3A_388 = arith.constant 0 : i32
        %dma_wait3A_389 = tpu.memref_slice %arg8[%dma_wait3A, %dma_wait3A_388] : memref<128x128xf32, #tpu.memory_space<vmem>> -> memref<32x128xf32, #tpu.memory_space<vmem>>
        %dma_wait3A_390 = arith.constant 99968 : i32
        %dma_wait3A_391 = arith.constant 0 : i32
        %dma_wait3A_392 = tpu.memref_slice %arg6[%dma_wait3A_390, %dma_wait3A_391] : memref<100000x128xf32, #tpu.memory_space<hbm>> -> memref<32x128xf32, #tpu.memory_space<hbm>>
        %dma_wait3A_393 = arith.constant 99968 : i32
        %dma_wait3A_394 = arith.constant 0 : i32
        %dma_wait3A_395 = tpu.memref_slice %arg6[%dma_wait3A_393, %dma_wait3A_394] : memref<100000x128xf32, #tpu.memory_space<hbm>> -> memref<32x128xf32, #tpu.memory_space<hbm>>
        %dma_wait3A_396 = arith.constant 0 : i32
        %dma_wait3A_397 = arith.constant 0 : i32
        %dma_wait3A_398 = tpu.memref_slice %arg8[%dma_wait3A_396, %dma_wait3A_397] : memref<128x128xf32, #tpu.memory_space<vmem>> -> memref<32x128xf32, #tpu.memory_space<vmem>>
        tpu.wait_dma2 semaphore(%arg22 : memref<!tpu.dma_semaphore, #tpu.memory_space<semaphore_mem>>) src(%dma_wait3A_398 : memref<32x128xf32, #tpu.memory_space<vmem>>) dst(%dma_wait3A_395 : memref<32x128xf32, #tpu.memory_space<hbm>>)
      } else {
      }
      %add3A_299 = arith.constant 4 : i32
      %add3A_300 = arith.addi %add3A_277, %add3A_299 : i32
      %lt3A_301 = arith.constant 25 : i32
      %lt3A_302 = arith.cmpi slt, %add3A_300, %lt3A_301 : i32
      %mul3A_303 = arith.constant 25 : i32
      %mul3A_304 = arith.muli %add3A, %mul3A_303 : i32
      %add3A_305 = arith.addi %mul3A_304, %add3A_300 : i32
      %lt3A_306 = arith.constant 782 : i32
      %lt3A_307 = arith.cmpi slt, %add3A_305, %lt3A_306 : i32
      %and3A_308 = arith.andi %lt3A_302, %lt3A_307 : i1
      %convert_element_type3A_309 = arith.extui %and3A_308 : i1 to i32
      %cond3A_310 = arith.constant 0 : i32
      %cond3A_311 = arith.cmpi ne, %convert_element_type3A_309, %cond3A_310 : i32
      scf.if %cond3A_311 {
        %dma_start3A = arith.constant 0 : i32
        %dma_start3A_388 = tpu.memref_slice %arg11[%add3A_300, %dma_start3A] : memref<25x128xi32, #tpu.memory_space<vmem>> -> memref<1x128xi32, #tpu.memory_space<vmem>>
        %dma_start3A_389 = tpu.memref_squeeze %dma_start3A_388 : memref<1x128xi32, #tpu.memory_space<vmem>> -> memref<128xi32, #tpu.memory_space<vmem>>
        %dma_start3A_390 = arith.constant 0 : i32
        %dma_start3A_391 = arith.constant 0 : i32
        %dma_start3A_392 = tpu.memref_slice %arg16[%dma_start3A_390, %dma_start3A_391] : memref<1025x128xf32, #tpu.memory_space<vmem_shared>> -> memref<1025x128xf32, #tpu.memory_space<vmem_shared>>
        tpu.enqueue_indirect_dma source(%dma_start3A_392 : memref<1025x128xf32, #tpu.memory_space<vmem_shared>>) target(%arg8 : memref<128x128xf32, #tpu.memory_space<vmem>>) offsets(%dma_start3A_389 : memref<128xi32, #tpu.memory_space<vmem>>) semaphore(%arg18 : memref<!tpu.dma_semaphore, #tpu.memory_space<semaphore_mem>>)
      } else {
      }
      %mul3A_312 = arith.constant 4 : i32
      %mul3A_313 = arith.muli %mul3A_312, %add3A_91 : i32
      %add3A_314 = arith.constant 2 : i32
      %add3A_315 = arith.addi %mul3A_313, %add3A_314 : i32
      %mul3A_316 = arith.constant 25 : i32
      %mul3A_317 = arith.muli %add3A, %mul3A_316 : i32
      %add3A_318 = arith.addi %mul3A_317, %add3A_315 : i32
      %lt3A_319 = arith.constant 25 : i32
      %lt3A_320 = arith.cmpi slt, %add3A_315, %lt3A_319 : i32
      %lt3A_321 = arith.constant 781 : i32
      %lt3A_322 = arith.cmpi slt, %add3A_318, %lt3A_321 : i32
      %and3A_323 = arith.andi %lt3A_320, %lt3A_322 : i1
      %lt3A_324 = arith.constant 25 : i32
      %lt3A_325 = arith.cmpi slt, %add3A_315, %lt3A_324 : i32
      %eq3A_326 = arith.constant 781 : i32
      %eq3A_327 = arith.cmpi eq, %add3A_318, %eq3A_326 : i32
      %and3A_328 = arith.andi %lt3A_325, %eq3A_327 : i1
      %mul3A_329 = arith.constant 128 : i32
      %mul3A_330 = arith.muli %add3A_318, %mul3A_329 : i32
      %convert_element_type3A_331 = arith.extui %and3A_323 : i1 to i32
      %cond3A_332 = arith.constant 0 : i32
      %cond3A_333 = arith.cmpi ne, %convert_element_type3A_331, %cond3A_332 : i32
      scf.if %cond3A_333 {
        %dma_wait3A = arith.constant 0 : i32
        %dma_wait3A_388 = tpu.memref_slice %arg6[%mul3A_330, %dma_wait3A] : memref<100000x128xf32, #tpu.memory_space<hbm>> -> memref<128x128xf32, #tpu.memory_space<hbm>>
        %dma_wait3A_389 = arith.constant 0 : i32
        %dma_wait3A_390 = tpu.memref_slice %arg6[%mul3A_330, %dma_wait3A_389] : memref<100000x128xf32, #tpu.memory_space<hbm>> -> memref<128x128xf32, #tpu.memory_space<hbm>>
        tpu.wait_dma2 semaphore(%arg23 : memref<!tpu.dma_semaphore, #tpu.memory_space<semaphore_mem>>) src(%arg9 : memref<128x128xf32, #tpu.memory_space<vmem>>) dst(%dma_wait3A_390 : memref<128x128xf32, #tpu.memory_space<hbm>>)
      } else {
      }
      %convert_element_type3A_334 = arith.extui %and3A_328 : i1 to i32
      %cond3A_335 = arith.constant 0 : i32
      %cond3A_336 = arith.cmpi ne, %convert_element_type3A_334, %cond3A_335 : i32
      scf.if %cond3A_336 {
        %dma_wait3A = arith.constant 0 : i32
        %dma_wait3A_388 = arith.constant 0 : i32
        %dma_wait3A_389 = tpu.memref_slice %arg9[%dma_wait3A, %dma_wait3A_388] : memref<128x128xf32, #tpu.memory_space<vmem>> -> memref<32x128xf32, #tpu.memory_space<vmem>>
        %dma_wait3A_390 = arith.constant 99968 : i32
        %dma_wait3A_391 = arith.constant 0 : i32
        %dma_wait3A_392 = tpu.memref_slice %arg6[%dma_wait3A_390, %dma_wait3A_391] : memref<100000x128xf32, #tpu.memory_space<hbm>> -> memref<32x128xf32, #tpu.memory_space<hbm>>
        %dma_wait3A_393 = arith.constant 99968 : i32
        %dma_wait3A_394 = arith.constant 0 : i32
        %dma_wait3A_395 = tpu.memref_slice %arg6[%dma_wait3A_393, %dma_wait3A_394] : memref<100000x128xf32, #tpu.memory_space<hbm>> -> memref<32x128xf32, #tpu.memory_space<hbm>>
        %dma_wait3A_396 = arith.constant 0 : i32
        %dma_wait3A_397 = arith.constant 0 : i32
        %dma_wait3A_398 = tpu.memref_slice %arg9[%dma_wait3A_396, %dma_wait3A_397] : memref<128x128xf32, #tpu.memory_space<vmem>> -> memref<32x128xf32, #tpu.memory_space<vmem>>
        tpu.wait_dma2 semaphore(%arg23 : memref<!tpu.dma_semaphore, #tpu.memory_space<semaphore_mem>>) src(%dma_wait3A_398 : memref<32x128xf32, #tpu.memory_space<vmem>>) dst(%dma_wait3A_395 : memref<32x128xf32, #tpu.memory_space<hbm>>)
      } else {
      }
      %add3A_337 = arith.constant 4 : i32
      %add3A_338 = arith.addi %add3A_315, %add3A_337 : i32
      %lt3A_339 = arith.constant 25 : i32
      %lt3A_340 = arith.cmpi slt, %add3A_338, %lt3A_339 : i32
      %mul3A_341 = arith.constant 25 : i32
      %mul3A_342 = arith.muli %add3A, %mul3A_341 : i32
      %add3A_343 = arith.addi %mul3A_342, %add3A_338 : i32
      %lt3A_344 = arith.constant 782 : i32
      %lt3A_345 = arith.cmpi slt, %add3A_343, %lt3A_344 : i32
      %and3A_346 = arith.andi %lt3A_340, %lt3A_345 : i1
      %convert_element_type3A_347 = arith.extui %and3A_346 : i1 to i32
      %cond3A_348 = arith.constant 0 : i32
      %cond3A_349 = arith.cmpi ne, %convert_element_type3A_347, %cond3A_348 : i32
      scf.if %cond3A_349 {
        %dma_start3A = arith.constant 0 : i32
        %dma_start3A_388 = tpu.memref_slice %arg11[%add3A_338, %dma_start3A] : memref<25x128xi32, #tpu.memory_space<vmem>> -> memref<1x128xi32, #tpu.memory_space<vmem>>
        %dma_start3A_389 = tpu.memref_squeeze %dma_start3A_388 : memref<1x128xi32, #tpu.memory_space<vmem>> -> memref<128xi32, #tpu.memory_space<vmem>>
        %dma_start3A_390 = arith.constant 0 : i32
        %dma_start3A_391 = arith.constant 0 : i32
        %dma_start3A_392 = tpu.memref_slice %arg16[%dma_start3A_390, %dma_start3A_391] : memref<1025x128xf32, #tpu.memory_space<vmem_shared>> -> memref<1025x128xf32, #tpu.memory_space<vmem_shared>>
        tpu.enqueue_indirect_dma source(%dma_start3A_392 : memref<1025x128xf32, #tpu.memory_space<vmem_shared>>) target(%arg9 : memref<128x128xf32, #tpu.memory_space<vmem>>) offsets(%dma_start3A_389 : memref<128xi32, #tpu.memory_space<vmem>>) semaphore(%arg19 : memref<!tpu.dma_semaphore, #tpu.memory_space<semaphore_mem>>)
      } else {
      }
      %mul3A_350 = arith.constant 4 : i32
      %mul3A_351 = arith.muli %mul3A_350, %add3A_91 : i32
      %add3A_352 = arith.constant 3 : i32
      %add3A_353 = arith.addi %mul3A_351, %add3A_352 : i32
      %mul3A_354 = arith.constant 25 : i32
      %mul3A_355 = arith.muli %add3A, %mul3A_354 : i32
      %add3A_356 = arith.addi %mul3A_355, %add3A_353 : i32
      %lt3A_357 = arith.constant 25 : i32
      %lt3A_358 = arith.cmpi slt, %add3A_353, %lt3A_357 : i32
      %lt3A_359 = arith.constant 781 : i32
      %lt3A_360 = arith.cmpi slt, %add3A_356, %lt3A_359 : i32
      %and3A_361 = arith.andi %lt3A_358, %lt3A_360 : i1
      %lt3A_362 = arith.constant 25 : i32
      %lt3A_363 = arith.cmpi slt, %add3A_353, %lt3A_362 : i32
      %eq3A_364 = arith.constant 781 : i32
      %eq3A_365 = arith.cmpi eq, %add3A_356, %eq3A_364 : i32
      %and3A_366 = arith.andi %lt3A_363, %eq3A_365 : i1
      %mul3A_367 = arith.constant 128 : i32
      %mul3A_368 = arith.muli %add3A_356, %mul3A_367 : i32
      %convert_element_type3A_369 = arith.extui %and3A_361 : i1 to i32
      %cond3A_370 = arith.constant 0 : i32
      %cond3A_371 = arith.cmpi ne, %convert_element_type3A_369, %cond3A_370 : i32
      scf.if %cond3A_371 {
        %dma_wait3A = arith.constant 0 : i32
        %dma_wait3A_388 = tpu.memref_slice %arg6[%mul3A_368, %dma_wait3A] : memref<100000x128xf32, #tpu.memory_space<hbm>> -> memref<128x128xf32, #tpu.memory_space<hbm>>
        %dma_wait3A_389 = arith.constant 0 : i32
        %dma_wait3A_390 = tpu.memref_slice %arg6[%mul3A_368, %dma_wait3A_389] : memref<100000x128xf32, #tpu.memory_space<hbm>> -> memref<128x128xf32, #tpu.memory_space<hbm>>
        tpu.wait_dma2 semaphore(%arg24 : memref<!tpu.dma_semaphore, #tpu.memory_space<semaphore_mem>>) src(%arg10 : memref<128x128xf32, #tpu.memory_space<vmem>>) dst(%dma_wait3A_390 : memref<128x128xf32, #tpu.memory_space<hbm>>)
      } else {
      }
      %convert_element_type3A_372 = arith.extui %and3A_366 : i1 to i32
      %cond3A_373 = arith.constant 0 : i32
      %cond3A_374 = arith.cmpi ne, %convert_element_type3A_372, %cond3A_373 : i32
      scf.if %cond3A_374 {
        %dma_wait3A = arith.constant 0 : i32
        %dma_wait3A_388 = arith.constant 0 : i32
        %dma_wait3A_389 = tpu.memref_slice %arg10[%dma_wait3A, %dma_wait3A_388] : memref<128x128xf32, #tpu.memory_space<vmem>> -> memref<32x128xf32, #tpu.memory_space<vmem>>
        %dma_wait3A_390 = arith.constant 99968 : i32
        %dma_wait3A_391 = arith.constant 0 : i32
        %dma_wait3A_392 = tpu.memref_slice %arg6[%dma_wait3A_390, %dma_wait3A_391] : memref<100000x128xf32, #tpu.memory_space<hbm>> -> memref<32x128xf32, #tpu.memory_space<hbm>>
        %dma_wait3A_393 = arith.constant 99968 : i32
        %dma_wait3A_394 = arith.constant 0 : i32
        %dma_wait3A_395 = tpu.memref_slice %arg6[%dma_wait3A_393, %dma_wait3A_394] : memref<100000x128xf32, #tpu.memory_space<hbm>> -> memref<32x128xf32, #tpu.memory_space<hbm>>
        %dma_wait3A_396 = arith.constant 0 : i32
        %dma_wait3A_397 = arith.constant 0 : i32
        %dma_wait3A_398 = tpu.memref_slice %arg10[%dma_wait3A_396, %dma_wait3A_397] : memref<128x128xf32, #tpu.memory_space<vmem>> -> memref<32x128xf32, #tpu.memory_space<vmem>>
        tpu.wait_dma2 semaphore(%arg24 : memref<!tpu.dma_semaphore, #tpu.memory_space<semaphore_mem>>) src(%dma_wait3A_398 : memref<32x128xf32, #tpu.memory_space<vmem>>) dst(%dma_wait3A_395 : memref<32x128xf32, #tpu.memory_space<hbm>>)
      } else {
      }
      %add3A_375 = arith.constant 4 : i32
      %add3A_376 = arith.addi %add3A_353, %add3A_375 : i32
      %lt3A_377 = arith.constant 25 : i32
      %lt3A_378 = arith.cmpi slt, %add3A_376, %lt3A_377 : i32
      %mul3A_379 = arith.constant 25 : i32
      %mul3A_380 = arith.muli %add3A, %mul3A_379 : i32
      %add3A_381 = arith.addi %mul3A_380, %add3A_376 : i32
      %lt3A_382 = arith.constant 782 : i32
      %lt3A_383 = arith.cmpi slt, %add3A_381, %lt3A_382 : i32
      %and3A_384 = arith.andi %lt3A_378, %lt3A_383 : i1
      %convert_element_type3A_385 = arith.extui %and3A_384 : i1 to i32
      %cond3A_386 = arith.constant 0 : i32
      %cond3A_387 = arith.cmpi ne, %convert_element_type3A_385, %cond3A_386 : i32
      scf.if %cond3A_387 {
        %dma_start3A = arith.constant 0 : i32
        %dma_start3A_388 = tpu.memref_slice %arg11[%add3A_376, %dma_start3A] : memref<25x128xi32, #tpu.memory_space<vmem>> -> memref<1x128xi32, #tpu.memory_space<vmem>>
        %dma_start3A_389 = tpu.memref_squeeze %dma_start3A_388 : memref<1x128xi32, #tpu.memory_space<vmem>> -> memref<128xi32, #tpu.memory_space<vmem>>
        %dma_start3A_390 = arith.constant 0 : i32
        %dma_start3A_391 = arith.constant 0 : i32
        %dma_start3A_392 = tpu.memref_slice %arg16[%dma_start3A_390, %dma_start3A_391] : memref<1025x128xf32, #tpu.memory_space<vmem_shared>> -> memref<1025x128xf32, #tpu.memory_space<vmem_shared>>
        tpu.enqueue_indirect_dma source(%dma_start3A_392 : memref<1025x128xf32, #tpu.memory_space<vmem_shared>>) target(%arg10 : memref<128x128xf32, #tpu.memory_space<vmem>>) offsets(%dma_start3A_389 : memref<128xi32, #tpu.memory_space<vmem>>) semaphore(%arg20 : memref<!tpu.dma_semaphore, #tpu.memory_space<semaphore_mem>>)
      } else {
      }
    }
    %scan3A_86 = arith.constant 7 : i32
    return
  }
}

module attributes {stable_mosaic.version = 14 : i64} {
  func.func @body(%arg0: i32, %arg1: memref<2000x128xf32, #tpu.memory_space<vmem>>, %arg2: memref<2000x128xf32, #tpu.memory_space<vmem>>, %arg3: memref<1x3x2000xbf16, #tpu.memory_space<vmem>>, %arg4: memref<128x512xbf16, #tpu.memory_space<vmem>>, %arg5: memref<3x512xbf16, #tpu.memory_space<vmem>>, %arg6: memref<2000x128xf32, #tpu.memory_space<vmem>>, %arg7: memref<2000x128xf32, #tpu.memory_space<vmem>>) attributes {dimension_semantics = [#tpu.dimension_semantics<arbitrary>], iteration_bounds = array<i64: 25>, scalar_prefetch = 0 : i64, scratch_operands = 0 : i64, tpu.core_type = #tpu.core_type<tc>, window_params = [{transform_indices = @transform_0, window_bounds = array<i64: 2000, 128>}, {transform_indices = @transform_1, window_bounds = array<i64: 2000, 128>}, {transform_indices = @transform_2, window_bounds = array<i64: 1, 3, 2000>}, {pipeline_mode = #tpu.pipeline_mode<synchronous>, transform_indices = @transform_3, window_bounds = array<i64: 128, 512>}, {pipeline_mode = #tpu.pipeline_mode<synchronous>, transform_indices = @transform_4, window_bounds = array<i64: 3, 512>}, {transform_indices = @transform_5, window_bounds = array<i64: 2000, 128>}, {transform_indices = @transform_6, window_bounds = array<i64: 2000, 128>}]} {
    %get3A = arith.constant 0 : index
    %get3A_0 = arith.constant 0 : index
    %get3A_1 = vector.load %arg1[%get3A, %get3A_0] : memref<2000x128xf32, #tpu.memory_space<vmem>>, vector<2000x128xf32>
    %convert_element_type3A = arith.truncf %get3A_1 : vector<2000x128xf32> to vector<2000x128xbf16>
    %get3A_2 = arith.constant 0 : index
    %get3A_3 = arith.constant 0 : index
    %get3A_4 = arith.constant 0 : index
    %get3A_5 = vector.load %arg3[%get3A_2, %get3A_3, %get3A_4] : memref<1x3x2000xbf16, #tpu.memory_space<vmem>>, vector<1x3x2000xbf16>
    %get3A_6 = vector.shape_cast %get3A_5 : vector<1x3x2000xbf16> to vector<3x2000xbf16>
    %get3A_7 = arith.constant 0 : index
    %get3A_8 = arith.constant 0 : index
    %get3A_9 = vector.load %arg4[%get3A_7, %get3A_8] : memref<128x512xbf16, #tpu.memory_space<vmem>>, vector<128x512xbf16>
    %dot_general3A = arith.constant dense<0.000000e+00> : vector<2000x512xf32>
    %dot_general3A_10 = tpu.matmul %convert_element_type3A, %get3A_9, %dot_general3A {dimension_numbers = #tpu.dot_dimension_numbers<[1], [0], [0], [1], [0, 0, 1, 1], [], []>, transpose_lhs_hint = false} : vector<2000x128xbf16>, vector<128x512xbf16>, vector<2000x512xf32> -> vector<2000x512xf32>
    %get3A_11 = arith.constant 0 : index
    %get3A_12 = arith.constant 0 : index
    %get3A_13 = vector.load %arg5[%get3A_11, %get3A_12] : memref<3x512xbf16, #tpu.memory_space<vmem>>, vector<3x512xbf16>
    %dot_general3A_14 = arith.constant dense<0.000000e+00> : vector<2000x512xf32>
    %dot_general3A_15 = tpu.matmul %get3A_6, %get3A_13, %dot_general3A_14 {dimension_numbers = #tpu.dot_dimension_numbers<[0], [0], [1], [1], [0, 1, 1, 1], [], []>, transpose_lhs_hint = false} : vector<3x2000xbf16>, vector<3x512xbf16>, vector<2000x512xf32> -> vector<2000x512xf32>
    %add3A = arith.addf %dot_general3A_10, %dot_general3A_15 : vector<2000x512xf32>
    %slice3A = vector.extract_strided_slice %add3A {offsets = [0, 0], sizes = [2000, 128], strides = [1, 1]} : vector<2000x512xf32> to vector<2000x128xf32>
    %mul3A = arith.constant 5.000000e-01 : f32
    %mul3A_16 = vector.broadcast %mul3A : f32 to vector<2000x128xf32>
    %mul3A_17 = arith.mulf %mul3A_16, %slice3A : vector<2000x128xf32>
    %tanh3A = math.tanh %mul3A_17 : vector<2000x128xf32>
    %mul3A_18 = arith.constant 5.000000e-01 : f32
    %mul3A_19 = vector.broadcast %mul3A_18 : f32 to vector<2000x128xf32>
    %mul3A_20 = arith.mulf %mul3A_19, %tanh3A : vector<2000x128xf32>
    %add3A_21 = arith.constant 5.000000e-01 : f32
    %add3A_22 = vector.broadcast %add3A_21 : f32 to vector<2000x128xf32>
    %add3A_23 = arith.addf %mul3A_20, %add3A_22 : vector<2000x128xf32>
    %slice3A_24 = vector.extract_strided_slice %add3A {offsets = [0, 128], sizes = [2000, 128], strides = [1, 1]} : vector<2000x512xf32> to vector<2000x128xf32>
    %mul3A_25 = arith.constant 5.000000e-01 : f32
    %mul3A_26 = vector.broadcast %mul3A_25 : f32 to vector<2000x128xf32>
    %mul3A_27 = arith.mulf %mul3A_26, %slice3A_24 : vector<2000x128xf32>
    %tanh3A_28 = math.tanh %mul3A_27 : vector<2000x128xf32>
    %mul3A_29 = arith.constant 5.000000e-01 : f32
    %mul3A_30 = vector.broadcast %mul3A_29 : f32 to vector<2000x128xf32>
    %mul3A_31 = arith.mulf %mul3A_30, %tanh3A_28 : vector<2000x128xf32>
    %add3A_32 = arith.constant 5.000000e-01 : f32
    %add3A_33 = vector.broadcast %add3A_32 : f32 to vector<2000x128xf32>
    %add3A_34 = arith.addf %mul3A_31, %add3A_33 : vector<2000x128xf32>
    %slice3A_35 = vector.extract_strided_slice %add3A {offsets = [0, 256], sizes = [2000, 128], strides = [1, 1]} : vector<2000x512xf32> to vector<2000x128xf32>
    %tanh3A_36 = math.tanh %slice3A_35 : vector<2000x128xf32>
    %slice3A_37 = vector.extract_strided_slice %add3A {offsets = [0, 384], sizes = [2000, 128], strides = [1, 1]} : vector<2000x512xf32> to vector<2000x128xf32>
    %mul3A_38 = arith.constant 5.000000e-01 : f32
    %mul3A_39 = vector.broadcast %mul3A_38 : f32 to vector<2000x128xf32>
    %mul3A_40 = arith.mulf %mul3A_39, %slice3A_37 : vector<2000x128xf32>
    %tanh3A_41 = math.tanh %mul3A_40 : vector<2000x128xf32>
    %mul3A_42 = arith.constant 5.000000e-01 : f32
    %mul3A_43 = vector.broadcast %mul3A_42 : f32 to vector<2000x128xf32>
    %mul3A_44 = arith.mulf %mul3A_43, %tanh3A_41 : vector<2000x128xf32>
    %add3A_45 = arith.constant 5.000000e-01 : f32
    %add3A_46 = vector.broadcast %add3A_45 : f32 to vector<2000x128xf32>
    %add3A_47 = arith.addf %mul3A_44, %add3A_46 : vector<2000x128xf32>
    %get3A_48 = arith.constant 0 : index
    %get3A_49 = arith.constant 0 : index
    %get3A_50 = vector.load %arg2[%get3A_48, %get3A_49] : memref<2000x128xf32, #tpu.memory_space<vmem>>, vector<2000x128xf32>
    %mul3A_51 = arith.mulf %add3A_34, %get3A_50 : vector<2000x128xf32>
    %mul3A_52 = arith.mulf %add3A_23, %tanh3A_36 : vector<2000x128xf32>
    %add3A_53 = arith.addf %mul3A_51, %mul3A_52 : vector<2000x128xf32>
    %swap3A = arith.constant 0 : index
    %swap3A_54 = arith.constant 0 : index
    %swap3A_55 = vector.load %arg6[%swap3A, %swap3A_54] : memref<2000x128xf32, #tpu.memory_space<vmem>>, vector<2000x128xf32>
    tpu.vector_store %arg6[%swap3A, %swap3A_54], %add3A_53 {strides = array<i32>} : memref<2000x128xf32, #tpu.memory_space<vmem>>, vector<2000x128xf32>,
    %tanh3A_56 = math.tanh %add3A_53 : vector<2000x128xf32>
    %mul3A_57 = arith.mulf %add3A_47, %tanh3A_56 : vector<2000x128xf32>
    %swap3A_58 = arith.constant 0 : index
    %swap3A_59 = arith.constant 0 : index
    %swap3A_60 = vector.load %arg7[%swap3A_58, %swap3A_59] : memref<2000x128xf32, #tpu.memory_space<vmem>>, vector<2000x128xf32>
    tpu.vector_store %arg7[%swap3A_58, %swap3A_59], %mul3A_57 {strides = array<i32>} : memref<2000x128xf32, #tpu.memory_space<vmem>>, vector<2000x128xf32>,
    return
  }
  func.func @transform_0(%arg0: i32) -> (i32, i32) {
    %add3A = arith.constant 0 : i32
    %add3A_0 = arith.addi %arg0, %add3A : i32
    %c0_i32 = arith.constant 0 : i32
    %c0_i32_1 = arith.constant 0 : i32
    return %add3A_0, %c0_i32 : i32, i32
  }
  func.func @transform_1(%arg0: i32) -> (i32, i32) {
    %add3A = arith.constant 0 : i32
    %add3A_0 = arith.addi %arg0, %add3A : i32
    %c0_i32 = arith.constant 0 : i32
    %c0_i32_1 = arith.constant 0 : i32
    return %add3A_0, %c0_i32 : i32, i32
  }
  func.func @transform_2(%arg0: i32) -> (i32, i32, i32) {
    %add3A = arith.constant 0 : i32
    %add3A_0 = arith.addi %arg0, %add3A : i32
    %c0_i32 = arith.constant 0 : i32
    %c0_i32_1 = arith.constant 0 : i32
    %c0_i32_2 = arith.constant 0 : i32
    return %add3A_0, %c0_i32, %c0_i32_1 : i32, i32, i32
  }
  func.func @transform_3(%arg0: i32) -> (i32, i32) {
    %c0_i32 = arith.constant 0 : i32
    %c0_i32_0 = arith.constant 0 : i32
    %c0_i32_1 = arith.constant 0 : i32
    return %c0_i32, %c0_i32_0 : i32, i32
  }
  func.func @transform_4(%arg0: i32) -> (i32, i32) {
    %c0_i32 = arith.constant 0 : i32
    %c0_i32_0 = arith.constant 0 : i32
    %c0_i32_1 = arith.constant 0 : i32
    return %c0_i32, %c0_i32_0 : i32, i32
  }
  func.func @transform_5(%arg0: i32) -> (i32, i32) {
    %add3A = arith.constant 0 : i32
    %add3A_0 = arith.addi %arg0, %add3A : i32
    %c0_i32 = arith.constant 0 : i32
    %c0_i32_1 = arith.constant 0 : i32
    return %add3A_0, %c0_i32 : i32, i32
  }
  func.func @transform_6(%arg0: i32) -> (i32, i32) {
    %c0_i32 = arith.constant 0 : i32
    %c0_i32_0 = arith.constant 0 : i32
    return %arg0, %c0_i32 : i32, i32
  }
}

module attributes {stable_mosaic.version = 14 : i64} {
  func.func @body(%arg0: i32, %arg1: memref<2000x128xf32, #tpu.memory_space<vmem>>, %arg2: memref<2000x128xf32, #tpu.memory_space<vmem>>, %arg3: memref<1x3x2000xbf16, #tpu.memory_space<vmem>>, %arg4: memref<128x512xbf16, #tpu.memory_space<vmem>>, %arg5: memref<3x512xbf16, #tpu.memory_space<vmem>>, %arg6: memref<100000x128xf32, #tpu.memory_space<any>>, %arg7: memref<2000x128xf32, #tpu.memory_space<vmem>>, %arg8: memref<2000x128xf32, #tpu.memory_space<vmem>>) attributes {dimension_semantics = [#tpu.dimension_semantics<arbitrary>], iteration_bounds = array<i64: 25>, scalar_prefetch = 0 : i64, scratch_operands = 0 : i64, tpu.core_type = #tpu.core_type<tc>, window_params = [{transform_indices = @transform_0, window_bounds = array<i64: 2000, 128>}, {transform_indices = @transform_1, window_bounds = array<i64: 2000, 128>}, {transform_indices = @transform_2, window_bounds = array<i64: 1, 3, 2000>}, {pipeline_mode = #tpu.pipeline_mode<synchronous>, transform_indices = @transform_3, window_bounds = array<i64: 128, 512>}, {pipeline_mode = #tpu.pipeline_mode<synchronous>, transform_indices = @transform_4, window_bounds = array<i64: 3, 512>}, {}, {transform_indices = @transform_6, window_bounds = array<i64: 2000, 128>}, {transform_indices = @transform_7, window_bounds = array<i64: 2000, 128>}]} {
    %get3A = arith.constant 0 : index
    %get3A_0 = arith.constant 0 : index
    %get3A_1 = vector.load %arg1[%get3A, %get3A_0] : memref<2000x128xf32, #tpu.memory_space<vmem>>, vector<2000x128xf32>
    %convert_element_type3A = arith.truncf %get3A_1 : vector<2000x128xf32> to vector<2000x128xbf16>
    %get3A_2 = arith.constant 0 : index
    %get3A_3 = arith.constant 0 : index
    %get3A_4 = arith.constant 0 : index
    %get3A_5 = vector.load %arg3[%get3A_2, %get3A_3, %get3A_4] : memref<1x3x2000xbf16, #tpu.memory_space<vmem>>, vector<1x3x2000xbf16>
    %get3A_6 = vector.shape_cast %get3A_5 : vector<1x3x2000xbf16> to vector<3x2000xbf16>
    %get3A_7 = arith.constant 0 : index
    %get3A_8 = arith.constant 0 : index
    %get3A_9 = vector.load %arg4[%get3A_7, %get3A_8] : memref<128x512xbf16, #tpu.memory_space<vmem>>, vector<128x512xbf16>
    %dot_general3A = arith.constant dense<0.000000e+00> : vector<2000x512xf32>
    %dot_general3A_10 = tpu.matmul %convert_element_type3A, %get3A_9, %dot_general3A {dimension_numbers = #tpu.dot_dimension_numbers<[1], [0], [0], [1], [0, 0, 1, 1], [], []>, transpose_lhs_hint = false} : vector<2000x128xbf16>, vector<128x512xbf16>, vector<2000x512xf32> -> vector<2000x512xf32>
    %get3A_11 = arith.constant 0 : index
    %get3A_12 = arith.constant 0 : index
    %get3A_13 = vector.load %arg5[%get3A_11, %get3A_12] : memref<3x512xbf16, #tpu.memory_space<vmem>>, vector<3x512xbf16>
    %dot_general3A_14 = arith.constant dense<0.000000e+00> : vector<2000x512xf32>
    %dot_general3A_15 = tpu.matmul %get3A_6, %get3A_13, %dot_general3A_14 {dimension_numbers = #tpu.dot_dimension_numbers<[0], [0], [1], [1], [0, 1, 1, 1], [], []>, transpose_lhs_hint = false} : vector<3x2000xbf16>, vector<3x512xbf16>, vector<2000x512xf32> -> vector<2000x512xf32>
    %add3A = arith.addf %dot_general3A_10, %dot_general3A_15 : vector<2000x512xf32>
    %slice3A = vector.extract_strided_slice %add3A {offsets = [0, 0], sizes = [2000, 128], strides = [1, 1]} : vector<2000x512xf32> to vector<2000x128xf32>
    %mul3A = arith.constant 5.000000e-01 : f32
    %mul3A_16 = vector.broadcast %mul3A : f32 to vector<2000x128xf32>
    %mul3A_17 = arith.mulf %mul3A_16, %slice3A : vector<2000x128xf32>
    %tanh3A = math.tanh %mul3A_17 : vector<2000x128xf32>
    %mul3A_18 = arith.constant 5.000000e-01 : f32
    %mul3A_19 = vector.broadcast %mul3A_18 : f32 to vector<2000x128xf32>
    %mul3A_20 = arith.mulf %mul3A_19, %tanh3A : vector<2000x128xf32>
    %add3A_21 = arith.constant 5.000000e-01 : f32
    %add3A_22 = vector.broadcast %add3A_21 : f32 to vector<2000x128xf32>
    %add3A_23 = arith.addf %mul3A_20, %add3A_22 : vector<2000x128xf32>
    %slice3A_24 = vector.extract_strided_slice %add3A {offsets = [0, 128], sizes = [2000, 128], strides = [1, 1]} : vector<2000x512xf32> to vector<2000x128xf32>
    %mul3A_25 = arith.constant 5.000000e-01 : f32
    %mul3A_26 = vector.broadcast %mul3A_25 : f32 to vector<2000x128xf32>
    %mul3A_27 = arith.mulf %mul3A_26, %slice3A_24 : vector<2000x128xf32>
    %tanh3A_28 = math.tanh %mul3A_27 : vector<2000x128xf32>
    %mul3A_29 = arith.constant 5.000000e-01 : f32
    %mul3A_30 = vector.broadcast %mul3A_29 : f32 to vector<2000x128xf32>
    %mul3A_31 = arith.mulf %mul3A_30, %tanh3A_28 : vector<2000x128xf32>
    %add3A_32 = arith.constant 5.000000e-01 : f32
    %add3A_33 = vector.broadcast %add3A_32 : f32 to vector<2000x128xf32>
    %add3A_34 = arith.addf %mul3A_31, %add3A_33 : vector<2000x128xf32>
    %slice3A_35 = vector.extract_strided_slice %add3A {offsets = [0, 256], sizes = [2000, 128], strides = [1, 1]} : vector<2000x512xf32> to vector<2000x128xf32>
    %tanh3A_36 = math.tanh %slice3A_35 : vector<2000x128xf32>
    %slice3A_37 = vector.extract_strided_slice %add3A {offsets = [0, 384], sizes = [2000, 128], strides = [1, 1]} : vector<2000x512xf32> to vector<2000x128xf32>
    %mul3A_38 = arith.constant 5.000000e-01 : f32
    %mul3A_39 = vector.broadcast %mul3A_38 : f32 to vector<2000x128xf32>
    %mul3A_40 = arith.mulf %mul3A_39, %slice3A_37 : vector<2000x128xf32>
    %tanh3A_41 = math.tanh %mul3A_40 : vector<2000x128xf32>
    %mul3A_42 = arith.constant 5.000000e-01 : f32
    %mul3A_43 = vector.broadcast %mul3A_42 : f32 to vector<2000x128xf32>
    %mul3A_44 = arith.mulf %mul3A_43, %tanh3A_41 : vector<2000x128xf32>
    %add3A_45 = arith.constant 5.000000e-01 : f32
    %add3A_46 = vector.broadcast %add3A_45 : f32 to vector<2000x128xf32>
    %add3A_47 = arith.addf %mul3A_44, %add3A_46 : vector<2000x128xf32>
    %get3A_48 = arith.constant 0 : index
    %get3A_49 = arith.constant 0 : index
    %get3A_50 = vector.load %arg2[%get3A_48, %get3A_49] : memref<2000x128xf32, #tpu.memory_space<vmem>>, vector<2000x128xf32>
    %mul3A_51 = arith.mulf %add3A_34, %get3A_50 : vector<2000x128xf32>
    %mul3A_52 = arith.mulf %add3A_23, %tanh3A_36 : vector<2000x128xf32>
    %add3A_53 = arith.addf %mul3A_51, %mul3A_52 : vector<2000x128xf32>
    %swap3A = arith.constant 0 : index
    %swap3A_54 = arith.constant 0 : index
    %swap3A_55 = vector.load %arg7[%swap3A, %swap3A_54] : memref<2000x128xf32, #tpu.memory_space<vmem>>, vector<2000x128xf32>
    tpu.vector_store %arg7[%swap3A, %swap3A_54], %add3A_53 {strides = array<i32>} : memref<2000x128xf32, #tpu.memory_space<vmem>>, vector<2000x128xf32>,
    %tanh3A_56 = math.tanh %add3A_53 : vector<2000x128xf32>
    %mul3A_57 = arith.mulf %add3A_47, %tanh3A_56 : vector<2000x128xf32>
    %swap3A_58 = arith.constant 0 : index
    %swap3A_59 = arith.constant 0 : index
    %swap3A_60 = vector.load %arg8[%swap3A_58, %swap3A_59] : memref<2000x128xf32, #tpu.memory_space<vmem>>, vector<2000x128xf32>
    tpu.vector_store %arg8[%swap3A_58, %swap3A_59], %mul3A_57 {strides = array<i32>} : memref<2000x128xf32, #tpu.memory_space<vmem>>, vector<2000x128xf32>,
    return
  }
  func.func @transform_0(%arg0: i32) -> (i32, i32) {
    %add3A = arith.constant 25 : i32
    %add3A_0 = arith.addi %arg0, %add3A : i32
    %c0_i32 = arith.constant 0 : i32
    %c0_i32_1 = arith.constant 0 : i32
    return %add3A_0, %c0_i32 : i32, i32
  }
  func.func @transform_1(%arg0: i32) -> (i32, i32) {
    %add3A = arith.constant 25 : i32
    %add3A_0 = arith.addi %arg0, %add3A : i32
    %c0_i32 = arith.constant 0 : i32
    %c0_i32_1 = arith.constant 0 : i32
    return %add3A_0, %c0_i32 : i32, i32
  }
  func.func @transform_2(%arg0: i32) -> (i32, i32, i32) {
    %add3A = arith.constant 25 : i32
    %add3A_0 = arith.addi %arg0, %add3A : i32
    %c0_i32 = arith.constant 0 : i32
    %c0_i32_1 = arith.constant 0 : i32
    %c0_i32_2 = arith.constant 0 : i32
    return %add3A_0, %c0_i32, %c0_i32_1 : i32, i32, i32
  }
  func.func @transform_3(%arg0: i32) -> (i32, i32) {
    %c0_i32 = arith.constant 0 : i32
    %c0_i32_0 = arith.constant 0 : i32
    %c0_i32_1 = arith.constant 0 : i32
    return %c0_i32, %c0_i32_0 : i32, i32
  }
  func.func @transform_4(%arg0: i32) -> (i32, i32) {
    %c0_i32 = arith.constant 0 : i32
    %c0_i32_0 = arith.constant 0 : i32
    %c0_i32_1 = arith.constant 0 : i32
    return %c0_i32, %c0_i32_0 : i32, i32
  }
  func.func @transform_6(%arg0: i32) -> (i32, i32) {
    %add3A = arith.constant 25 : i32
    %add3A_0 = arith.addi %arg0, %add3A : i32
    %c0_i32 = arith.constant 0 : i32
    %c0_i32_1 = arith.constant 0 : i32
    return %add3A_0, %c0_i32 : i32, i32
  }
  func.func @transform_7(%arg0: i32) -> (i32, i32) {
    %c0_i32 = arith.constant 0 : i32
    %c0_i32_0 = arith.constant 0 : i32
    return %arg0, %c0_i32 : i32, i32
  }
}

</mosaic_0001>

<sc_bundles>
// kernel: kernel.10.cloned.1.call-start
scs
__scs_entry_jumppad:
0x0: {  	(pc) =	sbr.rel $0x88, $3  }
0x1: {  	(tag) =	ssettag $0x0;
	lr =	simm.s32 $0x1  }
0x2: {  	[smem:$0x3F9A] =	sst lr;
	_ =	strace $0xD0000000  }
0x3: {  	_ = 	snop  }
0x4: {  	_ = 	snop  }
0x5: {  	_ = 	snop  }
0x6: {  	_ = 	snop  }
0x7: {  	_ = 	snop  }
__scs_overlays_trampoline_lowered:
0x8: {  	[smem:$0x3FA9] =	sst s0  }
0x9: {  	[smem:$0x3FAA] =	sst s1  }
0xa: {  	[smem:$0x3FAB] =	sst s2  }
0xb: {  	[smem:$0x3FAC] =	sst s3  }
0xc: {  	[smem:$0x3FAD] =	sst s4  }
0xd: {  	[smem:$0x3FAE] =	sst s5  }
0xe: {  	[smem:$0x3FAF] =	sst s6  }
0xf: {  	[smem:$0x3FB0] =	sst s7  }
0x10: {  	[smem:$0x3FB1] =	sst s8  }
0x11: {  	[smem:$0x3FB2] =	sst s9;
	s0 =	simm.s32 @!p0 $0x0  }
0x12: {  	s1 =	sld [smem:$0x3F98];
	s0 =	simm.s32 @p0 $0x1  }
0x13: {  	[smem:$0x3FB3] =	sst s0;
	s0 =	simm.s32 @!p1 $0x0  }
0x14: {  	s2 =	sld [smem:$0x3F97];
	s0 =	simm.s32 @p1 $0x1  }
0x15: {  	[smem:$0x3FB4] =	sst s0;
	s0 =	simm.s32 @!p2 $0x0  }
0x16: {  	s3 =	sld [smem:$0x3FDB];
	s0 =	simm.s32 @p2 $0x1  }
0x17: {  	s4 =	simm.s32 $0x1BF5;
	[smem:$0x3FB6] =	sst s0  }
0x18: {  	s0 =	sld [smem:$0x3F99];
	_ =	swait.ge [sflag:s4], $0x0  }
0x19: {  	s7 =	sld [smem:$0x3F9A]  }
0x1a: {  	s8 =	sadd.s32 $0xFFFFE003, lr  }
0x1b: {  	s9 =	sadd.s32 $0xFFFFFEF7, lr;
	s5 =	simm.s32 $0xFFFFFFFF;
	p2 =	slt.u32 s8, $0xFFFFF086  }
0x1c: {  	p1 =	slt.u32 s9, $0xF7A;
	s5 =	simm.s32 @!p2 $0x0  }
0x1d: {  	s5 =	simm.s32 @p1 $0x1;
	p0 =	seq.s32 s7, s2  }
0x1e: {  	s7 =	smul.u32 @!p0 $0xF7A, s2;
	p2 =	seq.s32 @!p0 s5, $0x0  }
0x1f: {  	s9 =	smul.u32 $0xF7A, s1;
	s8 =	simm.s32 @!p0 $0x1BF5;
	p2 =	por !p2, p0  }
0x20: {  	[sflag:s8] =	ssyncset.s32 @!p0 $0xFFFFF086;
	s6 =	sadd.s32 @!p0 s3, s7;
	s7 =	simm.s32 @!p0 $0x108  }
0x21: {  	s3 =	sadd.s32 s3, s9;
	s6 =	sadd.s32 @!p0 $0x88, s6;
	s7 =	simm.s32 @p2 $0x1082  }
0x22: {  	[simem:s7], [sflag:s8] =	dma.local @!p0 [hbm:s6], $0xF7A  }
0x23: {  	s9 =	sor.u32 $0xD0000000, s2;
	s6 =	simm.s32 $0x108;
	_ =	swait.ge @!p0 [sflag:s8], $0x0  }
0x24: {  	s3 =	sadd.s32 $0x88, s3;
	s6 =	simm.s32 @!p1 $0x1082;
	[sflag:s4] =	ssyncset.s32 $0xFFFFF086  }
0x25: {  	[simem:s6], [sflag:s4] =	dma.local [hbm:s3], $0xF7A  }
0x26: {  	[smem:$0x3F9A] =	sst s1;
	(tag) =	ssettag s2;
	_ =	strace s9  }
0x27: {  	s1 =	sld [smem:$0x3FAA]  }
0x28: {  	s2 =	sld [smem:$0x3FAB]  }
0x29: {  	s4 =	sld [smem:$0x3FAD]  }
0x2a: {  	p0 =	seq.s32 s5, $0x0;
	s5 =	sld [smem:$0x3FAE]  }
0x2b: {  	s6 =	sld [smem:$0x3FAF]  }
0x2c: {  	s7 =	sld [smem:$0x3FB0]  }
0x2d: {  	s3 =	simm.s32 $0x108;
	s8 =	sld [smem:$0x3FB1]  }
0x2e: {  	s3 =	simm.s32 @!p0 $0x1082;
	s9 =	sld [smem:$0x3FB2]  }
0x2f: {  	lr =	sadd.s32 s0, s3;
	s0 =	sld [smem:$0x3FA9]  }
0x30: {  	s3 =	sld [smem:$0x3FAC]  }
0x31: {  	[smem:$0x3FB5] =	sst s10  }
0x32: {  	s10 =	sld [smem:$0x3FB3];
	_ =	sdelay $0x3  }
0x33: {  	p0 =	seq.s32 s10, $0x1;
	s10 =	sld [smem:$0x3FB5];
	_ =	sdelay $0x3  }
0x34: {  	[smem:$0x3FB5] =	sst s10  }
0x35: {  	s10 =	sld [smem:$0x3FB4];
	_ =	sdelay $0x3  }
0x36: {  	p1 =	seq.s32 s10, $0x1;
	s10 =	sld [smem:$0x3FB5];
	_ =	sdelay $0x3  }
0x37: {  	[smem:$0x3FB5] =	sst s10  }
0x38: {  	s10 =	sld [smem:$0x3FB6]  }
0x39: {  	_ = 	snop;
	(pc) =	sbr.ind lr, $3  }
0x3a: {  	_ = 	snop  }
0x3b: {  	_ = 	snop  }
0x3c: {  	p2 =	seq.s32 s10, $0x1;
	s10 =	sld [smem:$0x3FB5]  }
0x3d: {  	_ =	shalt  }
0x3e: {  	_ =	shalt  }
0x3f: {  	_ =	shalt  }
0x40: {  	_ =	shalt  }
0x41: {  	_ =	shalt  }
0x42: {  	_ =	shalt  }
0x43: {  	_ =	shalt  }
0x44: {  	_ =	shalt  }
0x45: {  	_ =	shalt  }
0x46: {  	_ =	shalt  }
0x47: {  	_ =	shalt  }
0x48: {  	_ =	shalt  }
0x49: {  	_ =	shalt  }
0x4a: {  	_ =	shalt  }
0x4b: {  	_ =	shalt  }
0x4c: {  	_ =	shalt  }
0x4d: {  	_ =	shalt  }
0x4e: {  	_ =	shalt  }
0x4f: {  	_ =	shalt  }
0x50: {  	_ =	shalt  }
0x51: {  	_ =	shalt  }
0x52: {  	_ =	shalt  }
0x53: {  	_ =	shalt  }
0x54: {  	_ =	shalt  }
0x55: {  	_ =	shalt  }
0x56: {  	_ =	shalt  }
0x57: {  	_ =	shalt  }
0x58: {  	_ =	shalt  }
0x59: {  	_ =	shalt  }
0x5a: {  	_ =	shalt  }
0x5b: {  	_ =	shalt  }
0x5c: {  	_ =	shalt  }
0x5d: {  	_ =	shalt  }
0x5e: {  	_ =	shalt  }
0x5f: {  	_ =	shalt  }
0x60: {  	_ =	shalt  }
0x61: {  	_ =	shalt  }
0x62: {  	_ =	shalt  }
0x63: {  	_ =	shalt  }
0x64: {  	_ =	shalt  }
0x65: {  	_ =	shalt  }
0x66: {  	_ =	shalt  }
0x67: {  	_ =	shalt  }
0x68: {  	_ =	shalt  }
0x69: {  	_ =	shalt  }
0x6a: {  	_ =	shalt  }
0x6b: {  	_ =	shalt  }
0x6c: {  	_ =	shalt  }
0x6d: {  	_ =	shalt  }
0x6e: {  	_ =	shalt  }
0x6f: {  	_ =	shalt  }
0x70: {  	_ =	shalt  }
0x71: {  	_ =	shalt  }
0x72: {  	_ =	shalt  }
0x73: {  	_ =	shalt  }
0x74: {  	_ =	shalt  }
0x75: {  	_ =	shalt  }
0x76: {  	_ =	shalt  }
0x77: {  	_ =	shalt  }
0x78: {  	_ =	shalt  }
0x79: {  	_ =	shalt  }
0x7a: {  	_ =	shalt  }
0x7b: {  	_ =	shalt  }
0x7c: {  	_ =	shalt  }
0x7d: {  	_ =	shalt  }
0x7e: {  	_ =	shalt  }
0x7f: {  	_ =	shalt  }
0x80: {  	_ =	shalt  }
0x81: {  	_ =	shalt  }
0x82: {  	_ =	shalt  }
0x83: {  	_ =	shalt  }
0x84: {  	_ =	shalt  }
0x85: {  	_ =	shalt  }
0x86: {  	_ =	shalt  }
0x87: {  	_ =	shalt  }
.Lfunc_end0:
.L_simem_size_0:
called_computation.1_lowered:
.L_overlay_start_0:
0x88: {  	s2 =	sld [smem:$0x3FD9]  }
0x89: {  	s3 =	sld [smem:$0x3FFE];
	_ =	sdelay $0x1  }
0x8a: {  	s1 =	srdreg.scid  }
0x8b: {  	s0 =	sand.u32 $0x1, s1  }
0x8c: {  	s17 =	sshll.u32 s0, $0xA;
	s2 =	sadd.s32 s3, s2  }
0x8d: {  	s2 =	sadd.s32 s2, s17  }
0x8e: {  	[smem:$0x3FC1] =	sst s2  }
0x8f: {  	_ = 	snop  }
0x90: {  	(tm) =	ssettm $0x1  }
0x91: {  	s18 =	sld [smem:$0x3FFB];
	_ =	sdelay $0x3  }
0x92: {  	_ =	strace s18  }
0x93: {  	s2 =	sld [smem:$0x3FFC];
	_ =	sdelay $0x3  }
0x94: {  	_ =	strace s2  }
0x95: {  	s2 =	sld [smem:$0x3FFD];
	_ =	sdelay $0x3  }
0x96: {  	_ =	strace s2  }
0x97: {  	_ =	strace $0x8FFFFFFF  }
0x98: {  	s19 =	sld [smem:$0x3FDB];
	_ =	sdelay $0x1  }
0x99: {  	s20 =	simm.s32 $_scs_section_size  }
0x9a: {  	s4 =	simm.s32 $_size__tile_overlayer_lowered;
	s5 =	simm.s32 $_tile_overlayer_lowered  }
0x9b: {  	s6 =	simm.s32 $0x1BFF;
	s21 =	sshll.u32 s5, $0x1;
	s3 =	sadd.s32 s20, s19  }
0x9c: {  	s22 =	simm.s32 $0x0;
	s4 =	sshll.u32 s4, $0x1;
	s5 =	sadd.s32 s21, s3  }
0x9d: {  	[timem:s22], [sflag:s6] =	dma.local [hbm:s5], s4  }
0x9e: {  	_ =	swait.ge [sflag:s6], s4  }
0x9f: {  	s4 =	ssub.s32 $0x0, s4;
	[sflag:s6] =	ssyncset.done $0x0  }
0xa0: {  	[sflag:s6] =	ssyncadd.s32 s4;
	_ =	sdelay $0x1  }
0xa1: {  	s23 =	simm.s32 $0x1B8B  }
0xa2: {  	_ =	swait.ge [sflag:s23], $0x1  }
0xa3: {  	[sflag:s23] =	ssyncset.done $0x0  }
0xa4: {  	[sflag:s23] =	ssyncadd.s32 $0xFFFFFFFF  }
0xa5: {  	s4 =	sld [smem:$0x0]  }
0xa6: {  	s5 =	sand.u32 $0xFFFFFFFE, s1  }
0xa7: {  	p0 =	sne.s32 s1, s5  }
0xa8: {  	s5 =	sshll.u32 @p0 s5, $0xE  }
0xa9: {  	s5 =	sadd.s32 @p0 $0x11B8D, s5;
	s6 =	sshll.u32 @p0 s4, $0x11  }
0xaa: {  	s5 =	sor.u32 @p0 s6, s5  }
0xab: {  	[sflag:s5] =	ssyncadd.remote.s32 @p0 $0x1;
	_ =	sdelay $0x1  }
0xac: {  	s5 =	simm.s32 @p0 $0x1B8D  }
0xad: {  	_ =	swait.eq @p0 [sflag:s5], $0x1  }
0xae: {  	[sflag:s5] =	ssyncadd.s32 @p0 $0xFFFFFFFF  }
0xaf: {  	s6 =	sshll.u32 @!p0 s1, $0xE  }
0xb0: {  	s6 =	sor.u32 @!p0 $0x4000, s6;
	s5 =	simm.s32 @!p0 $0x1B8D  }
0xb1: {  	s4 =	sshll.u32 @!p0 s4, $0x11;
	s6 =	sadd.s32 @!p0 $0x11B8D, s6;
	_ =	swait.eq @!p0 [sflag:s5], $0x1  }
0xb2: {  	s4 =	sor.u32 @!p0 s4, s6;
	[sflag:s5] =	ssyncadd.s32 @!p0 $0xFFFFFFFF  }
0xb3: {  	s25 =	simm.s32 $0x1B8E;
	s24 =	sld [smem:$0x3FFE];
	[sflag:s4] =	ssyncadd.remote.s32 @!p0 $0x1  }
0xb4: {  	s26 =	simm.s32 $execute0_lowered;
	[smem:$0x3FD2] =	sst s25  }
0xb5: {  	s5 =	sshll.u32 s26, $0x1;
	_ =	strace $0x80000049;
	[dreg:$0x1] =	wrdreg $0xFFFFFFFF  }
0xb6: {  	s28 =	simm.s32 $_size_execute0_lowered;
	s3 =	sadd.s32 s3, s5;
	[dreg:$0x0] =	wrdreg $0x0  }
0xb7: {  	s5 =	sshll.u32 s28, $0x1;
	[dreg:$0x2] =	wrdreg s3  }
0xb8: {  	[dreg:$0x3] =	wrdreg s5  }
0xb9: {  	[dreg:$0x4] =	wrdreg $0xC0  }
0xba: {  	_ =	task [dreg:s22], $0x5FFFF  }
0xbb: {  	[dreg:$0x1] =	wrdreg $0xFFFFFFFF  }
0xbc: {  	[dreg:$0x0] =	wrdreg $0x60  }
0xbd: {  	[dreg:$0x2] =	wrdreg s24  }
0xbe: {  	[dreg:$0x3] =	wrdreg $0x95000  }
0xbf: {  	[dreg:$0x4] =	wrdreg $0xA  }
0xc0: {  	_ =	task.clear_ibuf [dreg:s22], $0x5FFFF;
	_ =	strace $0x90000049  }
0xc1: {  	s29 =	simm.s32 $0xA;
	_ =	strace $0x8000004B  }
0xc2: {  	_ =	swait.ge [sflag:s29], $0x1  }
0xc3: {  	[sflag:s29] =	ssyncadd.s32 $0xFFFFFFFF  }
0xc4: {  	_ =	strace $0x9000004B  }
0xc5: {  	_ =	sfence  }
0xc6: {  	s30 =	sld [smem:$0x0];
	_ =	sdelay $0x2  }
0xc7: {  	s31 =	sshll.u32 s1, $0xD;
	s1 =	sshrl.u32 s1, $0x2  }
0xc8: {  	s4 =	sand.u32 $0x4000, s31;
	s1 =	sadd.s32 s1, s30  }
0xc9: {  	s0 =	sor.u32 s4, s0;
	s1 =	sshll.u32 s1, $0x11  }
0xca: {  	s0 =	sor.u32 s1, s0  }
0xcb: {  	s0 =	sadd.s32 $0x8F2B, s0  }
0xcc: {  	[sflag:s0] =	ssyncadd.remote.s32 $0x1  }
0xcd: {  	_ =	sfence.sel $0xFFFF  }
0xce: {  	[dreg:$0x0] =	wrdreg $0xFFFFFFFF;
	(pc) =	sbr.abs _section_cstart, $3  }
0xcf: {  	[dreg:$0x1] =	wrdreg $0xFFFFFFFF  }
0xd0: {  	_ =	task.clear_ibuf [dreg:s22], $0x2FFFF;
	_ =	strace $0x9FFFFFFF  }
0xd1: {  	(tm) =	ssettm $0x7FFFFFFF  }
tec
execute0_lowered:
.L_overlay_start_1:
0x0: {  	(tag) =	ssettag $0x1  }
0x1: {  	s12 =	rddreg [dreg:$0x0]  }
0x2: {  	s1 =	rddreg [dreg:$0x1];
	s2 =	simm.s32 $0x0;
	s5 =	srdreg.scid  }
0x3: {  	s3 =	stileid.u32;
	[smem:$0x7FF] =	sst s2;
	s11 =	sadd.s32 $0xE800, s12  }
0x4: {  	s4 =	sadd.s32 $0x6400, s12;
	s13 =	sand.u32 $0x1, s5;
	s16 =	smul.u32 $0x680, s3  }
0x5: {  	s22 =	sshll.u32 s3, $0xA;
	s24 =	sshll.u32 s3, $0xD;
	s28 =	smul.u32 $0x6800, s3  }
0x6: {  	s25 =	sshll.u32 s3, $0x6;
	s31 =	smul.u32 $0xD, s3;
	_ =	strace $0x8000004A  }
0x7: {  	s6 =	ssub.s32 $0x2, s13;
	s7 =	sshll.u32 s13, $0x4;
	s9 =	smul.u32 $0x6800, s13  }
0x8: {  	s8 =	sadd.s32 s22, s12;
	s17 =	sadd.s32 s24, s1;
	s20 =	smul.u32 $0x68000, s13  }
0x9: {  	s5 =	sor.u32 $0x1C03, s25;
	s15 =	sshll.u32 s13, $0xE;
	s29 =	smul.u32 $0xD0, s13  }
0xa: {  	s23 =	sshrl.u32 s6, $0x1;
	s18 =	sor.u32 s3, s7;
	s15 =	sadd.s32 s15, s8  }
0xb: {  	s17 =	sshrl.u32 s17, $0x3;
	s14 =	ssub.s32 s6, s23;
	s7 =	smul.u32 $0x680, s18  }
0xc: {  	s10 =	smul.u32 $0x6800, s18;
	s6 =	sadd.s32 $0x62CA, s12;
	p2 =	sgt.u32 s18, $0x1D  }
0xd: {  	s8 =	sadd.s32 s16, s9;
	s26 =	sadd.s32 s20, s11;
	p0 =	sne.s32 @p2 s18, $0x1E  }
0xe: {  	s13 =	sadd.s32 $0xD1E00, s15;
	s16 =	sadd.s32 s31, s29;
	p1 =	por p0, !p2  }
0xf: {  	s30 =	sadd.s32 s28, s26;
	s14 =	smax.u32 s14, $0x1;
	s0 =	simm.s32 @!p1 $0x0  }
0x10: {  	s18 =	simm.s32 $0x3;
	p0 =	por !p0, !p2;
	s0 =	simm.s32 @p1 $0x1  }
0x11: {  	s7 =	sshrl.u32 s7, $0x3;
	[smem:$0x7FB] =	sst s0;
	s0 =	simm.s32 @!p0 $0x0  }
0x12: {  	s10 =	sadd.s32 s11, s10;
	s15 =	sadd.s32 $0x1000, s30;
	s0 =	simm.s32 @p0 $0x1  }
0x13: {  	s19 =	sadd.s32 s12, s7;
	[smem:$0x7FC] =	sst s0;
	s0 =	simm.s32 @!p2 $0x0  }
0x14: {  	s7 =	sadd.s32 $0x30CA, s12;
	s12 =	sadd.s32 $0xD1800, s12;
	s0 =	simm.s32 @p2 $0x1  }
0x15: {  	s9 =	sadd.s32 $0x4A6A, s19;
	s11 =	sadd.s32 $0x186A, s19;
	[smem:$0x7FD] =	sst s0  }
.LBB2_1:
0x16: {  	[spmem:s17], [sflag:s5] =	dma.local [hbm:s4], $0x400  }
0x17: {  	_ =	swait.ge [sflag:s18], $0x400  }
0x18: {  	s0 =	sld [smem:$0x7FB];
	_ =	sdelay $0x2  }
0x19: {  	[sflag:s18] =	ssyncset.done $0x0;
	p1 =	seq.s32 s0, $0x1  }
0x1a: {  	[sflag:s18] =	ssyncadd.s32 $0xFFFFFC00;
	s19 =	simm.s32 @!p1 $0x0;
	s20 =	simm.s32 @!p1 $0x8800  }
0x1b: {  	[tilespmem:s20], [sflag:$0x3] =	stream.linear.gather @!p1 [hbm4b:s6+s19], $0x50, $0x38;
	[tilespmem:$0xB508] =	vst v63  }
0x1c: {  	s20 =	simm.s32 @!p1 $0x3  }
0x1d: {  	_ =	swait.ge @!p1 [sflag:s20], $0x50  }
0x1e: {  	[sflag:s20] =	ssyncset.done @!p1 $0x0  }
0x1f: {  	s21 =	simm.s32 @!p1 $0x8E80;
	[sflag:s20] =	ssyncadd.s32 @!p1 $0xFFFFFFB0  }
0x20: {  	[tilespmem:s21], [sflag:$0x3] =	stream.linear.gather @!p1 [hbm4b:s7+s19], $0x50, $0x38;
	[tilespmem:$0xB508] =	vst v63  }
0x21: {  	_ =	swait.ge @!p1 [sflag:s20], $0x50  }
0x22: {  	[sflag:s20] =	ssyncset.done @!p1 $0x0  }
0x23: {  	s19 =	simm.s32 @!p2 $0x0;
	[sflag:s20] =	ssyncadd.s32 @!p1 $0xFFFFFFB0;
	s20 =	simm.s32 @!p2 $0x8800  }
0x24: {  	[tilespmem:s20], [sflag:$0x3] =	stream.linear.gather @!p2 [hbm4b:s9+s19], $0x680, $0x38;
	[tilespmem:$0xB508] =	vst v63  }
0x25: {  	s20 =	simm.s32 @!p2 $0x3  }
0x26: {  	_ =	swait.ge @!p2 [sflag:s20], $0x680  }
0x27: {  	[sflag:s20] =	ssyncset.done @!p2 $0x0  }
0x28: {  	s21 =	simm.s32 @!p2 $0x8E80;
	[sflag:s20] =	ssyncadd.s32 @!p2 $0xFFFFF980  }
0x29: {  	[tilespmem:s21], [sflag:$0x3] =	stream.linear.gather @!p2 [hbm4b:s11+s19], $0x680, $0x38;
	[tilespmem:$0xB508] =	vst v63  }
0x2a: {  	_ =	swait.ge @!p2 [sflag:s20], $0x680  }
0x2b: {  	[sflag:s20] =	ssyncset.done @!p2 $0x0  }
0x2c: {  	s19 =	simm.s32 $0x8840;
	[sflag:s20] =	ssyncadd.s32 @!p2 $0xFFFFF980  }
0x2d: {  	s20 =	simm.s32 $0x8EC0;
	v0 =	vld [tilespmem:s19+$0xFFFFFFC0]  }
0x2e: {  	v1 =	vld [tilespmem:s20+$0xFFFFFFC0];
	_ =	sdelay $0x3  }
0x2f: {  	v0 =	vmax.f32 v0, $0.0e+00  }
0x30: {  	v1 =	vmax.f32 v1, $0.0e+00;
	v0 =	vmin.f32 v0, $1.000000000e+00  }
0x31: {  	v1 =	vmin.f32 v1, $1.000000000e+00;
	v0 =	vmul.f32 $3.200000000e+01, v0  }
0x32: {  	v1 =	vmul.f32 $3.200000000e+01, v1  }
0x33: {  	v0 =	vtrunc.f32 v0  }
0x34: {  	v1 =	vtrunc.f32 v1;
	v0 =	vcvt.f32.s32 v0  }
0x35: {  	v1 =	vcvt.f32.s32 v1  }
0x36: {  	vm0 =	vgt.s32 v0, $0x0  }
0x37: {  	vm13 =	vgt.s32 v1, $0x0;
	v0 =	vnsel vm0, $0x0, v0  }
0x38: {  	s22 =	sadd.s32 $0x0, s8;
	v1 =	vnsel vm13, $0x0, v1;
	v0 =	vmin.u32 v0, $0x1F  }
0x39: {  	s24 =	sadd.s32 $0xC350, s22;
	v1 =	vmin.u32 v1, $0x1F;
	v0 =	vshll.u32 v0, $0x5  }
0x3a: {  	p0 =	slt.u32 s24, $0x186A0;
	v0 =	vor.u32 v1, v0  }
0x3b: {  	s21 =	simm.s32 $0x8040;
	v0 =	vpsel !p0, $0x400, v0  }
0x3c: {  	[tilespmem:s21+$0xFFFFFFC0] =	vst v0  }
0x3d: {  	v0 =	vld [tilespmem:s19+$0xFFFFFFD0]  }
0x3e: {  	v1 =	vld [tilespmem:s20+$0xFFFFFFD0];
	_ =	sdelay $0x3  }
0x3f: {  	v0 =	vmax.f32 v0, $0.0e+00  }
0x40: {  	v1 =	vmax.f32 v1, $0.0e+00;
	v0 =	vmin.f32 v0, $1.000000000e+00  }
0x41: {  	v1 =	vmin.f32 v1, $1.000000000e+00;
	v0 =	vmul.f32 $3.200000000e+01, v0  }
0x42: {  	v1 =	vmul.f32 $3.200000000e+01, v1  }
0x43: {  	v0 =	vtrunc.f32 v0  }
0x44: {  	v1 =	vtrunc.f32 v1;
	v0 =	vcvt.f32.s32 v0  }
0x45: {  	v1 =	vcvt.f32.s32 v1  }
0x46: {  	vm14 =	vgt.s32 v0, $0x0  }
0x47: {  	vm15 =	vgt.s32 v1, $0x0;
	v0 =	vnsel vm14, $0x0, v0  }
0x48: {  	v1 =	vnsel vm15, $0x0, v1;
	v0 =	vmin.u32 v0, $0x1F  }
0x49: {  	s23 =	sadd.s32 $0xC360, s22;
	v1 =	vmin.u32 v1, $0x1F;
	v0 =	vshll.u32 v0, $0x5  }
0x4a: {  	p4 =	slt.u32 s23, $0x186A0;
	v0 =	vor.u32 v1, v0  }
0x4b: {  	v0 =	vpsel !p4, $0x400, v0  }
0x4c: {  	[tilespmem:s21+$0xFFFFFFD0] =	vst v0  }
0x4d: {  	v0 =	vld [tilespmem:s19+$0xFFFFFFE0]  }
0x4e: {  	v1 =	vld [tilespmem:s20+$0xFFFFFFE0];
	_ =	sdelay $0x3  }
0x4f: {  	v0 =	vmax.f32 v0, $0.0e+00  }
0x50: {  	v1 =	vmax.f32 v1, $0.0e+00;
	v0 =	vmin.f32 v0, $1.000000000e+00  }
0x51: {  	v1 =	vmin.f32 v1, $1.000000000e+00;
	v0 =	vmul.f32 $3.200000000e+01, v0  }
0x52: {  	v1 =	vmul.f32 $3.200000000e+01, v1  }
0x53: {  	v0 =	vtrunc.f32 v0  }
0x54: {  	v1 =	vtrunc.f32 v1;
	v0 =	vcvt.f32.s32 v0  }
0x55: {  	v1 =	vcvt.f32.s32 v1  }
0x56: {  	vm4 =	vgt.s32 v0, $0x0  }
0x57: {  	vm5 =	vgt.s32 v1, $0x0;
	v0 =	vnsel vm4, $0x0, v0  }
0x58: {  	v1 =	vnsel vm5, $0x0, v1;
	v0 =	vmin.u32 v0, $0x1F  }
0x59: {  	s25 =	sadd.s32 $0xC370, s22;
	v1 =	vmin.u32 v1, $0x1F;
	v0 =	vshll.u32 v0, $0x5  }
0x5a: {  	p5 =	slt.u32 s25, $0x186A0;
	v0 =	vor.u32 v1, v0  }
0x5b: {  	v0 =	vpsel !p5, $0x400, v0  }
0x5c: {  	[tilespmem:s21+$0xFFFFFFE0] =	vst v0  }
0x5d: {  	v0 =	vld [tilespmem:s19+$0xFFFFFFF0]  }
0x5e: {  	v1 =	vld [tilespmem:s20+$0xFFFFFFF0];
	_ =	sdelay $0x3  }
0x5f: {  	v0 =	vmax.f32 v0, $0.0e+00  }
0x60: {  	v1 =	vmax.f32 v1, $0.0e+00;
	v0 =	vmin.f32 v0, $1.000000000e+00  }
0x61: {  	v1 =	vmin.f32 v1, $1.000000000e+00;
	v0 =	vmul.f32 $3.200000000e+01, v0  }
0x62: {  	v1 =	vmul.f32 $3.200000000e+01, v1  }
0x63: {  	v0 =	vtrunc.f32 v0  }
0x64: {  	v1 =	vtrunc.f32 v1;
	v0 =	vcvt.f32.s32 v0  }
0x65: {  	v1 =	vcvt.f32.s32 v1  }
0x66: {  	vm6 =	vgt.s32 v0, $0x0  }
0x67: {  	vm7 =	vgt.s32 v1, $0x0;
	v0 =	vnsel vm6, $0x0, v0  }
0x68: {  	v1 =	vnsel vm7, $0x0, v1;
	v0 =	vmin.u32 v0, $0x1F  }
0x69: {  	s26 =	sadd.s32 $0xC380, s22;
	v1 =	vmin.u32 v1, $0x1F;
	v0 =	vshll.u32 v0, $0x5  }
0x6a: {  	p6 =	slt.u32 s26, $0x186A0;
	v0 =	vor.u32 v1, v0  }
0x6b: {  	v0 =	vpsel !p6, $0x400, v0  }
0x6c: {  	[tilespmem:s21+$0xFFFFFFF0] =	vst v0  }
0x6d: {  	v0 =	vld [tilespmem:s19+$0x0]  }
0x6e: {  	v1 =	vld [tilespmem:s20+$0x0];
	_ =	sdelay $0x3  }
0x6f: {  	v0 =	vmax.f32 v0, $0.0e+00  }
0x70: {  	v1 =	vmax.f32 v1, $0.0e+00;
	v0 =	vmin.f32 v0, $1.000000000e+00  }
0x71: {  	v1 =	vmin.f32 v1, $1.000000000e+00;
	v0 =	vmul.f32 $3.200000000e+01, v0  }
0x72: {  	v1 =	vmul.f32 $3.200000000e+01, v1  }
0x73: {  	v0 =	vtrunc.f32 v0  }
0x74: {  	v1 =	vtrunc.f32 v1;
	v0 =	vcvt.f32.s32 v0  }
0x75: {  	v1 =	vcvt.f32.s32 v1  }
0x76: {  	vm8 =	vgt.s32 v0, $0x0  }
0x77: {  	vm9 =	vgt.s32 v1, $0x0;
	v0 =	vnsel vm8, $0x0, v0  }
0x78: {  	v1 =	vnsel vm9, $0x0, v1;
	v0 =	vmin.u32 v0, $0x1F  }
0x79: {  	s28 =	sadd.s32 $0xC390, s22;
	v1 =	vmin.u32 v1, $0x1F;
	v0 =	vshll.u32 v0, $0x5  }
0x7a: {  	p3 =	slt.u32 s28, $0x186A0;
	v0 =	vor.u32 v1, v0  }
0x7b: {  	v0 =	vpsel !p3, $0x400, v0  }
0x7c: {  	[tilespmem:s21+$0x0] =	vst v0  }
0x7d: {  	v0 =	vld [tilespmem:s19+$0x10]  }
0x7e: {  	v1 =	vld [tilespmem:s20+$0x10];
	_ =	sdelay $0x3  }
0x7f: {  	v0 =	vmax.f32 v0, $0.0e+00  }
0x80: {  	v1 =	vmax.f32 v1, $0.0e+00;
	v0 =	vmin.f32 v0, $1.000000000e+00  }
0x81: {  	v1 =	vmin.f32 v1, $1.000000000e+00;
	v0 =	vmul.f32 $3.200000000e+01, v0  }
0x82: {  	v1 =	vmul.f32 $3.200000000e+01, v1  }
0x83: {  	v0 =	vtrunc.f32 v0  }
0x84: {  	v1 =	vtrunc.f32 v1;
	v0 =	vcvt.f32.s32 v0  }
0x85: {  	v1 =	vcvt.f32.s32 v1  }
0x86: {  	vm10 =	vgt.s32 v0, $0x0  }
0x87: {  	vm11 =	vgt.s32 v1, $0x0;
	v0 =	vnsel vm10, $0x0, v0  }
0x88: {  	v1 =	vnsel vm11, $0x0, v1;
	v0 =	vmin.u32 v0, $0x1F  }
0x89: {  	s29 =	sadd.s32 $0xC3A0, s22;
	v1 =	vmin.u32 v1, $0x1F;
	v0 =	vshll.u32 v0, $0x5  }
0x8a: {  	p4 =	slt.u32 s29, $0x186A0;
	v0 =	vor.u32 v1, v0  }
0x8b: {  	v0 =	vpsel !p4, $0x400, v0  }
0x8c: {  	[tilespmem:s21+$0x10] =	vst v0  }
0x8d: {  	v0 =	vld [tilespmem:s19+$0x20]  }
0x8e: {  	v1 =	vld [tilespmem:s20+$0x20];
	_ =	sdelay $0x3  }
0x8f: {  	v0 =	vmax.f32 v0, $0.0e+00  }
0x90: {  	v1 =	vmax.f32 v1, $0.0e+00;
	v0 =	vmin.f32 v0, $1.000000000e+00  }
0x91: {  	v1 =	vmin.f32 v1, $1.000000000e+00;
	v0 =	vmul.f32 $3.200000000e+01, v0  }
0x92: {  	v1 =	vmul.f32 $3.200000000e+01, v1  }
0x93: {  	v0 =	vtrunc.f32 v0  }
0x94: {  	v1 =	vtrunc.f32 v1;
	v0 =	vcvt.f32.s32 v0  }
0x95: {  	v1 =	vcvt.f32.s32 v1  }
0x96: {  	vm12 =	vgt.s32 v0, $0x0  }
0x97: {  	vm13 =	vgt.s32 v1, $0x0;
	v0 =	vnsel vm12, $0x0, v0  }
0x98: {  	v1 =	vnsel vm13, $0x0, v1;
	v0 =	vmin.u32 v0, $0x1F  }
0x99: {  	s30 =	sadd.s32 $0xC3B0, s22;
	v1 =	vmin.u32 v1, $0x1F;
	v0 =	vshll.u32 v0, $0x5  }
0x9a: {  	p5 =	slt.u32 s30, $0x186A0;
	v0 =	vor.u32 v1, v0  }
0x9b: {  	v0 =	vpsel !p5, $0x400, v0  }
0x9c: {  	[tilespmem:s21+$0x20] =	vst v0  }
0x9d: {  	v0 =	vld [tilespmem:s19+$0x30]  }
0x9e: {  	v1 =	vld [tilespmem:s20+$0x30];
	_ =	sdelay $0x3  }
0x9f: {  	v0 =	vmax.f32 v0, $0.0e+00  }
0xa0: {  	v1 =	vmax.f32 v1, $0.0e+00;
	v0 =	vmin.f32 v0, $1.000000000e+00  }
0xa1: {  	v1 =	vmin.f32 v1, $1.000000000e+00;
	v0 =	vmul.f32 $3.200000000e+01, v0  }
0xa2: {  	v1 =	vmul.f32 $3.200000000e+01, v1  }
0xa3: {  	v0 =	vtrunc.f32 v0  }
0xa4: {  	v1 =	vtrunc.f32 v1;
	v0 =	vcvt.f32.s32 v0  }
0xa5: {  	v1 =	vcvt.f32.s32 v1  }
0xa6: {  	s31 =	sld [smem:$0x7FC];
	vm14 =	vgt.s32 v0, $0x0  }
0xa7: {  	vm15 =	vgt.s32 v1, $0x0;
	v0 =	vnsel vm14, $0x0, v0  }
0xa8: {  	s22 =	sadd.s32 $0xC3C0, s22;
	v1 =	vnsel vm15, $0x0, v1;
	v0 =	vmin.u32 v0, $0x1F  }
0xa9: {  	p0 =	por @p2 $0x0, $0x0;
	p3 =	por @!p1 $0x1, $0x1;
	p1 =	seq.s32 s31, $0x1;
	v1 =	vmin.u32 v1, $0x1F;
	v0 =	vshll.u32 v0, $0x5  }
0xaa: {  	p6 =	slt.u32 s22, $0x186A0;
	p3 =	por @!p1 p0, p0;
	p0 =	por @!p2 $0x0, $0x0;
	v0 =	vor.u32 v1, v0  }
0xab: {  	s22 =	simm.s32 $0x80;
	p3 =	por @!p2 p0, p0;
	v0 =	vpsel !p6, $0x400, v0  }
.LBB2_2:
0xac: {  	[tilespmem:s21+$0x30] =	vst v0;
	s21 =	sadd.s32 $0x80, s21;
	s19 =	sadd.s32 $0x80, s19;
	s20 =	sadd.s32 $0x80, s20  }
0xad: {  	p4 =	sne.s32 s22, $0x600;
	s23 =	smov.u32 s22;
	s22 =	sadd.s32 $0x80, s22;
	v0 =	vld [tilespmem:s19+$0xFFFFFFC0]  }
0xae: {  	v1 =	vld [tilespmem:s20+$0xFFFFFFC0];
	_ =	sdelay $0x3  }
0xaf: {  	v0 =	vmax.f32 v0, $0.0e+00  }
0xb0: {  	v0 =	vmin.f32 v0, $1.000000000e+00;
	v1 =	vmax.f32 v1, $0.0e+00  }
0xb1: {  	v0 =	vmul.f32 $3.200000000e+01, v0;
	v1 =	vmin.f32 v1, $1.000000000e+00  }
0xb2: {  	v1 =	vmul.f32 $3.200000000e+01, v1  }
0xb3: {  	v0 =	vtrunc.f32 v0  }
0xb4: {  	v0 =	vcvt.f32.s32 v0;
	v1 =	vtrunc.f32 v1  }
0xb5: {  	v1 =	vcvt.f32.s32 v1  }
0xb6: {  	vm0 =	vgt.s32 v0, $0x0  }
0xb7: {  	v0 =	vnsel vm0, $0x0, v0;
	vm0 =	vgt.s32 v1, $0x0  }
0xb8: {  	s23 =	sadd.s32 s23, s8;
	v0 =	vmin.u32 v0, $0x1F;
	v1 =	vnsel vm0, $0x0, v1  }
0xb9: {  	s24 =	sadd.s32 $0xC350, s23;
	s30 =	sadd.s32 $0xC360, s23;
	s29 =	sadd.s32 $0xC370, s23;
	v1 =	vmin.u32 v1, $0x1F;
	v0 =	vshll.u32 v0, $0x5  }
0xba: {  	s28 =	sadd.s32 $0xC380, s23;
	s26 =	sadd.s32 $0xC390, s23;
	p0 =	slt.u32 s24, $0x186A0;
	v0 =	vor.u32 v1, v0  }
0xbb: {  	s25 =	sadd.s32 $0xC3A0, s23;
	s24 =	sadd.s32 $0xC3B0, s23;
	s23 =	sadd.s32 $0xC3C0, s23;
	v0 =	vpsel !p0, $0x400, v0  }
0xbc: {  	[tilespmem:s21+$0xFFFFFFC0] =	vst v0  }
0xbd: {  	v0 =	vld [tilespmem:s19+$0xFFFFFFD0]  }
0xbe: {  	v1 =	vld [tilespmem:s20+$0xFFFFFFD0];
	_ =	sdelay $0x3  }
0xbf: {  	v0 =	vmax.f32 v0, $0.0e+00  }
0xc0: {  	v0 =	vmin.f32 v0, $1.000000000e+00;
	v1 =	vmax.f32 v1, $0.0e+00  }
0xc1: {  	v0 =	vmul.f32 $3.200000000e+01, v0;
	v1 =	vmin.f32 v1, $1.000000000e+00  }
0xc2: {  	v1 =	vmul.f32 $3.200000000e+01, v1  }
0xc3: {  	v0 =	vtrunc.f32 v0  }
0xc4: {  	v0 =	vcvt.f32.s32 v0;
	v1 =	vtrunc.f32 v1  }
0xc5: {  	v1 =	vcvt.f32.s32 v1  }
0xc6: {  	vm0 =	vgt.s32 v0, $0x0  }
0xc7: {  	v0 =	vnsel vm0, $0x0, v0;
	vm0 =	vgt.s32 v1, $0x0  }
0xc8: {  	v0 =	vmin.u32 v0, $0x1F;
	v1 =	vnsel vm0, $0x0, v1  }
0xc9: {  	v1 =	vmin.u32 v1, $0x1F;
	v0 =	vshll.u32 v0, $0x5  }
0xca: {  	p0 =	slt.u32 s30, $0x186A0;
	v0 =	vor.u32 v1, v0  }
0xcb: {  	v0 =	vpsel !p0, $0x400, v0  }
0xcc: {  	[tilespmem:s21+$0xFFFFFFD0] =	vst v0  }
0xcd: {  	v0 =	vld [tilespmem:s19+$0xFFFFFFE0]  }
0xce: {  	v1 =	vld [tilespmem:s20+$0xFFFFFFE0];
	_ =	sdelay $0x3  }
0xcf: {  	v0 =	vmax.f32 v0, $0.0e+00  }
0xd0: {  	v0 =	vmin.f32 v0, $1.000000000e+00;
	v1 =	vmax.f32 v1, $0.0e+00  }
0xd1: {  	v0 =	vmul.f32 $3.200000000e+01, v0;
	v1 =	vmin.f32 v1, $1.000000000e+00  }
0xd2: {  	v1 =	vmul.f32 $3.200000000e+01, v1  }
0xd3: {  	v0 =	vtrunc.f32 v0  }
0xd4: {  	v0 =	vcvt.f32.s32 v0;
	v1 =	vtrunc.f32 v1  }
0xd5: {  	v1 =	vcvt.f32.s32 v1  }
0xd6: {  	vm0 =	vgt.s32 v0, $0x0  }
0xd7: {  	v0 =	vnsel vm0, $0x0, v0;
	vm0 =	vgt.s32 v1, $0x0  }
0xd8: {  	v0 =	vmin.u32 v0, $0x1F;
	v1 =	vnsel vm0, $0x0, v1  }
0xd9: {  	v1 =	vmin.u32 v1, $0x1F;
	v0 =	vshll.u32 v0, $0x5  }
0xda: {  	p0 =	slt.u32 s29, $0x186A0;
	v0 =	vor.u32 v1, v0  }
0xdb: {  	v0 =	vpsel !p0, $0x400, v0  }
0xdc: {  	[tilespmem:s21+$0xFFFFFFE0] =	vst v0  }
0xdd: {  	v0 =	vld [tilespmem:s19+$0xFFFFFFF0]  }
0xde: {  	v1 =	vld [tilespmem:s20+$0xFFFFFFF0];
	_ =	sdelay $0x3  }
0xdf: {  	v0 =	vmax.f32 v0, $0.0e+00  }
0xe0: {  	v0 =	vmin.f32 v0, $1.000000000e+00;
	v1 =	vmax.f32 v1, $0.0e+00  }
0xe1: {  	v0 =	vmul.f32 $3.200000000e+01, v0;
	v1 =	vmin.f32 v1, $1.000000000e+00  }
0xe2: {  	v1 =	vmul.f32 $3.200000000e+01, v1  }
0xe3: {  	v0 =	vtrunc.f32 v0  }
0xe4: {  	v0 =	vcvt.f32.s32 v0;
	v1 =	vtrunc.f32 v1  }
0xe5: {  	v1 =	vcvt.f32.s32 v1  }
0xe6: {  	vm0 =	vgt.s32 v0, $0x0  }
0xe7: {  	v0 =	vnsel vm0, $0x0, v0;
	vm0 =	vgt.s32 v1, $0x0  }
0xe8: {  	v0 =	vmin.u32 v0, $0x1F;
	v1 =	vnsel vm0, $0x0, v1  }
0xe9: {  	v1 =	vmin.u32 v1, $0x1F;
	v0 =	vshll.u32 v0, $0x5  }
0xea: {  	p0 =	slt.u32 s28, $0x186A0;
	v0 =	vor.u32 v1, v0  }
0xeb: {  	v0 =	vpsel !p0, $0x400, v0  }
0xec: {  	[tilespmem:s21+$0xFFFFFFF0] =	vst v0  }
0xed: {  	v0 =	vld [tilespmem:s19+$0x0]  }
0xee: {  	v1 =	vld [tilespmem:s20+$0x0];
	_ =	sdelay $0x3  }
0xef: {  	v0 =	vmax.f32 v0, $0.0e+00  }
0xf0: {  	v0 =	vmin.f32 v0, $1.000000000e+00;
	v1 =	vmax.f32 v1, $0.0e+00  }
0xf1: {  	v0 =	vmul.f32 $3.200000000e+01, v0;
	v1 =	vmin.f32 v1, $1.000000000e+00  }
0xf2: {  	v1 =	vmul.f32 $3.200000000e+01, v1  }
0xf3: {  	v0 =	vtrunc.f32 v0  }
0xf4: {  	v0 =	vcvt.f32.s32 v0;
	v1 =	vtrunc.f32 v1  }
0xf5: {  	v1 =	vcvt.f32.s32 v1  }
0xf6: {  	vm0 =	vgt.s32 v0, $0x0  }
0xf7: {  	v0 =	vnsel vm0, $0x0, v0;
	vm0 =	vgt.s32 v1, $0x0  }
0xf8: {  	v0 =	vmin.u32 v0, $0x1F;
	v1 =	vnsel vm0, $0x0, v1  }
0xf9: {  	v1 =	vmin.u32 v1, $0x1F;
	v0 =	vshll.u32 v0, $0x5  }
0xfa: {  	p0 =	slt.u32 s26, $0x186A0;
	v0 =	vor.u32 v1, v0  }
0xfb: {  	v0 =	vpsel !p0, $0x400, v0  }
0xfc: {  	[tilespmem:s21+$0x0] =	vst v0  }
0xfd: {  	v0 =	vld [tilespmem:s19+$0x10]  }
0xfe: {  	v1 =	vld [tilespmem:s20+$0x10];
	_ =	sdelay $0x3  }
0xff: {  	v0 =	vmax.f32 v0, $0.0e+00  }
0x100: {  	v0 =	vmin.f32 v0, $1.000000000e+00;
	v1 =	vmax.f32 v1, $0.0e+00  }
0x101: {  	v0 =	vmul.f32 $3.200000000e+01, v0;
	v1 =	vmin.f32 v1, $1.000000000e+00  }
0x102: {  	v1 =	vmul.f32 $3.200000000e+01, v1  }
0x103: {  	v0 =	vtrunc.f32 v0  }
0x104: {  	v0 =	vcvt.f32.s32 v0;
	v1 =	vtrunc.f32 v1  }
0x105: {  	v1 =	vcvt.f32.s32 v1  }
0x106: {  	vm0 =	vgt.s32 v0, $0x0  }
0x107: {  	v0 =	vnsel vm0, $0x0, v0;
	vm0 =	vgt.s32 v1, $0x0  }
0x108: {  	v0 =	vmin.u32 v0, $0x1F;
	v1 =	vnsel vm0, $0x0, v1  }
0x109: {  	v1 =	vmin.u32 v1, $0x1F;
	v0 =	vshll.u32 v0, $0x5  }
0x10a: {  	p0 =	slt.u32 s25, $0x186A0;
	v0 =	vor.u32 v1, v0  }
0x10b: {  	v0 =	vpsel !p0, $0x400, v0  }
0x10c: {  	[tilespmem:s21+$0x10] =	vst v0  }
0x10d: {  	v0 =	vld [tilespmem:s19+$0x20]  }
0x10e: {  	v1 =	vld [tilespmem:s20+$0x20];
	_ =	sdelay $0x3  }
0x10f: {  	v0 =	vmax.f32 v0, $0.0e+00  }
0x110: {  	v0 =	vmin.f32 v0, $1.000000000e+00;
	v1 =	vmax.f32 v1, $0.0e+00  }
0x111: {  	v0 =	vmul.f32 $3.200000000e+01, v0;
	v1 =	vmin.f32 v1, $1.000000000e+00  }
0x112: {  	v1 =	vmul.f32 $3.200000000e+01, v1  }
0x113: {  	v0 =	vtrunc.f32 v0  }
0x114: {  	v0 =	vcvt.f32.s32 v0;
	v1 =	vtrunc.f32 v1  }
0x115: {  	v1 =	vcvt.f32.s32 v1  }
0x116: {  	vm0 =	vgt.s32 v0, $0x0  }
0x117: {  	v0 =	vnsel vm0, $0x0, v0;
	vm0 =	vgt.s32 v1, $0x0  }
0x118: {  	v0 =	vmin.u32 v0, $0x1F;
	v1 =	vnsel vm0, $0x0, v1  }
0x119: {  	v1 =	vmin.u32 v1, $0x1F;
	v0 =	vshll.u32 v0, $0x5  }
0x11a: {  	p0 =	slt.u32 s24, $0x186A0;
	v0 =	vor.u32 v1, v0  }
0x11b: {  	v0 =	vpsel !p0, $0x400, v0  }
0x11c: {  	[tilespmem:s21+$0x20] =	vst v0  }
0x11d: {  	v0 =	vld [tilespmem:s19+$0x30]  }
0x11e: {  	v1 =	vld [tilespmem:s20+$0x30];
	_ =	sdelay $0x3  }
0x11f: {  	v0 =	vmax.f32 v0, $0.0e+00  }
0x120: {  	v0 =	vmin.f32 v0, $1.000000000e+00;
	v1 =	vmax.f32 v1, $0.0e+00  }
0x121: {  	v0 =	vmul.f32 $3.200000000e+01, v0;
	v1 =	vmin.f32 v1, $1.000000000e+00  }
0x122: {  	v1 =	vmul.f32 $3.200000000e+01, v1  }
0x123: {  	v0 =	vtrunc.f32 v0  }
0x124: {  	v0 =	vcvt.f32.s32 v0;
	v1 =	vtrunc.f32 v1  }
0x125: {  	v1 =	vcvt.f32.s32 v1  }
0x126: {  	vm0 =	vgt.s32 v0, $0x0  }
.Ltmp0:
0x127: {  	v0 =	vnsel vm0, $0x0, v0;
	vm0 =	vgt.s32 v1, $0x0;
	(pc) =	sbr.rel @p4 .LBB2_2-.Ltmp0, $4  }
0x128: {  	v0 =	vmin.u32 v0, $0x1F;
	v1 =	vnsel vm0, $0x0, v1  }
0x129: {  	v1 =	vmin.u32 v1, $0x1F;
	v0 =	vshll.u32 v0, $0x5  }
0x12a: {  	p0 =	slt.u32 s23, $0x186A0;
	v0 =	vor.u32 v1, v0  }
0x12b: {  	v0 =	vpsel !p0, $0x400, v0  }
0x12c: {  	[tilespmem:s21+$0x30] =	vst v0;
	s19 =	simm.s32 @!p2 $0x0;
	s26 =	sadd.s32 $0x0, s16  }
0x12d: {  	[bflag:$0x0] =	sbarrier.arrive $0xFFFF;
	s20 =	sadd.s32 $0xFFFFFE7A, s26;
	p1 =	sgt.u32 s26, $0x185  }
0x12e: {  	[tilespmem:s19], [sflag:$0x1] =	stream.linear.gather @!p2 [hbm4b:s10+s19], $0x4000, $0x38;
	[tilespmem:$0xB508] =	vst v63  }
0x12f: {  	p0 =	sne.s32 @p1 s20, $0x0  }
0x130: {  	s19 =	simm.s32 @p3 $0x0;
	p0 =	por p0, !p1  }
0x131: {  	[tilespmem:s19], [sflag:$0x1] =	stream.linear.gather @p3 [hbm4b:s12+s19], $0x2800, $0x38;
	[tilespmem:$0xB508] =	vst v63  }
0x132: {  	s21 =	sadd.s32 $0x1, s26;
	s20 =	simm.s32 @!p0 $0x1  }
0x133: {  	p6 =	seq.s32 s26, $0x185;
	p2 =	por $0x1, $0x1;
	_ =	swait.ge @!p0 [sflag:s20], $0x2800  }
0x134: {  	p4 =	slt.u32 s21, $0x186;
	s22 =	simm.s32 @!p1 $0x1;
	[sflag:s20] =	ssyncset.done @!p0 $0x0  }
0x135: {  	p5 =	por !p2, !p4;
	p4 =	por !p2, !p6;
	[sflag:s20] =	ssyncadd.s32 @!p0 $0xFFFFD800  }
0x136: {  	p2 =	sgt.u32 s26, $0x186;
	p0 =	por !p5, !p5;
	_ =	swait.ge @!p1 [sflag:s22], $0x4000  }
0x137: {  	s20 =	sadd.s32 @p0 $0xFFFFF800, s15;
	s23 =	simm.s32 @p0 $0x0;
	[sflag:s22] =	ssyncset.done @!p1 $0x0  }
0x138: {  	[sflag:s22] =	ssyncadd.s32 @!p1 $0xFFFFC000;
	s22 =	simm.s32 @p0 $0x4000;
	p1 =	por !p4, !p4  }
0x139: {  	[tilespmem:s22], [sflag:$0x2] =	stream.linear.gather @p0 [hbm4b:s20+s23], $0x4000, $0x38;
	[tilespmem:$0xB508] =	vst v63  }
0x13a: {  	s24 =	simm.s32 @!p2 $0x4;
	s22 =	simm.s32 @p1 $0x0;
	s23 =	simm.s32 @p1 $0x4000  }
0x13b: {  	[tilespmem:s23], [sflag:$0x2] =	stream.linear.gather @p1 [hbm4b:s12+s22], $0x2800, $0x38;
	[tilespmem:$0xB508] =	vst v63  }
0x13c: {  	s20 =	simm.s32 $0x8000;
	s22 =	simm.s32 @!p2 $0x80;
	s23 =	simm.s32 @!p2 $0x0  }
0x13d: {  	[spmem:s1] =	stream.indirect.scatter.add.f32 @!p2 [tilespmem:s23], [sflag:$0x4], $0x80, s20, s22, $0xb8;
	[tilespmem:$0xB508] =	vst v63  }
0x13e: {  	p6 =	seq.s32 s26, $0x184;
	p3 =	por $0x0, $0x0;
	_ =	swait.ge @!p2 [sflag:s24], $0x4000  }
0x13f: {  	s19 =	sadd.s32 $0x2, s26;
	p5 =	por $0x1, $0x1;
	[sflag:s24] =	ssyncset.done @!p2 $0x0  }
0x140: {  	p4 =	por $0x1, $0x1;
	s20 =	simm.s32 @p0 $0x2;
	[sflag:s24] =	ssyncadd.s32 @!p2 $0xFFFFC000  }
0x141: {  	s22 =	simm.s32 $0x2;
	s23 =	simm.s32 @p1 $0x2;
	_ =	swait.ge @p0 [sflag:s20], $0x4000  }
0x142: {  	p2 =	por !p5, !p6;
	s24 =	simm.s32 $0x4;
	[sflag:s20] =	ssyncset.done @p0 $0x0  }
0x143: {  	p5 =	por !p2, !p2;
	[sflag:s20] =	ssyncadd.s32 @p0 $0xFFFFC000;
	p0 =	sgt.u32 @!p3 s19, $0x185  }
0x144: {  	s19 =	simm.s32 $0x8100;
	s20 =	sadd.s32 $0x1000, s15;
	_ =	swait.ge @p1 [sflag:s23], $0x2800  }
0x145: {  	p0 =	por p0, p3;
	p3 =	por $0x0, $0x0;
	[sflag:s23] =	ssyncset.done @p1 $0x0  }
0x146: {  	s25 =	simm.s32 @!p0 $0x0;
	[sflag:s23] =	ssyncadd.s32 @p1 $0xFFFFD800;
	p1 =	sgt.u32 @!p3 s21, $0x186  }
0x147: {  	s21 =	simm.s32 $0x3;
	s23 =	simm.s32 @p5 $0x0;
	p2 =	por p1, p3  }
0x148: {  	[tilespmem:s25], [sflag:$0x1] =	stream.linear.gather @!p0 [hbm4b:s15+s25], $0x4000, $0x38;
	[tilespmem:$0xB508] =	vst v63  }
0x149: {  	s25 =	sadd.s32 $0x2, s16;
	p3 =	por $0x0, $0x0;
	s26 =	simm.s32 @!p2 $0x8080  }
0x14a: {  	s28 =	simm.s32 @!p2 $0x80;
	s29 =	simm.s32 @!p2 $0x3;
	s31 =	simm.s32 @!p2 $0x4000  }
0x14b: {  	[tilespmem:s23], [sflag:$0x1] =	stream.linear.gather @p5 [hbm4b:s12+s23], $0x2800, $0x38;
	[tilespmem:$0xB508] =	vst v63  }
0x14c: {  	s30 =	sadd.s32 $0xFFFFFE7A, s25;
	p5 =	sgt.u32 s25, $0x185;
	s23 =	sadd.s32 $0x1, s25  }
.LBB2_4:
0x14d: {  	[spmem:s1] =	stream.indirect.scatter.add.f32 @!p2 [tilespmem:s31], [sflag:$0x3], $0x80, s26, s28, $0xb8;
	[tilespmem:$0xB508] =	vst v63  }
0x14e: {  	p1 =	sne.s32 @p5 s30, $0x0;
	s30 =	sadd.s32 $0x2, s25  }
0x14f: {  	p6 =	por p1, !p5;
	p1 =	sgt.u32 @!p3 s30, $0x185  }
0x150: {  	p0 =	slt.u32 s23, $0x186;
	_ =	swait.ge @!p2 [sflag:s29], $0x4000;
	s30 =	simm.s32 @!p1 $0x0  }
0x151: {  	p0 =	por !p4, !p0;
	[sflag:s29] =	ssyncset.done @!p2 $0x0;
	s30 =	simm.s32 @p1 $0x1  }
0x152: {  	s0 =	simm.s32 @!p6 $0x1;
	[sflag:s29] =	ssyncadd.s32 @!p2 $0xFFFFC000;
	[smem:$0x7FA] =	sst s30  }
0x153: {  	p0 =	por !p0, !p0;
	p2 =	sne.s32 s22, $0xC;
	_ =	swait.ge @!p6 [sflag:s0], $0x2800  }
0x154: {  	p1 =	por p3, p3;
	p3 =	seq.s32 s25, $0x184;
	[sflag:s0] =	ssyncset.done @!p6 $0x0  }
0x155: {  	s22 =	simm.s32 @!p5 $0x1;
	s29 =	simm.s32 @p0 $0x0;
	[sflag:s0] =	ssyncadd.s32 @!p6 $0xFFFFD800  }
0x156: {  	p2 =	por !p2, !p3;
	p6 =	seq.s32 s25, $0x185;
	_ =	swait.ge @!p5 [sflag:s22], $0x4000  }
0x157: {  	s0 =	sadd.s32 @p0 $0xFFFFF800, s20;
	p3 =	por !p4, !p6;
	[sflag:s22] =	ssyncset.done @!p5 $0x0  }
0x158: {  	[sflag:s22] =	ssyncadd.s32 @!p5 $0xFFFFC000;
	s22 =	simm.s32 @p0 $0x4000;
	p5 =	por !p3, !p3  }
0x159: {  	[tilespmem:s22], [sflag:$0x2] =	stream.linear.gather @p0 [hbm4b:s0+s29], $0x4000, $0x38;
	[tilespmem:$0xB508] =	vst v63  }
0x15a: {  	p4 =	sgt.u32 s25, $0x186;
	s0 =	simm.s32 @p5 $0x0;
	s29 =	simm.s32 @p5 $0x4000  }
0x15b: {  	[tilespmem:s29], [sflag:$0x2] =	stream.linear.gather @p5 [hbm4b:s12+s0], $0x2800, $0x38;
	[tilespmem:$0xB508] =	vst v63  }
0x15c: {  	s25 =	simm.s32 @!p4 $0x0;
	s0 =	simm.s32 @!p4 $0x80;
	s29 =	simm.s32 @!p4 $0x4  }
0x15d: {  	[spmem:s1] =	stream.indirect.scatter.add.f32 @!p4 [tilespmem:s25], [sflag:$0x4], $0x80, s19, s0, $0xb8;
	[tilespmem:$0xB508] =	vst v63  }
0x15e: {  	_ =	swait.ge @!p4 [sflag:s29], $0x4000  }
0x15f: {  	s31 =	smov.u32 s24;
	s26 =	smov.u32 s19;
	[sflag:s29] =	ssyncset.done @!p4 $0x0  }
0x160: {  	s28 =	smov.u32 s20;
	s0 =	simm.s32 @p0 $0x2;
	[sflag:s29] =	ssyncadd.s32 @!p4 $0xFFFFC000  }
0x161: {  	s24 =	sadd.s32 $0x2, s24;
	s20 =	sadd.s32 $0x1000, s20;
	_ =	swait.ge @p0 [sflag:s0], $0x4000  }
0x162: {  	p6 =	sne.s32 s24, $0xE;
	s22 =	smov.u32 s31;
	s25 =	sld [smem:$0x7FA]  }
0x163: {  	p3 =	sgt.u32 s21, $0xC;
	s21 =	sadd.s32 $0x1, s22;
	[sflag:s0] =	ssyncset.done @p0 $0x0  }
0x164: {  	s19 =	sadd.s32 $0x100, s19;
	[sflag:s0] =	ssyncadd.s32 @p0 $0xFFFFC000;
	s0 =	simm.s32 @p5 $0x2  }
0x165: {  	p0 =	por !p2, !p2;
	_ =	swait.ge @p5 [sflag:s0], $0x2800;
	p4 =	seq.s32 s25, $0x1  }
0x166: {  	p2 =	sgt.u32 @!p3 s23, $0x186;
	[sflag:s0] =	ssyncset.done @p5 $0x0;
	p1 =	por p4, p1  }
0x167: {  	p2 =	por p2, p3;
	[sflag:s0] =	ssyncadd.s32 @p5 $0xFFFFD800;
	s0 =	simm.s32 @!p1 $0x0  }
0x168: {  	[tilespmem:s0], [sflag:$0x1] =	stream.linear.gather @!p1 [hbm4b:s28+s0], $0x4000, $0x38;
	[tilespmem:$0xB508] =	vst v63  }
.Ltmp1:
0x169: {  	p3 =	seq.s32 s22, $0xC;
	s25 =	simm.s32 @p0 $0x0;
	(pc) =	sbr.rel @p6 .LBB2_4-.Ltmp1, $4  }
0x16a: {  	s26 =	sadd.s32 @!p2 $0x80, s26;
	s29 =	simm.s32 @!p2 $0x3;
	s31 =	simm.s32 @!p2 $0x4000  }
0x16b: {  	[tilespmem:s25], [sflag:$0x1] =	stream.linear.gather @p0 [hbm4b:s12+s25], $0x2800, $0x38;
	[tilespmem:$0xB508] =	vst v63  }
0x16c: {  	p4 =	slt.u32 s21, $0xD;
	s28 =	simm.s32 @!p2 $0x80;
	s25 =	sadd.s32 s22, s16  }
0x16d: {  	s30 =	sadd.s32 $0xFFFFFE7A, s25;
	p5 =	sgt.u32 s25, $0x185;
	s23 =	sadd.s32 $0x1, s25  }
0x16e: {  	[spmem:s1] =	stream.indirect.scatter.add.f32 @!p2 [tilespmem:s31], [sflag:$0x3], $0x80, s26, s28, $0xb8;
	[tilespmem:$0xB508] =	vst v63  }
0x16f: {  	p0 =	sne.s32 @p5 s30, $0x0;
	_ =	swait.ge @!p2 [sflag:s29], $0x4000  }
0x170: {  	p0 =	por p0, !p5;
	[sflag:s29] =	ssyncset.done @!p2 $0x0  }
0x171: {  	s0 =	simm.s32 @!p0 $0x1;
	[sflag:s29] =	ssyncadd.s32 @!p2 $0xFFFFC000  }
0x172: {  	_ =	swait.ge @!p0 [sflag:s0], $0x2800  }
0x173: {  	p1 =	slt.u32 s23, $0x186;
	s24 =	simm.s32 @!p5 $0x1;
	[sflag:s0] =	ssyncset.done @!p0 $0x0  }
0x174: {  	p1 =	por !p4, !p1;
	p2 =	seq.s32 s25, $0x185;
	[sflag:s0] =	ssyncadd.s32 @!p0 $0xFFFFD800  }
0x175: {  	p0 =	por !p1, !p1;
	p1 =	por !p4, !p2;
	_ =	swait.ge @!p5 [sflag:s24], $0x4000  }
0x176: {  	s0 =	sadd.s32 @p0 $0xFFFFF800, s20;
	s26 =	simm.s32 @p0 $0x0;
	[sflag:s24] =	ssyncset.done @!p5 $0x0  }
0x177: {  	p1 =	por !p1, !p1;
	[sflag:s24] =	ssyncadd.s32 @!p5 $0xFFFFC000;
	s24 =	simm.s32 @p0 $0x4000  }
0x178: {  	[tilespmem:s24], [sflag:$0x2] =	stream.linear.gather @p0 [hbm4b:s0+s26], $0x4000, $0x38;
	[tilespmem:$0xB508] =	vst v63  }
0x179: {  	p2 =	sgt.u32 s25, $0x186;
	s0 =	simm.s32 @p1 $0x0;
	s24 =	simm.s32 @p1 $0x4000  }
0x17a: {  	[tilespmem:s24], [sflag:$0x2] =	stream.linear.gather @p1 [hbm4b:s12+s0], $0x2800, $0x38;
	[tilespmem:$0xB508] =	vst v63  }
0x17b: {  	s26 =	simm.s32 @!p2 $0x4;
	s0 =	simm.s32 @!p2 $0x80;
	s24 =	simm.s32 @!p2 $0x0  }
0x17c: {  	[spmem:s1] =	stream.indirect.scatter.add.f32 @!p2 [tilespmem:s24], [sflag:$0x4], $0x80, s19, s0, $0xb8;
	[tilespmem:$0xB508] =	vst v63  }
0x17d: {  	_ =	swait.ge @!p2 [sflag:s26], $0x4000  }
0x17e: {  	[sflag:s26] =	ssyncset.done @!p2 $0x0  }
0x17f: {  	s0 =	simm.s32 @p0 $0x2;
	[sflag:s26] =	ssyncadd.s32 @!p2 $0xFFFFC000  }
0x180: {  	_ =	swait.ge @p0 [sflag:s0], $0x4000  }
0x181: {  	p6 =	seq.s32 s25, $0x184;
	p4 =	sne.s32 s22, $0xC;
	[sflag:s0] =	ssyncset.done @p0 $0x0  }
0x182: {  	s24 =	sadd.s32 $0x2, s25;
	[sflag:s0] =	ssyncadd.s32 @p0 $0xFFFFC000;
	s0 =	simm.s32 @p1 $0x2  }
0x183: {  	p5 =	por p3, p3;
	p2 =	sgt.u32 @!p3 s24, $0x185;
	_ =	swait.ge @p1 [sflag:s0], $0x2800  }
0x184: {  	p2 =	por p2, p5;
	p0 =	por !p4, !p6;
	[sflag:s0] =	ssyncset.done @p1 $0x0  }
0x185: {  	[sflag:s0] =	ssyncadd.s32 @p1 $0xFFFFD800;
	p1 =	sgt.u32 s21, $0xC;
	s0 =	simm.s32 @!p2 $0x0  }
0x186: {  	[tilespmem:s0], [sflag:$0x1] =	stream.linear.gather @!p2 [hbm4b:s20+s0], $0x4000, $0x38;
	[tilespmem:$0xB508] =	vst v63  }
0x187: {  	p0 =	por !p0, !p0;
	p2 =	sgt.u32 @!p1 s23, $0x186  }
0x188: {  	s0 =	simm.s32 @p0 $0x0;
	p1 =	por p2, p1  }
0x189: {  	[tilespmem:s0], [sflag:$0x1] =	stream.linear.gather @p0 [hbm4b:s12+s0], $0x2800, $0x38;
	[tilespmem:$0xB508] =	vst v63  }
0x18a: {  	s0 =	sadd.s32 @!p1 $0x80, s19  }
0x18b: {  	s19 =	simm.s32 @!p1 $0x80;
	s20 =	simm.s32 @!p1 $0x3;
	s21 =	simm.s32 @!p1 $0x4000  }
0x18c: {  	[spmem:s1] =	stream.indirect.scatter.add.f32 @!p1 [tilespmem:s21], [sflag:$0x3], $0x80, s0, s19, $0xb8;
	[tilespmem:$0xB508] =	vst v63  }
0x18d: {  	_ =	swait.ge @!p1 [sflag:s20], $0x4000  }
0x18e: {  	[sflag:s20] =	ssyncset.done @!p1 $0x0  }
0x18f: {  	s2 =	sadd.s32 $0x1, s2;
	[sflag:s20] =	ssyncadd.s32 @!p1 $0xFFFFC000  }
0x190: {  	p0 =	sne.s32 s2, s14;
	[bflag:$0x0] =	sbarrier.arrive $0xFFFF  }
0x191: {  	[hbm:s13], [sflag:s5] =	dma.local [spmem:s17], $0x400  }
.Ltmp2:
0x192: {  	_ =	swait.ge [sflag:s18], $0x400;
	(pc) =	sbr.rel @p0 .LBB2_1-.Ltmp2, $3  }
0x193: {  	s31 =	sld [smem:$0x7FD];
	_ =	sdelay $0x1  }
0x194: {  	[sflag:s18] =	ssyncset.done $0x0  }
0x195: {  	[sflag:s18] =	ssyncadd.s32 $0xFFFFFC00;
	p2 =	seq.s32 s31, $0x1  }
0x196: {  	_ =	sfence.sel $0x180000  }
0x197: {  	[bflag:$0x0] =	sbarrier.arrive $0xFFFF  }
0x198: {  	_ =	strace $0x9000004A  }
0x199: {  	[bflag:$0x2] =	sbarrier.arrive $0xFFFF  }
0x19a: {  	p0 =	sne.s32 s3, $0x0;
	s0 =	rddreg [dreg:$0x2]  }
0x19b: {  	s0 =	sadd.s32 @!p0 $0x100000, s0  }
0x19c: {  	[sflag:s0] =	ssyncadd.tile.s32 @!p0 $0x1;
	_ =	shalt  }
.Lfunc_end2:
_tile_overlayer_lowered:
.L_overlay_start_2:
0x19d: {  	(tag) =	ssettag $0x2  }
0x19e: {  	s0 =	rddreg [dreg:$0x0];
	s2 =	stileid.u32  }
0x19f: {  	s1 =	rddreg [dreg:$0x1];
	p0 =	sne.s32 s2, $0x0  }
0x1a0: {  	s3 =	rddreg [dreg:$0x2];
	[bflag:$0x3] =	sbarrier.arrive $0xFFFF;
	s2 =	simm.s32 @!p0 $0x1C03  }
0x1a1: {  	[timem:s3], [sflag:s2] =	dma.local @!p0 [hbm:s0], s1  }
0x1a2: {  	s0 =	simm.s32 @!p0 $0x3  }
0x1a3: {  	_ =	swait.ge @!p0 [sflag:s0], s1  }
0x1a4: {  	s1 =	ssub.s32 @!p0 $0x0, s1;
	[sflag:s0] =	ssyncset.done @!p0 $0x0  }
0x1a5: {  	[sflag:s0] =	ssyncadd.s32 @!p0 s1  }
0x1a6: {  	[bflag:$0x3] =	sbarrier.arrive $0xFFFF  }
0x1a7: {  	_ =	shalt  }

// kernel: kernel.13.cloned.1.call-start
scs
__scs_entry_jumppad:
0x0: {  	(pc) =	sbr.rel $0x88, $3  }
0x1: {  	(tag) =	ssettag $0x0;
	lr =	simm.s32 $0x1  }
0x2: {  	[smem:$0x3F9A] =	sst lr;
	_ =	strace $0xD0000000  }
0x3: {  	_ = 	snop  }
0x4: {  	_ = 	snop  }
0x5: {  	_ = 	snop  }
0x6: {  	_ = 	snop  }
0x7: {  	_ = 	snop  }
__scs_overlays_trampoline_lowered:
0x8: {  	[smem:$0x3FA9] =	sst s0  }
0x9: {  	[smem:$0x3FAA] =	sst s1  }
0xa: {  	[smem:$0x3FAB] =	sst s2  }
0xb: {  	[smem:$0x3FAC] =	sst s3  }
0xc: {  	[smem:$0x3FAD] =	sst s4  }
0xd: {  	[smem:$0x3FAE] =	sst s5  }
0xe: {  	[smem:$0x3FAF] =	sst s6  }
0xf: {  	[smem:$0x3FB0] =	sst s7  }
0x10: {  	[smem:$0x3FB1] =	sst s8  }
0x11: {  	[smem:$0x3FB2] =	sst s9;
	s0 =	simm.s32 @!p0 $0x0  }
0x12: {  	s1 =	sld [smem:$0x3F98];
	s0 =	simm.s32 @p0 $0x1  }
0x13: {  	[smem:$0x3FB3] =	sst s0;
	s0 =	simm.s32 @!p1 $0x0  }
0x14: {  	s2 =	sld [smem:$0x3F97];
	s0 =	simm.s32 @p1 $0x1  }
0x15: {  	[smem:$0x3FB4] =	sst s0;
	s0 =	simm.s32 @!p2 $0x0  }
0x16: {  	s3 =	sld [smem:$0x3FDB];
	s0 =	simm.s32 @p2 $0x1  }
0x17: {  	s4 =	simm.s32 $0x1BF5;
	[smem:$0x3FB6] =	sst s0  }
0x18: {  	s0 =	sld [smem:$0x3F99];
	_ =	swait.ge [sflag:s4], $0x0  }
0x19: {  	s7 =	sld [smem:$0x3F9A]  }
0x1a: {  	s8 =	sadd.s32 $0xFFFFE003, lr  }
0x1b: {  	s9 =	sadd.s32 $0xFFFFFEF7, lr;
	s5 =	simm.s32 $0xFFFFFFFF;
	p2 =	slt.u32 s8, $0xFFFFF086  }
0x1c: {  	p1 =	slt.u32 s9, $0xF7A;
	s5 =	simm.s32 @!p2 $0x0  }
0x1d: {  	s5 =	simm.s32 @p1 $0x1;
	p0 =	seq.s32 s7, s2  }
0x1e: {  	s7 =	smul.u32 @!p0 $0xF7A, s2;
	p2 =	seq.s32 @!p0 s5, $0x0  }
0x1f: {  	s9 =	smul.u32 $0xF7A, s1;
	s8 =	simm.s32 @!p0 $0x1BF5;
	p2 =	por !p2, p0  }
0x20: {  	[sflag:s8] =	ssyncset.s32 @!p0 $0xFFFFF086;
	s6 =	sadd.s32 @!p0 s3, s7;
	s7 =	simm.s32 @!p0 $0x108  }
0x21: {  	s3 =	sadd.s32 s3, s9;
	s6 =	sadd.s32 @!p0 $0x88, s6;
	s7 =	simm.s32 @p2 $0x1082  }
0x22: {  	[simem:s7], [sflag:s8] =	dma.local @!p0 [hbm:s6], $0xF7A  }
0x23: {  	s9 =	sor.u32 $0xD0000000, s2;
	s6 =	simm.s32 $0x108;
	_ =	swait.ge @!p0 [sflag:s8], $0x0  }
0x24: {  	s3 =	sadd.s32 $0x88, s3;
	s6 =	simm.s32 @!p1 $0x1082;
	[sflag:s4] =	ssyncset.s32 $0xFFFFF086  }
0x25: {  	[simem:s6], [sflag:s4] =	dma.local [hbm:s3], $0xF7A  }
0x26: {  	[smem:$0x3F9A] =	sst s1;
	(tag) =	ssettag s2;
	_ =	strace s9  }
0x27: {  	s1 =	sld [smem:$0x3FAA]  }
0x28: {  	s2 =	sld [smem:$0x3FAB]  }
0x29: {  	s4 =	sld [smem:$0x3FAD]  }
0x2a: {  	p0 =	seq.s32 s5, $0x0;
	s5 =	sld [smem:$0x3FAE]  }
0x2b: {  	s6 =	sld [smem:$0x3FAF]  }
0x2c: {  	s7 =	sld [smem:$0x3FB0]  }
0x2d: {  	s3 =	simm.s32 $0x108;
	s8 =	sld [smem:$0x3FB1]  }
0x2e: {  	s3 =	simm.s32 @!p0 $0x1082;
	s9 =	sld [smem:$0x3FB2]  }
0x2f: {  	lr =	sadd.s32 s0, s3;
	s0 =	sld [smem:$0x3FA9]  }
0x30: {  	s3 =	sld [smem:$0x3FAC]  }
0x31: {  	[smem:$0x3FB5] =	sst s10  }
0x32: {  	s10 =	sld [smem:$0x3FB3];
	_ =	sdelay $0x3  }
0x33: {  	p0 =	seq.s32 s10, $0x1;
	s10 =	sld [smem:$0x3FB5];
	_ =	sdelay $0x3  }
0x34: {  	[smem:$0x3FB5] =	sst s10  }
0x35: {  	s10 =	sld [smem:$0x3FB4];
	_ =	sdelay $0x3  }
0x36: {  	p1 =	seq.s32 s10, $0x1;
	s10 =	sld [smem:$0x3FB5];
	_ =	sdelay $0x3  }
0x37: {  	[smem:$0x3FB5] =	sst s10  }
0x38: {  	s10 =	sld [smem:$0x3FB6]  }
0x39: {  	_ = 	snop;
	(pc) =	sbr.ind lr, $3  }
0x3a: {  	_ = 	snop  }
0x3b: {  	_ = 	snop  }
0x3c: {  	p2 =	seq.s32 s10, $0x1;
	s10 =	sld [smem:$0x3FB5]  }
0x3d: {  	_ =	shalt  }
0x3e: {  	_ =	shalt  }
0x3f: {  	_ =	shalt  }
0x40: {  	_ =	shalt  }
0x41: {  	_ =	shalt  }
0x42: {  	_ =	shalt  }
0x43: {  	_ =	shalt  }
0x44: {  	_ =	shalt  }
0x45: {  	_ =	shalt  }
0x46: {  	_ =	shalt  }
0x47: {  	_ =	shalt  }
0x48: {  	_ =	shalt  }
0x49: {  	_ =	shalt  }
0x4a: {  	_ =	shalt  }
0x4b: {  	_ =	shalt  }
0x4c: {  	_ =	shalt  }
0x4d: {  	_ =	shalt  }
0x4e: {  	_ =	shalt  }
0x4f: {  	_ =	shalt  }
0x50: {  	_ =	shalt  }
0x51: {  	_ =	shalt  }
0x52: {  	_ =	shalt  }
0x53: {  	_ =	shalt  }
0x54: {  	_ =	shalt  }
0x55: {  	_ =	shalt  }
0x56: {  	_ =	shalt  }
0x57: {  	_ =	shalt  }
0x58: {  	_ =	shalt  }
0x59: {  	_ =	shalt  }
0x5a: {  	_ =	shalt  }
0x5b: {  	_ =	shalt  }
0x5c: {  	_ =	shalt  }
0x5d: {  	_ =	shalt  }
0x5e: {  	_ =	shalt  }
0x5f: {  	_ =	shalt  }
0x60: {  	_ =	shalt  }
0x61: {  	_ =	shalt  }
0x62: {  	_ =	shalt  }
0x63: {  	_ =	shalt  }
0x64: {  	_ =	shalt  }
0x65: {  	_ =	shalt  }
0x66: {  	_ =	shalt  }
0x67: {  	_ =	shalt  }
0x68: {  	_ =	shalt  }
0x69: {  	_ =	shalt  }
0x6a: {  	_ =	shalt  }
0x6b: {  	_ =	shalt  }
0x6c: {  	_ =	shalt  }
0x6d: {  	_ =	shalt  }
0x6e: {  	_ =	shalt  }
0x6f: {  	_ =	shalt  }
0x70: {  	_ =	shalt  }
0x71: {  	_ =	shalt  }
0x72: {  	_ =	shalt  }
0x73: {  	_ =	shalt  }
0x74: {  	_ =	shalt  }
0x75: {  	_ =	shalt  }
0x76: {  	_ =	shalt  }
0x77: {  	_ =	shalt  }
0x78: {  	_ =	shalt  }
0x79: {  	_ =	shalt  }
0x7a: {  	_ =	shalt  }
0x7b: {  	_ =	shalt  }
0x7c: {  	_ =	shalt  }
0x7d: {  	_ =	shalt  }
0x7e: {  	_ =	shalt  }
0x7f: {  	_ =	shalt  }
0x80: {  	_ =	shalt  }
0x81: {  	_ =	shalt  }
0x82: {  	_ =	shalt  }
0x83: {  	_ =	shalt  }
0x84: {  	_ =	shalt  }
0x85: {  	_ =	shalt  }
0x86: {  	_ =	shalt  }
0x87: {  	_ =	shalt  }
.Lfunc_end0:
.L_simem_size_0:
called_computation.2_lowered:
.L_overlay_start_0:
0x88: {  	s2 =	sld [smem:$0x3FD9]  }
0x89: {  	s3 =	sld [smem:$0x3FFE];
	_ =	sdelay $0x1  }
0x8a: {  	s1 =	srdreg.scid  }
0x8b: {  	s0 =	sand.u32 $0x1, s1  }
0x8c: {  	s14 =	sshll.u32 s0, $0xA;
	s2 =	sadd.s32 s3, s2  }
0x8d: {  	s2 =	sadd.s32 s2, s14  }
0x8e: {  	[smem:$0x3FC1] =	sst s2  }
0x8f: {  	_ = 	snop  }
0x90: {  	s2 =	sld [smem:$0x3FD0];
	_ =	sdelay $0x2  }
0x91: {  	s15 =	simm.s32 $0xB;
	s4 =	simm.s32 $0x10  }
0x92: {  	[smem:s4], [sflag:s15] =	dma.local [hbm:s2], $0x1  }
0x93: {  	_ =	swait.eq [sflag:s15], $0x1  }
0x94: {  	[sflag:s15] =	ssyncset.done $0x0  }
0x95: {  	[sflag:s15] =	ssyncadd.s32 $0xFFFFFFFF  }
0x96: {  	s16 =	sld [smem:$0x10];
	(tm) =	ssettm $0x1  }
0x97: {  	s17 =	sld [smem:$0x3FFB];
	_ =	sdelay $0x3  }
0x98: {  	_ =	strace s17  }
0x99: {  	s3 =	sld [smem:$0x3FFC];
	_ =	sdelay $0x3  }
0x9a: {  	_ =	strace s3  }
0x9b: {  	s3 =	sld [smem:$0x3FFD];
	_ =	sdelay $0x3  }
0x9c: {  	_ =	strace s3  }
0x9d: {  	_ =	strace $0x8FFFFFFF  }
0x9e: {  	s18 =	sld [smem:$0x3FDB];
	_ =	sdelay $0x1  }
0x9f: {  	s19 =	simm.s32 $_scs_section_size  }
0xa0: {  	s5 =	simm.s32 $_size__tile_overlayer_lowered;
	s6 =	simm.s32 $_tile_overlayer_lowered  }
0xa1: {  	s22 =	simm.s32 $0x1BFF;
	s21 =	sshll.u32 s6, $0x1;
	s3 =	sadd.s32 s19, s18  }
0xa2: {  	s7 =	simm.s32 $0x0;
	s20 =	sshll.u32 s5, $0x1;
	s5 =	sadd.s32 s21, s3  }
0xa3: {  	[timem:s7], [sflag:s22] =	dma.local [hbm:s5], s20  }
0xa4: {  	_ =	swait.ge [sflag:s22], s20  }
0xa5: {  	s4 =	ssub.s32 $0x0, s20;
	[sflag:s22] =	ssyncset.done $0x0  }
0xa6: {  	[sflag:s22] =	ssyncadd.s32 s4;
	_ =	sdelay $0x1  }
0xa7: {  	s23 =	simm.s32 $0x1B8B  }
0xa8: {  	_ =	swait.ge [sflag:s23], $0x1  }
0xa9: {  	[sflag:s23] =	ssyncset.done $0x0  }
0xaa: {  	s25 =	simm.s32 $0x1B8E;
	s24 =	sld [smem:$0x3FFE];
	[sflag:s23] =	ssyncadd.s32 $0xFFFFFFFF  }
0xab: {  	s26 =	simm.s32 $execute0_lowered;
	[smem:$0x3FD2] =	sst s25  }
0xac: {  	s5 =	sshll.u32 s26, $0x1;
	_ =	strace $0x8000004C;
	[dreg:$0x1] =	wrdreg $0xFFFFFFFF  }
0xad: {  	s28 =	simm.s32 $_size_execute0_lowered;
	s3 =	sadd.s32 s3, s5;
	[dreg:$0x0] =	wrdreg $0x0  }
0xae: {  	s5 =	sshll.u32 s28, $0x1;
	[dreg:$0x2] =	wrdreg s3  }
0xaf: {  	[dreg:$0x3] =	wrdreg s5  }
0xb0: {  	[dreg:$0x4] =	wrdreg $0xC0  }
0xb1: {  	_ =	task [dreg:s7], $0x5FFFF  }
0xb2: {  	[dreg:$0x1] =	wrdreg $0xFFFFFFFF  }
0xb3: {  	[dreg:$0x0] =	wrdreg $0x60  }
0xb4: {  	[dreg:$0x2] =	wrdreg s24  }
0xb5: {  	[dreg:$0x3] =	wrdreg s16  }
0xb6: {  	[dreg:$0x4] =	wrdreg $0x169000  }
0xb7: {  	[dreg:$0x5] =	wrdreg $0x9  }
0xb8: {  	_ =	task.clear_ibuf [dreg:s7], $0x6FFFF;
	_ =	strace $0x9000004C  }
0xb9: {  	s29 =	simm.s32 $0x9;
	_ =	strace $0x8000004E  }
0xba: {  	_ =	swait.ge [sflag:s29], $0x1  }
0xbb: {  	[sflag:s29] =	ssyncadd.s32 $0xFFFFFFFF  }
0xbc: {  	_ =	strace $0x9000004E  }
0xbd: {  	_ =	sfence  }
0xbe: {  	s30 =	sld [smem:$0x0];
	_ =	sdelay $0x2  }
0xbf: {  	s31 =	sshll.u32 s1, $0xD;
	s1 =	sshrl.u32 s1, $0x2  }
0xc0: {  	s3 =	sand.u32 $0x4000, s31;
	s1 =	sadd.s32 s1, s30  }
0xc1: {  	s0 =	sor.u32 s3, s0;
	s1 =	sshll.u32 s1, $0x11  }
0xc2: {  	s0 =	sor.u32 s1, s0  }
0xc3: {  	s0 =	sadd.s32 $0x8F2B, s0  }
0xc4: {  	[sflag:s0] =	ssyncadd.remote.s32 $0x1  }
0xc5: {  	_ =	sfence.sel $0xFFFF  }
0xc6: {  	[dreg:$0x0] =	wrdreg $0xFFFFFFFF;
	(pc) =	sbr.abs _section_cstart, $3  }
0xc7: {  	[dreg:$0x1] =	wrdreg $0xFFFFFFFF  }
0xc8: {  	_ =	task.clear_ibuf [dreg:s7], $0x2FFFF;
	_ =	strace $0x9FFFFFFF  }
0xc9: {  	(tm) =	ssettm $0x7FFFFFFF  }
tec
execute0_lowered:
.L_overlay_start_1:
0x0: {  	(tag) =	ssettag $0x1  }
0x1: {  	s0 =	rddreg [dreg:$0x0]  }
0x2: {  	s3 =	rddreg [dreg:$0x1]  }
0x3: {  	s1 =	rddreg [dreg:$0x2];
	s2 =	simm.s32 $0x0  }
0x4: {  	s4 =	srdreg.scid;
	s23 =	stileid.u32;
	s29 =	simm.s32 $0x0  }
0x5: {  	[smem:$0x7FF] =	sst s2;
	s5 =	sadd.s32 $0x6800, s0;
	s16 =	smul.u32 $0xC80, s23  }
0x6: {  	s7 =	sadd.s32 $0xD1E00, s0;
	s24 =	sshll.u32 s23, $0xA;
	s18 =	smul.u32 $0xC800, s23  }
0x7: {  	s30 =	sshll.u32 s23, $0xD;
	s12 =	sadd.s32 $0x3070, s0;
	s31 =	smul.u32 $0x19, s23  }
0x8: {  	s11 =	sand.u32 $0x1, s4;
	s13 =	sadd.s32 $0x186800, s3;
	_ =	strace $0x8000004D  }
0x9: {  	s4 =	ssub.s32 $0x2, s11;
	s6 =	sshll.u32 s11, $0x4;
	s15 =	smul.u32 $0xC800, s11  }
0xa: {  	s26 =	sadd.s32 s5, s24;
	s9 =	sor.u32 $0x4000, s24;
	s17 =	smul.u32 $0xC8000, s11  }
0xb: {  	s19 =	smul.u32 $0x190, s11;
	s11 =	sadd.s32 $0x6270, s0;
	s8 =	sshrl.u32 s4, $0x1  }
0xc: {  	s20 =	sor.u32 s23, s6;
	[dreg:$0x5] =	wrdreg s26;
	s28 =	sadd.s32 s5, s9  }
0xd: {  	s6 =	sadd.s32 s7, s24;
	s7 =	sadd.s32 s7, s9;
	s9 =	sadd.s32 s30, s1  }
0xe: {  	s14 =	ssub.s32 s4, s8;
	s25 =	smul.u32 $0xC80, s20;
	[dreg:$0x6] =	wrdreg s28  }
0xf: {  	s3 =	sadd.s32 s17, s3;
	s15 =	sadd.s32 s16, s15;
	s17 =	simm.s32 $0x12900  }
0x10: {  	p0 =	seq.s32 s20, $0x1F;
	s20 =	simm.s32 $0x80;
	s8 =	sshrl.u32 s25, $0x3  }
0x11: {  	s14 =	smax.u32 s14, $0x1;
	s8 =	sadd.s32 s0, s8;
	s0 =	sadd.s32 s31, s19  }
0x12: {  	s3 =	sadd.s32 s18, s3;
	[dreg:$0x4] =	wrdreg s0;
	s0 =	simm.s32 @!p0 $0x0  }
0x13: {  	s18 =	simm.s32 $0x9;
	s16 =	sadd.s32 $0x1800, s3;
	s0 =	simm.s32 @p0 $0x1  }
0x14: {  	s19 =	simm.s32 $0x14900;
	s10 =	sadd.s32 $0x3200, s8;
	[smem:$0x7FD] =	sst s0  }
.LBB2_1:
0x15: {  	s0 =	simm.s32 $0x0;
	s2 =	rddreg [dreg:$0x5]  }
0x16: {  	[tilespmem:s17], [sflag:$0x9] =	stream.linear.gather [hbm4b:s2+s0], $0x2000, $0x38;
	[tilespmem:$0x18908] =	vst v63  }
0x17: {  	_ =	swait.ge [sflag:s18], $0x2000  }
0x18: {  	[sflag:s18] =	ssyncset.done $0x0  }
0x19: {  	s31 =	rddreg [dreg:$0x6];
	[sflag:s18] =	ssyncadd.s32 $0xFFFFE000  }
0x1a: {  	[tilespmem:s19], [sflag:$0x9] =	stream.linear.gather [hbm4b:s31+s0], $0x2000, $0x38;
	[tilespmem:$0x18908] =	vst v63  }
0x1b: {  	_ =	swait.ge [sflag:s18], $0x2000  }
0x1c: {  	[sflag:s18] =	ssyncset.done $0x0  }
0x1d: {  	s0 =	simm.s32 $0x0;
	[sflag:s18] =	ssyncadd.s32 $0xFFFFE000  }
0x1e: {  	v7 =	vld [tilespmem:s0+$0x14900]  }
0x1f: {  	v11 =	vld [tilespmem:s0+$0x14910]  }
0x20: {  	v5 =	vld [tilespmem:s0+$0x14920]  }
0x21: {  	v4 =	vld [tilespmem:s0+$0x14930]  }
0x22: {  	v3 =	vld [tilespmem:s0+$0x14940]  }
0x23: {  	v2 =	vld [tilespmem:s0+$0x14950]  }
0x24: {  	v1 =	vld [tilespmem:s0+$0x14960]  }
0x25: {  	v0 =	vld [tilespmem:s0+$0x14970]  }
0x26: {  	v12 =	vld [tilespmem:s0+$0x12900]  }
0x27: {  	v13 =	vld [tilespmem:s0+$0x12910]  }
0x28: {  	v10 =	vld [tilespmem:s0+$0x12920]  }
0x29: {  	v9 =	vld [tilespmem:s0+$0x12930]  }
0x2a: {  	v8 =	vld [tilespmem:s0+$0x12940]  }
0x2b: {  	v6 =	vld [tilespmem:s0+$0x12950];
	v12 =	vadd.f32 v7, v12  }
0x2c: {  	s3 =	simm.s32 $0x200;
	v11 =	vadd.f32 v11, v13;
	v7 =	vld [tilespmem:s0+$0x12960]  }
.LBB2_2:
0x2d: {  	s21 =	sshra.s32 s3, $0x2;
	p0 =	sne.s32 s3, $0x7E00;
	[tilespmem:s0+$0x12900] =	vst v12;
	v5 =	vadd.f32 v5, v10;
	v10 =	vld [tilespmem:s0+$0x12970]  }
0x2e: {  	v12 =	vld [tilespmem:s21+$0x14900];
	[tilespmem:s0+$0x12910] =	vst v11;
	v4 =	vadd.f32 v4, v9  }
0x2f: {  	v11 =	vld [tilespmem:s21+$0x14910];
	[tilespmem:s0+$0x12920] =	vst v5;
	v3 =	vadd.f32 v3, v8  }
0x30: {  	v5 =	vld [tilespmem:s21+$0x14920];
	[tilespmem:s0+$0x12930] =	vst v4;
	v2 =	vadd.f32 v2, v6  }
0x31: {  	v4 =	vld [tilespmem:s21+$0x14930];
	[tilespmem:s0+$0x12940] =	vst v3;
	v1 =	vadd.f32 v1, v7  }
0x32: {  	v3 =	vld [tilespmem:s21+$0x14940];
	[tilespmem:s0+$0x12950] =	vst v2;
	v0 =	vadd.f32 v0, v10  }
0x33: {  	v2 =	vld [tilespmem:s21+$0x14950];
	[tilespmem:s0+$0x12960] =	vst v1  }
0x34: {  	v1 =	vld [tilespmem:s21+$0x14960];
	[tilespmem:s0+$0x12970] =	vst v0;
	s0 =	smov.u32 s21  }
0x35: {  	v0 =	vld [tilespmem:s0+$0x14970]  }
0x36: {  	v6 =	vld [tilespmem:s0+$0x12900]  }
0x37: {  	v7 =	vld [tilespmem:s0+$0x12910]  }
.Ltmp0:
0x38: {  	v10 =	vld [tilespmem:s0+$0x12920];
	(pc) =	sbr.rel @p0 .LBB2_2-.Ltmp0, $4  }
0x39: {  	v9 =	vld [tilespmem:s0+$0x12930]  }
0x3a: {  	v8 =	vld [tilespmem:s0+$0x12940]  }
0x3b: {  	v12 =	vadd.f32 v12, v6;
	v6 =	vld [tilespmem:s0+$0x12950]  }
0x3c: {  	s3 =	sadd.s32 $0x200, s3;
	v11 =	vadd.f32 v11, v7;
	v7 =	vld [tilespmem:s0+$0x12960]  }
0x3d: {  	[tilespmem:s0+$0x12900] =	vst v12;
	v5 =	vadd.f32 v5, v10;
	v10 =	vld [tilespmem:s0+$0x12970]  }
0x3e: {  	[tilespmem:s0+$0x12910] =	vst v11;
	v4 =	vadd.f32 v4, v9  }
0x3f: {  	[tilespmem:s0+$0x12920] =	vst v5;
	v3 =	vadd.f32 v3, v8  }
0x40: {  	[tilespmem:s0+$0x12930] =	vst v4;
	v2 =	vadd.f32 v2, v6  }
0x41: {  	[tilespmem:s0+$0x12940] =	vst v3;
	v1 =	vadd.f32 v1, v7  }
0x42: {  	[tilespmem:s0+$0x12950] =	vst v2;
	v0 =	vadd.f32 v0, v10  }
0x43: {  	[tilespmem:s0+$0x12960] =	vst v1  }
0x44: {  	s31 =	simm.s32 $0x0;
	[tilespmem:s0+$0x12970] =	vst v0  }
0x45: {  	[tilespmem:s19], [sflag:$0x9] =	stream.linear.gather [hbm4b:s6+s31], $0x2000, $0x38;
	[tilespmem:$0x18908] =	vst v63  }
0x46: {  	_ =	swait.ge [sflag:s18], $0x2000  }
0x47: {  	[sflag:s18] =	ssyncset.done $0x0  }
0x48: {  	s0 =	simm.s32 $0x0;
	[sflag:s18] =	ssyncadd.s32 $0xFFFFE000  }
0x49: {  	v7 =	vld [tilespmem:s0+$0x14900]  }
0x4a: {  	v11 =	vld [tilespmem:s0+$0x14910]  }
0x4b: {  	v5 =	vld [tilespmem:s0+$0x14920]  }
0x4c: {  	v4 =	vld [tilespmem:s0+$0x14930]  }
0x4d: {  	v3 =	vld [tilespmem:s0+$0x14940]  }
0x4e: {  	v2 =	vld [tilespmem:s0+$0x14950]  }
0x4f: {  	v1 =	vld [tilespmem:s0+$0x14960]  }
0x50: {  	v0 =	vld [tilespmem:s0+$0x14970]  }
0x51: {  	v12 =	vld [tilespmem:s0+$0x12900]  }
0x52: {  	v13 =	vld [tilespmem:s0+$0x12910]  }
0x53: {  	v10 =	vld [tilespmem:s0+$0x12920]  }
0x54: {  	v9 =	vld [tilespmem:s0+$0x12930]  }
0x55: {  	v8 =	vld [tilespmem:s0+$0x12940]  }
0x56: {  	v6 =	vld [tilespmem:s0+$0x12950];
	v12 =	vadd.f32 v7, v12  }
0x57: {  	s3 =	simm.s32 $0x200;
	v11 =	vadd.f32 v11, v13;
	v7 =	vld [tilespmem:s0+$0x12960]  }
.LBB2_4:
0x58: {  	s21 =	sshra.s32 s3, $0x2;
	p0 =	sne.s32 s3, $0x7E00;
	[tilespmem:s0+$0x12900] =	vst v12;
	v5 =	vadd.f32 v5, v10;
	v10 =	vld [tilespmem:s0+$0x12970]  }
0x59: {  	v12 =	vld [tilespmem:s21+$0x14900];
	[tilespmem:s0+$0x12910] =	vst v11;
	v4 =	vadd.f32 v4, v9  }
0x5a: {  	v11 =	vld [tilespmem:s21+$0x14910];
	[tilespmem:s0+$0x12920] =	vst v5;
	v3 =	vadd.f32 v3, v8  }
0x5b: {  	v5 =	vld [tilespmem:s21+$0x14920];
	[tilespmem:s0+$0x12930] =	vst v4;
	v2 =	vadd.f32 v2, v6  }
0x5c: {  	v4 =	vld [tilespmem:s21+$0x14930];
	[tilespmem:s0+$0x12940] =	vst v3;
	v1 =	vadd.f32 v1, v7  }
0x5d: {  	v3 =	vld [tilespmem:s21+$0x14940];
	[tilespmem:s0+$0x12950] =	vst v2;
	v0 =	vadd.f32 v0, v10  }
0x5e: {  	v2 =	vld [tilespmem:s21+$0x14950];
	[tilespmem:s0+$0x12960] =	vst v1  }
0x5f: {  	v1 =	vld [tilespmem:s21+$0x14960];
	[tilespmem:s0+$0x12970] =	vst v0;
	s0 =	smov.u32 s21  }
0x60: {  	v0 =	vld [tilespmem:s0+$0x14970]  }
0x61: {  	v6 =	vld [tilespmem:s0+$0x12900]  }
0x62: {  	v7 =	vld [tilespmem:s0+$0x12910]  }
.Ltmp1:
0x63: {  	v10 =	vld [tilespmem:s0+$0x12920];
	(pc) =	sbr.rel @p0 .LBB2_4-.Ltmp1, $4  }
0x64: {  	v9 =	vld [tilespmem:s0+$0x12930]  }
0x65: {  	v8 =	vld [tilespmem:s0+$0x12940]  }
0x66: {  	v12 =	vadd.f32 v12, v6;
	v6 =	vld [tilespmem:s0+$0x12950]  }
0x67: {  	s3 =	sadd.s32 $0x200, s3;
	v11 =	vadd.f32 v11, v7;
	v7 =	vld [tilespmem:s0+$0x12960]  }
0x68: {  	[tilespmem:s0+$0x12900] =	vst v12;
	v5 =	vadd.f32 v5, v10;
	v10 =	vld [tilespmem:s0+$0x12970]  }
0x69: {  	[tilespmem:s0+$0x12910] =	vst v11;
	v4 =	vadd.f32 v4, v9  }
0x6a: {  	[tilespmem:s0+$0x12920] =	vst v5;
	v3 =	vadd.f32 v3, v8  }
0x6b: {  	[tilespmem:s0+$0x12930] =	vst v4;
	v2 =	vadd.f32 v2, v6  }
0x6c: {  	[tilespmem:s0+$0x12940] =	vst v3;
	v1 =	vadd.f32 v1, v7  }
0x6d: {  	[tilespmem:s0+$0x12950] =	vst v2;
	v0 =	vadd.f32 v0, v10  }
0x6e: {  	[tilespmem:s0+$0x12960] =	vst v1  }
0x6f: {  	s31 =	simm.s32 $0x0;
	[tilespmem:s0+$0x12970] =	vst v0  }
0x70: {  	[tilespmem:s19], [sflag:$0x9] =	stream.linear.gather [hbm4b:s7+s31], $0x2000, $0x38;
	[tilespmem:$0x18908] =	vst v63  }
0x71: {  	_ =	swait.ge [sflag:s18], $0x2000  }
0x72: {  	[sflag:s18] =	ssyncset.done $0x0  }
0x73: {  	s0 =	simm.s32 $0x0;
	[sflag:s18] =	ssyncadd.s32 $0xFFFFE000  }
0x74: {  	v7 =	vld [tilespmem:s0+$0x14900]  }
0x75: {  	v11 =	vld [tilespmem:s0+$0x14910]  }
0x76: {  	v5 =	vld [tilespmem:s0+$0x14920]  }
0x77: {  	v4 =	vld [tilespmem:s0+$0x14930]  }
0x78: {  	v3 =	vld [tilespmem:s0+$0x14940]  }
0x79: {  	v2 =	vld [tilespmem:s0+$0x14950]  }
0x7a: {  	v1 =	vld [tilespmem:s0+$0x14960]  }
0x7b: {  	v0 =	vld [tilespmem:s0+$0x14970]  }
0x7c: {  	v12 =	vld [tilespmem:s0+$0x12900]  }
0x7d: {  	v13 =	vld [tilespmem:s0+$0x12910]  }
0x7e: {  	v10 =	vld [tilespmem:s0+$0x12920]  }
0x7f: {  	v9 =	vld [tilespmem:s0+$0x12930]  }
0x80: {  	v8 =	vld [tilespmem:s0+$0x12940]  }
0x81: {  	v6 =	vld [tilespmem:s0+$0x12950];
	v12 =	vadd.f32 v7, v12  }
0x82: {  	s3 =	simm.s32 $0x200;
	v11 =	vadd.f32 v11, v13;
	v7 =	vld [tilespmem:s0+$0x12960]  }
.LBB2_6:
0x83: {  	s21 =	sshra.s32 s3, $0x2;
	p0 =	sne.s32 s3, $0x7E00;
	[tilespmem:s0+$0x12900] =	vst v12;
	v5 =	vadd.f32 v5, v10;
	v10 =	vld [tilespmem:s0+$0x12970]  }
0x84: {  	v12 =	vld [tilespmem:s21+$0x14900];
	[tilespmem:s0+$0x12910] =	vst v11;
	v4 =	vadd.f32 v4, v9  }
0x85: {  	v11 =	vld [tilespmem:s21+$0x14910];
	[tilespmem:s0+$0x12920] =	vst v5;
	v3 =	vadd.f32 v3, v8  }
0x86: {  	v5 =	vld [tilespmem:s21+$0x14920];
	[tilespmem:s0+$0x12930] =	vst v4;
	v2 =	vadd.f32 v2, v6  }
0x87: {  	v4 =	vld [tilespmem:s21+$0x14930];
	[tilespmem:s0+$0x12940] =	vst v3;
	v1 =	vadd.f32 v1, v7  }
0x88: {  	v3 =	vld [tilespmem:s21+$0x14940];
	[tilespmem:s0+$0x12950] =	vst v2;
	v0 =	vadd.f32 v0, v10  }
0x89: {  	v2 =	vld [tilespmem:s21+$0x14950];
	[tilespmem:s0+$0x12960] =	vst v1  }
0x8a: {  	v1 =	vld [tilespmem:s21+$0x14960];
	[tilespmem:s0+$0x12970] =	vst v0;
	s0 =	smov.u32 s21  }
0x8b: {  	v0 =	vld [tilespmem:s0+$0x14970]  }
0x8c: {  	v6 =	vld [tilespmem:s0+$0x12900]  }
0x8d: {  	v7 =	vld [tilespmem:s0+$0x12910]  }
.Ltmp2:
0x8e: {  	v10 =	vld [tilespmem:s0+$0x12920];
	(pc) =	sbr.rel @p0 .LBB2_6-.Ltmp2, $4  }
0x8f: {  	v9 =	vld [tilespmem:s0+$0x12930]  }
0x90: {  	v8 =	vld [tilespmem:s0+$0x12940]  }
0x91: {  	v12 =	vadd.f32 v12, v6;
	v6 =	vld [tilespmem:s0+$0x12950]  }
0x92: {  	s3 =	sadd.s32 $0x200, s3;
	v11 =	vadd.f32 v11, v7;
	v7 =	vld [tilespmem:s0+$0x12960]  }
0x93: {  	[tilespmem:s0+$0x12900] =	vst v12;
	v5 =	vadd.f32 v5, v10;
	v63 =	vld [tilespmem:s0+$0x12970]  }
0x94: {  	[tilespmem:s0+$0x12910] =	vst v11;
	v4 =	vadd.f32 v4, v9  }
0x95: {  	[tilespmem:s0+$0x12920] =	vst v5;
	v3 =	vadd.f32 v3, v8  }
0x96: {  	[tilespmem:s0+$0x12930] =	vst v4;
	v2 =	vadd.f32 v2, v6  }
0x97: {  	[tilespmem:s0+$0x12940] =	vst v3;
	v1 =	vadd.f32 v1, v7  }
0x98: {  	[tilespmem:s0+$0x12950] =	vst v2;
	v0 =	vadd.f32 v0, v63  }
0x99: {  	[tilespmem:s0+$0x12960] =	vst v1  }
0x9a: {  	[tilespmem:s0+$0x12970] =	vst v0  }
0x9b: {  	[spmem:s9] =	stream.linear.scatter [tilespmem:s17], [sflag:$0x9], $0x2000, $0x38;
	[tilespmem:$0x18908] =	vst v63  }
0x9c: {  	_ =	swait.ge [sflag:s18], $0x2000  }
0x9d: {  	s4 =	sld [smem:$0x7FD];
	_ =	sdelay $0x2  }
0x9e: {  	[sflag:s18] =	ssyncset.done $0x0;
	p0 =	seq.s32 s4, $0x1  }
0x9f: {  	[sflag:s18] =	ssyncadd.s32 $0xFFFFE000;
	s0 =	simm.s32 @p0 $0x0;
	s3 =	simm.s32 @p0 $0x11000  }
0xa0: {  	[tilespmem:s3], [sflag:$0x9] =	stream.linear.gather @p0 [hbm4b:s11+s0], $0x320, $0x38;
	[tilespmem:$0x18908] =	vst v63  }
0xa1: {  	s3 =	simm.s32 @p0 $0x9  }
0xa2: {  	_ =	swait.ge @p0 [sflag:s3], $0x320  }
0xa3: {  	[sflag:s3] =	ssyncset.done @p0 $0x0  }
0xa4: {  	s21 =	simm.s32 @p0 $0x11C80;
	[sflag:s3] =	ssyncadd.s32 @p0 $0xFFFFFCE0  }
0xa5: {  	[tilespmem:s21], [sflag:$0x9] =	stream.linear.gather @p0 [hbm4b:s12+s0], $0x320, $0x38;
	[tilespmem:$0x18908] =	vst v63  }
0xa6: {  	_ =	swait.ge @p0 [sflag:s3], $0x320  }
0xa7: {  	[sflag:s3] =	ssyncset.done @p0 $0x0  }
0xa8: {  	s0 =	simm.s32 @!p0 $0x0;
	[sflag:s3] =	ssyncadd.s32 @p0 $0xFFFFFCE0;
	s3 =	simm.s32 @!p0 $0x11000  }
0xa9: {  	[tilespmem:s3], [sflag:$0x9] =	stream.linear.gather @!p0 [hbm4b:s10+s0], $0xC80, $0x38;
	[tilespmem:$0x18908] =	vst v63  }
0xaa: {  	s3 =	simm.s32 @!p0 $0x9  }
0xab: {  	_ =	swait.ge @!p0 [sflag:s3], $0xC80  }
0xac: {  	[sflag:s3] =	ssyncset.done @!p0 $0x0  }
0xad: {  	s21 =	simm.s32 @!p0 $0x11C80;
	[sflag:s3] =	ssyncadd.s32 @!p0 $0xFFFFF380  }
0xae: {  	[tilespmem:s21], [sflag:$0x9] =	stream.linear.gather @!p0 [hbm4b:s8+s0], $0xC80, $0x38;
	[tilespmem:$0x18908] =	vst v63  }
0xaf: {  	_ =	swait.ge @!p0 [sflag:s3], $0xC80  }
0xb0: {  	[sflag:s3] =	ssyncset.done @!p0 $0x0  }
0xb1: {  	s30 =	simm.s32 $0x11040;
	[sflag:s3] =	ssyncadd.s32 @!p0 $0xFFFFF380  }
0xb2: {  	s31 =	simm.s32 $0x11CC0;
	v0 =	vld [tilespmem:s30+$0xFFFFFFC0]  }
0xb3: {  	v1 =	vld [tilespmem:s31+$0xFFFFFFC0];
	_ =	sdelay $0x3  }
0xb4: {  	v0 =	vmax.f32 v0, $0.0e+00  }
0xb5: {  	v1 =	vmax.f32 v1, $0.0e+00;
	v0 =	vmin.f32 v0, $1.000000000e+00  }
0xb6: {  	v1 =	vmin.f32 v1, $1.000000000e+00;
	v0 =	vmul.f32 $3.200000000e+01, v0  }
0xb7: {  	v1 =	vmul.f32 $3.200000000e+01, v1  }
0xb8: {  	v0 =	vtrunc.f32 v0  }
0xb9: {  	v1 =	vtrunc.f32 v1;
	v0 =	vcvt.f32.s32 v0  }
0xba: {  	v1 =	vcvt.f32.s32 v1  }
0xbb: {  	vm0 =	vgt.s32 v0, $0x0  }
0xbc: {  	vm13 =	vgt.s32 v1, $0x0;
	v0 =	vnsel vm0, $0x0, v0  }
0xbd: {  	v1 =	vnsel vm13, $0x0, v1;
	v0 =	vmin.u32 v0, $0x1F  }
0xbe: {  	s5 =	sadd.s32 $0x0, s15;
	v1 =	vmin.u32 v1, $0x1F;
	v0 =	vshll.u32 v0, $0x5  }
0xbf: {  	p5 =	slt.u32 s5, $0x186A0;
	v0 =	vor.u32 v1, v0  }
0xc0: {  	s0 =	simm.s32 $0x10040;
	v0 =	vpsel !p5, $0x400, v0  }
0xc1: {  	[tilespmem:s0+$0xFFFFFFC0] =	vst v0  }
0xc2: {  	v0 =	vld [tilespmem:s30+$0xFFFFFFD0]  }
0xc3: {  	v1 =	vld [tilespmem:s31+$0xFFFFFFD0];
	_ =	sdelay $0x3  }
0xc4: {  	v0 =	vmax.f32 v0, $0.0e+00  }
0xc5: {  	v1 =	vmax.f32 v1, $0.0e+00;
	v0 =	vmin.f32 v0, $1.000000000e+00  }
0xc6: {  	v1 =	vmin.f32 v1, $1.000000000e+00;
	v0 =	vmul.f32 $3.200000000e+01, v0  }
0xc7: {  	v1 =	vmul.f32 $3.200000000e+01, v1  }
0xc8: {  	v0 =	vtrunc.f32 v0  }
0xc9: {  	v1 =	vtrunc.f32 v1;
	v0 =	vcvt.f32.s32 v0  }
0xca: {  	v1 =	vcvt.f32.s32 v1  }
0xcb: {  	vm14 =	vgt.s32 v0, $0x0  }
0xcc: {  	vm15 =	vgt.s32 v1, $0x0;
	v0 =	vnsel vm14, $0x0, v0  }
0xcd: {  	v1 =	vnsel vm15, $0x0, v1;
	v0 =	vmin.u32 v0, $0x1F  }
0xce: {  	s22 =	sadd.s32 $0x10, s5;
	v1 =	vmin.u32 v1, $0x1F;
	v0 =	vshll.u32 v0, $0x5  }
0xcf: {  	p6 =	slt.u32 s22, $0x186A0;
	v0 =	vor.u32 v1, v0  }
0xd0: {  	v0 =	vpsel !p6, $0x400, v0  }
0xd1: {  	[tilespmem:s0+$0xFFFFFFD0] =	vst v0  }
0xd2: {  	v0 =	vld [tilespmem:s30+$0xFFFFFFE0]  }
0xd3: {  	v1 =	vld [tilespmem:s31+$0xFFFFFFE0];
	_ =	sdelay $0x3  }
0xd4: {  	v0 =	vmax.f32 v0, $0.0e+00  }
0xd5: {  	v1 =	vmax.f32 v1, $0.0e+00;
	v0 =	vmin.f32 v0, $1.000000000e+00  }
0xd6: {  	v1 =	vmin.f32 v1, $1.000000000e+00;
	v0 =	vmul.f32 $3.200000000e+01, v0  }
0xd7: {  	v1 =	vmul.f32 $3.200000000e+01, v1  }
0xd8: {  	v0 =	vtrunc.f32 v0  }
0xd9: {  	v1 =	vtrunc.f32 v1;
	v0 =	vcvt.f32.s32 v0  }
0xda: {  	v1 =	vcvt.f32.s32 v1  }
0xdb: {  	vm4 =	vgt.s32 v0, $0x0  }
0xdc: {  	vm5 =	vgt.s32 v1, $0x0;
	v0 =	vnsel vm4, $0x0, v0  }
0xdd: {  	v1 =	vnsel vm5, $0x0, v1;
	v0 =	vmin.u32 v0, $0x1F  }
0xde: {  	s23 =	sadd.s32 $0x20, s5;
	v1 =	vmin.u32 v1, $0x1F;
	v0 =	vshll.u32 v0, $0x5  }
0xdf: {  	p1 =	slt.u32 s23, $0x186A0;
	v0 =	vor.u32 v1, v0  }
0xe0: {  	v0 =	vpsel !p1, $0x400, v0  }
0xe1: {  	[tilespmem:s0+$0xFFFFFFE0] =	vst v0  }
0xe2: {  	v0 =	vld [tilespmem:s30+$0xFFFFFFF0]  }
0xe3: {  	v1 =	vld [tilespmem:s31+$0xFFFFFFF0];
	_ =	sdelay $0x3  }
0xe4: {  	v0 =	vmax.f32 v0, $0.0e+00  }
0xe5: {  	v1 =	vmax.f32 v1, $0.0e+00;
	v0 =	vmin.f32 v0, $1.000000000e+00  }
0xe6: {  	v1 =	vmin.f32 v1, $1.000000000e+00;
	v0 =	vmul.f32 $3.200000000e+01, v0  }
0xe7: {  	v1 =	vmul.f32 $3.200000000e+01, v1  }
0xe8: {  	v0 =	vtrunc.f32 v0  }
0xe9: {  	v1 =	vtrunc.f32 v1;
	v0 =	vcvt.f32.s32 v0  }
0xea: {  	v1 =	vcvt.f32.s32 v1  }
0xeb: {  	vm6 =	vgt.s32 v0, $0x0  }
0xec: {  	vm7 =	vgt.s32 v1, $0x0;
	v0 =	vnsel vm6, $0x0, v0  }
0xed: {  	v1 =	vnsel vm7, $0x0, v1;
	v0 =	vmin.u32 v0, $0x1F  }
0xee: {  	s24 =	sadd.s32 $0x30, s5;
	v1 =	vmin.u32 v1, $0x1F;
	v0 =	vshll.u32 v0, $0x5  }
0xef: {  	p2 =	slt.u32 s24, $0x186A0;
	v0 =	vor.u32 v1, v0  }
0xf0: {  	v0 =	vpsel !p2, $0x400, v0  }
0xf1: {  	[tilespmem:s0+$0xFFFFFFF0] =	vst v0  }
0xf2: {  	v0 =	vld [tilespmem:s30+$0x0]  }
0xf3: {  	v1 =	vld [tilespmem:s31+$0x0];
	_ =	sdelay $0x3  }
0xf4: {  	v0 =	vmax.f32 v0, $0.0e+00  }
0xf5: {  	v1 =	vmax.f32 v1, $0.0e+00;
	v0 =	vmin.f32 v0, $1.000000000e+00  }
0xf6: {  	v1 =	vmin.f32 v1, $1.000000000e+00;
	v0 =	vmul.f32 $3.200000000e+01, v0  }
0xf7: {  	v1 =	vmul.f32 $3.200000000e+01, v1  }
0xf8: {  	v0 =	vtrunc.f32 v0  }
0xf9: {  	v1 =	vtrunc.f32 v1;
	v0 =	vcvt.f32.s32 v0  }
0xfa: {  	v1 =	vcvt.f32.s32 v1  }
0xfb: {  	vm8 =	vgt.s32 v0, $0x0  }
0xfc: {  	vm9 =	vgt.s32 v1, $0x0;
	v0 =	vnsel vm8, $0x0, v0  }
0xfd: {  	v1 =	vnsel vm9, $0x0, v1;
	v0 =	vmin.u32 v0, $0x1F  }
0xfe: {  	s25 =	sadd.s32 $0x40, s5;
	v1 =	vmin.u32 v1, $0x1F;
	v0 =	vshll.u32 v0, $0x5  }
0xff: {  	p3 =	slt.u32 s25, $0x186A0;
	v0 =	vor.u32 v1, v0  }
0x100: {  	v0 =	vpsel !p3, $0x400, v0  }
0x101: {  	[tilespmem:s0+$0x0] =	vst v0  }
0x102: {  	v0 =	vld [tilespmem:s30+$0x10]  }
0x103: {  	v1 =	vld [tilespmem:s31+$0x10];
	_ =	sdelay $0x3  }
0x104: {  	v0 =	vmax.f32 v0, $0.0e+00  }
0x105: {  	v1 =	vmax.f32 v1, $0.0e+00;
	v0 =	vmin.f32 v0, $1.000000000e+00  }
0x106: {  	v1 =	vmin.f32 v1, $1.000000000e+00;
	v0 =	vmul.f32 $3.200000000e+01, v0  }
0x107: {  	v1 =	vmul.f32 $3.200000000e+01, v1  }
0x108: {  	v0 =	vtrunc.f32 v0  }
0x109: {  	v1 =	vtrunc.f32 v1;
	v0 =	vcvt.f32.s32 v0  }
0x10a: {  	v1 =	vcvt.f32.s32 v1  }
0x10b: {  	vm10 =	vgt.s32 v0, $0x0  }
0x10c: {  	vm11 =	vgt.s32 v1, $0x0;
	v0 =	vnsel vm10, $0x0, v0  }
0x10d: {  	v1 =	vnsel vm11, $0x0, v1;
	v0 =	vmin.u32 v0, $0x1F  }
0x10e: {  	s26 =	sadd.s32 $0x50, s5;
	v1 =	vmin.u32 v1, $0x1F;
	v0 =	vshll.u32 v0, $0x5  }
0x10f: {  	p4 =	slt.u32 s26, $0x186A0;
	v0 =	vor.u32 v1, v0  }
0x110: {  	v0 =	vpsel !p4, $0x400, v0  }
0x111: {  	[tilespmem:s0+$0x10] =	vst v0  }
0x112: {  	v0 =	vld [tilespmem:s30+$0x20]  }
0x113: {  	v1 =	vld [tilespmem:s31+$0x20];
	_ =	sdelay $0x3  }
0x114: {  	v0 =	vmax.f32 v0, $0.0e+00  }
0x115: {  	v1 =	vmax.f32 v1, $0.0e+00;
	v0 =	vmin.f32 v0, $1.000000000e+00  }
0x116: {  	v1 =	vmin.f32 v1, $1.000000000e+00;
	v0 =	vmul.f32 $3.200000000e+01, v0  }
0x117: {  	v1 =	vmul.f32 $3.200000000e+01, v1  }
0x118: {  	v0 =	vtrunc.f32 v0  }
0x119: {  	v1 =	vtrunc.f32 v1;
	v0 =	vcvt.f32.s32 v0  }
0x11a: {  	v1 =	vcvt.f32.s32 v1  }
0x11b: {  	vm12 =	vgt.s32 v0, $0x0  }
0x11c: {  	vm13 =	vgt.s32 v1, $0x0;
	v0 =	vnsel vm12, $0x0, v0  }
0x11d: {  	v1 =	vnsel vm13, $0x0, v1;
	v0 =	vmin.u32 v0, $0x1F  }
0x11e: {  	s28 =	sadd.s32 $0x60, s5;
	v1 =	vmin.u32 v1, $0x1F;
	v0 =	vshll.u32 v0, $0x5  }
0x11f: {  	p5 =	slt.u32 s28, $0x186A0;
	v0 =	vor.u32 v1, v0  }
0x120: {  	v0 =	vpsel !p5, $0x400, v0  }
0x121: {  	[tilespmem:s0+$0x20] =	vst v0  }
0x122: {  	v0 =	vld [tilespmem:s30+$0x30]  }
0x123: {  	v1 =	vld [tilespmem:s31+$0x30];
	_ =	sdelay $0x3  }
0x124: {  	v0 =	vmax.f32 v0, $0.0e+00  }
0x125: {  	v1 =	vmax.f32 v1, $0.0e+00;
	v0 =	vmin.f32 v0, $1.000000000e+00  }
0x126: {  	v1 =	vmin.f32 v1, $1.000000000e+00;
	v0 =	vmul.f32 $3.200000000e+01, v0  }
0x127: {  	v1 =	vmul.f32 $3.200000000e+01, v1  }
0x128: {  	v0 =	vtrunc.f32 v0  }
0x129: {  	v1 =	vtrunc.f32 v1;
	v0 =	vcvt.f32.s32 v0  }
0x12a: {  	v1 =	vcvt.f32.s32 v1  }
0x12b: {  	vm14 =	vgt.s32 v0, $0x0  }
0x12c: {  	vm15 =	vgt.s32 v1, $0x0;
	v0 =	vnsel vm14, $0x0, v0  }
0x12d: {  	v1 =	vnsel vm15, $0x0, v1;
	v0 =	vmin.u32 v0, $0x1F  }
0x12e: {  	s3 =	sadd.s32 $0x70, s5;
	v1 =	vmin.u32 v1, $0x1F;
	v0 =	vshll.u32 v0, $0x5  }
0x12f: {  	p6 =	slt.u32 s3, $0x186A0;
	v0 =	vor.u32 v1, v0  }
0x130: {  	s3 =	simm.s32 $0x80;
	v0 =	vpsel !p6, $0x400, v0  }
.LBB2_8:
0x131: {  	[tilespmem:s0+$0x30] =	vst v0;
	s0 =	sadd.s32 $0x80, s0;
	s30 =	sadd.s32 $0x80, s30;
	s31 =	sadd.s32 $0x80, s31  }
0x132: {  	p1 =	sne.s32 s3, $0xC00;
	s21 =	smov.u32 s3;
	s3 =	sadd.s32 $0x80, s3;
	v0 =	vld [tilespmem:s30+$0xFFFFFFC0]  }
0x133: {  	v1 =	vld [tilespmem:s31+$0xFFFFFFC0];
	_ =	sdelay $0x3  }
0x134: {  	v0 =	vmax.f32 v0, $0.0e+00  }
0x135: {  	v0 =	vmin.f32 v0, $1.000000000e+00;
	v1 =	vmax.f32 v1, $0.0e+00  }
0x136: {  	v0 =	vmul.f32 $3.200000000e+01, v0;
	v1 =	vmin.f32 v1, $1.000000000e+00  }
0x137: {  	v1 =	vmul.f32 $3.200000000e+01, v1  }
0x138: {  	v0 =	vtrunc.f32 v0  }
0x139: {  	v0 =	vcvt.f32.s32 v0;
	v1 =	vtrunc.f32 v1  }
0x13a: {  	v1 =	vcvt.f32.s32 v1  }
0x13b: {  	vm0 =	vgt.s32 v0, $0x0  }
0x13c: {  	v0 =	vnsel vm0, $0x0, v0;
	vm0 =	vgt.s32 v1, $0x0  }
0x13d: {  	v0 =	vmin.u32 v0, $0x1F;
	v1 =	vnsel vm0, $0x0, v1  }
0x13e: {  	s21 =	sadd.s32 s21, s15;
	v1 =	vmin.u32 v1, $0x1F;
	v0 =	vshll.u32 v0, $0x5  }
0x13f: {  	p0 =	slt.u32 s21, $0x186A0;
	s28 =	sadd.s32 $0x10, s21;
	s26 =	sadd.s32 $0x20, s21;
	v0 =	vor.u32 v1, v0  }
0x140: {  	s25 =	sadd.s32 $0x30, s21;
	s24 =	sadd.s32 $0x40, s21;
	s23 =	sadd.s32 $0x50, s21;
	v0 =	vpsel !p0, $0x400, v0  }
0x141: {  	s22 =	sadd.s32 $0x60, s21;
	s21 =	sadd.s32 $0x70, s21;
	[tilespmem:s0+$0xFFFFFFC0] =	vst v0  }
0x142: {  	v0 =	vld [tilespmem:s30+$0xFFFFFFD0]  }
0x143: {  	v1 =	vld [tilespmem:s31+$0xFFFFFFD0];
	_ =	sdelay $0x3  }
0x144: {  	v0 =	vmax.f32 v0, $0.0e+00  }
0x145: {  	v0 =	vmin.f32 v0, $1.000000000e+00;
	v1 =	vmax.f32 v1, $0.0e+00  }
0x146: {  	v0 =	vmul.f32 $3.200000000e+01, v0;
	v1 =	vmin.f32 v1, $1.000000000e+00  }
0x147: {  	v1 =	vmul.f32 $3.200000000e+01, v1  }
0x148: {  	v0 =	vtrunc.f32 v0  }
0x149: {  	v0 =	vcvt.f32.s32 v0;
	v1 =	vtrunc.f32 v1  }
0x14a: {  	v1 =	vcvt.f32.s32 v1  }
0x14b: {  	vm0 =	vgt.s32 v0, $0x0  }
0x14c: {  	v0 =	vnsel vm0, $0x0, v0;
	vm0 =	vgt.s32 v1, $0x0  }
0x14d: {  	v0 =	vmin.u32 v0, $0x1F;
	v1 =	vnsel vm0, $0x0, v1  }
0x14e: {  	v1 =	vmin.u32 v1, $0x1F;
	v0 =	vshll.u32 v0, $0x5  }
0x14f: {  	p0 =	slt.u32 s28, $0x186A0;
	v0 =	vor.u32 v1, v0  }
0x150: {  	v0 =	vpsel !p0, $0x400, v0  }
0x151: {  	[tilespmem:s0+$0xFFFFFFD0] =	vst v0  }
0x152: {  	v0 =	vld [tilespmem:s30+$0xFFFFFFE0]  }
0x153: {  	v1 =	vld [tilespmem:s31+$0xFFFFFFE0];
	_ =	sdelay $0x3  }
0x154: {  	v0 =	vmax.f32 v0, $0.0e+00  }
0x155: {  	v0 =	vmin.f32 v0, $1.000000000e+00;
	v1 =	vmax.f32 v1, $0.0e+00  }
0x156: {  	v0 =	vmul.f32 $3.200000000e+01, v0;
	v1 =	vmin.f32 v1, $1.000000000e+00  }
0x157: {  	v1 =	vmul.f32 $3.200000000e+01, v1  }
0x158: {  	v0 =	vtrunc.f32 v0  }
0x159: {  	v0 =	vcvt.f32.s32 v0;
	v1 =	vtrunc.f32 v1  }
0x15a: {  	v1 =	vcvt.f32.s32 v1  }
0x15b: {  	vm0 =	vgt.s32 v0, $0x0  }
0x15c: {  	v0 =	vnsel vm0, $0x0, v0;
	vm0 =	vgt.s32 v1, $0x0  }
0x15d: {  	v0 =	vmin.u32 v0, $0x1F;
	v1 =	vnsel vm0, $0x0, v1  }
0x15e: {  	v1 =	vmin.u32 v1, $0x1F;
	v0 =	vshll.u32 v0, $0x5  }
0x15f: {  	p0 =	slt.u32 s26, $0x186A0;
	v0 =	vor.u32 v1, v0  }
0x160: {  	v0 =	vpsel !p0, $0x400, v0  }
0x161: {  	[tilespmem:s0+$0xFFFFFFE0] =	vst v0  }
0x162: {  	v0 =	vld [tilespmem:s30+$0xFFFFFFF0]  }
0x163: {  	v1 =	vld [tilespmem:s31+$0xFFFFFFF0];
	_ =	sdelay $0x3  }
0x164: {  	v0 =	vmax.f32 v0, $0.0e+00  }
0x165: {  	v0 =	vmin.f32 v0, $1.000000000e+00;
	v1 =	vmax.f32 v1, $0.0e+00  }
0x166: {  	v0 =	vmul.f32 $3.200000000e+01, v0;
	v1 =	vmin.f32 v1, $1.000000000e+00  }
0x167: {  	v1 =	vmul.f32 $3.200000000e+01, v1  }
0x168: {  	v0 =	vtrunc.f32 v0  }
0x169: {  	v0 =	vcvt.f32.s32 v0;
	v1 =	vtrunc.f32 v1  }
0x16a: {  	v1 =	vcvt.f32.s32 v1  }
0x16b: {  	vm0 =	vgt.s32 v0, $0x0  }
0x16c: {  	v0 =	vnsel vm0, $0x0, v0;
	vm0 =	vgt.s32 v1, $0x0  }
0x16d: {  	v0 =	vmin.u32 v0, $0x1F;
	v1 =	vnsel vm0, $0x0, v1  }
0x16e: {  	v1 =	vmin.u32 v1, $0x1F;
	v0 =	vshll.u32 v0, $0x5  }
0x16f: {  	p0 =	slt.u32 s25, $0x186A0;
	v0 =	vor.u32 v1, v0  }
0x170: {  	v0 =	vpsel !p0, $0x400, v0  }
0x171: {  	[tilespmem:s0+$0xFFFFFFF0] =	vst v0  }
0x172: {  	v0 =	vld [tilespmem:s30+$0x0]  }
0x173: {  	v1 =	vld [tilespmem:s31+$0x0];
	_ =	sdelay $0x3  }
0x174: {  	v0 =	vmax.f32 v0, $0.0e+00  }
0x175: {  	v0 =	vmin.f32 v0, $1.000000000e+00;
	v1 =	vmax.f32 v1, $0.0e+00  }
0x176: {  	v0 =	vmul.f32 $3.200000000e+01, v0;
	v1 =	vmin.f32 v1, $1.000000000e+00  }
0x177: {  	v1 =	vmul.f32 $3.200000000e+01, v1  }
0x178: {  	v0 =	vtrunc.f32 v0  }
0x179: {  	v0 =	vcvt.f32.s32 v0;
	v1 =	vtrunc.f32 v1  }
0x17a: {  	v1 =	vcvt.f32.s32 v1  }
0x17b: {  	vm0 =	vgt.s32 v0, $0x0  }
0x17c: {  	v0 =	vnsel vm0, $0x0, v0;
	vm0 =	vgt.s32 v1, $0x0  }
0x17d: {  	v0 =	vmin.u32 v0, $0x1F;
	v1 =	vnsel vm0, $0x0, v1  }
0x17e: {  	v1 =	vmin.u32 v1, $0x1F;
	v0 =	vshll.u32 v0, $0x5  }
0x17f: {  	p0 =	slt.u32 s24, $0x186A0;
	v0 =	vor.u32 v1, v0  }
0x180: {  	v0 =	vpsel !p0, $0x400, v0  }
0x181: {  	[tilespmem:s0+$0x0] =	vst v0  }
0x182: {  	v0 =	vld [tilespmem:s30+$0x10]  }
0x183: {  	v1 =	vld [tilespmem:s31+$0x10];
	_ =	sdelay $0x3  }
0x184: {  	v0 =	vmax.f32 v0, $0.0e+00  }
0x185: {  	v0 =	vmin.f32 v0, $1.000000000e+00;
	v1 =	vmax.f32 v1, $0.0e+00  }
0x186: {  	v0 =	vmul.f32 $3.200000000e+01, v0;
	v1 =	vmin.f32 v1, $1.000000000e+00  }
0x187: {  	v1 =	vmul.f32 $3.200000000e+01, v1  }
0x188: {  	v0 =	vtrunc.f32 v0  }
0x189: {  	v0 =	vcvt.f32.s32 v0;
	v1 =	vtrunc.f32 v1  }
0x18a: {  	v1 =	vcvt.f32.s32 v1  }
0x18b: {  	vm0 =	vgt.s32 v0, $0x0  }
0x18c: {  	v0 =	vnsel vm0, $0x0, v0;
	vm0 =	vgt.s32 v1, $0x0  }
0x18d: {  	v0 =	vmin.u32 v0, $0x1F;
	v1 =	vnsel vm0, $0x0, v1  }
0x18e: {  	v1 =	vmin.u32 v1, $0x1F;
	v0 =	vshll.u32 v0, $0x5  }
0x18f: {  	p0 =	slt.u32 s23, $0x186A0;
	v0 =	vor.u32 v1, v0  }
0x190: {  	v0 =	vpsel !p0, $0x400, v0  }
0x191: {  	[tilespmem:s0+$0x10] =	vst v0  }
0x192: {  	v0 =	vld [tilespmem:s30+$0x20]  }
0x193: {  	v1 =	vld [tilespmem:s31+$0x20];
	_ =	sdelay $0x3  }
0x194: {  	v0 =	vmax.f32 v0, $0.0e+00  }
0x195: {  	v0 =	vmin.f32 v0, $1.000000000e+00;
	v1 =	vmax.f32 v1, $0.0e+00  }
0x196: {  	v0 =	vmul.f32 $3.200000000e+01, v0;
	v1 =	vmin.f32 v1, $1.000000000e+00  }
0x197: {  	v1 =	vmul.f32 $3.200000000e+01, v1  }
0x198: {  	v0 =	vtrunc.f32 v0  }
0x199: {  	v0 =	vcvt.f32.s32 v0;
	v1 =	vtrunc.f32 v1  }
0x19a: {  	v1 =	vcvt.f32.s32 v1  }
0x19b: {  	vm0 =	vgt.s32 v0, $0x0  }
0x19c: {  	v0 =	vnsel vm0, $0x0, v0;
	vm0 =	vgt.s32 v1, $0x0  }
0x19d: {  	v0 =	vmin.u32 v0, $0x1F;
	v1 =	vnsel vm0, $0x0, v1  }
0x19e: {  	v1 =	vmin.u32 v1, $0x1F;
	v0 =	vshll.u32 v0, $0x5  }
0x19f: {  	p0 =	slt.u32 s22, $0x186A0;
	v0 =	vor.u32 v1, v0  }
0x1a0: {  	v0 =	vpsel !p0, $0x400, v0  }
0x1a1: {  	[tilespmem:s0+$0x20] =	vst v0  }
0x1a2: {  	v0 =	vld [tilespmem:s30+$0x30]  }
0x1a3: {  	v1 =	vld [tilespmem:s31+$0x30];
	_ =	sdelay $0x3  }
0x1a4: {  	v0 =	vmax.f32 v0, $0.0e+00  }
0x1a5: {  	v0 =	vmin.f32 v0, $1.000000000e+00;
	v1 =	vmax.f32 v1, $0.0e+00  }
0x1a6: {  	v0 =	vmul.f32 $3.200000000e+01, v0;
	v1 =	vmin.f32 v1, $1.000000000e+00  }
0x1a7: {  	v1 =	vmul.f32 $3.200000000e+01, v1  }
0x1a8: {  	v0 =	vtrunc.f32 v0  }
0x1a9: {  	v0 =	vcvt.f32.s32 v0;
	v1 =	vtrunc.f32 v1  }
0x1aa: {  	v1 =	vcvt.f32.s32 v1  }
0x1ab: {  	vm0 =	vgt.s32 v0, $0x0  }
.Ltmp3:
0x1ac: {  	v0 =	vnsel vm0, $0x0, v0;
	vm0 =	vgt.s32 v1, $0x0;
	(pc) =	sbr.rel @p1 .LBB2_8-.Ltmp3, $4  }
0x1ad: {  	v0 =	vmin.u32 v0, $0x1F;
	v1 =	vnsel vm0, $0x0, v1  }
0x1ae: {  	v1 =	vmin.u32 v1, $0x1F;
	v0 =	vshll.u32 v0, $0x5  }
0x1af: {  	p0 =	slt.u32 s21, $0x186A0;
	v0 =	vor.u32 v1, v0  }
0x1b0: {  	v0 =	vpsel !p0, $0x400, v0  }
0x1b1: {  	[tilespmem:s0+$0x30] =	vst v0  }
0x1b2: {  	s21 =	simm.s32 $0x0;
	s2 =	simm.s32 $0x10000;
	[bflag:$0x0] =	sbarrier.arrive $0xFFFF  }
0x1b3: {  	[tilespmem:s21], [sflag:$0x1] =	stream.indirect.gather [spmem:s1], $0x80, s2, s20, $0xb8;
	[tilespmem:$0x18908] =	vst v63  }
0x1b4: {  	s22 =	simm.s32 $0x10080;
	s26 =	rddreg [dreg:$0x4]  }
0x1b5: {  	s23 =	simm.s32 $0x4000;
	s24 =	simm.s32 $0x10100;
	s31 =	sadd.s32 $0x0, s26  }
0x1b6: {  	[tilespmem:s23], [sflag:$0x2] =	stream.indirect.gather [spmem:s1], $0x80, s22, s20, $0xb8;
	[tilespmem:$0x18908] =	vst v63  }
0x1b7: {  	s25 =	simm.s32 $0x8000;
	p1 =	sgt.u32 s31, $0x30D;
	s0 =	sadd.s32 $0xFFFFFCF3, s31  }
0x1b8: {  	s28 =	simm.s32 $0x10180;
	s3 =	simm.s32 $0xC000;
	p0 =	seq.s32 @!p1 s0, $0x0  }
0x1b9: {  	[tilespmem:s25], [sflag:$0x3] =	stream.indirect.gather [spmem:s1], $0x80, s24, s20, $0xb8;
	[tilespmem:$0x18908] =	vst v63  }
0x1ba: {  	p6 =	por $0x0, $0x0;
	p2 =	por p0, p1;
	p0 =	por !p0, p1  }
0x1bb: {  	p4 =	por $0x1, $0x1;
	s21 =	simm.s32 @!p1 $0x1;
	s0 =	simm.s32 @!p0 $0x0  }
0x1bc: {  	[tilespmem:s3], [sflag:$0x4] =	stream.indirect.gather [spmem:s1], $0x80, s28, s20, $0xb8;
	[tilespmem:$0x18908] =	vst v63  }
0x1bd: {  	s22 =	simm.s32 @!p2 $0x0;
	s2 =	simm.s32 @!p2 $0x0;
	_ =	swait.ge @!p1 [sflag:s21], $0x4000  }
0x1be: {  	s0 =	simm.s32 @p0 $0x1;
	s2 =	simm.s32 @p2 $0x1;
	[sflag:s21] =	ssyncset.done @!p1 $0x0  }
0x1bf: {  	[smem:$0x7F6] =	sst s0;
	[sflag:s21] =	ssyncadd.s32 @!p1 $0xFFFFC000;
	s21 =	simm.s32 @!p0 $0x0  }
0x1c0: {  	[hbm4b:s13+s21] =	stream.linear.scatter @!p0 [tilespmem:s21], [sflag:$0x5], $0x1000, $0x38;
	[tilespmem:$0x18908] =	vst v63  }
0x1c1: {  	s0 =	sadd.s32 $0x1, s31;
	s21 =	sadd.s32 @!p2 $0xFFFFE800, s16;
	p0 =	por $0x0, $0x0  }
0x1c2: {  	[hbm4b:s21+s22] =	stream.linear.scatter @!p2 [tilespmem:s22], [sflag:$0x5], $0x4000, $0x38;
	[tilespmem:$0x18908] =	vst v63  }
0x1c3: {  	[smem:$0x7F7] =	sst s2;
	s2 =	sadd.s32 $0xFFFFFCF4, s31;
	p2 =	sgt.u32 @!p0 s0, $0x30D  }
0x1c4: {  	s4 =	sadd.s32 $0xFFFFFCF5, s31;
	p5 =	seq.s32 s2, $0x0;
	p0 =	por p2, p0  }
0x1c5: {  	p3 =	slt.u32 s0, $0x30D;
	p5 =	por !p4, !p5;
	s22 =	simm.s32 @!p0 $0x2  }
0x1c6: {  	p4 =	por !p4, !p3;
	p3 =	por !p5, !p5;
	_ =	swait.ge @!p0 [sflag:s22], $0x4000  }
0x1c7: {  	s21 =	sadd.s32 $0x2, s31;
	s0 =	simm.s32 @!p3 $0x0;
	[sflag:s22] =	ssyncset.done @!p0 $0x0  }
0x1c8: {  	s0 =	simm.s32 @p3 $0x1;
	[sflag:s22] =	ssyncadd.s32 @!p0 $0xFFFFC000;
	p0 =	sgt.u32 @!p6 s21, $0x30D  }
0x1c9: {  	[smem:$0x7FA] =	sst s0;
	p2 =	por p0, p6;
	p0 =	por !p4, !p4  }
0x1ca: {  	p4 =	slt.u32 s21, $0x30D;
	s21 =	sadd.s32 $0x3, s31;
	s0 =	simm.s32 @!p0 $0x0  }
0x1cb: {  	p6 =	por $0x0, $0x0;
	s22 =	sadd.s32 @p0 $0xFFFFF000, s16;
	s0 =	simm.s32 @p0 $0x1  }
0x1cc: {  	s23 =	simm.s32 @p0 $0x4000;
	[smem:$0x7F9] =	sst s0;
	s0 =	simm.s32 @p0 $0x0  }
0x1cd: {  	[hbm4b:s22+s0] =	stream.linear.scatter @p0 [tilespmem:s23], [sflag:$0x6], $0x4000, $0x38;
	[tilespmem:$0x18908] =	vst v63  }
0x1ce: {  	p0 =	por $0x1, $0x1;
	s0 =	simm.s32 @p3 $0x0;
	s22 =	simm.s32 @p3 $0x4000  }
0x1cf: {  	[hbm4b:s13+s0] =	stream.linear.scatter @p3 [tilespmem:s22], [sflag:$0x6], $0x1000, $0x38;
	[tilespmem:$0x18908] =	vst v63  }
0x1d0: {  	p5 =	por !p0, !p4;
	s22 =	simm.s32 @!p2 $0x3;
	p3 =	seq.s32 s4, $0x0  }
0x1d1: {  	_ =	swait.ge @!p2 [sflag:s22], $0x4000;
	p3 =	por !p0, !p3;
	p0 =	por !p5, !p5  }
0x1d2: {  	[sflag:s22] =	ssyncset.done @!p2 $0x0;
	s0 =	simm.s32 @!p0 $0x0;
	s23 =	simm.s32 @p0 $0x8000  }
0x1d3: {  	[sflag:s22] =	ssyncadd.s32 @!p2 $0xFFFFC000;
	s0 =	simm.s32 @p0 $0x1;
	p2 =	por !p3, !p3  }
0x1d4: {  	s22 =	sadd.s32 @p0 $0xFFFFF800, s16;
	[smem:$0x7FC] =	sst s0;
	s0 =	simm.s32 @p0 $0x0  }
0x1d5: {  	[hbm4b:s22+s0] =	stream.linear.scatter @p0 [tilespmem:s23], [sflag:$0x7], $0x4000, $0x38;
	[tilespmem:$0x18908] =	vst v63  }
0x1d6: {  	s5 =	sadd.s32 $0xFFFFFCF6, s31;
	p4 =	sgt.u32 @!p6 s21, $0x30D;
	s0 =	simm.s32 @!p2 $0x0  }
0x1d7: {  	p4 =	por p4, p6;
	s22 =	simm.s32 @p2 $0x8000;
	s0 =	simm.s32 @p2 $0x1  }
0x1d8: {  	s23 =	simm.s32 @!p4 $0x4;
	[smem:$0x7FB] =	sst s0;
	s0 =	simm.s32 @p2 $0x0  }
0x1d9: {  	[hbm4b:s13+s0] =	stream.linear.scatter @p2 [tilespmem:s22], [sflag:$0x7], $0x1000, $0x38;
	[tilespmem:$0x18908] =	vst v63  }
0x1da: {  	p6 =	slt.u32 s21, $0x30D;
	p0 =	por $0x1, $0x1;
	_ =	swait.ge @!p4 [sflag:s23], $0x4000  }
0x1db: {  	p2 =	por !p0, !p6;
	[sflag:s23] =	ssyncset.done @!p4 $0x0;
	s24 =	sld [smem:$0x7F7]  }
0x1dc: {  	p6 =	por !p2, !p2;
	[sflag:s23] =	ssyncadd.s32 @!p4 $0xFFFFC000;
	s23 =	sld [smem:$0x7F6]  }
0x1dd: {  	p5 =	seq.s32 s5, $0x0;
	s21 =	simm.s32 @p6 $0xC000;
	s22 =	simm.s32 @p6 $0x0  }
0x1de: {  	[hbm4b:s16+s22] =	stream.linear.scatter @p6 [tilespmem:s21], [sflag:$0x8], $0x4000, $0x38;
	[tilespmem:$0x18908] =	vst v63  }
0x1df: {  	p2 =	por !p0, !p5;
	p0 =	seq.s32 s24, $0x1;
	p5 =	seq.s32 s23, $0x1  }
0x1e0: {  	p4 =	por @!p0 $0x1, $0x1;
	p3 =	por @!p5 $0x0, $0x0  }
0x1e1: {  	p4 =	por @!p5 p3, p3;
	p3 =	por !p2, !p2  }
0x1e2: {  	p2 =	por $0x0, $0x0;
	s0 =	simm.s32 @!p3 $0x0  }
0x1e3: {  	p2 =	por @!p1 p4, p4;
	s21 =	simm.s32 @p3 $0xC000;
	s0 =	simm.s32 @p3 $0x1  }
0x1e4: {  	p4 =	por @!p5 $0x1, $0x1;
	[smem:$0x7F8] =	sst s0;
	s0 =	simm.s32 @p3 $0x0  }
0x1e5: {  	[hbm4b:s13+s0] =	stream.linear.scatter @p3 [tilespmem:s21], [sflag:$0x8], $0x1000, $0x38;
	[tilespmem:$0x18908] =	vst v63  }
0x1e6: {  	p3 =	por @!p0 $0x0, $0x0;
	s0 =	simm.s32 @p2 $0x5;
	s21 =	sadd.s32 $0x4, s31  }
0x1e7: {  	p3 =	por @!p5 p4, p4;
	_ =	swait.ge @p2 [sflag:s0], $0x4000;
	p4 =	por $0x0, $0x0  }
0x1e8: {  	p4 =	por @!p1 p3, p3;
	[sflag:s0] =	ssyncset.done @p2 $0x0;
	p1 =	por $0x0, $0x0  }
0x1e9: {  	[sflag:s0] =	ssyncadd.s32 @p2 $0xFFFFC000;
	s0 =	simm.s32 @p4 $0x5;
	p2 =	sgt.u32 @!p1 s21, $0x30D  }
0x1ea: {  	_ =	swait.ge @p4 [sflag:s0], $0x1000;
	p1 =	por p2, p1  }
0x1eb: {  	[sflag:s0] =	ssyncset.done @p4 $0x0;
	s21 =	simm.s32 @!p1 $0x80;
	s25 =	sld [smem:$0x7F9]  }
0x1ec: {  	s22 =	simm.s32 @!p1 $0x0;
	[sflag:s0] =	ssyncadd.s32 @p4 $0xFFFFF000;
	s0 =	simm.s32 $0x10200  }
0x1ed: {  	[tilespmem:s22], [sflag:$0x1] =	stream.indirect.gather @!p1 [spmem:s1], $0x80, s0, s21, $0xb8;
	[tilespmem:$0x18908] =	vst v63  }
0x1ee: {  	p0 =	seq.s32 s25, $0x1  }
0x1ef: {  	s23 =	simm.s32 @p0 $0x6  }
0x1f0: {  	_ =	swait.ge @p0 [sflag:s23], $0x4000  }
0x1f1: {  	p5 =	por p6, p6;
	s26 =	sld [smem:$0x7FA]  }
0x1f2: {  	p1 =	por $0x0, $0x0;
	s22 =	sadd.s32 $0x6, s31;
	[sflag:s23] =	ssyncset.done @p0 $0x0  }
0x1f3: {  	s21 =	sadd.s32 $0x5, s31;
	[sflag:s23] =	ssyncadd.s32 @p0 $0xFFFFC000;
	p0 =	sgt.u32 @!p1 s22, $0x30D  }
0x1f4: {  	p6 =	por p0, p1;
	p0 =	sgt.u32 @!p1 s21, $0x30D;
	p4 =	seq.s32 s26, $0x1  }
0x1f5: {  	s3 =	sadd.s32 $0x7, s31;
	p0 =	por p0, p1;
	s22 =	simm.s32 @p4 $0x6  }
0x1f6: {  	p2 =	sgt.u32 @!p1 s3, $0x30D;
	s3 =	simm.s32 @!p0 $0x10280;
	_ =	swait.ge @p4 [sflag:s22], $0x1000  }
0x1f7: {  	s21 =	simm.s32 @!p0 $0x4000;
	[sflag:s22] =	ssyncset.done @p4 $0x0;
	s31 =	sld [smem:$0x7FC]  }
0x1f8: {  	s28 =	sld [smem:$0x7FB];
	[sflag:s22] =	ssyncadd.s32 @p4 $0xFFFFF000;
	s22 =	simm.s32 @!p0 $0x80  }
0x1f9: {  	[tilespmem:s21], [sflag:$0x2] =	stream.indirect.gather @!p0 [spmem:s1], $0x80, s3, s22, $0xb8;
	[tilespmem:$0x18908] =	vst v63  }
0x1fa: {  	s30 =	simm.s32 $0x1;
	p3 =	por p2, p1;
	p1 =	seq.s32 s31, $0x1  }
0x1fb: {  	s23 =	simm.s32 @p5 $0x8;
	s3 =	simm.s32 $0x4;
	s24 =	simm.s32 @p1 $0x7  }
0x1fc: {  	s21 =	simm.s32 $0x10400;
	p2 =	seq.s32 s28, $0x1;
	_ =	swait.ge @p1 [sflag:s24], $0x4000  }
0x1fd: {  	s22 =	sadd.s32 $0x2000, s16;
	s25 =	simm.s32 @p2 $0x7;
	[sflag:s24] =	ssyncset.done @p1 $0x0  }
.LBB2_10:
0x1fe: {  	[sflag:s24] =	ssyncadd.s32 @p1 $0xFFFFC000;
	s24 =	smov.u32 s3;
	s3 =	sadd.s32 $0x4, s3  }
0x1ff: {  	_ =	swait.ge @p2 [sflag:s25], $0x1000;
	p0 =	sne.s32 s3, $0x1C  }
0x200: {  	s26 =	simm.s32 @!p6 $0x8000;
	s2 =	simm.s32 @!p0 $0x0;
	[sflag:s25] =	ssyncset.done @p2 $0x0  }
0x201: {  	s2 =	simm.s32 @p0 $0x1;
	[sflag:s25] =	ssyncadd.s32 @p2 $0xFFFFF000;
	s25 =	sld [smem:$0x7F8]  }
0x202: {  	s28 =	sadd.s32 @!p6 $0x100, s0;
	s31 =	simm.s32 @!p6 $0x80;
	[smem:$0x7F5] =	sst s2  }
0x203: {  	[tilespmem:s26], [sflag:$0x3] =	stream.indirect.gather @!p6 [spmem:s1], $0x80, s28, s31, $0xb8;
	[tilespmem:$0x18908] =	vst v63  }
0x204: {  	s5 =	sadd.s32 $0x1, s24;
	_ =	swait.ge @p5 [sflag:s23], $0x4000  }
0x205: {  	p0 =	seq.s32 s24, $0x18;
	p1 =	seq.s32 s25, $0x1;
	[sflag:s23] =	ssyncset.done @p5 $0x0  }
0x206: {  	s26 =	sadd.s32 @!p3 $0x180, s0;
	s25 =	simm.s32 @p1 $0x8;
	[sflag:s23] =	ssyncadd.s32 @p5 $0xFFFFC000  }
0x207: {  	s28 =	simm.s32 @!p3 $0x80;
	s2 =	simm.s32 @!p0 $0x0;
	_ =	swait.ge @p1 [sflag:s25], $0x1000  }
0x208: {  	s2 =	simm.s32 @p0 $0x1;
	p0 =	sgt.u32 s30, $0x4;
	[sflag:s25] =	ssyncset.done @p1 $0x0  }
0x209: {  	s23 =	simm.s32 @!p3 $0xC000;
	s4 =	rddreg [dreg:$0x4];
	[sflag:s25] =	ssyncadd.s32 @p1 $0xFFFFF000  }
0x20a: {  	[tilespmem:s23], [sflag:$0x4] =	stream.indirect.gather @!p3 [spmem:s1], $0x80, s26, s28, $0xb8;
	[tilespmem:$0x18908] =	vst v63  }
0x20b: {  	[smem:$0x7EF] =	sst s2;
	s2 =	simm.s32 @!p0 $0x0;
	s23 =	sadd.s32 s24, s4  }
0x20c: {  	p5 =	slt.u32 s5, $0x19;
	s2 =	simm.s32 @p0 $0x1;
	p0 =	sgt.u32 s23, $0x30D  }
0x20d: {  	[smem:$0x7F0] =	sst s2;
	s26 =	sadd.s32 $0x2, s24;
	s2 =	simm.s32 @!p0 $0x0  }
0x20e: {  	s28 =	sadd.s32 $0xFFFFFCF3, s23;
	s31 =	sadd.s32 $0xFFFFFCF4, s23;
	s2 =	simm.s32 @p0 $0x1  }
0x20f: {  	p1 =	seq.s32 @!p0 s28, $0x0;
	[smem:$0x7EB] =	sst s2;
	s2 =	simm.s32 @!p0 $0x1  }
0x210: {  	p4 =	por p1, p0;
	p1 =	por !p1, p0;
	_ =	swait.ge @!p0 [sflag:s2], $0x4000  }
0x211: {  	p3 =	sgt.u32 s26, $0x18;
	s4 =	simm.s32 @!p1 $0x0;
	[sflag:s2] =	ssyncset.done @!p0 $0x0  }
0x212: {  	s4 =	simm.s32 @p1 $0x1;
	[sflag:s2] =	ssyncadd.s32 @!p0 $0xFFFFC000;
	p0 =	por @!p4 $0x0, $0x0  }
0x213: {  	[smem:$0x7E8] =	sst s4;
	s2 =	simm.s32 @!p1 $0x0;
	s4 =	simm.s32 @!p0 $0x0  }
0x214: {  	[hbm4b:s13+s2] =	stream.linear.scatter @!p1 [tilespmem:s2], [sflag:$0x5], $0x1000, $0x38;
	[tilespmem:$0x18908] =	vst v63  }
0x215: {  	s28 =	sadd.s32 $0x1, s23;
	s2 =	sadd.s32 @!p4 $0xFFFFE800, s22;
	s4 =	simm.s32 @p0 $0x1  }
0x216: {  	p1 =	sgt.u32 s5, $0x18;
	[smem:$0x7EC] =	sst s4;
	s4 =	simm.s32 @!p4 $0x0  }
0x217: {  	[hbm4b:s2+s4] =	stream.linear.scatter @!p4 [tilespmem:s4], [sflag:$0x5], $0x4000, $0x38;
	[tilespmem:$0x18908] =	vst v63  }
0x218: {  	p2 =	sgt.u32 @!p1 s28, $0x30D;
	p0 =	seq.s32 s31, $0x0;
	s2 =	sadd.s32 $0x2, s23  }
0x219: {  	p6 =	por p2, p1;
	p1 =	por p3, p3;
	p3 =	sgt.u32 @!p3 s2, $0x30D  }
0x21a: {  	s24 =	sadd.s32 $0x3, s24;
	p0 =	por !p5, !p0;
	s5 =	simm.s32 @!p3 $0x0  }
0x21b: {  	p2 =	slt.u32 s28, $0x30D;
	p0 =	por !p0, !p0;
	s5 =	simm.s32 @p3 $0x1  }
0x21c: {  	s4 =	simm.s32 @!p6 $0x2;
	[smem:$0x7E6] =	sst s5;
	s5 =	simm.s32 @!p0 $0x0  }
0x21d: {  	s28 =	sadd.s32 $0x3, s23;
	_ =	swait.ge @!p6 [sflag:s4], $0x4000;
	s5 =	simm.s32 @p0 $0x1  }
0x21e: {  	p5 =	por !p5, !p2;
	s25 =	simm.s32 @p0 $0x0;
	[smem:$0x7F2] =	sst s5  }
0x21f: {  	p3 =	slt.u32 s26, $0x19;
	s26 =	simm.s32 @p0 $0x4000;
	s5 =	sld [smem:$0x7E6]  }
0x220: {  	p0 =	slt.u32 s2, $0x30D;
	s2 =	sadd.s32 $0xFFFFFCF5, s23;
	[sflag:s4] =	ssyncset.done @!p6 $0x0  }
0x221: {  	p2 =	por !p3, !p0;
	p0 =	por !p5, !p5;
	p5 =	slt.u32 s28, $0x30D  }
0x222: {  	[sflag:s4] =	ssyncadd.s32 @!p6 $0xFFFFC000;
	p6 =	seq.s32 s5, $0x1;
	s5 =	simm.s32 @!p0 $0x0  }
0x223: {  	p6 =	por p6, p1;
	p1 =	por p3, p3;
	s5 =	simm.s32 @p0 $0x1  }
0x224: {  	p3 =	por !p2, !p2;
	p2 =	seq.s32 s2, $0x0;
	s2 =	simm.s32 @!p5 $0x0  }
0x225: {  	s31 =	simm.s32 @p0 $0x0;
	[smem:$0x7F1] =	sst s5;
	s2 =	simm.s32 @p5 $0x1  }
0x226: {  	s5 =	simm.s32 @p0 $0x4000;
	p2 =	por !p1, !p2;
	p5 =	sgt.u32 s24, $0x18  }
0x227: {  	p1 =	slt.u32 s24, $0x19;
	[smem:$0x7E7] =	sst s2;
	s2 =	sadd.s32 @p0 $0xFFFFF000, s22  }
0x228: {  	[hbm4b:s2+s31] =	stream.linear.scatter @p0 [tilespmem:s5], [sflag:$0x6], $0x4000, $0x38;
	[tilespmem:$0x18908] =	vst v63  }
0x229: {  	s24 =	sld [smem:$0x7F2];
	s2 =	simm.s32 @!p1 $0x0;
	p0 =	sgt.u32 @!p5 s28, $0x30D  }
0x22a: {  	s2 =	simm.s32 @p1 $0x1;
	s5 =	simm.s32 @!p0 $0x0  }
0x22b: {  	[smem:$0x7ED] =	sst s2;
	s5 =	simm.s32 @p0 $0x1  }
0x22c: {  	s4 =	simm.s32 @!p6 $0x3;
	p0 =	seq.s32 s24, $0x1;
	[smem:$0x7E9] =	sst s5  }
0x22d: {  	[hbm4b:s13+s25] =	stream.linear.scatter @p0 [tilespmem:s26], [sflag:$0x6], $0x1000, $0x38;
	[tilespmem:$0x18908] =	vst v63  }
0x22e: {  	s5 =	simm.s32 @!p3 $0x0;
	_ =	swait.ge @!p6 [sflag:s4], $0x4000  }
0x22f: {  	p4 =	por @!p4 $0x1, $0x1;
	s5 =	simm.s32 @p3 $0x1;
	s25 =	sld [smem:$0x7E7]  }
0x230: {  	p2 =	por !p2, !p2;
	s2 =	sadd.s32 $0xFFFFFCF6, s23;
	[smem:$0x7FC] =	sst s5  }
0x231: {  	p0 =	por p3, p3;
	s5 =	simm.s32 @p3 $0x0;
	s26 =	sld [smem:$0x7E8]  }
0x232: {  	[sflag:s4] =	ssyncset.done @!p6 $0x0;
	s28 =	sld [smem:$0x7E9];
	p3 =	seq.s32 s25, $0x1  }
0x233: {  	[sflag:s4] =	ssyncadd.s32 @!p6 $0xFFFFC000;
	s4 =	sadd.s32 @p0 $0xFFFFF800, s22;
	p1 =	por !p1, !p3  }
0x234: {  	s25 =	simm.s32 @p2 $0x8000;
	p3 =	por p2, p2;
	s24 =	simm.s32 @!p1 $0x0  }
0x235: {  	s24 =	simm.s32 @p1 $0x1;
	p1 =	seq.s32 s26, $0x1;
	s26 =	simm.s32 @!p2 $0x0  }
0x236: {  	[smem:$0x7EA] =	sst s24;
	s24 =	simm.s32 @p2 $0x0;
	s26 =	simm.s32 @p2 $0x1  }
0x237: {  	p2 =	seq.s32 s28, $0x1;
	[smem:$0x7FB] =	sst s26;
	s26 =	simm.s32 @p0 $0x8000  }
0x238: {  	[hbm4b:s4+s5] =	stream.linear.scatter @p0 [tilespmem:s26], [sflag:$0x7], $0x4000, $0x38;
	[tilespmem:$0x18908] =	vst v63  }
0x239: {  	p2 =	por p2, p5;
	p5 =	por p1, p1;
	p0 =	por @!p1 $0x0, $0x0  }
0x23a: {  	s31 =	sld [smem:$0x7EA];
	p4 =	por @!p1 p0, p0;
	p1 =	seq.s32 s2, $0x0  }
0x23b: {  	[hbm4b:s13+s24] =	stream.linear.scatter @p3 [tilespmem:s25], [sflag:$0x7], $0x1000, $0x38;
	[tilespmem:$0x18908] =	vst v63  }
0x23c: {  	s4 =	simm.s32 @!p2 $0x4;
	s2 =	simm.s32 @!p1 $0x0  }
0x23d: {  	s26 =	sld [smem:$0x7EB];
	_ =	swait.ge @!p2 [sflag:s4], $0x4000;
	s2 =	simm.s32 @p1 $0x1  }
0x23e: {  	p6 =	seq.s32 s31, $0x1;
	[smem:$0x7EE] =	sst s2  }
0x23f: {  	p0 =	por !p6, !p6;
	s28 =	sld [smem:$0x7EC]  }
0x240: {  	p6 =	por $0x0, $0x0;
	p3 =	seq.s32 s26, $0x1;
	s31 =	sld [smem:$0x7ED]  }
0x241: {  	p6 =	por @!p3 p4, p4;
	s24 =	sld [smem:$0x7EE]  }
0x242: {  	p4 =	por @!p5 $0x1, $0x1;
	s5 =	simm.s32 @!p0 $0x0;
	p1 =	seq.s32 s28, $0x1  }
0x243: {  	s2 =	simm.s32 @p0 $0xC000;
	s5 =	simm.s32 @p0 $0x1;
	p1 =	por @!p5 p4, p4  }
0x244: {  	p5 =	por p0, p0;
	p0 =	seq.s32 s31, $0x1;
	p4 =	seq.s32 s24, $0x1  }
0x245: {  	[sflag:s4] =	ssyncset.done @!p2 $0x0;
	p0 =	por !p0, !p4  }
0x246: {  	[sflag:s4] =	ssyncadd.s32 @!p2 $0xFFFFC000;
	s4 =	simm.s32 @p5 $0x0;
	p0 =	por !p0, !p0  }
0x247: {  	[hbm4b:s22+s4] =	stream.linear.scatter @p5 [tilespmem:s2], [sflag:$0x8], $0x4000, $0x38;
	[tilespmem:$0x18908] =	vst v63  }
0x248: {  	[smem:$0x7F4] =	sst s5;
	s28 =	simm.s32 @!p0 $0x0  }
0x249: {  	s24 =	simm.s32 @p0 $0x0;
	s25 =	simm.s32 @p0 $0xC000;
	s28 =	simm.s32 @p0 $0x1  }
0x24a: {  	[hbm4b:s13+s24] =	stream.linear.scatter @p0 [tilespmem:s25], [sflag:$0x8], $0x1000, $0x38;
	[tilespmem:$0x18908] =	vst v63  }
0x24b: {  	s5 =	simm.s32 @p6 $0x5;
	[smem:$0x7F8] =	sst s28  }
0x24c: {  	_ =	swait.ge @p6 [sflag:s5], $0x4000  }
0x24d: {  	s28 =	sld [smem:$0x7F0]  }
0x24e: {  	s25 =	sld [smem:$0x7EF]  }
0x24f: {  	p2 =	por $0x0, $0x0  }
0x250: {  	s26 =	sadd.s32 $0x5, s23;
	p2 =	por @!p3 p1, p1;
	p5 =	seq.s32 s28, $0x1  }
0x251: {  	s4 =	sadd.s32 $0x4, s23;
	p3 =	seq.s32 s25, $0x1;
	p1 =	sgt.u32 @!p5 s26, $0x30D  }
0x252: {  	p0 =	sgt.u32 @!p3 s4, $0x30D;
	s4 =	simm.s32 @!p1 $0x0  }
0x253: {  	s2 =	simm.s32 @p2 $0x5;
	[sflag:s5] =	ssyncset.done @p6 $0x0;
	s4 =	simm.s32 @p1 $0x1  }
0x254: {  	[sflag:s5] =	ssyncadd.s32 @p6 $0xFFFFC000;
	p0 =	por p0, p3;
	[smem:$0x7F3] =	sst s4  }
0x255: {  	s5 =	simm.s32 @!p0 $0x0;
	_ =	swait.ge @p2 [sflag:s2], $0x1000  }
0x256: {  	s4 =	sadd.s32 $0x6, s23;
	[sflag:s2] =	ssyncset.done @p2 $0x0;
	s31 =	sld [smem:$0x7F1]  }
0x257: {  	p3 =	sgt.u32 @!p5 s4, $0x30D;
	s4 =	simm.s32 @!p0 $0x80;
	[sflag:s2] =	ssyncadd.s32 @p2 $0xFFFFF000  }
0x258: {  	[tilespmem:s5], [sflag:$0x1] =	stream.indirect.gather @!p0 [spmem:s1], $0x80, s21, s4, $0xb8;
	[tilespmem:$0x18908] =	vst v63  }
0x259: {  	p1 =	seq.s32 s31, $0x1  }
0x25a: {  	s24 =	simm.s32 @p1 $0x6  }
0x25b: {  	_ =	swait.ge @p1 [sflag:s24], $0x4000  }
0x25c: {  	s5 =	sld [smem:$0x7F2]  }
0x25d: {  	s23 =	sadd.s32 $0x7, s23;
	s26 =	sld [smem:$0x7F3]  }
0x25e: {  	p2 =	sgt.u32 @!p5 s23, $0x30D;
	s25 =	sld [smem:$0x7FC]  }
0x25f: {  	s23 =	sld [smem:$0x7FB];
	[sflag:s24] =	ssyncset.done @p1 $0x0;
	p4 =	seq.s32 s5, $0x1  }
0x260: {  	[sflag:s24] =	ssyncadd.s32 @p1 $0xFFFFC000;
	p0 =	seq.s32 s26, $0x1;
	s2 =	simm.s32 @p4 $0x6  }
0x261: {  	p1 =	seq.s32 s25, $0x1;
	p0 =	por p0, p5;
	_ =	swait.ge @p4 [sflag:s2], $0x1000  }
0x262: {  	s24 =	simm.s32 @p1 $0x7;
	s4 =	sadd.s32 @!p0 $0x80, s21;
	[sflag:s2] =	ssyncset.done @p4 $0x0  }
0x263: {  	s5 =	simm.s32 @!p0 $0x4000;
	[sflag:s2] =	ssyncadd.s32 @p4 $0xFFFFF000;
	s2 =	simm.s32 @!p0 $0x80  }
0x264: {  	[tilespmem:s5], [sflag:$0x2] =	stream.indirect.gather @!p0 [spmem:s1], $0x80, s4, s2, $0xb8;
	[tilespmem:$0x18908] =	vst v63  }
0x265: {  	_ =	swait.ge @p1 [sflag:s24], $0x4000  }
0x266: {  	s28 =	sld [smem:$0x7F4]  }
0x267: {  	s31 =	sld [smem:$0x7F5]  }
0x268: {  	p6 =	por p3, p5  }
0x269: {  	p3 =	por p2, p5;
	p2 =	seq.s32 s23, $0x1;
	p0 =	seq.s32 s28, $0x1  }
0x26a: {  	p5 =	por p0, p0;
	s23 =	simm.s32 @p0 $0x8;
	p0 =	seq.s32 s31, $0x1  }
.Ltmp4:
0x26b: {  	_ = 	snop;
	(pc) =	sbr.rel @p0 .LBB2_10-.Ltmp4, $3  }
0x26c: {  	_ =	sdelay $0x1  }
0x26d: {  	s0 =	smov.u32 s21;
	s30 =	sadd.s32 $0x1, s30;
	s22 =	sadd.s32 $0x2000, s22  }
0x26e: {  	s25 =	simm.s32 @p2 $0x7;
	s21 =	sadd.s32 $0x200, s21;
	[sflag:s24] =	ssyncset.done @p1 $0x0  }
0x26f: {  	[sflag:s24] =	ssyncadd.s32 @p1 $0xFFFFC000  }
0x270: {  	_ =	swait.ge @p2 [sflag:s25], $0x1000  }
0x271: {  	s2 =	simm.s32 @!p6 $0x8000;
	[sflag:s25] =	ssyncset.done @p2 $0x0  }
0x272: {  	s3 =	sadd.s32 @!p6 $0x100, s0;
	s4 =	simm.s32 @!p6 $0x80;
	[sflag:s25] =	ssyncadd.s32 @p2 $0xFFFFF000  }
0x273: {  	[tilespmem:s2], [sflag:$0x3] =	stream.indirect.gather @!p6 [spmem:s1], $0x80, s3, s4, $0xb8;
	[tilespmem:$0x18908] =	vst v63  }
0x274: {  	_ =	swait.ge @p5 [sflag:s23], $0x4000  }
0x275: {  	s31 =	sld [smem:$0x7F8];
	_ =	sdelay $0x2  }
0x276: {  	[sflag:s23] =	ssyncset.done @p5 $0x0;
	p0 =	seq.s32 s31, $0x1  }
0x277: {  	[sflag:s23] =	ssyncadd.s32 @p5 $0xFFFFC000;
	s2 =	simm.s32 @p0 $0x8  }
0x278: {  	_ =	swait.ge @p0 [sflag:s2], $0x1000  }
0x279: {  	s29 =	sadd.s32 $0x1, s29;
	[sflag:s2] =	ssyncset.done @p0 $0x0  }
0x27a: {  	[sflag:s2] =	ssyncadd.s32 @p0 $0xFFFFF000;
	p0 =	sne.s32 s29, s14  }
.Ltmp5:
0x27b: {  	_ = 	snop;
	(pc) =	sbr.rel @p0 .LBB2_1-.Ltmp5, $3  }
0x27c: {  	_ =	sdelay $0x1  }
0x27d: {  	s0 =	sadd.s32 @!p3 $0x180, s0;
	s3 =	simm.s32 @!p3 $0xC000;
	s4 =	simm.s32 @!p3 $0x80  }
0x27e: {  	[tilespmem:s3], [sflag:$0x4] =	stream.indirect.gather @!p3 [spmem:s1], $0x80, s0, s4, $0xb8;
	[tilespmem:$0x18908] =	vst v63  }
0x27f: {  	_ =	sfence.sel $0x180000  }
0x280: {  	[bflag:$0x0] =	sbarrier.arrive $0xFFFF  }
0x281: {  	_ =	strace $0x9000004D  }
0x282: {  	s0 =	stileid.u32;
	[bflag:$0x2] =	sbarrier.arrive $0xFFFF  }
0x283: {  	p0 =	sne.s32 s0, $0x0;
	s0 =	rddreg [dreg:$0x3]  }
0x284: {  	s0 =	sadd.s32 @!p0 $0x100000, s0  }
0x285: {  	[sflag:s0] =	ssyncadd.tile.s32 @!p0 $0x1;
	_ =	shalt  }
.Lfunc_end2:
_tile_overlayer_lowered:
.L_overlay_start_2:
0x286: {  	(tag) =	ssettag $0x2  }
0x287: {  	s0 =	rddreg [dreg:$0x0];
	s2 =	stileid.u32  }
0x288: {  	s1 =	rddreg [dreg:$0x1];
	p0 =	sne.s32 s2, $0x0  }
0x289: {  	s3 =	rddreg [dreg:$0x2];
	[bflag:$0x3] =	sbarrier.arrive $0xFFFF;
	s2 =	simm.s32 @!p0 $0x1C09  }
0x28a: {  	[timem:s3], [sflag:s2] =	dma.local @!p0 [hbm:s0], s1  }
0x28b: {  	s0 =	simm.s32 @!p0 $0x9  }
0x28c: {  	_ =	swait.ge @!p0 [sflag:s0], s1  }
0x28d: {  	s1 =	ssub.s32 @!p0 $0x0, s1;
	[sflag:s0] =	ssyncset.done @!p0 $0x0  }
0x28e: {  	[sflag:s0] =	ssyncadd.s32 @!p0 s1  }
0x28f: {  	[bflag:$0x3] =	sbarrier.arrive $0xFFFF  }
0x290: {  	_ =	shalt  }

// kernel: kernel.7.cloned.1.call-start
scs
__scs_entry_jumppad:
0x0: {  	(pc) =	sbr.rel $0x88, $3  }
0x1: {  	(tag) =	ssettag $0x0;
	lr =	simm.s32 $0x1  }
0x2: {  	[smem:$0x3F9A] =	sst lr;
	_ =	strace $0xD0000000  }
0x3: {  	_ = 	snop  }
0x4: {  	_ = 	snop  }
0x5: {  	_ = 	snop  }
0x6: {  	_ = 	snop  }
0x7: {  	_ = 	snop  }
__scs_overlays_trampoline_lowered:
0x8: {  	[smem:$0x3FA9] =	sst s0  }
0x9: {  	[smem:$0x3FAA] =	sst s1  }
0xa: {  	[smem:$0x3FAB] =	sst s2  }
0xb: {  	[smem:$0x3FAC] =	sst s3  }
0xc: {  	[smem:$0x3FAD] =	sst s4  }
0xd: {  	[smem:$0x3FAE] =	sst s5  }
0xe: {  	[smem:$0x3FAF] =	sst s6  }
0xf: {  	[smem:$0x3FB0] =	sst s7  }
0x10: {  	[smem:$0x3FB1] =	sst s8  }
0x11: {  	[smem:$0x3FB2] =	sst s9;
	s0 =	simm.s32 @!p0 $0x0  }
0x12: {  	s1 =	sld [smem:$0x3F98];
	s0 =	simm.s32 @p0 $0x1  }
0x13: {  	[smem:$0x3FB3] =	sst s0;
	s0 =	simm.s32 @!p1 $0x0  }
0x14: {  	s2 =	sld [smem:$0x3F97];
	s0 =	simm.s32 @p1 $0x1  }
0x15: {  	[smem:$0x3FB4] =	sst s0;
	s0 =	simm.s32 @!p2 $0x0  }
0x16: {  	s3 =	sld [smem:$0x3FDB];
	s0 =	simm.s32 @p2 $0x1  }
0x17: {  	s4 =	simm.s32 $0x1BF5;
	[smem:$0x3FB6] =	sst s0  }
0x18: {  	s0 =	sld [smem:$0x3F99];
	_ =	swait.ge [sflag:s4], $0x0  }
0x19: {  	s7 =	sld [smem:$0x3F9A]  }
0x1a: {  	s8 =	sadd.s32 $0xFFFFE003, lr  }
0x1b: {  	s9 =	sadd.s32 $0xFFFFFEF7, lr;
	s5 =	simm.s32 $0xFFFFFFFF;
	p2 =	slt.u32 s8, $0xFFFFF086  }
0x1c: {  	p1 =	slt.u32 s9, $0xF7A;
	s5 =	simm.s32 @!p2 $0x0  }
0x1d: {  	s5 =	simm.s32 @p1 $0x1;
	p0 =	seq.s32 s7, s2  }
0x1e: {  	s7 =	smul.u32 @!p0 $0xF7A, s2;
	p2 =	seq.s32 @!p0 s5, $0x0  }
0x1f: {  	s9 =	smul.u32 $0xF7A, s1;
	s8 =	simm.s32 @!p0 $0x1BF5;
	p2 =	por !p2, p0  }
0x20: {  	[sflag:s8] =	ssyncset.s32 @!p0 $0xFFFFF086;
	s6 =	sadd.s32 @!p0 s3, s7;
	s7 =	simm.s32 @!p0 $0x108  }
0x21: {  	s3 =	sadd.s32 s3, s9;
	s6 =	sadd.s32 @!p0 $0x88, s6;
	s7 =	simm.s32 @p2 $0x1082  }
0x22: {  	[simem:s7], [sflag:s8] =	dma.local @!p0 [hbm:s6], $0xF7A  }
0x23: {  	s9 =	sor.u32 $0xD0000000, s2;
	s6 =	simm.s32 $0x108;
	_ =	swait.ge @!p0 [sflag:s8], $0x0  }
0x24: {  	s3 =	sadd.s32 $0x88, s3;
	s6 =	simm.s32 @!p1 $0x1082;
	[sflag:s4] =	ssyncset.s32 $0xFFFFF086  }
0x25: {  	[simem:s6], [sflag:s4] =	dma.local [hbm:s3], $0xF7A  }
0x26: {  	[smem:$0x3F9A] =	sst s1;
	(tag) =	ssettag s2;
	_ =	strace s9  }
0x27: {  	s1 =	sld [smem:$0x3FAA]  }
0x28: {  	s2 =	sld [smem:$0x3FAB]  }
0x29: {  	s4 =	sld [smem:$0x3FAD]  }
0x2a: {  	p0 =	seq.s32 s5, $0x0;
	s5 =	sld [smem:$0x3FAE]  }
0x2b: {  	s6 =	sld [smem:$0x3FAF]  }
0x2c: {  	s7 =	sld [smem:$0x3FB0]  }
0x2d: {  	s3 =	simm.s32 $0x108;
	s8 =	sld [smem:$0x3FB1]  }
0x2e: {  	s3 =	simm.s32 @!p0 $0x1082;
	s9 =	sld [smem:$0x3FB2]  }
0x2f: {  	lr =	sadd.s32 s0, s3;
	s0 =	sld [smem:$0x3FA9]  }
0x30: {  	s3 =	sld [smem:$0x3FAC]  }
0x31: {  	[smem:$0x3FB5] =	sst s10  }
0x32: {  	s10 =	sld [smem:$0x3FB3];
	_ =	sdelay $0x3  }
0x33: {  	p0 =	seq.s32 s10, $0x1;
	s10 =	sld [smem:$0x3FB5];
	_ =	sdelay $0x3  }
0x34: {  	[smem:$0x3FB5] =	sst s10  }
0x35: {  	s10 =	sld [smem:$0x3FB4];
	_ =	sdelay $0x3  }
0x36: {  	p1 =	seq.s32 s10, $0x1;
	s10 =	sld [smem:$0x3FB5];
	_ =	sdelay $0x3  }
0x37: {  	[smem:$0x3FB5] =	sst s10  }
0x38: {  	s10 =	sld [smem:$0x3FB6]  }
0x39: {  	_ = 	snop;
	(pc) =	sbr.ind lr, $3  }
0x3a: {  	_ = 	snop  }
0x3b: {  	_ = 	snop  }
0x3c: {  	p2 =	seq.s32 s10, $0x1;
	s10 =	sld [smem:$0x3FB5]  }
0x3d: {  	_ =	shalt  }
0x3e: {  	_ =	shalt  }
0x3f: {  	_ =	shalt  }
0x40: {  	_ =	shalt  }
0x41: {  	_ =	shalt  }
0x42: {  	_ =	shalt  }
0x43: {  	_ =	shalt  }
0x44: {  	_ =	shalt  }
0x45: {  	_ =	shalt  }
0x46: {  	_ =	shalt  }
0x47: {  	_ =	shalt  }
0x48: {  	_ =	shalt  }
0x49: {  	_ =	shalt  }
0x4a: {  	_ =	shalt  }
0x4b: {  	_ =	shalt  }
0x4c: {  	_ =	shalt  }
0x4d: {  	_ =	shalt  }
0x4e: {  	_ =	shalt  }
0x4f: {  	_ =	shalt  }
0x50: {  	_ =	shalt  }
0x51: {  	_ =	shalt  }
0x52: {  	_ =	shalt  }
0x53: {  	_ =	shalt  }
0x54: {  	_ =	shalt  }
0x55: {  	_ =	shalt  }
0x56: {  	_ =	shalt  }
0x57: {  	_ =	shalt  }
0x58: {  	_ =	shalt  }
0x59: {  	_ =	shalt  }
0x5a: {  	_ =	shalt  }
0x5b: {  	_ =	shalt  }
0x5c: {  	_ =	shalt  }
0x5d: {  	_ =	shalt  }
0x5e: {  	_ =	shalt  }
0x5f: {  	_ =	shalt  }
0x60: {  	_ =	shalt  }
0x61: {  	_ =	shalt  }
0x62: {  	_ =	shalt  }
0x63: {  	_ =	shalt  }
0x64: {  	_ =	shalt  }
0x65: {  	_ =	shalt  }
0x66: {  	_ =	shalt  }
0x67: {  	_ =	shalt  }
0x68: {  	_ =	shalt  }
0x69: {  	_ =	shalt  }
0x6a: {  	_ =	shalt  }
0x6b: {  	_ =	shalt  }
0x6c: {  	_ =	shalt  }
0x6d: {  	_ =	shalt  }
0x6e: {  	_ =	shalt  }
0x6f: {  	_ =	shalt  }
0x70: {  	_ =	shalt  }
0x71: {  	_ =	shalt  }
0x72: {  	_ =	shalt  }
0x73: {  	_ =	shalt  }
0x74: {  	_ =	shalt  }
0x75: {  	_ =	shalt  }
0x76: {  	_ =	shalt  }
0x77: {  	_ =	shalt  }
0x78: {  	_ =	shalt  }
0x79: {  	_ =	shalt  }
0x7a: {  	_ =	shalt  }
0x7b: {  	_ =	shalt  }
0x7c: {  	_ =	shalt  }
0x7d: {  	_ =	shalt  }
0x7e: {  	_ =	shalt  }
0x7f: {  	_ =	shalt  }
0x80: {  	_ =	shalt  }
0x81: {  	_ =	shalt  }
0x82: {  	_ =	shalt  }
0x83: {  	_ =	shalt  }
0x84: {  	_ =	shalt  }
0x85: {  	_ =	shalt  }
0x86: {  	_ =	shalt  }
0x87: {  	_ =	shalt  }
.Lfunc_end0:
.L_simem_size_0:
called_computation_lowered:
.L_overlay_start_0:
0x88: {  	s2 =	sld [smem:$0x3FD9]  }
0x89: {  	s3 =	sld [smem:$0x3FFE];
	_ =	sdelay $0x1  }
0x8a: {  	s1 =	srdreg.scid  }
0x8b: {  	s0 =	sand.u32 $0x1, s1  }
0x8c: {  	s14 =	sshll.u32 s0, $0xA;
	s2 =	sadd.s32 s3, s2  }
0x8d: {  	s2 =	sadd.s32 s2, s14  }
0x8e: {  	[smem:$0x3FC1] =	sst s2  }
0x8f: {  	_ = 	snop  }
0x90: {  	s2 =	sld [smem:$0x3FD0];
	_ =	sdelay $0x2  }
0x91: {  	s15 =	simm.s32 $0xB;
	s4 =	simm.s32 $0x10  }
0x92: {  	[smem:s4], [sflag:s15] =	dma.local [hbm:s2], $0x1  }
0x93: {  	_ =	swait.eq [sflag:s15], $0x1  }
0x94: {  	[sflag:s15] =	ssyncset.done $0x0  }
0x95: {  	[sflag:s15] =	ssyncadd.s32 $0xFFFFFFFF  }
0x96: {  	s16 =	sld [smem:$0x10];
	(tm) =	ssettm $0x1  }
0x97: {  	s17 =	sld [smem:$0x3FFB];
	_ =	sdelay $0x3  }
0x98: {  	_ =	strace s17  }
0x99: {  	s3 =	sld [smem:$0x3FFC];
	_ =	sdelay $0x3  }
0x9a: {  	_ =	strace s3  }
0x9b: {  	s3 =	sld [smem:$0x3FFD];
	_ =	sdelay $0x3  }
0x9c: {  	_ =	strace s3  }
0x9d: {  	_ =	strace $0x8FFFFFFF  }
0x9e: {  	s18 =	sld [smem:$0x3FDB];
	_ =	sdelay $0x1  }
0x9f: {  	s19 =	simm.s32 $_scs_section_size  }
0xa0: {  	s5 =	simm.s32 $_size__tile_overlayer_lowered;
	s6 =	simm.s32 $_tile_overlayer_lowered  }
0xa1: {  	s22 =	simm.s32 $0x1BFF;
	s21 =	sshll.u32 s6, $0x1;
	s3 =	sadd.s32 s19, s18  }
0xa2: {  	s7 =	simm.s32 $0x0;
	s20 =	sshll.u32 s5, $0x1;
	s5 =	sadd.s32 s21, s3  }
0xa3: {  	[timem:s7], [sflag:s22] =	dma.local [hbm:s5], s20  }
0xa4: {  	_ =	swait.ge [sflag:s22], s20  }
0xa5: {  	s4 =	ssub.s32 $0x0, s20;
	[sflag:s22] =	ssyncset.done $0x0  }
0xa6: {  	[sflag:s22] =	ssyncadd.s32 s4;
	_ =	sdelay $0x1  }
0xa7: {  	s23 =	simm.s32 $0x1B8B  }
0xa8: {  	_ =	swait.ge [sflag:s23], $0x1  }
0xa9: {  	[sflag:s23] =	ssyncset.done $0x0  }
0xaa: {  	s25 =	simm.s32 $0x1B8E;
	s24 =	sld [smem:$0x3FFE];
	[sflag:s23] =	ssyncadd.s32 $0xFFFFFFFF  }
0xab: {  	s26 =	simm.s32 $execute0_lowered;
	[smem:$0x3FD2] =	sst s25  }
0xac: {  	s5 =	sshll.u32 s26, $0x1;
	_ =	strace $0x80000046;
	[dreg:$0x1] =	wrdreg $0xFFFFFFFF  }
0xad: {  	s28 =	simm.s32 $_size_execute0_lowered;
	s3 =	sadd.s32 s3, s5;
	[dreg:$0x0] =	wrdreg $0x0  }
0xae: {  	s5 =	sshll.u32 s28, $0x1;
	[dreg:$0x2] =	wrdreg s3  }
0xaf: {  	[dreg:$0x3] =	wrdreg s5  }
0xb0: {  	[dreg:$0x4] =	wrdreg $0xC0  }
0xb1: {  	_ =	task [dreg:s7], $0x5FFFF  }
0xb2: {  	[dreg:$0x1] =	wrdreg $0xFFFFFFFF  }
0xb3: {  	[dreg:$0x0] =	wrdreg $0x60  }
0xb4: {  	[dreg:$0x2] =	wrdreg s16  }
0xb5: {  	[dreg:$0x3] =	wrdreg s24  }
0xb6: {  	[dreg:$0x4] =	wrdreg $0x95000  }
0xb7: {  	[dreg:$0x5] =	wrdreg $0x9  }
0xb8: {  	_ =	task.clear_ibuf [dreg:s7], $0x6FFFF;
	_ =	strace $0x90000046  }
0xb9: {  	s29 =	simm.s32 $0x9;
	_ =	strace $0x80000048  }
0xba: {  	_ =	swait.ge [sflag:s29], $0x1  }
0xbb: {  	[sflag:s29] =	ssyncadd.s32 $0xFFFFFFFF  }
0xbc: {  	_ =	strace $0x90000048  }
0xbd: {  	_ =	sfence  }
0xbe: {  	s30 =	sld [smem:$0x0];
	_ =	sdelay $0x2  }
0xbf: {  	s31 =	sshll.u32 s1, $0xD;
	s1 =	sshrl.u32 s1, $0x2  }
0xc0: {  	s3 =	sand.u32 $0x4000, s31;
	s1 =	sadd.s32 s1, s30  }
0xc1: {  	s0 =	sor.u32 s3, s0;
	s1 =	sshll.u32 s1, $0x11  }
0xc2: {  	s0 =	sor.u32 s1, s0  }
0xc3: {  	s0 =	sadd.s32 $0x8F2B, s0  }
0xc4: {  	[sflag:s0] =	ssyncadd.remote.s32 $0x1  }
0xc5: {  	_ =	sfence.sel $0xFFFF  }
0xc6: {  	[dreg:$0x0] =	wrdreg $0xFFFFFFFF;
	(pc) =	sbr.abs _section_cstart, $3  }
0xc7: {  	[dreg:$0x1] =	wrdreg $0xFFFFFFFF  }
0xc8: {  	_ =	task.clear_ibuf [dreg:s7], $0x2FFFF;
	_ =	strace $0x9FFFFFFF  }
0xc9: {  	(tm) =	ssettm $0x7FFFFFFF  }
tec
execute0_lowered:
.L_overlay_start_1:
0x0: {  	(tag) =	ssettag $0x1  }
0x1: {  	s12 =	rddreg [dreg:$0x0]  }
0x2: {  	s8 =	rddreg [dreg:$0x1]  }
0x3: {  	s1 =	rddreg [dreg:$0x2]  }
0x4: {  	s3 =	simm.s32 $0x0;
	s4 =	srdreg.scid;
	s2 =	stileid.u32  }
0x5: {  	[smem:$0x7FF] =	sst s3;
	s13 =	sand.u32 $0x1, s4;
	s19 =	smul.u32 $0x680, s2  }
0x6: {  	s4 =	sadd.s32 $0x6400, s8;
	s5 =	sshll.u32 s2, $0xA;
	s28 =	smul.u32 $0x6800, s2  }
0x7: {  	s25 =	sshll.u32 s2, $0xD;
	s26 =	sshll.u32 s2, $0x6;
	s31 =	smul.u32 $0xD, s2  }
0x8: {  	_ =	strace $0x80000047;
	s6 =	ssub.s32 $0x2, s13;
	s10 =	sadd.s32 s5, s8  }
0x9: {  	s7 =	sshll.u32 s13, $0x4;
	s17 =	sadd.s32 s25, s1;
	s15 =	smul.u32 $0x6800, s13  }
0xa: {  	s5 =	sor.u32 $0x1C03, s26;
	s16 =	sshll.u32 s13, $0xE;
	s20 =	smul.u32 $0x68000, s13  }
0xb: {  	s30 =	smul.u32 $0xD0, s13;
	s24 =	sshrl.u32 s6, $0x1;
	s18 =	sor.u32 s2, s7  }
0xc: {  	s7 =	sadd.s32 $0x1860, s8;
	s16 =	sadd.s32 s16, s10;
	s17 =	sshrl.u32 s17, $0x3  }
0xd: {  	s14 =	ssub.s32 s6, s24;
	s9 =	smul.u32 $0x680, s18;
	p2 =	sgt.u32 s18, $0x1D  }
0xe: {  	s6 =	sadd.s32 $0x4A60, s8;
	s11 =	smul.u32 $0x6800, s18;
	p0 =	sne.s32 @p2 s18, $0x1E  }
0xf: {  	s29 =	sadd.s32 s20, s12;
	s13 =	sadd.s32 $0x6800, s16;
	p1 =	por p0, !p2  }
0x10: {  	s16 =	sadd.s32 s31, s30;
	s14 =	smax.u32 s14, $0x1;
	s0 =	simm.s32 @!p1 $0x0  }
0x11: {  	s18 =	simm.s32 $0x3;
	p0 =	por !p0, !p2;
	s0 =	simm.s32 @p1 $0x1  }
0x12: {  	s9 =	sshrl.u32 s9, $0x3;
	[smem:$0x7FB] =	sst s0;
	s0 =	simm.s32 @!p0 $0x0  }
0x13: {  	s10 =	sadd.s32 s12, s11;
	s11 =	sadd.s32 s19, s15;
	s0 =	simm.s32 @p0 $0x1  }
0x14: {  	s12 =	sadd.s32 $0xC3000, s12;
	[smem:$0x7FC] =	sst s0;
	s0 =	simm.s32 @!p2 $0x0  }
0x15: {  	s15 =	sadd.s32 s28, s29;
	s8 =	sadd.s32 s8, s9;
	s0 =	simm.s32 @p2 $0x1  }
0x16: {  	s15 =	sadd.s32 $0x1000, s15;
	s9 =	sadd.s32 $0x3200, s8;
	[smem:$0x7FD] =	sst s0  }
.LBB2_1:
0x17: {  	[spmem:s17], [sflag:s5] =	dma.local [hbm:s4], $0x400  }
0x18: {  	_ =	swait.ge [sflag:s18], $0x400  }
0x19: {  	s0 =	sld [smem:$0x7FB];
	_ =	sdelay $0x2  }
0x1a: {  	[sflag:s18] =	ssyncset.done $0x0;
	p1 =	seq.s32 s0, $0x1  }
0x1b: {  	[sflag:s18] =	ssyncadd.s32 $0xFFFFFC00;
	s19 =	simm.s32 @!p1 $0x0;
	s20 =	simm.s32 @!p1 $0x8800  }
0x1c: {  	[tilespmem:s20], [sflag:$0x3] =	stream.linear.gather @!p1 [hbm4b:s6+s19], $0x50, $0x38;
	[tilespmem:$0xB508] =	vst v63  }
0x1d: {  	s20 =	simm.s32 @!p1 $0x3  }
0x1e: {  	_ =	swait.ge @!p1 [sflag:s20], $0x50  }
0x1f: {  	[sflag:s20] =	ssyncset.done @!p1 $0x0  }
0x20: {  	s21 =	simm.s32 @!p1 $0x8E80;
	[sflag:s20] =	ssyncadd.s32 @!p1 $0xFFFFFFB0  }
0x21: {  	[tilespmem:s21], [sflag:$0x3] =	stream.linear.gather @!p1 [hbm4b:s7+s19], $0x50, $0x38;
	[tilespmem:$0xB508] =	vst v63  }
0x22: {  	_ =	swait.ge @!p1 [sflag:s20], $0x50  }
0x23: {  	[sflag:s20] =	ssyncset.done @!p1 $0x0  }
0x24: {  	s19 =	simm.s32 @!p2 $0x0;
	[sflag:s20] =	ssyncadd.s32 @!p1 $0xFFFFFFB0;
	s20 =	simm.s32 @!p2 $0x8800  }
0x25: {  	[tilespmem:s20], [sflag:$0x3] =	stream.linear.gather @!p2 [hbm4b:s9+s19], $0x680, $0x38;
	[tilespmem:$0xB508] =	vst v63  }
0x26: {  	s20 =	simm.s32 @!p2 $0x3  }
0x27: {  	_ =	swait.ge @!p2 [sflag:s20], $0x680  }
0x28: {  	[sflag:s20] =	ssyncset.done @!p2 $0x0  }
0x29: {  	s21 =	simm.s32 @!p2 $0x8E80;
	[sflag:s20] =	ssyncadd.s32 @!p2 $0xFFFFF980  }
0x2a: {  	[tilespmem:s21], [sflag:$0x3] =	stream.linear.gather @!p2 [hbm4b:s8+s19], $0x680, $0x38;
	[tilespmem:$0xB508] =	vst v63  }
0x2b: {  	_ =	swait.ge @!p2 [sflag:s20], $0x680  }
0x2c: {  	[sflag:s20] =	ssyncset.done @!p2 $0x0  }
0x2d: {  	s19 =	simm.s32 $0x8840;
	[sflag:s20] =	ssyncadd.s32 @!p2 $0xFFFFF980  }
0x2e: {  	s20 =	simm.s32 $0x8EC0;
	v0 =	vld [tilespmem:s19+$0xFFFFFFC0]  }
0x2f: {  	v1 =	vld [tilespmem:s20+$0xFFFFFFC0];
	_ =	sdelay $0x3  }
0x30: {  	v0 =	vmax.f32 v0, $0.0e+00  }
0x31: {  	v1 =	vmax.f32 v1, $0.0e+00;
	v0 =	vmin.f32 v0, $1.000000000e+00  }
0x32: {  	v1 =	vmin.f32 v1, $1.000000000e+00;
	v0 =	vmul.f32 $3.200000000e+01, v0  }
0x33: {  	v1 =	vmul.f32 $3.200000000e+01, v1  }
0x34: {  	v0 =	vtrunc.f32 v0  }
0x35: {  	v1 =	vtrunc.f32 v1;
	v0 =	vcvt.f32.s32 v0  }
0x36: {  	v1 =	vcvt.f32.s32 v1  }
0x37: {  	vm0 =	vgt.s32 v0, $0x0  }
0x38: {  	vm13 =	vgt.s32 v1, $0x0;
	v0 =	vnsel vm0, $0x0, v0  }
0x39: {  	v1 =	vnsel vm13, $0x0, v1;
	v0 =	vmin.u32 v0, $0x1F  }
0x3a: {  	s22 =	sadd.s32 $0x0, s11;
	v1 =	vmin.u32 v1, $0x1F;
	v0 =	vshll.u32 v0, $0x5  }
0x3b: {  	p0 =	slt.u32 s22, $0xC350;
	v0 =	vor.u32 v1, v0  }
0x3c: {  	s21 =	simm.s32 $0x8040;
	v0 =	vpsel !p0, $0x400, v0  }
0x3d: {  	[tilespmem:s21+$0xFFFFFFC0] =	vst v0  }
0x3e: {  	v0 =	vld [tilespmem:s19+$0xFFFFFFD0]  }
0x3f: {  	v1 =	vld [tilespmem:s20+$0xFFFFFFD0];
	_ =	sdelay $0x3  }
0x40: {  	v0 =	vmax.f32 v0, $0.0e+00  }
0x41: {  	v1 =	vmax.f32 v1, $0.0e+00;
	v0 =	vmin.f32 v0, $1.000000000e+00  }
0x42: {  	v1 =	vmin.f32 v1, $1.000000000e+00;
	v0 =	vmul.f32 $3.200000000e+01, v0  }
0x43: {  	v1 =	vmul.f32 $3.200000000e+01, v1  }
0x44: {  	v0 =	vtrunc.f32 v0  }
0x45: {  	v1 =	vtrunc.f32 v1;
	v0 =	vcvt.f32.s32 v0  }
0x46: {  	v1 =	vcvt.f32.s32 v1  }
0x47: {  	vm14 =	vgt.s32 v0, $0x0  }
0x48: {  	vm15 =	vgt.s32 v1, $0x0;
	v0 =	vnsel vm14, $0x0, v0  }
0x49: {  	v1 =	vnsel vm15, $0x0, v1;
	v0 =	vmin.u32 v0, $0x1F  }
0x4a: {  	s23 =	sadd.s32 $0x10, s22;
	v1 =	vmin.u32 v1, $0x1F;
	v0 =	vshll.u32 v0, $0x5  }
0x4b: {  	p4 =	slt.u32 s23, $0xC350;
	v0 =	vor.u32 v1, v0  }
0x4c: {  	v0 =	vpsel !p4, $0x400, v0  }
0x4d: {  	[tilespmem:s21+$0xFFFFFFD0] =	vst v0  }
0x4e: {  	v0 =	vld [tilespmem:s19+$0xFFFFFFE0]  }
0x4f: {  	v1 =	vld [tilespmem:s20+$0xFFFFFFE0];
	_ =	sdelay $0x3  }
0x50: {  	v0 =	vmax.f32 v0, $0.0e+00  }
0x51: {  	v1 =	vmax.f32 v1, $0.0e+00;
	v0 =	vmin.f32 v0, $1.000000000e+00  }
0x52: {  	v1 =	vmin.f32 v1, $1.000000000e+00;
	v0 =	vmul.f32 $3.200000000e+01, v0  }
0x53: {  	v1 =	vmul.f32 $3.200000000e+01, v1  }
0x54: {  	v0 =	vtrunc.f32 v0  }
0x55: {  	v1 =	vtrunc.f32 v1;
	v0 =	vcvt.f32.s32 v0  }
0x56: {  	v1 =	vcvt.f32.s32 v1  }
0x57: {  	vm4 =	vgt.s32 v0, $0x0  }
0x58: {  	vm5 =	vgt.s32 v1, $0x0;
	v0 =	vnsel vm4, $0x0, v0  }
0x59: {  	v1 =	vnsel vm5, $0x0, v1;
	v0 =	vmin.u32 v0, $0x1F  }
0x5a: {  	s25 =	sadd.s32 $0x20, s22;
	v1 =	vmin.u32 v1, $0x1F;
	v0 =	vshll.u32 v0, $0x5  }
0x5b: {  	p5 =	slt.u32 s25, $0xC350;
	v0 =	vor.u32 v1, v0  }
0x5c: {  	v0 =	vpsel !p5, $0x400, v0  }
0x5d: {  	[tilespmem:s21+$0xFFFFFFE0] =	vst v0  }
0x5e: {  	v0 =	vld [tilespmem:s19+$0xFFFFFFF0]  }
0x5f: {  	v1 =	vld [tilespmem:s20+$0xFFFFFFF0];
	_ =	sdelay $0x3  }
0x60: {  	v0 =	vmax.f32 v0, $0.0e+00  }
0x61: {  	v1 =	vmax.f32 v1, $0.0e+00;
	v0 =	vmin.f32 v0, $1.000000000e+00  }
0x62: {  	v1 =	vmin.f32 v1, $1.000000000e+00;
	v0 =	vmul.f32 $3.200000000e+01, v0  }
0x63: {  	v1 =	vmul.f32 $3.200000000e+01, v1  }
0x64: {  	v0 =	vtrunc.f32 v0  }
0x65: {  	v1 =	vtrunc.f32 v1;
	v0 =	vcvt.f32.s32 v0  }
0x66: {  	v1 =	vcvt.f32.s32 v1  }
0x67: {  	vm6 =	vgt.s32 v0, $0x0  }
0x68: {  	vm7 =	vgt.s32 v1, $0x0;
	v0 =	vnsel vm6, $0x0, v0  }
0x69: {  	v1 =	vnsel vm7, $0x0, v1;
	v0 =	vmin.u32 v0, $0x1F  }
0x6a: {  	s26 =	sadd.s32 $0x30, s22;
	v1 =	vmin.u32 v1, $0x1F;
	v0 =	vshll.u32 v0, $0x5  }
0x6b: {  	p6 =	slt.u32 s26, $0xC350;
	v0 =	vor.u32 v1, v0  }
0x6c: {  	v0 =	vpsel !p6, $0x400, v0  }
0x6d: {  	[tilespmem:s21+$0xFFFFFFF0] =	vst v0  }
0x6e: {  	v0 =	vld [tilespmem:s19+$0x0]  }
0x6f: {  	v1 =	vld [tilespmem:s20+$0x0];
	_ =	sdelay $0x3  }
0x70: {  	v0 =	vmax.f32 v0, $0.0e+00  }
0x71: {  	v1 =	vmax.f32 v1, $0.0e+00;
	v0 =	vmin.f32 v0, $1.000000000e+00  }
0x72: {  	v1 =	vmin.f32 v1, $1.000000000e+00;
	v0 =	vmul.f32 $3.200000000e+01, v0  }
0x73: {  	v1 =	vmul.f32 $3.200000000e+01, v1  }
0x74: {  	v0 =	vtrunc.f32 v0  }
0x75: {  	v1 =	vtrunc.f32 v1;
	v0 =	vcvt.f32.s32 v0  }
0x76: {  	v1 =	vcvt.f32.s32 v1  }
0x77: {  	vm8 =	vgt.s32 v0, $0x0  }
0x78: {  	vm9 =	vgt.s32 v1, $0x0;
	v0 =	vnsel vm8, $0x0, v0  }
0x79: {  	v1 =	vnsel vm9, $0x0, v1;
	v0 =	vmin.u32 v0, $0x1F  }
0x7a: {  	s28 =	sadd.s32 $0x40, s22;
	v1 =	vmin.u32 v1, $0x1F;
	v0 =	vshll.u32 v0, $0x5  }
0x7b: {  	p3 =	slt.u32 s28, $0xC350;
	v0 =	vor.u32 v1, v0  }
0x7c: {  	v0 =	vpsel !p3, $0x400, v0  }
0x7d: {  	[tilespmem:s21+$0x0] =	vst v0  }
0x7e: {  	v0 =	vld [tilespmem:s19+$0x10]  }
0x7f: {  	v1 =	vld [tilespmem:s20+$0x10];
	_ =	sdelay $0x3  }
0x80: {  	v0 =	vmax.f32 v0, $0.0e+00  }
0x81: {  	v1 =	vmax.f32 v1, $0.0e+00;
	v0 =	vmin.f32 v0, $1.000000000e+00  }
0x82: {  	v1 =	vmin.f32 v1, $1.000000000e+00;
	v0 =	vmul.f32 $3.200000000e+01, v0  }
0x83: {  	v1 =	vmul.f32 $3.200000000e+01, v1  }
0x84: {  	v0 =	vtrunc.f32 v0  }
0x85: {  	v1 =	vtrunc.f32 v1;
	v0 =	vcvt.f32.s32 v0  }
0x86: {  	v1 =	vcvt.f32.s32 v1  }
0x87: {  	vm10 =	vgt.s32 v0, $0x0  }
0x88: {  	vm11 =	vgt.s32 v1, $0x0;
	v0 =	vnsel vm10, $0x0, v0  }
0x89: {  	v1 =	vnsel vm11, $0x0, v1;
	v0 =	vmin.u32 v0, $0x1F  }
0x8a: {  	s29 =	sadd.s32 $0x50, s22;
	v1 =	vmin.u32 v1, $0x1F;
	v0 =	vshll.u32 v0, $0x5  }
0x8b: {  	p4 =	slt.u32 s29, $0xC350;
	v0 =	vor.u32 v1, v0  }
0x8c: {  	v0 =	vpsel !p4, $0x400, v0  }
0x8d: {  	[tilespmem:s21+$0x10] =	vst v0  }
0x8e: {  	v0 =	vld [tilespmem:s19+$0x20]  }
0x8f: {  	v1 =	vld [tilespmem:s20+$0x20];
	_ =	sdelay $0x3  }
0x90: {  	v0 =	vmax.f32 v0, $0.0e+00  }
0x91: {  	v1 =	vmax.f32 v1, $0.0e+00;
	v0 =	vmin.f32 v0, $1.000000000e+00  }
0x92: {  	v1 =	vmin.f32 v1, $1.000000000e+00;
	v0 =	vmul.f32 $3.200000000e+01, v0  }
0x93: {  	v1 =	vmul.f32 $3.200000000e+01, v1  }
0x94: {  	v0 =	vtrunc.f32 v0  }
0x95: {  	v1 =	vtrunc.f32 v1;
	v0 =	vcvt.f32.s32 v0  }
0x96: {  	v1 =	vcvt.f32.s32 v1  }
0x97: {  	vm12 =	vgt.s32 v0, $0x0  }
0x98: {  	vm13 =	vgt.s32 v1, $0x0;
	v0 =	vnsel vm12, $0x0, v0  }
0x99: {  	v1 =	vnsel vm13, $0x0, v1;
	v0 =	vmin.u32 v0, $0x1F  }
0x9a: {  	s30 =	sadd.s32 $0x60, s22;
	v1 =	vmin.u32 v1, $0x1F;
	v0 =	vshll.u32 v0, $0x5  }
0x9b: {  	p5 =	slt.u32 s30, $0xC350;
	v0 =	vor.u32 v1, v0  }
0x9c: {  	v0 =	vpsel !p5, $0x400, v0  }
0x9d: {  	[tilespmem:s21+$0x20] =	vst v0  }
0x9e: {  	v0 =	vld [tilespmem:s19+$0x30]  }
0x9f: {  	v1 =	vld [tilespmem:s20+$0x30];
	_ =	sdelay $0x3  }
0xa0: {  	v0 =	vmax.f32 v0, $0.0e+00  }
0xa1: {  	v1 =	vmax.f32 v1, $0.0e+00;
	v0 =	vmin.f32 v0, $1.000000000e+00  }
0xa2: {  	v1 =	vmin.f32 v1, $1.000000000e+00;
	v0 =	vmul.f32 $3.200000000e+01, v0  }
0xa3: {  	v1 =	vmul.f32 $3.200000000e+01, v1  }
0xa4: {  	v0 =	vtrunc.f32 v0  }
0xa5: {  	v1 =	vtrunc.f32 v1;
	v0 =	vcvt.f32.s32 v0  }
0xa6: {  	v1 =	vcvt.f32.s32 v1  }
0xa7: {  	s31 =	sld [smem:$0x7FC];
	vm14 =	vgt.s32 v0, $0x0  }
0xa8: {  	vm15 =	vgt.s32 v1, $0x0;
	v0 =	vnsel vm14, $0x0, v0  }
0xa9: {  	s22 =	sadd.s32 $0x70, s22;
	v1 =	vnsel vm15, $0x0, v1;
	v0 =	vmin.u32 v0, $0x1F  }
0xaa: {  	p0 =	por @p2 $0x0, $0x0;
	p3 =	por @!p1 $0x1, $0x1;
	p1 =	seq.s32 s31, $0x1;
	v1 =	vmin.u32 v1, $0x1F;
	v0 =	vshll.u32 v0, $0x5  }
0xab: {  	p6 =	slt.u32 s22, $0xC350;
	p3 =	por @!p1 p0, p0;
	p0 =	por @!p2 $0x0, $0x0;
	v0 =	vor.u32 v1, v0  }
0xac: {  	s22 =	simm.s32 $0x80;
	p3 =	por @!p2 p0, p0;
	v0 =	vpsel !p6, $0x400, v0  }
.LBB2_2:
0xad: {  	[tilespmem:s21+$0x30] =	vst v0;
	s21 =	sadd.s32 $0x80, s21;
	s19 =	sadd.s32 $0x80, s19;
	s20 =	sadd.s32 $0x80, s20  }
0xae: {  	p4 =	sne.s32 s22, $0x600;
	s23 =	smov.u32 s22;
	s22 =	sadd.s32 $0x80, s22;
	v0 =	vld [tilespmem:s19+$0xFFFFFFC0]  }
0xaf: {  	v1 =	vld [tilespmem:s20+$0xFFFFFFC0];
	_ =	sdelay $0x3  }
0xb0: {  	v0 =	vmax.f32 v0, $0.0e+00  }
0xb1: {  	v0 =	vmin.f32 v0, $1.000000000e+00;
	v1 =	vmax.f32 v1, $0.0e+00  }
0xb2: {  	v0 =	vmul.f32 $3.200000000e+01, v0;
	v1 =	vmin.f32 v1, $1.000000000e+00  }
0xb3: {  	v1 =	vmul.f32 $3.200000000e+01, v1  }
0xb4: {  	v0 =	vtrunc.f32 v0  }
0xb5: {  	v0 =	vcvt.f32.s32 v0;
	v1 =	vtrunc.f32 v1  }
0xb6: {  	v1 =	vcvt.f32.s32 v1  }
0xb7: {  	vm0 =	vgt.s32 v0, $0x0  }
0xb8: {  	v0 =	vnsel vm0, $0x0, v0;
	vm0 =	vgt.s32 v1, $0x0  }
0xb9: {  	v0 =	vmin.u32 v0, $0x1F;
	v1 =	vnsel vm0, $0x0, v1  }
0xba: {  	s23 =	sadd.s32 s23, s11;
	v1 =	vmin.u32 v1, $0x1F;
	v0 =	vshll.u32 v0, $0x5  }
0xbb: {  	p0 =	slt.u32 s23, $0xC350;
	s30 =	sadd.s32 $0x10, s23;
	s29 =	sadd.s32 $0x20, s23;
	v0 =	vor.u32 v1, v0  }
0xbc: {  	s28 =	sadd.s32 $0x30, s23;
	s26 =	sadd.s32 $0x40, s23;
	s25 =	sadd.s32 $0x50, s23;
	v0 =	vpsel !p0, $0x400, v0  }
0xbd: {  	s24 =	sadd.s32 $0x60, s23;
	s23 =	sadd.s32 $0x70, s23;
	[tilespmem:s21+$0xFFFFFFC0] =	vst v0  }
0xbe: {  	v0 =	vld [tilespmem:s19+$0xFFFFFFD0]  }
0xbf: {  	v1 =	vld [tilespmem:s20+$0xFFFFFFD0];
	_ =	sdelay $0x3  }
0xc0: {  	v0 =	vmax.f32 v0, $0.0e+00  }
0xc1: {  	v0 =	vmin.f32 v0, $1.000000000e+00;
	v1 =	vmax.f32 v1, $0.0e+00  }
0xc2: {  	v0 =	vmul.f32 $3.200000000e+01, v0;
	v1 =	vmin.f32 v1, $1.000000000e+00  }
0xc3: {  	v1 =	vmul.f32 $3.200000000e+01, v1  }
0xc4: {  	v0 =	vtrunc.f32 v0  }
0xc5: {  	v0 =	vcvt.f32.s32 v0;
	v1 =	vtrunc.f32 v1  }
0xc6: {  	v1 =	vcvt.f32.s32 v1  }
0xc7: {  	vm0 =	vgt.s32 v0, $0x0  }
0xc8: {  	v0 =	vnsel vm0, $0x0, v0;
	vm0 =	vgt.s32 v1, $0x0  }
0xc9: {  	v0 =	vmin.u32 v0, $0x1F;
	v1 =	vnsel vm0, $0x0, v1  }
0xca: {  	v1 =	vmin.u32 v1, $0x1F;
	v0 =	vshll.u32 v0, $0x5  }
0xcb: {  	p0 =	slt.u32 s30, $0xC350;
	v0 =	vor.u32 v1, v0  }
0xcc: {  	v0 =	vpsel !p0, $0x400, v0  }
0xcd: {  	[tilespmem:s21+$0xFFFFFFD0] =	vst v0  }
0xce: {  	v0 =	vld [tilespmem:s19+$0xFFFFFFE0]  }
0xcf: {  	v1 =	vld [tilespmem:s20+$0xFFFFFFE0];
	_ =	sdelay $0x3  }
0xd0: {  	v0 =	vmax.f32 v0, $0.0e+00  }
0xd1: {  	v0 =	vmin.f32 v0, $1.000000000e+00;
	v1 =	vmax.f32 v1, $0.0e+00  }
0xd2: {  	v0 =	vmul.f32 $3.200000000e+01, v0;
	v1 =	vmin.f32 v1, $1.000000000e+00  }
0xd3: {  	v1 =	vmul.f32 $3.200000000e+01, v1  }
0xd4: {  	v0 =	vtrunc.f32 v0  }
0xd5: {  	v0 =	vcvt.f32.s32 v0;
	v1 =	vtrunc.f32 v1  }
0xd6: {  	v1 =	vcvt.f32.s32 v1  }
0xd7: {  	vm0 =	vgt.s32 v0, $0x0  }
0xd8: {  	v0 =	vnsel vm0, $0x0, v0;
	vm0 =	vgt.s32 v1, $0x0  }
0xd9: {  	v0 =	vmin.u32 v0, $0x1F;
	v1 =	vnsel vm0, $0x0, v1  }
0xda: {  	v1 =	vmin.u32 v1, $0x1F;
	v0 =	vshll.u32 v0, $0x5  }
0xdb: {  	p0 =	slt.u32 s29, $0xC350;
	v0 =	vor.u32 v1, v0  }
0xdc: {  	v0 =	vpsel !p0, $0x400, v0  }
0xdd: {  	[tilespmem:s21+$0xFFFFFFE0] =	vst v0  }
0xde: {  	v0 =	vld [tilespmem:s19+$0xFFFFFFF0]  }
0xdf: {  	v1 =	vld [tilespmem:s20+$0xFFFFFFF0];
	_ =	sdelay $0x3  }
0xe0: {  	v0 =	vmax.f32 v0, $0.0e+00  }
0xe1: {  	v0 =	vmin.f32 v0, $1.000000000e+00;
	v1 =	vmax.f32 v1, $0.0e+00  }
0xe2: {  	v0 =	vmul.f32 $3.200000000e+01, v0;
	v1 =	vmin.f32 v1, $1.000000000e+00  }
0xe3: {  	v1 =	vmul.f32 $3.200000000e+01, v1  }
0xe4: {  	v0 =	vtrunc.f32 v0  }
0xe5: {  	v0 =	vcvt.f32.s32 v0;
	v1 =	vtrunc.f32 v1  }
0xe6: {  	v1 =	vcvt.f32.s32 v1  }
0xe7: {  	vm0 =	vgt.s32 v0, $0x0  }
0xe8: {  	v0 =	vnsel vm0, $0x0, v0;
	vm0 =	vgt.s32 v1, $0x0  }
0xe9: {  	v0 =	vmin.u32 v0, $0x1F;
	v1 =	vnsel vm0, $0x0, v1  }
0xea: {  	v1 =	vmin.u32 v1, $0x1F;
	v0 =	vshll.u32 v0, $0x5  }
0xeb: {  	p0 =	slt.u32 s28, $0xC350;
	v0 =	vor.u32 v1, v0  }
0xec: {  	v0 =	vpsel !p0, $0x400, v0  }
0xed: {  	[tilespmem:s21+$0xFFFFFFF0] =	vst v0  }
0xee: {  	v0 =	vld [tilespmem:s19+$0x0]  }
0xef: {  	v1 =	vld [tilespmem:s20+$0x0];
	_ =	sdelay $0x3  }
0xf0: {  	v0 =	vmax.f32 v0, $0.0e+00  }
0xf1: {  	v0 =	vmin.f32 v0, $1.000000000e+00;
	v1 =	vmax.f32 v1, $0.0e+00  }
0xf2: {  	v0 =	vmul.f32 $3.200000000e+01, v0;
	v1 =	vmin.f32 v1, $1.000000000e+00  }
0xf3: {  	v1 =	vmul.f32 $3.200000000e+01, v1  }
0xf4: {  	v0 =	vtrunc.f32 v0  }
0xf5: {  	v0 =	vcvt.f32.s32 v0;
	v1 =	vtrunc.f32 v1  }
0xf6: {  	v1 =	vcvt.f32.s32 v1  }
0xf7: {  	vm0 =	vgt.s32 v0, $0x0  }
0xf8: {  	v0 =	vnsel vm0, $0x0, v0;
	vm0 =	vgt.s32 v1, $0x0  }
0xf9: {  	v0 =	vmin.u32 v0, $0x1F;
	v1 =	vnsel vm0, $0x0, v1  }
0xfa: {  	v1 =	vmin.u32 v1, $0x1F;
	v0 =	vshll.u32 v0, $0x5  }
0xfb: {  	p0 =	slt.u32 s26, $0xC350;
	v0 =	vor.u32 v1, v0  }
0xfc: {  	v0 =	vpsel !p0, $0x400, v0  }
0xfd: {  	[tilespmem:s21+$0x0] =	vst v0  }
0xfe: {  	v0 =	vld [tilespmem:s19+$0x10]  }
0xff: {  	v1 =	vld [tilespmem:s20+$0x10];
	_ =	sdelay $0x3  }
0x100: {  	v0 =	vmax.f32 v0, $0.0e+00  }
0x101: {  	v0 =	vmin.f32 v0, $1.000000000e+00;
	v1 =	vmax.f32 v1, $0.0e+00  }
0x102: {  	v0 =	vmul.f32 $3.200000000e+01, v0;
	v1 =	vmin.f32 v1, $1.000000000e+00  }
0x103: {  	v1 =	vmul.f32 $3.200000000e+01, v1  }
0x104: {  	v0 =	vtrunc.f32 v0  }
0x105: {  	v0 =	vcvt.f32.s32 v0;
	v1 =	vtrunc.f32 v1  }
0x106: {  	v1 =	vcvt.f32.s32 v1  }
0x107: {  	vm0 =	vgt.s32 v0, $0x0  }
0x108: {  	v0 =	vnsel vm0, $0x0, v0;
	vm0 =	vgt.s32 v1, $0x0  }
0x109: {  	v0 =	vmin.u32 v0, $0x1F;
	v1 =	vnsel vm0, $0x0, v1  }
0x10a: {  	v1 =	vmin.u32 v1, $0x1F;
	v0 =	vshll.u32 v0, $0x5  }
0x10b: {  	p0 =	slt.u32 s25, $0xC350;
	v0 =	vor.u32 v1, v0  }
0x10c: {  	v0 =	vpsel !p0, $0x400, v0  }
0x10d: {  	[tilespmem:s21+$0x10] =	vst v0  }
0x10e: {  	v0 =	vld [tilespmem:s19+$0x20]  }
0x10f: {  	v1 =	vld [tilespmem:s20+$0x20];
	_ =	sdelay $0x3  }
0x110: {  	v0 =	vmax.f32 v0, $0.0e+00  }
0x111: {  	v0 =	vmin.f32 v0, $1.000000000e+00;
	v1 =	vmax.f32 v1, $0.0e+00  }
0x112: {  	v0 =	vmul.f32 $3.200000000e+01, v0;
	v1 =	vmin.f32 v1, $1.000000000e+00  }
0x113: {  	v1 =	vmul.f32 $3.200000000e+01, v1  }
0x114: {  	v0 =	vtrunc.f32 v0  }
0x115: {  	v0 =	vcvt.f32.s32 v0;
	v1 =	vtrunc.f32 v1  }
0x116: {  	v1 =	vcvt.f32.s32 v1  }
0x117: {  	vm0 =	vgt.s32 v0, $0x0  }
0x118: {  	v0 =	vnsel vm0, $0x0, v0;
	vm0 =	vgt.s32 v1, $0x0  }
0x119: {  	v0 =	vmin.u32 v0, $0x1F;
	v1 =	vnsel vm0, $0x0, v1  }
0x11a: {  	v1 =	vmin.u32 v1, $0x1F;
	v0 =	vshll.u32 v0, $0x5  }
0x11b: {  	p0 =	slt.u32 s24, $0xC350;
	v0 =	vor.u32 v1, v0  }
0x11c: {  	v0 =	vpsel !p0, $0x400, v0  }
0x11d: {  	[tilespmem:s21+$0x20] =	vst v0  }
0x11e: {  	v0 =	vld [tilespmem:s19+$0x30]  }
0x11f: {  	v1 =	vld [tilespmem:s20+$0x30];
	_ =	sdelay $0x3  }
0x120: {  	v0 =	vmax.f32 v0, $0.0e+00  }
0x121: {  	v0 =	vmin.f32 v0, $1.000000000e+00;
	v1 =	vmax.f32 v1, $0.0e+00  }
0x122: {  	v0 =	vmul.f32 $3.200000000e+01, v0;
	v1 =	vmin.f32 v1, $1.000000000e+00  }
0x123: {  	v1 =	vmul.f32 $3.200000000e+01, v1  }
0x124: {  	v0 =	vtrunc.f32 v0  }
0x125: {  	v0 =	vcvt.f32.s32 v0;
	v1 =	vtrunc.f32 v1  }
0x126: {  	v1 =	vcvt.f32.s32 v1  }
0x127: {  	vm0 =	vgt.s32 v0, $0x0  }
.Ltmp0:
0x128: {  	v0 =	vnsel vm0, $0x0, v0;
	vm0 =	vgt.s32 v1, $0x0;
	(pc) =	sbr.rel @p4 .LBB2_2-.Ltmp0, $4  }
0x129: {  	v0 =	vmin.u32 v0, $0x1F;
	v1 =	vnsel vm0, $0x0, v1  }
0x12a: {  	v1 =	vmin.u32 v1, $0x1F;
	v0 =	vshll.u32 v0, $0x5  }
0x12b: {  	p0 =	slt.u32 s23, $0xC350;
	v0 =	vor.u32 v1, v0  }
0x12c: {  	v0 =	vpsel !p0, $0x400, v0  }
0x12d: {  	[tilespmem:s21+$0x30] =	vst v0;
	s19 =	simm.s32 @!p2 $0x0;
	s26 =	sadd.s32 $0x0, s16  }
0x12e: {  	[bflag:$0x0] =	sbarrier.arrive $0xFFFF;
	s20 =	sadd.s32 $0xFFFFFE7A, s26;
	p1 =	sgt.u32 s26, $0x185  }
0x12f: {  	[tilespmem:s19], [sflag:$0x1] =	stream.linear.gather @!p2 [hbm4b:s10+s19], $0x4000, $0x38;
	[tilespmem:$0xB508] =	vst v63  }
0x130: {  	p0 =	sne.s32 @p1 s20, $0x0  }
0x131: {  	s19 =	simm.s32 @p3 $0x0;
	p0 =	por p0, !p1  }
0x132: {  	[tilespmem:s19], [sflag:$0x1] =	stream.linear.gather @p3 [hbm4b:s12+s19], $0x2800, $0x38;
	[tilespmem:$0xB508] =	vst v63  }
0x133: {  	s21 =	sadd.s32 $0x1, s26;
	s20 =	simm.s32 @!p0 $0x1  }
0x134: {  	p6 =	seq.s32 s26, $0x185;
	p2 =	por $0x1, $0x1;
	_ =	swait.ge @!p0 [sflag:s20], $0x2800  }
0x135: {  	p4 =	slt.u32 s21, $0x186;
	s22 =	simm.s32 @!p1 $0x1;
	[sflag:s20] =	ssyncset.done @!p0 $0x0  }
0x136: {  	p5 =	por !p2, !p4;
	p4 =	por !p2, !p6;
	[sflag:s20] =	ssyncadd.s32 @!p0 $0xFFFFD800  }
0x137: {  	p2 =	sgt.u32 s26, $0x186;
	p0 =	por !p5, !p5;
	_ =	swait.ge @!p1 [sflag:s22], $0x4000  }
0x138: {  	s20 =	sadd.s32 @p0 $0xFFFFF800, s15;
	s23 =	simm.s32 @p0 $0x0;
	[sflag:s22] =	ssyncset.done @!p1 $0x0  }
0x139: {  	[sflag:s22] =	ssyncadd.s32 @!p1 $0xFFFFC000;
	s22 =	simm.s32 @p0 $0x4000;
	p1 =	por !p4, !p4  }
0x13a: {  	[tilespmem:s22], [sflag:$0x2] =	stream.linear.gather @p0 [hbm4b:s20+s23], $0x4000, $0x38;
	[tilespmem:$0xB508] =	vst v63  }
0x13b: {  	s24 =	simm.s32 @!p2 $0x4;
	s22 =	simm.s32 @p1 $0x0;
	s23 =	simm.s32 @p1 $0x4000  }
0x13c: {  	[tilespmem:s23], [sflag:$0x2] =	stream.linear.gather @p1 [hbm4b:s12+s22], $0x2800, $0x38;
	[tilespmem:$0xB508] =	vst v63  }
0x13d: {  	s20 =	simm.s32 $0x8000;
	s22 =	simm.s32 @!p2 $0x80;
	s23 =	simm.s32 @!p2 $0x0  }
0x13e: {  	[spmem:s1] =	stream.indirect.scatter.add.f32 @!p2 [tilespmem:s23], [sflag:$0x4], $0x80, s20, s22, $0xb8;
	[tilespmem:$0xB508] =	vst v63  }
0x13f: {  	p6 =	seq.s32 s26, $0x184;
	p3 =	por $0x0, $0x0;
	_ =	swait.ge @!p2 [sflag:s24], $0x4000  }
0x140: {  	s19 =	sadd.s32 $0x2, s26;
	p5 =	por $0x1, $0x1;
	[sflag:s24] =	ssyncset.done @!p2 $0x0  }
0x141: {  	p4 =	por $0x1, $0x1;
	s20 =	simm.s32 @p0 $0x2;
	[sflag:s24] =	ssyncadd.s32 @!p2 $0xFFFFC000  }
0x142: {  	s22 =	simm.s32 $0x2;
	s23 =	simm.s32 @p1 $0x2;
	_ =	swait.ge @p0 [sflag:s20], $0x4000  }
0x143: {  	p2 =	por !p5, !p6;
	s24 =	simm.s32 $0x4;
	[sflag:s20] =	ssyncset.done @p0 $0x0  }
0x144: {  	p5 =	por !p2, !p2;
	[sflag:s20] =	ssyncadd.s32 @p0 $0xFFFFC000;
	p0 =	sgt.u32 @!p3 s19, $0x185  }
0x145: {  	s19 =	simm.s32 $0x8100;
	s20 =	sadd.s32 $0x1000, s15;
	_ =	swait.ge @p1 [sflag:s23], $0x2800  }
0x146: {  	p0 =	por p0, p3;
	p3 =	por $0x0, $0x0;
	[sflag:s23] =	ssyncset.done @p1 $0x0  }
0x147: {  	s25 =	simm.s32 @!p0 $0x0;
	[sflag:s23] =	ssyncadd.s32 @p1 $0xFFFFD800;
	p1 =	sgt.u32 @!p3 s21, $0x186  }
0x148: {  	s21 =	simm.s32 $0x3;
	s23 =	simm.s32 @p5 $0x0;
	p2 =	por p1, p3  }
0x149: {  	[tilespmem:s25], [sflag:$0x1] =	stream.linear.gather @!p0 [hbm4b:s15+s25], $0x4000, $0x38;
	[tilespmem:$0xB508] =	vst v63  }
0x14a: {  	s25 =	sadd.s32 $0x2, s16;
	p3 =	por $0x0, $0x0;
	s26 =	simm.s32 @!p2 $0x8080  }
0x14b: {  	s28 =	simm.s32 @!p2 $0x80;
	s29 =	simm.s32 @!p2 $0x3;
	s31 =	simm.s32 @!p2 $0x4000  }
0x14c: {  	[tilespmem:s23], [sflag:$0x1] =	stream.linear.gather @p5 [hbm4b:s12+s23], $0x2800, $0x38;
	[tilespmem:$0xB508] =	vst v63  }
0x14d: {  	s30 =	sadd.s32 $0xFFFFFE7A, s25;
	p5 =	sgt.u32 s25, $0x185;
	s23 =	sadd.s32 $0x1, s25  }
.LBB2_4:
0x14e: {  	[spmem:s1] =	stream.indirect.scatter.add.f32 @!p2 [tilespmem:s31], [sflag:$0x3], $0x80, s26, s28, $0xb8;
	[tilespmem:$0xB508] =	vst v63  }
0x14f: {  	p1 =	sne.s32 @p5 s30, $0x0;
	s30 =	sadd.s32 $0x2, s25  }
0x150: {  	p6 =	por p1, !p5;
	p1 =	sgt.u32 @!p3 s30, $0x185  }
0x151: {  	p0 =	slt.u32 s23, $0x186;
	_ =	swait.ge @!p2 [sflag:s29], $0x4000;
	s30 =	simm.s32 @!p1 $0x0  }
0x152: {  	p0 =	por !p4, !p0;
	[sflag:s29] =	ssyncset.done @!p2 $0x0;
	s30 =	simm.s32 @p1 $0x1  }
0x153: {  	s0 =	simm.s32 @!p6 $0x1;
	[sflag:s29] =	ssyncadd.s32 @!p2 $0xFFFFC000;
	[smem:$0x7FA] =	sst s30  }
0x154: {  	p0 =	por !p0, !p0;
	p2 =	sne.s32 s22, $0xC;
	_ =	swait.ge @!p6 [sflag:s0], $0x2800  }
0x155: {  	p1 =	por p3, p3;
	p3 =	seq.s32 s25, $0x184;
	[sflag:s0] =	ssyncset.done @!p6 $0x0  }
0x156: {  	s22 =	simm.s32 @!p5 $0x1;
	s29 =	simm.s32 @p0 $0x0;
	[sflag:s0] =	ssyncadd.s32 @!p6 $0xFFFFD800  }
0x157: {  	p2 =	por !p2, !p3;
	p6 =	seq.s32 s25, $0x185;
	_ =	swait.ge @!p5 [sflag:s22], $0x4000  }
0x158: {  	s0 =	sadd.s32 @p0 $0xFFFFF800, s20;
	p3 =	por !p4, !p6;
	[sflag:s22] =	ssyncset.done @!p5 $0x0  }
0x159: {  	[sflag:s22] =	ssyncadd.s32 @!p5 $0xFFFFC000;
	s22 =	simm.s32 @p0 $0x4000;
	p5 =	por !p3, !p3  }
0x15a: {  	[tilespmem:s22], [sflag:$0x2] =	stream.linear.gather @p0 [hbm4b:s0+s29], $0x4000, $0x38;
	[tilespmem:$0xB508] =	vst v63  }
0x15b: {  	p4 =	sgt.u32 s25, $0x186;
	s0 =	simm.s32 @p5 $0x0;
	s29 =	simm.s32 @p5 $0x4000  }
0x15c: {  	[tilespmem:s29], [sflag:$0x2] =	stream.linear.gather @p5 [hbm4b:s12+s0], $0x2800, $0x38;
	[tilespmem:$0xB508] =	vst v63  }
0x15d: {  	s25 =	simm.s32 @!p4 $0x0;
	s0 =	simm.s32 @!p4 $0x80;
	s29 =	simm.s32 @!p4 $0x4  }
0x15e: {  	[spmem:s1] =	stream.indirect.scatter.add.f32 @!p4 [tilespmem:s25], [sflag:$0x4], $0x80, s19, s0, $0xb8;
	[tilespmem:$0xB508] =	vst v63  }
0x15f: {  	_ =	swait.ge @!p4 [sflag:s29], $0x4000  }
0x160: {  	s31 =	smov.u32 s24;
	s26 =	smov.u32 s19;
	[sflag:s29] =	ssyncset.done @!p4 $0x0  }
0x161: {  	s28 =	smov.u32 s20;
	s0 =	simm.s32 @p0 $0x2;
	[sflag:s29] =	ssyncadd.s32 @!p4 $0xFFFFC000  }
0x162: {  	s24 =	sadd.s32 $0x2, s24;
	s20 =	sadd.s32 $0x1000, s20;
	_ =	swait.ge @p0 [sflag:s0], $0x4000  }
0x163: {  	p6 =	sne.s32 s24, $0xE;
	s22 =	smov.u32 s31;
	s25 =	sld [smem:$0x7FA]  }
0x164: {  	p3 =	sgt.u32 s21, $0xC;
	s21 =	sadd.s32 $0x1, s22;
	[sflag:s0] =	ssyncset.done @p0 $0x0  }
0x165: {  	s19 =	sadd.s32 $0x100, s19;
	[sflag:s0] =	ssyncadd.s32 @p0 $0xFFFFC000;
	s0 =	simm.s32 @p5 $0x2  }
0x166: {  	p0 =	por !p2, !p2;
	_ =	swait.ge @p5 [sflag:s0], $0x2800;
	p4 =	seq.s32 s25, $0x1  }
0x167: {  	p2 =	sgt.u32 @!p3 s23, $0x186;
	[sflag:s0] =	ssyncset.done @p5 $0x0;
	p1 =	por p4, p1  }
0x168: {  	p2 =	por p2, p3;
	[sflag:s0] =	ssyncadd.s32 @p5 $0xFFFFD800;
	s0 =	simm.s32 @!p1 $0x0  }
0x169: {  	[tilespmem:s0], [sflag:$0x1] =	stream.linear.gather @!p1 [hbm4b:s28+s0], $0x4000, $0x38;
	[tilespmem:$0xB508] =	vst v63  }
.Ltmp1:
0x16a: {  	p3 =	seq.s32 s22, $0xC;
	s25 =	simm.s32 @p0 $0x0;
	(pc) =	sbr.rel @p6 .LBB2_4-.Ltmp1, $4  }
0x16b: {  	s26 =	sadd.s32 @!p2 $0x80, s26;
	s29 =	simm.s32 @!p2 $0x3;
	s31 =	simm.s32 @!p2 $0x4000  }
0x16c: {  	[tilespmem:s25], [sflag:$0x1] =	stream.linear.gather @p0 [hbm4b:s12+s25], $0x2800, $0x38;
	[tilespmem:$0xB508] =	vst v63  }
0x16d: {  	p4 =	slt.u32 s21, $0xD;
	s28 =	simm.s32 @!p2 $0x80;
	s25 =	sadd.s32 s22, s16  }
0x16e: {  	s30 =	sadd.s32 $0xFFFFFE7A, s25;
	p5 =	sgt.u32 s25, $0x185;
	s23 =	sadd.s32 $0x1, s25  }
0x16f: {  	[spmem:s1] =	stream.indirect.scatter.add.f32 @!p2 [tilespmem:s31], [sflag:$0x3], $0x80, s26, s28, $0xb8;
	[tilespmem:$0xB508] =	vst v63  }
0x170: {  	p0 =	sne.s32 @p5 s30, $0x0;
	_ =	swait.ge @!p2 [sflag:s29], $0x4000  }
0x171: {  	p0 =	por p0, !p5;
	[sflag:s29] =	ssyncset.done @!p2 $0x0  }
0x172: {  	s0 =	simm.s32 @!p0 $0x1;
	[sflag:s29] =	ssyncadd.s32 @!p2 $0xFFFFC000  }
0x173: {  	_ =	swait.ge @!p0 [sflag:s0], $0x2800  }
0x174: {  	p1 =	slt.u32 s23, $0x186;
	s24 =	simm.s32 @!p5 $0x1;
	[sflag:s0] =	ssyncset.done @!p0 $0x0  }
0x175: {  	p1 =	por !p4, !p1;
	p2 =	seq.s32 s25, $0x185;
	[sflag:s0] =	ssyncadd.s32 @!p0 $0xFFFFD800  }
0x176: {  	p0 =	por !p1, !p1;
	p1 =	por !p4, !p2;
	_ =	swait.ge @!p5 [sflag:s24], $0x4000  }
0x177: {  	s0 =	sadd.s32 @p0 $0xFFFFF800, s20;
	s26 =	simm.s32 @p0 $0x0;
	[sflag:s24] =	ssyncset.done @!p5 $0x0  }
0x178: {  	p1 =	por !p1, !p1;
	[sflag:s24] =	ssyncadd.s32 @!p5 $0xFFFFC000;
	s24 =	simm.s32 @p0 $0x4000  }
0x179: {  	[tilespmem:s24], [sflag:$0x2] =	stream.linear.gather @p0 [hbm4b:s0+s26], $0x4000, $0x38;
	[tilespmem:$0xB508] =	vst v63  }
0x17a: {  	p2 =	sgt.u32 s25, $0x186;
	s0 =	simm.s32 @p1 $0x0;
	s24 =	simm.s32 @p1 $0x4000  }
0x17b: {  	[tilespmem:s24], [sflag:$0x2] =	stream.linear.gather @p1 [hbm4b:s12+s0], $0x2800, $0x38;
	[tilespmem:$0xB508] =	vst v63  }
0x17c: {  	s26 =	simm.s32 @!p2 $0x4;
	s0 =	simm.s32 @!p2 $0x80;
	s24 =	simm.s32 @!p2 $0x0  }
0x17d: {  	[spmem:s1] =	stream.indirect.scatter.add.f32 @!p2 [tilespmem:s24], [sflag:$0x4], $0x80, s19, s0, $0xb8;
	[tilespmem:$0xB508] =	vst v63  }
0x17e: {  	_ =	swait.ge @!p2 [sflag:s26], $0x4000  }
0x17f: {  	[sflag:s26] =	ssyncset.done @!p2 $0x0  }
0x180: {  	s0 =	simm.s32 @p0 $0x2;
	[sflag:s26] =	ssyncadd.s32 @!p2 $0xFFFFC000  }
0x181: {  	_ =	swait.ge @p0 [sflag:s0], $0x4000  }
0x182: {  	p6 =	seq.s32 s25, $0x184;
	p4 =	sne.s32 s22, $0xC;
	[sflag:s0] =	ssyncset.done @p0 $0x0  }
0x183: {  	s24 =	sadd.s32 $0x2, s25;
	[sflag:s0] =	ssyncadd.s32 @p0 $0xFFFFC000;
	s0 =	simm.s32 @p1 $0x2  }
0x184: {  	p5 =	por p3, p3;
	p2 =	sgt.u32 @!p3 s24, $0x185;
	_ =	swait.ge @p1 [sflag:s0], $0x2800  }
0x185: {  	p2 =	por p2, p5;
	p0 =	por !p4, !p6;
	[sflag:s0] =	ssyncset.done @p1 $0x0  }
0x186: {  	[sflag:s0] =	ssyncadd.s32 @p1 $0xFFFFD800;
	p1 =	sgt.u32 s21, $0xC;
	s0 =	simm.s32 @!p2 $0x0  }
0x187: {  	[tilespmem:s0], [sflag:$0x1] =	stream.linear.gather @!p2 [hbm4b:s20+s0], $0x4000, $0x38;
	[tilespmem:$0xB508] =	vst v63  }
0x188: {  	p0 =	por !p0, !p0;
	p2 =	sgt.u32 @!p1 s23, $0x186  }
0x189: {  	s0 =	simm.s32 @p0 $0x0;
	p1 =	por p2, p1  }
0x18a: {  	[tilespmem:s0], [sflag:$0x1] =	stream.linear.gather @p0 [hbm4b:s12+s0], $0x2800, $0x38;
	[tilespmem:$0xB508] =	vst v63  }
0x18b: {  	s0 =	sadd.s32 @!p1 $0x80, s19  }
0x18c: {  	s19 =	simm.s32 @!p1 $0x80;
	s20 =	simm.s32 @!p1 $0x3;
	s21 =	simm.s32 @!p1 $0x4000  }
0x18d: {  	[spmem:s1] =	stream.indirect.scatter.add.f32 @!p1 [tilespmem:s21], [sflag:$0x3], $0x80, s0, s19, $0xb8;
	[tilespmem:$0xB508] =	vst v63  }
0x18e: {  	_ =	swait.ge @!p1 [sflag:s20], $0x4000  }
0x18f: {  	[sflag:s20] =	ssyncset.done @!p1 $0x0  }
0x190: {  	s3 =	sadd.s32 $0x1, s3;
	[sflag:s20] =	ssyncadd.s32 @!p1 $0xFFFFC000  }
0x191: {  	p0 =	sne.s32 s3, s14;
	[bflag:$0x0] =	sbarrier.arrive $0xFFFF  }
0x192: {  	[hbm:s13], [sflag:s5] =	dma.local [spmem:s17], $0x400  }
.Ltmp2:
0x193: {  	_ =	swait.ge [sflag:s18], $0x400;
	(pc) =	sbr.rel @p0 .LBB2_1-.Ltmp2, $3  }
0x194: {  	s31 =	sld [smem:$0x7FD];
	_ =	sdelay $0x1  }
0x195: {  	[sflag:s18] =	ssyncset.done $0x0  }
0x196: {  	[sflag:s18] =	ssyncadd.s32 $0xFFFFFC00;
	p2 =	seq.s32 s31, $0x1  }
0x197: {  	_ =	sfence.sel $0x180000  }
0x198: {  	[bflag:$0x0] =	sbarrier.arrive $0xFFFF  }
0x199: {  	_ =	strace $0x90000047  }
0x19a: {  	[bflag:$0x2] =	sbarrier.arrive $0xFFFF  }
0x19b: {  	p0 =	sne.s32 s2, $0x0;
	s0 =	rddreg [dreg:$0x3]  }
0x19c: {  	s0 =	sadd.s32 @!p0 $0x100000, s0  }
0x19d: {  	[sflag:s0] =	ssyncadd.tile.s32 @!p0 $0x1;
	_ =	shalt  }
.Lfunc_end2:
_tile_overlayer_lowered:
.L_overlay_start_2:
0x19e: {  	(tag) =	ssettag $0x2  }
0x19f: {  	s0 =	rddreg [dreg:$0x0];
	s2 =	stileid.u32  }
0x1a0: {  	s1 =	rddreg [dreg:$0x1];
	p0 =	sne.s32 s2, $0x0  }
0x1a1: {  	s3 =	rddreg [dreg:$0x2];
	[bflag:$0x3] =	sbarrier.arrive $0xFFFF;
	s2 =	simm.s32 @!p0 $0x1C03  }
0x1a2: {  	[timem:s3], [sflag:s2] =	dma.local @!p0 [hbm:s0], s1  }
0x1a3: {  	s0 =	simm.s32 @!p0 $0x3  }
0x1a4: {  	_ =	swait.ge @!p0 [sflag:s0], s1  }
0x1a5: {  	s1 =	ssub.s32 @!p0 $0x0, s1;
	[sflag:s0] =	ssyncset.done @!p0 $0x0  }
0x1a6: {  	[sflag:s0] =	ssyncadd.s32 @!p0 s1  }
0x1a7: {  	[bflag:$0x3] =	sbarrier.arrive $0xFFFF  }
0x1a8: {  	_ =	shalt  }

</sc_bundles>
